<compile_context>
chip_gen: v7x
topology: tpu7x:2x2x1
jax: 0.10.2.dev20260603
libtpu: 0.0.44.dev20260713+nightly
codegen_flags: <defaults>
</compile_context>

<pallas_src>
import functools

import jax
import jax.numpy as jnp
from jax import lax
from jax.experimental import pallas as pl
from jax.experimental.pallas import tpu as pltpu
from jax.experimental.pallas import tpu_sc as plsc

NC = 2
NS = 16
NW = NC * NS


def _round_up(x, m):
    return (x + m - 1) // m * m



@functools.cache
def _make_sc_agg(n_nodes, d, e, k, with_deg=True):
    assert e % NW == 0
    ew = e // NW
    assert ew % k == 0 and k % 8 == 0 and k <= 128
    nwin = ew // k
    ch = min(nwin, 40)
    assert nwin % ch == 0 and (ch % 8 == 0 or nwin == ch)
    nchunks = nwin // ch
    assert n_nodes % (NS * 8) == 0
    rows = n_nodes // NS
    ndeg = _round_up(n_nodes, 128)
    degw = ndeg // NS

    mesh = plsc.VectorSubcoreMesh(
        core_axis_name="c", subcore_axis_name="s", num_cores=NC,
        num_subcores=NS)

    @functools.partial(
        pl.kernel,
        mesh=mesh,
        out_type=(
            jax.ShapeDtypeStruct((NC * n_nodes, d), jnp.float32),
            jax.ShapeDtypeStruct((NC * ndeg,), jnp.float32),
        ),
        scratch_types=[
            pltpu.VMEM((ch, k), jnp.int32),
            pltpu.VMEM((ch, k), jnp.int32),
            pltpu.VMEM((2, k, d), jnp.float32),
            pltpu.VMEM((k,), jnp.float32),
            pltpu.VMEM((degw,), jnp.float32),
            pltpu.VMEM_SHARED((n_nodes, d), jnp.float32),
            pltpu.VMEM_SHARED((ndeg,), jnp.float32),
            pltpu.SemaphoreType.DMA((2,)),
            pltpu.SemaphoreType.DMA((2,)),
            pltpu.SemaphoreType.DMA((2,)),
        ],
    )
    def sc_agg(table, src, dst, zrows, zdeg, ones,
               agg_out, deg_out,
               sidx, didx, rowbuf, ones_v, deg_v, agg_sh, deg_sh,
               gsem, ssem, dsem):
        c = lax.axis_index("c")
        s = lax.axis_index("s")
        w = c * NS + s
        pltpu.sync_copy(zrows, agg_sh.at[pl.ds(s * rows, rows)])
        pltpu.sync_copy(zdeg, deg_v)
        pltpu.sync_copy(deg_v, deg_sh.at[pl.ds(s * degw, degw)])
        pltpu.sync_copy(ones, ones_v)
        plsc.subcore_barrier()

        def start_gather(j, b):
            return pltpu.async_copy(table.at[sidx.at[j]], rowbuf.at[b],
                                    gsem.at[b])

        for ci in range(nchunks):
            pltpu.sync_copy(src.at[w, pl.ds(ci * ch, ch)], sidx)
            pltpu.sync_copy(dst.at[w, pl.ds(ci * ch, ch)], didx)
            start_gather(0, 0)

            def body(j, carry):
                b = lax.rem(j, 2)
                nb = 1 - b

                @pl.when(j >= 1)
                def _():
                    pltpu.make_async_copy(rowbuf.at[nb],
                                          agg_sh.at[didx.at[j]],
                                          ssem.at[nb]).wait()
                    if with_deg:
                        pltpu.make_async_copy(ones_v, deg_sh.at[didx.at[j]],
                                              dsem.at[nb]).wait()

                @pl.when(j + 1 < ch)
                def _():
                    start_gather(j + 1, nb)

                pltpu.make_async_copy(table.at[sidx.at[j]], rowbuf.at[b],
                                      gsem.at[b]).wait()
                pltpu.async_copy(rowbuf.at[b], agg_sh.at[didx.at[j]],
                                 ssem.at[b], add=True)
                if with_deg:
                    pltpu.async_copy(ones_v, deg_sh.at[didx.at[j]],
                                     dsem.at[b], add=True)
                return carry

            lax.fori_loop(0, ch, body, 0)
            bl = (ch - 1) % 2
            pltpu.make_async_copy(rowbuf.at[bl], agg_sh.at[didx.at[0]],
                                  ssem.at[bl]).wait()
            if with_deg:
                pltpu.make_async_copy(ones_v, deg_sh.at[didx.at[0]],
                                      dsem.at[bl]).wait()
        plsc.subcore_barrier()
        pltpu.sync_copy(agg_sh.at[pl.ds(s * rows, rows)],
                        agg_out.at[pl.ds(c * n_nodes + s * rows, rows)])
        pltpu.sync_copy(deg_sh.at[pl.ds(s * degw, degw)], deg_v)
        pltpu.sync_copy(deg_v, deg_out.at[pl.ds(c * ndeg + s * degw, degw)])

    def run(table, src, dst):
        zrows = jnp.zeros((rows, d), jnp.float32)
        zdeg = jnp.zeros((degw,), jnp.float32)
        ones = jnp.ones((k,), jnp.float32)
        src3 = src.reshape(NW, nwin, k)
        dst3 = dst.reshape(NW, nwin, k)
        agg, deg = sc_agg(table, src3, dst3, zrows, zdeg, ones)
        agg = agg.reshape(NC, n_nodes, d)
        deg = deg.reshape(NC, ndeg)
        return agg, deg

    return run



def _tc_matmul(x, w):
    n, din = x.shape
    dout = w.shape[1]
    blk = 1000

    def body(x_ref, w_ref, o_ref):
        o_ref[...] = jnp.dot(x_ref[...], w_ref[...],
                             preferred_element_type=jnp.float32)

    return pl.pallas_call(
        body,
        grid=(n // blk,),
        in_specs=[
            pl.BlockSpec((blk, din), lambda i: (i, 0)),
            pl.BlockSpec((din, dout), lambda i: (0, 0)),
        ],
        out_specs=pl.BlockSpec((blk, dout), lambda i: (i, 0)),
        out_shape=jax.ShapeDtypeStruct((n, dout), jnp.float32),
    )(x, w)


def _tc_norm_act_mm(a0, a1, d0, d1, b, w, relu):
    n, din = a0.shape
    blk = 1024 if n % 1024 == 0 else 1000

    def body(a0_ref, a1_ref, d0_ref, d1_ref, b_ref, *rest):
        if w is not None:
            w_ref, o_ref = rest
        else:
            (o_ref,) = rest
        deg = jnp.maximum(d0_ref[...] + d1_ref[...], 1.0)
        h = (a0_ref[...] + a1_ref[...]) / deg + b_ref[...]
        if relu:
            h = jnp.maximum(h, 0.0)
        if w is not None:
            h = jnp.dot(h, w_ref[...], preferred_element_type=jnp.float32)
        o_ref[...] = h

    dout = din if w is None else w.shape[1]
    in_specs = [
        pl.BlockSpec((blk, din), lambda i: (i, 0)),
        pl.BlockSpec((blk, din), lambda i: (i, 0)),
        pl.BlockSpec((blk, 1), lambda i: (i, 0)),
        pl.BlockSpec((blk, 1), lambda i: (i, 0)),
        pl.BlockSpec((1, din), lambda i: (0, 0)),
    ]
    args = [a0, a1, d0.reshape(n, 1), d1.reshape(n, 1), b.reshape(1, din)]
    if w is not None:
        in_specs.append(pl.BlockSpec((din, dout), lambda i: (0, 0)))
        args.append(w)
    return pl.pallas_call(
        body,
        grid=(n // blk,),
        in_specs=in_specs,
        out_specs=pl.BlockSpec((blk, dout), lambda i: (i, 0)),
        out_shape=jax.ShapeDtypeStruct((n, dout), jnp.float32),
    )(*args)



N_INNER = 10000
N_OUTER = 1000
E_INNER = 320000
E_OUTER = 16000
NPAD_INNER = 10240
NPAD_OUTER = 1024
K = 128
EPAD_INNER = 327680
EPAD_OUTER = 16384
EPAD_POOL = 12288


def _pad_edges(src, dst, e_pad, n_dummy_base, n_dummy):
    pad = e_pad - src.shape[0]
    nsrc = jnp.arange(pad, dtype=jnp.int32) % jnp.int32(997)
    ndst = n_dummy_base + jnp.arange(pad, dtype=jnp.int32) % jnp.int32(n_dummy)
    return (jnp.concatenate([src.astype(jnp.int32), nsrc]),
            jnp.concatenate([dst.astype(jnp.int32), ndst]))


def kernel(inner_x, inner_edge_index, inner_graph_ids, outer_edge_index,
           W_in0, b_in0, W_in1, b_in1, W_out0, b_out0, W_out1, b_out1):
    src, dst = _pad_edges(inner_edge_index[0], inner_edge_index[1],
                          EPAD_INNER, N_INNER, NPAD_INNER - N_INNER)
    y0 = _tc_matmul(inner_x, W_in0)
    agg_inner = _make_sc_agg(NPAD_INNER, 128, EPAD_INNER, K)
    a, dg = agg_inner(y0, src, dst)
    a, dg = a[:, :N_INNER], dg[:, :N_INNER]
    y1 = _tc_norm_act_mm(a[0], a[1], dg[0], dg[1], b_in0, W_in1, relu=True)

    agg_inner2 = _make_sc_agg(NPAD_INNER, 128, EPAD_INNER, K, with_deg=False)
    a2, _ = agg_inner2(y1, src, dst)
    a2 = a2[:, :N_INNER]
    h2 = _tc_norm_act_mm(a2[0], a2[1], dg[0], dg[1], b_in1, None, relu=False)

    psrc, pdst = _pad_edges(jnp.arange(N_INNER, dtype=jnp.int32),
                            inner_graph_ids, EPAD_POOL,
                            N_OUTER, 24)
    agg_pool = _make_sc_agg(NPAD_OUTER, 128, EPAD_POOL, K)
    p, cnt = agg_pool(h2, psrc, pdst)
    zero_b = jnp.zeros((128,), jnp.float32)
    feats = _tc_norm_act_mm(p[0, :N_OUTER], p[1, :N_OUTER],
                            cnt[0, :N_OUTER], cnt[1, :N_OUTER],
                            zero_b, W_out0, relu=False)

    osrc, odst = _pad_edges(outer_edge_index[0], outer_edge_index[1],
                            EPAD_OUTER, N_OUTER, 24)
    agg_outer = _make_sc_agg(NPAD_OUTER, 128, EPAD_OUTER, K)
    o, odg = agg_outer(feats, osrc, odst)
    w_out1p = jnp.pad(W_out1, ((0, 0), (0, 128 - W_out1.shape[1])))
    u1 = _tc_norm_act_mm(o[0, :N_OUTER], o[1, :N_OUTER],
                         odg[0, :N_OUTER], odg[1, :N_OUTER],
                         b_out0, w_out1p, relu=True)

    agg_outer2 = _make_sc_agg(NPAD_OUTER, 128, EPAD_OUTER, K, with_deg=False)
    q, _ = agg_outer2(u1, osrc, odst)
    out = _tc_norm_act_mm(q[0, :N_OUTER, :64], q[1, :N_OUTER, :64],
                          odg[0, :N_OUTER], odg[1, :N_OUTER],
                          b_out1, None, relu=False)
    return out

# --- scband reference (transcript-rebuilt; emitter-appended) ---
"""Pipeline reference for scband-nested-gcn-31636729102752 (READ-ONLY COPY).

The authoritative reference and input builder live on the scoring server;
editing this copy changes nothing except your own understanding.
"""

import jax, jax.numpy as jnp
import numpy as np

N_INNER = 10000
N_OUTER = 1000
E_INNER = 320000
E_OUTER = 16000
D_IN = 128
D_HID = 128
D_INNER_OUT = 128
N_CLASSES = 64


def _gcn_layer(x, src, dst, W, b, n_nodes, act):
    # mean-aggregation GCN layer (dropout omitted: eval mode)
    deg = jnp.zeros((n_nodes,), x.dtype).at[dst].add(1.0)
    deg = jnp.maximum(deg, 1.0)
    msg = x[src]
    agg = jnp.zeros((n_nodes, x.shape[1]), x.dtype).at[dst].add(msg)
    agg = agg / deg[:, None]
    h = agg @ W + b
    if act:
        h = jax.nn.relu(h)
    return h


def setup_inputs(seed: int = 0):
    key = jax.random.key(seed)
    ks = [jax.random.fold_in(key, i) for i in range(12)]
    inner_x = jax.random.normal(ks[0], (N_INNER, D_IN), dtype=jnp.float32)
    inner_edge_index = jax.random.randint(ks[1], (2, E_INNER), 0, N_INNER)
    inner_graph_ids = jnp.sort(jax.random.randint(ks[2], (N_INNER,), 0, N_OUTER))
    outer_edge_index = jax.random.randint(ks[3], (2, E_OUTER), 0, N_OUTER)
    W_in0 = jax.random.normal(ks[4], (D_IN, D_HID), dtype=jnp.float32) / np.sqrt(D_IN)
    b_in0 = jnp.zeros((D_HID,), jnp.float32)
    W_in1 = jax.random.normal(ks[5], (D_HID, D_INNER_OUT), dtype=jnp.float32) / np.sqrt(D_HID)
    b_in1 = jnp.zeros((D_INNER_OUT,), jnp.float32)
    W_out0 = jax.random.normal(ks[6], (D_INNER_OUT, D_HID), dtype=jnp.float32) / np.sqrt(D_INNER_OUT)
    b_out0 = jnp.zeros((D_HID,), jnp.float32)
    W_out1 = jax.random.normal(ks[7], (D_HID, N_CLASSES), dtype=jnp.float32) / np.sqrt(D_HID)
    b_out1 = jnp.zeros((N_CLASSES,), jnp.float32)
    return {
        "inner_x": inner_x,
        "inner_edge_index": inner_edge_index,
        "inner_graph_ids": inner_graph_ids,
        "outer_edge_index": outer_edge_index,
        "W_in0": W_in0, "b_in0": b_in0,
        "W_in1": W_in1, "b_in1": b_in1,
        "W_out0": W_out0, "b_out0": b_out0,
        "W_out1": W_out1, "b_out1": b_out1,
    }


def reference(inner_x, inner_edge_index, inner_graph_ids, outer_edge_index,
              W_in0, b_in0, W_in1, b_in1, W_out0, b_out0, W_out1, b_out1):
    src, dst = inner_edge_index[0], inner_edge_index[1]
    # model_inner (myGCN): in_feats_inner -> n_hidden -> inner_graph_feats over batched inner graphs
    h = _gcn_layer(inner_x, src, dst, W_in0, b_in0, N_INNER, True)
    h = _gcn_layer(h, src, dst, W_in1, b_in1, N_INNER, False)
    # per-inner-graph mean pooling (torch.mean(h_inner, dim=0) per graph, then stack)
    sums = jax.ops.segment_sum(h, inner_graph_ids, num_segments=N_OUTER)
    counts = jax.ops.segment_sum(jnp.ones((N_INNER,), h.dtype), inner_graph_ids, num_segments=N_OUTER)
    features_new = sums / jnp.maximum(counts, 1.0)[:, None]
    # model_outer (graphGCN): inner_graph_feats -> n_hidden -> n_classes on outer graph
    osrc, odst = outer_edge_index[0], outer_edge_index[1]
    h2 = _gcn_layer(features_new, osrc, odst, W_out0, b_out0, N_OUTER, True)
    h2 = _gcn_layer(h2, osrc, odst, W_out1, b_out1, N_OUTER, False)
    return h2

if __name__ == "__main__":
    import jax
    _d = setup_inputs()
    print(jax.jit(kernel)(*tuple(_d.values())))

</pallas_src>

<mosaic_0001>
#map = affine_map<(d0, d1) -> (0, 0)>
#map1 = affine_map<(d0, d1) -> (0, 0, 0)>
#map2 = affine_map<(d0, d1) -> (0)>
module attributes {stable_mosaic.version = 14 : i64} {
  func.func @sc_agg(%arg0: i32, %arg1: i32, %arg2: memref<10000x128xf32, #tpu.memory_space<hbm>>, %arg3: memref<32x80x128xi32, #tpu.memory_space<hbm>>, %arg4: memref<32x80x128xi32, #tpu.memory_space<hbm>>, %arg5: memref<640x128xf32, #tpu.memory_space<hbm>>, %arg6: memref<640xf32, #tpu.memory_space<hbm>>, %arg7: memref<128xf32, #tpu.memory_space<hbm>>, %arg8: memref<20480x128xf32, #tpu.memory_space<hbm>>, %arg9: memref<20480xf32, #tpu.memory_space<hbm>>, %arg10: memref<40x128xi32, #tpu.memory_space<vmem>>, %arg11: memref<40x128xi32, #tpu.memory_space<vmem>>, %arg12: memref<2x128x128xf32, #tpu.memory_space<vmem>>, %arg13: memref<128xf32, #tpu.memory_space<vmem>>, %arg14: memref<640xf32, #tpu.memory_space<vmem>>, %arg15: memref<10240x128xf32, #tpu.memory_space<vmem_shared>>, %arg16: memref<10240xf32, #tpu.memory_space<vmem_shared>>, %arg17: memref<2x!tpu.dma_semaphore, #tpu.memory_space<semaphore_mem>>, %arg18: memref<2x!tpu.dma_semaphore, #tpu.memory_space<semaphore_mem>>, %arg19: memref<2x!tpu.dma_semaphore, #tpu.memory_space<semaphore_mem>>) attributes {dimension_semantics = [#tpu.dimension_semantics<core_parallel>, #tpu.dimension_semantics<subcore_parallel>], iteration_bounds = array<i64: 2, 16>, scalar_prefetch = 0 : i64, scratch_operands = 10 : i64, tpu.core_type = #tpu.core_type<sc_vector_subcore>, window_params = [{transform_indices = #map}, {transform_indices = #map1}, {transform_indices = #map1}, {transform_indices = #map}, {transform_indices = #map2}, {transform_indices = #map2}, {transform_indices = #map}, {transform_indices = #map2}]} {
    %mul3A = arith.constant 16 : i32
    %mul3A_0 = arith.muli %arg0, %mul3A : i32
    %add3A = arith.addi %mul3A_0, %arg1 : i32
    %mul3A_1 = arith.constant 640 : i32
    %mul3A_2 = arith.muli %arg1, %mul3A_1 : i32
    "tpu.region"() ({
      %run_scoped3A = tpu.sem_alloc : memref<!tpu.dma_semaphore, #tpu.memory_space<semaphore_mem>>
      %dma_start3A_107 = arith.constant 0 : i32
      %dma_start3A_108 = tpu.memref_slice %arg15[%mul3A_2, %dma_start3A_107] : memref<10240x128xf32, #tpu.memory_space<vmem_shared>> -> memref<640x128xf32, #tpu.memory_space<vmem_shared>>
      tpu.enqueue_dma source(%arg5 : memref<640x128xf32, #tpu.memory_space<hbm>>) target(%dma_start3A_108 : memref<640x128xf32, #tpu.memory_space<vmem_shared>>) target_semaphore(%run_scoped3A : memref<!tpu.dma_semaphore, #tpu.memory_space<semaphore_mem>>)
      %dma_wait3A_109 = arith.constant 0 : i32
      %dma_wait3A_110 = tpu.memref_slice %arg15[%mul3A_2, %dma_wait3A_109] : memref<10240x128xf32, #tpu.memory_space<vmem_shared>> -> memref<640x128xf32, #tpu.memory_space<vmem_shared>>
      tpu.wait_dma2 semaphore(%run_scoped3A : memref<!tpu.dma_semaphore, #tpu.memory_space<semaphore_mem>>) src(%arg5 : memref<640x128xf32, #tpu.memory_space<hbm>>) dst(%dma_wait3A_110 : memref<640x128xf32, #tpu.memory_space<vmem_shared>>)
      tpu.yield
    }) : () -> ()
    "tpu.region"() ({
      %run_scoped3A = tpu.sem_alloc : memref<!tpu.dma_semaphore, #tpu.memory_space<semaphore_mem>>
      tpu.enqueue_dma source(%arg6 : memref<640xf32, #tpu.memory_space<hbm>>) target(%arg14 : memref<640xf32, #tpu.memory_space<vmem>>) target_semaphore(%run_scoped3A : memref<!tpu.dma_semaphore, #tpu.memory_space<semaphore_mem>>)
      tpu.wait_dma2 semaphore(%run_scoped3A : memref<!tpu.dma_semaphore, #tpu.memory_space<semaphore_mem>>) src(%arg6 : memref<640xf32, #tpu.memory_space<hbm>>) dst(%arg14 : memref<640xf32, #tpu.memory_space<vmem>>)
      tpu.yield
    }) : () -> ()
    %mul3A_3 = arith.constant 640 : i32
    %mul3A_4 = arith.muli %arg1, %mul3A_3 : i32
    "tpu.region"() ({
      %run_scoped3A = tpu.sem_alloc : memref<!tpu.dma_semaphore, #tpu.memory_space<semaphore_mem>>
      %dma_start3A_107 = tpu.memref_slice %arg16[%mul3A_4] : memref<10240xf32, #tpu.memory_space<vmem_shared>> -> memref<640xf32, #tpu.memory_space<vmem_shared>>
      %dma_start3A_108 = tpu.memref_slice %arg16[%mul3A_4] : memref<10240xf32, #tpu.memory_space<vmem_shared>> -> memref<640xf32, #tpu.memory_space<vmem_shared>>
      tpu.enqueue_dma source(%arg14 : memref<640xf32, #tpu.memory_space<vmem>>) target(%dma_start3A_108 : memref<640xf32, #tpu.memory_space<vmem_shared>>) target_semaphore(%run_scoped3A : memref<!tpu.dma_semaphore, #tpu.memory_space<semaphore_mem>>)
      %dma_wait3A_109 = tpu.memref_slice %arg16[%mul3A_4] : memref<10240xf32, #tpu.memory_space<vmem_shared>> -> memref<640xf32, #tpu.memory_space<vmem_shared>>
      %dma_wait3A_110 = tpu.memref_slice %arg16[%mul3A_4] : memref<10240xf32, #tpu.memory_space<vmem_shared>> -> memref<640xf32, #tpu.memory_space<vmem_shared>>
      tpu.wait_dma2 semaphore(%run_scoped3A : memref<!tpu.dma_semaphore, #tpu.memory_space<semaphore_mem>>) src(%arg14 : memref<640xf32, #tpu.memory_space<vmem>>) dst(%dma_wait3A_110 : memref<640xf32, #tpu.memory_space<vmem_shared>>)
      tpu.yield
    }) : () -> ()
    "tpu.region"() ({
      %run_scoped3A = tpu.sem_alloc : memref<!tpu.dma_semaphore, #tpu.memory_space<semaphore_mem>>
      tpu.enqueue_dma source(%arg7 : memref<128xf32, #tpu.memory_space<hbm>>) target(%arg13 : memref<128xf32, #tpu.memory_space<vmem>>) target_semaphore(%run_scoped3A : memref<!tpu.dma_semaphore, #tpu.memory_space<semaphore_mem>>)
      tpu.wait_dma2 semaphore(%run_scoped3A : memref<!tpu.dma_semaphore, #tpu.memory_space<semaphore_mem>>) src(%arg7 : memref<128xf32, #tpu.memory_space<hbm>>) dst(%arg13 : memref<128xf32, #tpu.memory_space<vmem>>)
      tpu.yield
    }) : () -> ()
    %barrier3A = arith.constant 0 : index
    tpu.barrier barrier_id(%barrier3A)
    "tpu.region"() ({
      %run_scoped3A = tpu.sem_alloc : memref<!tpu.dma_semaphore, #tpu.memory_space<semaphore_mem>>
      %dma_start3A_107 = arith.constant 0 : i32
      %dma_start3A_108 = arith.constant 0 : i32
      %dma_start3A_109 = tpu.memref_slice %arg3[%add3A, %dma_start3A_107, %dma_start3A_108] : memref<32x80x128xi32, #tpu.memory_space<hbm>> -> memref<1x40x128xi32, #tpu.memory_space<hbm>>
      %dma_start3A_110 = tpu.memref_squeeze %dma_start3A_109 : memref<1x40x128xi32, #tpu.memory_space<hbm>> -> memref<40x128xi32, #tpu.memory_space<hbm>>
      %dma_start3A_111 = arith.constant 0 : i32
      %dma_start3A_112 = arith.constant 0 : i32
      %dma_start3A_113 = tpu.memref_slice %arg3[%add3A, %dma_start3A_111, %dma_start3A_112] : memref<32x80x128xi32, #tpu.memory_space<hbm>> -> memref<1x40x128xi32, #tpu.memory_space<hbm>>
      %dma_start3A_114 = tpu.memref_squeeze %dma_start3A_113 : memref<1x40x128xi32, #tpu.memory_space<hbm>> -> memref<40x128xi32, #tpu.memory_space<hbm>>
      tpu.enqueue_dma source(%dma_start3A_114 : memref<40x128xi32, #tpu.memory_space<hbm>>) target(%arg10 : memref<40x128xi32, #tpu.memory_space<vmem>>) target_semaphore(%run_scoped3A : memref<!tpu.dma_semaphore, #tpu.memory_space<semaphore_mem>>)
      %dma_wait3A_115 = arith.constant 0 : i32
      %dma_wait3A_116 = arith.constant 0 : i32
      %dma_wait3A_117 = tpu.memref_slice %arg3[%add3A, %dma_wait3A_115, %dma_wait3A_116] : memref<32x80x128xi32, #tpu.memory_space<hbm>> -> memref<1x40x128xi32, #tpu.memory_space<hbm>>
      %dma_wait3A_118 = tpu.memref_squeeze %dma_wait3A_117 : memref<1x40x128xi32, #tpu.memory_space<hbm>> -> memref<40x128xi32, #tpu.memory_space<hbm>>
      %dma_wait3A_119 = arith.constant 0 : i32
      %dma_wait3A_120 = arith.constant 0 : i32
      %dma_wait3A_121 = tpu.memref_slice %arg3[%add3A, %dma_wait3A_119, %dma_wait3A_120] : memref<32x80x128xi32, #tpu.memory_space<hbm>> -> memref<1x40x128xi32, #tpu.memory_space<hbm>>
      %dma_wait3A_122 = tpu.memref_squeeze %dma_wait3A_121 : memref<1x40x128xi32, #tpu.memory_space<hbm>> -> memref<40x128xi32, #tpu.memory_space<hbm>>
      tpu.wait_dma2 semaphore(%run_scoped3A : memref<!tpu.dma_semaphore, #tpu.memory_space<semaphore_mem>>) src(%dma_wait3A_122 : memref<40x128xi32, #tpu.memory_space<hbm>>) dst(%arg10 : memref<40x128xi32, #tpu.memory_space<vmem>>)
      tpu.yield
    }) : () -> ()
    "tpu.region"() ({
      %run_scoped3A = tpu.sem_alloc : memref<!tpu.dma_semaphore, #tpu.memory_space<semaphore_mem>>
      %dma_start3A_107 = arith.constant 0 : i32
      %dma_start3A_108 = arith.constant 0 : i32
      %dma_start3A_109 = tpu.memref_slice %arg4[%add3A, %dma_start3A_107, %dma_start3A_108] : memref<32x80x128xi32, #tpu.memory_space<hbm>> -> memref<1x40x128xi32, #tpu.memory_space<hbm>>
      %dma_start3A_110 = tpu.memref_squeeze %dma_start3A_109 : memref<1x40x128xi32, #tpu.memory_space<hbm>> -> memref<40x128xi32, #tpu.memory_space<hbm>>
      %dma_start3A_111 = arith.constant 0 : i32
      %dma_start3A_112 = arith.constant 0 : i32
      %dma_start3A_113 = tpu.memref_slice %arg4[%add3A, %dma_start3A_111, %dma_start3A_112] : memref<32x80x128xi32, #tpu.memory_space<hbm>> -> memref<1x40x128xi32, #tpu.memory_space<hbm>>
      %dma_start3A_114 = tpu.memref_squeeze %dma_start3A_113 : memref<1x40x128xi32, #tpu.memory_space<hbm>> -> memref<40x128xi32, #tpu.memory_space<hbm>>
      tpu.enqueue_dma source(%dma_start3A_114 : memref<40x128xi32, #tpu.memory_space<hbm>>) target(%arg11 : memref<40x128xi32, #tpu.memory_space<vmem>>) target_semaphore(%run_scoped3A : memref<!tpu.dma_semaphore, #tpu.memory_space<semaphore_mem>>)
      %dma_wait3A_115 = arith.constant 0 : i32
      %dma_wait3A_116 = arith.constant 0 : i32
      %dma_wait3A_117 = tpu.memref_slice %arg4[%add3A, %dma_wait3A_115, %dma_wait3A_116] : memref<32x80x128xi32, #tpu.memory_space<hbm>> -> memref<1x40x128xi32, #tpu.memory_space<hbm>>
      %dma_wait3A_118 = tpu.memref_squeeze %dma_wait3A_117 : memref<1x40x128xi32, #tpu.memory_space<hbm>> -> memref<40x128xi32, #tpu.memory_space<hbm>>
      %dma_wait3A_119 = arith.constant 0 : i32
      %dma_wait3A_120 = arith.constant 0 : i32
      %dma_wait3A_121 = tpu.memref_slice %arg4[%add3A, %dma_wait3A_119, %dma_wait3A_120] : memref<32x80x128xi32, #tpu.memory_space<hbm>> -> memref<1x40x128xi32, #tpu.memory_space<hbm>>
      %dma_wait3A_122 = tpu.memref_squeeze %dma_wait3A_121 : memref<1x40x128xi32, #tpu.memory_space<hbm>> -> memref<40x128xi32, #tpu.memory_space<hbm>>
      tpu.wait_dma2 semaphore(%run_scoped3A : memref<!tpu.dma_semaphore, #tpu.memory_space<semaphore_mem>>) src(%dma_wait3A_122 : memref<40x128xi32, #tpu.memory_space<hbm>>) dst(%arg11 : memref<40x128xi32, #tpu.memory_space<vmem>>)
      tpu.yield
    }) : () -> ()
    %dma_start3A = arith.constant 0 : i32
    %dma_start3A_5 = arith.constant 0 : i32
    %dma_start3A_6 = arith.constant 0 : i32
    %dma_start3A_7 = arith.constant 0 : i32
    %dma_start3A_8 = arith.constant 0 : i32
    %dma_start3A_9 = tpu.memref_slice %arg12[%dma_start3A_5, %dma_start3A_7, %dma_start3A_8] : memref<2x128x128xf32, #tpu.memory_space<vmem>> -> memref<1x128x128xf32, #tpu.memory_space<vmem>>
    %dma_start3A_10 = tpu.memref_squeeze %dma_start3A_9 : memref<1x128x128xf32, #tpu.memory_space<vmem>> -> memref<128x128xf32, #tpu.memory_space<vmem>>
    %dma_start3A_11 = arith.constant 0 : i32
    %dma_start3A_12 = tpu.memref_slice %arg10[%dma_start3A, %dma_start3A_11] : memref<40x128xi32, #tpu.memory_space<vmem>> -> memref<1x128xi32, #tpu.memory_space<vmem>>
    %dma_start3A_13 = tpu.memref_squeeze %dma_start3A_12 : memref<1x128xi32, #tpu.memory_space<vmem>> -> memref<128xi32, #tpu.memory_space<vmem>>
    %dma_start3A_14 = arith.constant 0 : i32
    %dma_start3A_15 = arith.constant 0 : i32
    %dma_start3A_16 = tpu.memref_slice %arg2[%dma_start3A_14, %dma_start3A_15] : memref<10000x128xf32, #tpu.memory_space<hbm>> -> memref<10000x128xf32, #tpu.memory_space<hbm>>
    %dma_start3A_17 = tpu.memref_slice %arg17[%dma_start3A_6] : memref<2x!tpu.dma_semaphore, #tpu.memory_space<semaphore_mem>> -> memref<1x!tpu.dma_semaphore, #tpu.memory_space<semaphore_mem>>
    %dma_start3A_18 = tpu.memref_squeeze %dma_start3A_17 : memref<1x!tpu.dma_semaphore, #tpu.memory_space<semaphore_mem>> -> memref<!tpu.dma_semaphore, #tpu.memory_space<semaphore_mem>>
    tpu.enqueue_indirect_dma source(%dma_start3A_16 : memref<10000x128xf32, #tpu.memory_space<hbm>>) target(%dma_start3A_10 : memref<128x128xf32, #tpu.memory_space<vmem>>) offsets(%dma_start3A_13 : memref<128xi32, #tpu.memory_space<vmem>>) semaphore(%dma_start3A_18 : memref<!tpu.dma_semaphore, #tpu.memory_space<semaphore_mem>>)
    %scan3A = arith.constant 0 : i32
    %scan3A_19 = arith.constant 0 : i32
    %scan3A_20 = arith.constant 40 : i32
    %scan3A_21 = arith.addi %scan3A_19, %scan3A_20 : i32
    %scan3A_22 = arith.constant 1 : i32
    scf.for %scan3A_107 = %scan3A_19 to %scan3A_21 step %scan3A_22  : i32 {
      %rem3A = arith.constant 2 : i32
      %rem3A_108 = arith.remsi %scan3A_107, %rem3A : i32
      %sub3A = arith.constant 1 : i32
      %sub3A_109 = arith.subi %sub3A, %rem3A_108 : i32
      %ge3A = arith.constant 1 : i32
      %ge3A_110 = arith.cmpi sge, %scan3A_107, %ge3A : i32
      %convert_element_type3A = arith.extui %ge3A_110 : i1 to i32
      %cond3A = arith.constant 0 : i32
      %cond3A_111 = arith.cmpi ne, %convert_element_type3A, %cond3A : i32
      scf.if %cond3A_111 {
        %dma_wait3A_149 = arith.constant 0 : i32
        %dma_wait3A_150 = arith.constant 0 : i32
        %dma_wait3A_151 = tpu.memref_slice %arg12[%sub3A_109, %dma_wait3A_149, %dma_wait3A_150] : memref<2x128x128xf32, #tpu.memory_space<vmem>> -> memref<1x128x128xf32, #tpu.memory_space<vmem>>
        %dma_wait3A_152 = tpu.memref_squeeze %dma_wait3A_151 : memref<1x128x128xf32, #tpu.memory_space<vmem>> -> memref<128x128xf32, #tpu.memory_space<vmem>>
        %dma_wait3A_153 = arith.constant 0 : i32
        %dma_wait3A_154 = tpu.memref_slice %arg11[%scan3A_107, %dma_wait3A_153] : memref<40x128xi32, #tpu.memory_space<vmem>> -> memref<1x128xi32, #tpu.memory_space<vmem>>
        %dma_wait3A_155 = tpu.memref_squeeze %dma_wait3A_154 : memref<1x128xi32, #tpu.memory_space<vmem>> -> memref<128xi32, #tpu.memory_space<vmem>>
        %dma_wait3A_156 = arith.constant 0 : i32
        %dma_wait3A_157 = arith.constant 0 : i32
        %dma_wait3A_158 = tpu.memref_slice %arg15[%dma_wait3A_156, %dma_wait3A_157] : memref<10240x128xf32, #tpu.memory_space<vmem_shared>> -> memref<10240x128xf32, #tpu.memory_space<vmem_shared>>
        %dma_wait3A_159 = tpu.memref_slice %arg18[%sub3A_109] : memref<2x!tpu.dma_semaphore, #tpu.memory_space<semaphore_mem>> -> memref<1x!tpu.dma_semaphore, #tpu.memory_space<semaphore_mem>>
        %dma_wait3A_160 = tpu.memref_squeeze %dma_wait3A_159 : memref<1x!tpu.dma_semaphore, #tpu.memory_space<semaphore_mem>> -> memref<!tpu.dma_semaphore, #tpu.memory_space<semaphore_mem>>
        tpu.wait_indirect_dma semaphore(%dma_wait3A_160 : memref<!tpu.dma_semaphore, #tpu.memory_space<semaphore_mem>>) src(%dma_wait3A_152 : memref<128x128xf32, #tpu.memory_space<vmem>>) dst(%dma_wait3A_158 : memref<10240x128xf32, #tpu.memory_space<vmem_shared>>)
        %dma_wait3A_161 = arith.constant 0 : i32
        %dma_wait3A_162 = tpu.memref_slice %arg11[%scan3A_107, %dma_wait3A_161] : memref<40x128xi32, #tpu.memory_space<vmem>> -> memref<1x128xi32, #tpu.memory_space<vmem>>
        %dma_wait3A_163 = tpu.memref_squeeze %dma_wait3A_162 : memref<1x128xi32, #tpu.memory_space<vmem>> -> memref<128xi32, #tpu.memory_space<vmem>>
        %dma_wait3A_164 = arith.constant 0 : i32
        %dma_wait3A_165 = tpu.memref_slice %arg16[%dma_wait3A_164] : memref<10240xf32, #tpu.memory_space<vmem_shared>> -> memref<10240xf32, #tpu.memory_space<vmem_shared>>
        %dma_wait3A_166 = tpu.memref_slice %arg19[%sub3A_109] : memref<2x!tpu.dma_semaphore, #tpu.memory_space<semaphore_mem>> -> memref<1x!tpu.dma_semaphore, #tpu.memory_space<semaphore_mem>>
        %dma_wait3A_167 = tpu.memref_squeeze %dma_wait3A_166 : memref<1x!tpu.dma_semaphore, #tpu.memory_space<semaphore_mem>> -> memref<!tpu.dma_semaphore, #tpu.memory_space<semaphore_mem>>
        tpu.wait_indirect_dma semaphore(%dma_wait3A_167 : memref<!tpu.dma_semaphore, #tpu.memory_space<semaphore_mem>>) src(%arg13 : memref<128xf32, #tpu.memory_space<vmem>>) dst(%dma_wait3A_165 : memref<10240xf32, #tpu.memory_space<vmem_shared>>)
      } else {
      }
      %add3A_112 = arith.constant 1 : i32
      %add3A_113 = arith.addi %scan3A_107, %add3A_112 : i32
      %lt3A = arith.constant 40 : i32
      %lt3A_114 = arith.cmpi slt, %add3A_113, %lt3A : i32
      %convert_element_type3A_115 = arith.extui %lt3A_114 : i1 to i32
      %cond3A_116 = arith.constant 0 : i32
      %cond3A_117 = arith.cmpi ne, %convert_element_type3A_115, %cond3A_116 : i32
      scf.if %cond3A_117 {
        %add3A_149 = arith.constant 1 : i32
        %add3A_150 = arith.addi %scan3A_107, %add3A_149 : i32
        %dma_start3A_151 = arith.constant 0 : i32
        %dma_start3A_152 = arith.constant 0 : i32
        %dma_start3A_153 = tpu.memref_slice %arg12[%sub3A_109, %dma_start3A_151, %dma_start3A_152] : memref<2x128x128xf32, #tpu.memory_space<vmem>> -> memref<1x128x128xf32, #tpu.memory_space<vmem>>
        %dma_start3A_154 = tpu.memref_squeeze %dma_start3A_153 : memref<1x128x128xf32, #tpu.memory_space<vmem>> -> memref<128x128xf32, #tpu.memory_space<vmem>>
        %dma_start3A_155 = arith.constant 0 : i32
        %dma_start3A_156 = tpu.memref_slice %arg10[%add3A_150, %dma_start3A_155] : memref<40x128xi32, #tpu.memory_space<vmem>> -> memref<1x128xi32, #tpu.memory_space<vmem>>
        %dma_start3A_157 = tpu.memref_squeeze %dma_start3A_156 : memref<1x128xi32, #tpu.memory_space<vmem>> -> memref<128xi32, #tpu.memory_space<vmem>>
        %dma_start3A_158 = arith.constant 0 : i32
        %dma_start3A_159 = arith.constant 0 : i32
        %dma_start3A_160 = tpu.memref_slice %arg2[%dma_start3A_158, %dma_start3A_159] : memref<10000x128xf32, #tpu.memory_space<hbm>> -> memref<10000x128xf32, #tpu.memory_space<hbm>>
        %dma_start3A_161 = tpu.memref_slice %arg17[%sub3A_109] : memref<2x!tpu.dma_semaphore, #tpu.memory_space<semaphore_mem>> -> memref<1x!tpu.dma_semaphore, #tpu.memory_space<semaphore_mem>>
        %dma_start3A_162 = tpu.memref_squeeze %dma_start3A_161 : memref<1x!tpu.dma_semaphore, #tpu.memory_space<semaphore_mem>> -> memref<!tpu.dma_semaphore, #tpu.memory_space<semaphore_mem>>
        tpu.enqueue_indirect_dma source(%dma_start3A_160 : memref<10000x128xf32, #tpu.memory_space<hbm>>) target(%dma_start3A_154 : memref<128x128xf32, #tpu.memory_space<vmem>>) offsets(%dma_start3A_157 : memref<128xi32, #tpu.memory_space<vmem>>) semaphore(%dma_start3A_162 : memref<!tpu.dma_semaphore, #tpu.memory_space<semaphore_mem>>)
      } else {
      }
      %dma_wait3A_118 = arith.constant 0 : i32
      %dma_wait3A_119 = arith.constant 0 : i32
      %dma_wait3A_120 = tpu.memref_slice %arg12[%rem3A_108, %dma_wait3A_118, %dma_wait3A_119] : memref<2x128x128xf32, #tpu.memory_space<vmem>> -> memref<1x128x128xf32, #tpu.memory_space<vmem>>
      %dma_wait3A_121 = tpu.memref_squeeze %dma_wait3A_120 : memref<1x128x128xf32, #tpu.memory_space<vmem>> -> memref<128x128xf32, #tpu.memory_space<vmem>>
      %dma_wait3A_122 = arith.constant 0 : i32
      %dma_wait3A_123 = tpu.memref_slice %arg10[%scan3A_107, %dma_wait3A_122] : memref<40x128xi32, #tpu.memory_space<vmem>> -> memref<1x128xi32, #tpu.memory_space<vmem>>
      %dma_wait3A_124 = tpu.memref_squeeze %dma_wait3A_123 : memref<1x128xi32, #tpu.memory_space<vmem>> -> memref<128xi32, #tpu.memory_space<vmem>>
      %dma_wait3A_125 = arith.constant 0 : i32
      %dma_wait3A_126 = arith.constant 0 : i32
      %dma_wait3A_127 = tpu.memref_slice %arg2[%dma_wait3A_125, %dma_wait3A_126] : memref<10000x128xf32, #tpu.memory_space<hbm>> -> memref<10000x128xf32, #tpu.memory_space<hbm>>
      %dma_wait3A_128 = tpu.memref_slice %arg17[%rem3A_108] : memref<2x!tpu.dma_semaphore, #tpu.memory_space<semaphore_mem>> -> memref<1x!tpu.dma_semaphore, #tpu.memory_space<semaphore_mem>>
      %dma_wait3A_129 = tpu.memref_squeeze %dma_wait3A_128 : memref<1x!tpu.dma_semaphore, #tpu.memory_space<semaphore_mem>> -> memref<!tpu.dma_semaphore, #tpu.memory_space<semaphore_mem>>
      tpu.wait_indirect_dma semaphore(%dma_wait3A_129 : memref<!tpu.dma_semaphore, #tpu.memory_space<semaphore_mem>>) src(%dma_wait3A_127 : memref<10000x128xf32, #tpu.memory_space<hbm>>) dst(%dma_wait3A_121 : memref<128x128xf32, #tpu.memory_space<vmem>>)
      %dma_start3A_130 = arith.constant 0 : i32
      %dma_start3A_131 = arith.constant 0 : i32
      %dma_start3A_132 = tpu.memref_slice %arg12[%rem3A_108, %dma_start3A_130, %dma_start3A_131] : memref<2x128x128xf32, #tpu.memory_space<vmem>> -> memref<1x128x128xf32, #tpu.memory_space<vmem>>
      %dma_start3A_133 = tpu.memref_squeeze %dma_start3A_132 : memref<1x128x128xf32, #tpu.memory_space<vmem>> -> memref<128x128xf32, #tpu.memory_space<vmem>>
      %dma_start3A_134 = arith.constant 0 : i32
      %dma_start3A_135 = tpu.memref_slice %arg11[%scan3A_107, %dma_start3A_134] : memref<40x128xi32, #tpu.memory_space<vmem>> -> memref<1x128xi32, #tpu.memory_space<vmem>>
      %dma_start3A_136 = tpu.memref_squeeze %dma_start3A_135 : memref<1x128xi32, #tpu.memory_space<vmem>> -> memref<128xi32, #tpu.memory_space<vmem>>
      %dma_start3A_137 = arith.constant 0 : i32
      %dma_start3A_138 = arith.constant 0 : i32
      %dma_start3A_139 = tpu.memref_slice %arg15[%dma_start3A_137, %dma_start3A_138] : memref<10240x128xf32, #tpu.memory_space<vmem_shared>> -> memref<10240x128xf32, #tpu.memory_space<vmem_shared>>
      %dma_start3A_140 = tpu.memref_slice %arg18[%rem3A_108] : memref<2x!tpu.dma_semaphore, #tpu.memory_space<semaphore_mem>> -> memref<1x!tpu.dma_semaphore, #tpu.memory_space<semaphore_mem>>
      %dma_start3A_141 = tpu.memref_squeeze %dma_start3A_140 : memref<1x!tpu.dma_semaphore, #tpu.memory_space<semaphore_mem>> -> memref<!tpu.dma_semaphore, #tpu.memory_space<semaphore_mem>>
      tpu.enqueue_indirect_dma source(%dma_start3A_133 : memref<128x128xf32, #tpu.memory_space<vmem>>) target(%dma_start3A_139 : memref<10240x128xf32, #tpu.memory_space<vmem_shared>>) offsets(%dma_start3A_136 : memref<128xi32, #tpu.memory_space<vmem>>) semaphore(%dma_start3A_141 : memref<!tpu.dma_semaphore, #tpu.memory_space<semaphore_mem>>) {add = true}
      %dma_start3A_142 = arith.constant 0 : i32
      %dma_start3A_143 = tpu.memref_slice %arg11[%scan3A_107, %dma_start3A_142] : memref<40x128xi32, #tpu.memory_space<vmem>> -> memref<1x128xi32, #tpu.memory_space<vmem>>
      %dma_start3A_144 = tpu.memref_squeeze %dma_start3A_143 : memref<1x128xi32, #tpu.memory_space<vmem>> -> memref<128xi32, #tpu.memory_space<vmem>>
      %dma_start3A_145 = arith.constant 0 : i32
      %dma_start3A_146 = tpu.memref_slice %arg16[%dma_start3A_145] : memref<10240xf32, #tpu.memory_space<vmem_shared>> -> memref<10240xf32, #tpu.memory_space<vmem_shared>>
      %dma_start3A_147 = tpu.memref_slice %arg19[%rem3A_108] : memref<2x!tpu.dma_semaphore, #tpu.memory_space<semaphore_mem>> -> memref<1x!tpu.dma_semaphore, #tpu.memory_space<semaphore_mem>>
      %dma_start3A_148 = tpu.memref_squeeze %dma_start3A_147 : memref<1x!tpu.dma_semaphore, #tpu.memory_space<semaphore_mem>> -> memref<!tpu.dma_semaphore, #tpu.memory_space<semaphore_mem>>
      tpu.enqueue_indirect_dma source(%arg13 : memref<128xf32, #tpu.memory_space<vmem>>) target(%dma_start3A_146 : memref<10240xf32, #tpu.memory_space<vmem_shared>>) offsets(%dma_start3A_144 : memref<128xi32, #tpu.memory_space<vmem>>) semaphore(%dma_start3A_148 : memref<!tpu.dma_semaphore, #tpu.memory_space<semaphore_mem>>) {add = true}
    }
    %scan3A_23 = arith.constant 40 : i32
    %dma_wait3A = arith.constant 1 : i32
    %dma_wait3A_24 = arith.constant 0 : i32
    %dma_wait3A_25 = arith.constant 1 : i32
    %dma_wait3A_26 = arith.constant 0 : i32
    %dma_wait3A_27 = arith.constant 0 : i32
    %dma_wait3A_28 = tpu.memref_slice %arg12[%dma_wait3A, %dma_wait3A_26, %dma_wait3A_27] : memref<2x128x128xf32, #tpu.memory_space<vmem>> -> memref<1x128x128xf32, #tpu.memory_space<vmem>>
    %dma_wait3A_29 = tpu.memref_squeeze %dma_wait3A_28 : memref<1x128x128xf32, #tpu.memory_space<vmem>> -> memref<128x128xf32, #tpu.memory_space<vmem>>
    %dma_wait3A_30 = arith.constant 0 : i32
    %dma_wait3A_31 = tpu.memref_slice %arg11[%dma_wait3A_24, %dma_wait3A_30] : memref<40x128xi32, #tpu.memory_space<vmem>> -> memref<1x128xi32, #tpu.memory_space<vmem>>
    %dma_wait3A_32 = tpu.memref_squeeze %dma_wait3A_31 : memref<1x128xi32, #tpu.memory_space<vmem>> -> memref<128xi32, #tpu.memory_space<vmem>>
    %dma_wait3A_33 = arith.constant 0 : i32
    %dma_wait3A_34 = arith.constant 0 : i32
    %dma_wait3A_35 = tpu.memref_slice %arg15[%dma_wait3A_33, %dma_wait3A_34] : memref<10240x128xf32, #tpu.memory_space<vmem_shared>> -> memref<10240x128xf32, #tpu.memory_space<vmem_shared>>
    %dma_wait3A_36 = tpu.memref_slice %arg18[%dma_wait3A_25] : memref<2x!tpu.dma_semaphore, #tpu.memory_space<semaphore_mem>> -> memref<1x!tpu.dma_semaphore, #tpu.memory_space<semaphore_mem>>
    %dma_wait3A_37 = tpu.memref_squeeze %dma_wait3A_36 : memref<1x!tpu.dma_semaphore, #tpu.memory_space<semaphore_mem>> -> memref<!tpu.dma_semaphore, #tpu.memory_space<semaphore_mem>>
    tpu.wait_indirect_dma semaphore(%dma_wait3A_37 : memref<!tpu.dma_semaphore, #tpu.memory_space<semaphore_mem>>) src(%dma_wait3A_29 : memref<128x128xf32, #tpu.memory_space<vmem>>) dst(%dma_wait3A_35 : memref<10240x128xf32, #tpu.memory_space<vmem_shared>>)
    %dma_wait3A_38 = arith.constant 0 : i32
    %dma_wait3A_39 = arith.constant 1 : i32
    %dma_wait3A_40 = arith.constant 0 : i32
    %dma_wait3A_41 = tpu.memref_slice %arg11[%dma_wait3A_38, %dma_wait3A_40] : memref<40x128xi32, #tpu.memory_space<vmem>> -> memref<1x128xi32, #tpu.memory_space<vmem>>
    %dma_wait3A_42 = tpu.memref_squeeze %dma_wait3A_41 : memref<1x128xi32, #tpu.memory_space<vmem>> -> memref<128xi32, #tpu.memory_space<vmem>>
    %dma_wait3A_43 = arith.constant 0 : i32
    %dma_wait3A_44 = tpu.memref_slice %arg16[%dma_wait3A_43] : memref<10240xf32, #tpu.memory_space<vmem_shared>> -> memref<10240xf32, #tpu.memory_space<vmem_shared>>
    %dma_wait3A_45 = tpu.memref_slice %arg19[%dma_wait3A_39] : memref<2x!tpu.dma_semaphore, #tpu.memory_space<semaphore_mem>> -> memref<1x!tpu.dma_semaphore, #tpu.memory_space<semaphore_mem>>
    %dma_wait3A_46 = tpu.memref_squeeze %dma_wait3A_45 : memref<1x!tpu.dma_semaphore, #tpu.memory_space<semaphore_mem>> -> memref<!tpu.dma_semaphore, #tpu.memory_space<semaphore_mem>>
    tpu.wait_indirect_dma semaphore(%dma_wait3A_46 : memref<!tpu.dma_semaphore, #tpu.memory_space<semaphore_mem>>) src(%arg13 : memref<128xf32, #tpu.memory_space<vmem>>) dst(%dma_wait3A_44 : memref<10240xf32, #tpu.memory_space<vmem_shared>>)
    "tpu.region"() ({
      %run_scoped3A = tpu.sem_alloc : memref<!tpu.dma_semaphore, #tpu.memory_space<semaphore_mem>>
      %dma_start3A_107 = arith.constant 40 : i32
      %dma_start3A_108 = arith.constant 0 : i32
      %dma_start3A_109 = tpu.memref_slice %arg3[%add3A, %dma_start3A_107, %dma_start3A_108] : memref<32x80x128xi32, #tpu.memory_space<hbm>> -> memref<1x40x128xi32, #tpu.memory_space<hbm>>
      %dma_start3A_110 = tpu.memref_squeeze %dma_start3A_109 : memref<1x40x128xi32, #tpu.memory_space<hbm>> -> memref<40x128xi32, #tpu.memory_space<hbm>>
      %dma_start3A_111 = arith.constant 40 : i32
      %dma_start3A_112 = arith.constant 0 : i32
      %dma_start3A_113 = tpu.memref_slice %arg3[%add3A, %dma_start3A_111, %dma_start3A_112] : memref<32x80x128xi32, #tpu.memory_space<hbm>> -> memref<1x40x128xi32, #tpu.memory_space<hbm>>
      %dma_start3A_114 = tpu.memref_squeeze %dma_start3A_113 : memref<1x40x128xi32, #tpu.memory_space<hbm>> -> memref<40x128xi32, #tpu.memory_space<hbm>>
      tpu.enqueue_dma source(%dma_start3A_114 : memref<40x128xi32, #tpu.memory_space<hbm>>) target(%arg10 : memref<40x128xi32, #tpu.memory_space<vmem>>) target_semaphore(%run_scoped3A : memref<!tpu.dma_semaphore, #tpu.memory_space<semaphore_mem>>)
      %dma_wait3A_115 = arith.constant 40 : i32
      %dma_wait3A_116 = arith.constant 0 : i32
      %dma_wait3A_117 = tpu.memref_slice %arg3[%add3A, %dma_wait3A_115, %dma_wait3A_116] : memref<32x80x128xi32, #tpu.memory_space<hbm>> -> memref<1x40x128xi32, #tpu.memory_space<hbm>>
      %dma_wait3A_118 = tpu.memref_squeeze %dma_wait3A_117 : memref<1x40x128xi32, #tpu.memory_space<hbm>> -> memref<40x128xi32, #tpu.memory_space<hbm>>
      %dma_wait3A_119 = arith.constant 40 : i32
      %dma_wait3A_120 = arith.constant 0 : i32
      %dma_wait3A_121 = tpu.memref_slice %arg3[%add3A, %dma_wait3A_119, %dma_wait3A_120] : memref<32x80x128xi32, #tpu.memory_space<hbm>> -> memref<1x40x128xi32, #tpu.memory_space<hbm>>
      %dma_wait3A_122 = tpu.memref_squeeze %dma_wait3A_121 : memref<1x40x128xi32, #tpu.memory_space<hbm>> -> memref<40x128xi32, #tpu.memory_space<hbm>>
      tpu.wait_dma2 semaphore(%run_scoped3A : memref<!tpu.dma_semaphore, #tpu.memory_space<semaphore_mem>>) src(%dma_wait3A_122 : memref<40x128xi32, #tpu.memory_space<hbm>>) dst(%arg10 : memref<40x128xi32, #tpu.memory_space<vmem>>)
      tpu.yield
    }) : () -> ()
    "tpu.region"() ({
      %run_scoped3A = tpu.sem_alloc : memref<!tpu.dma_semaphore, #tpu.memory_space<semaphore_mem>>
      %dma_start3A_107 = arith.constant 40 : i32
      %dma_start3A_108 = arith.constant 0 : i32
      %dma_start3A_109 = tpu.memref_slice %arg4[%add3A, %dma_start3A_107, %dma_start3A_108] : memref<32x80x128xi32, #tpu.memory_space<hbm>> -> memref<1x40x128xi32, #tpu.memory_space<hbm>>
      %dma_start3A_110 = tpu.memref_squeeze %dma_start3A_109 : memref<1x40x128xi32, #tpu.memory_space<hbm>> -> memref<40x128xi32, #tpu.memory_space<hbm>>
      %dma_start3A_111 = arith.constant 40 : i32
      %dma_start3A_112 = arith.constant 0 : i32
      %dma_start3A_113 = tpu.memref_slice %arg4[%add3A, %dma_start3A_111, %dma_start3A_112] : memref<32x80x128xi32, #tpu.memory_space<hbm>> -> memref<1x40x128xi32, #tpu.memory_space<hbm>>
      %dma_start3A_114 = tpu.memref_squeeze %dma_start3A_113 : memref<1x40x128xi32, #tpu.memory_space<hbm>> -> memref<40x128xi32, #tpu.memory_space<hbm>>
      tpu.enqueue_dma source(%dma_start3A_114 : memref<40x128xi32, #tpu.memory_space<hbm>>) target(%arg11 : memref<40x128xi32, #tpu.memory_space<vmem>>) target_semaphore(%run_scoped3A : memref<!tpu.dma_semaphore, #tpu.memory_space<semaphore_mem>>)
      %dma_wait3A_115 = arith.constant 40 : i32
      %dma_wait3A_116 = arith.constant 0 : i32
      %dma_wait3A_117 = tpu.memref_slice %arg4[%add3A, %dma_wait3A_115, %dma_wait3A_116] : memref<32x80x128xi32, #tpu.memory_space<hbm>> -> memref<1x40x128xi32, #tpu.memory_space<hbm>>
      %dma_wait3A_118 = tpu.memref_squeeze %dma_wait3A_117 : memref<1x40x128xi32, #tpu.memory_space<hbm>> -> memref<40x128xi32, #tpu.memory_space<hbm>>
      %dma_wait3A_119 = arith.constant 40 : i32
      %dma_wait3A_120 = arith.constant 0 : i32
      %dma_wait3A_121 = tpu.memref_slice %arg4[%add3A, %dma_wait3A_119, %dma_wait3A_120] : memref<32x80x128xi32, #tpu.memory_space<hbm>> -> memref<1x40x128xi32, #tpu.memory_space<hbm>>
      %dma_wait3A_122 = tpu.memref_squeeze %dma_wait3A_121 : memref<1x40x128xi32, #tpu.memory_space<hbm>> -> memref<40x128xi32, #tpu.memory_space<hbm>>
      tpu.wait_dma2 semaphore(%run_scoped3A : memref<!tpu.dma_semaphore, #tpu.memory_space<semaphore_mem>>) src(%dma_wait3A_122 : memref<40x128xi32, #tpu.memory_space<hbm>>) dst(%arg11 : memref<40x128xi32, #tpu.memory_space<vmem>>)
      tpu.yield
    }) : () -> ()
    %dma_start3A_47 = arith.constant 0 : i32
    %dma_start3A_48 = arith.constant 0 : i32
    %dma_start3A_49 = arith.constant 0 : i32
    %dma_start3A_50 = arith.constant 0 : i32
    %dma_start3A_51 = arith.constant 0 : i32
    %dma_start3A_52 = tpu.memref_slice %arg12[%dma_start3A_48, %dma_start3A_50, %dma_start3A_51] : memref<2x128x128xf32, #tpu.memory_space<vmem>> -> memref<1x128x128xf32, #tpu.memory_space<vmem>>
    %dma_start3A_53 = tpu.memref_squeeze %dma_start3A_52 : memref<1x128x128xf32, #tpu.memory_space<vmem>> -> memref<128x128xf32, #tpu.memory_space<vmem>>
    %dma_start3A_54 = arith.constant 0 : i32
    %dma_start3A_55 = tpu.memref_slice %arg10[%dma_start3A_47, %dma_start3A_54] : memref<40x128xi32, #tpu.memory_space<vmem>> -> memref<1x128xi32, #tpu.memory_space<vmem>>
    %dma_start3A_56 = tpu.memref_squeeze %dma_start3A_55 : memref<1x128xi32, #tpu.memory_space<vmem>> -> memref<128xi32, #tpu.memory_space<vmem>>
    %dma_start3A_57 = arith.constant 0 : i32
    %dma_start3A_58 = arith.constant 0 : i32
    %dma_start3A_59 = tpu.memref_slice %arg2[%dma_start3A_57, %dma_start3A_58] : memref<10000x128xf32, #tpu.memory_space<hbm>> -> memref<10000x128xf32, #tpu.memory_space<hbm>>
    %dma_start3A_60 = tpu.memref_slice %arg17[%dma_start3A_49] : memref<2x!tpu.dma_semaphore, #tpu.memory_space<semaphore_mem>> -> memref<1x!tpu.dma_semaphore, #tpu.memory_space<semaphore_mem>>
    %dma_start3A_61 = tpu.memref_squeeze %dma_start3A_60 : memref<1x!tpu.dma_semaphore, #tpu.memory_space<semaphore_mem>> -> memref<!tpu.dma_semaphore, #tpu.memory_space<semaphore_mem>>
    tpu.enqueue_indirect_dma source(%dma_start3A_59 : memref<10000x128xf32, #tpu.memory_space<hbm>>) target(%dma_start3A_53 : memref<128x128xf32, #tpu.memory_space<vmem>>) offsets(%dma_start3A_56 : memref<128xi32, #tpu.memory_space<vmem>>) semaphore(%dma_start3A_61 : memref<!tpu.dma_semaphore, #tpu.memory_space<semaphore_mem>>)
    %scan3A_62 = arith.constant 0 : i32
    %scan3A_63 = arith.constant 0 : i32
    %scan3A_64 = arith.constant 40 : i32
    %scan3A_65 = arith.addi %scan3A_63, %scan3A_64 : i32
    %scan3A_66 = arith.constant 1 : i32
    scf.for %scan3A_107 = %scan3A_63 to %scan3A_65 step %scan3A_66  : i32 {
      %rem3A = arith.constant 2 : i32
      %rem3A_108 = arith.remsi %scan3A_107, %rem3A : i32
      %sub3A = arith.constant 1 : i32
      %sub3A_109 = arith.subi %sub3A, %rem3A_108 : i32
      %ge3A = arith.constant 1 : i32
      %ge3A_110 = arith.cmpi sge, %scan3A_107, %ge3A : i32
      %convert_element_type3A = arith.extui %ge3A_110 : i1 to i32
      %cond3A = arith.constant 0 : i32
      %cond3A_111 = arith.cmpi ne, %convert_element_type3A, %cond3A : i32
      scf.if %cond3A_111 {
        %dma_wait3A_149 = arith.constant 0 : i32
        %dma_wait3A_150 = arith.constant 0 : i32
        %dma_wait3A_151 = tpu.memref_slice %arg12[%sub3A_109, %dma_wait3A_149, %dma_wait3A_150] : memref<2x128x128xf32, #tpu.memory_space<vmem>> -> memref<1x128x128xf32, #tpu.memory_space<vmem>>
        %dma_wait3A_152 = tpu.memref_squeeze %dma_wait3A_151 : memref<1x128x128xf32, #tpu.memory_space<vmem>> -> memref<128x128xf32, #tpu.memory_space<vmem>>
        %dma_wait3A_153 = arith.constant 0 : i32
        %dma_wait3A_154 = tpu.memref_slice %arg11[%scan3A_107, %dma_wait3A_153] : memref<40x128xi32, #tpu.memory_space<vmem>> -> memref<1x128xi32, #tpu.memory_space<vmem>>
        %dma_wait3A_155 = tpu.memref_squeeze %dma_wait3A_154 : memref<1x128xi32, #tpu.memory_space<vmem>> -> memref<128xi32, #tpu.memory_space<vmem>>
        %dma_wait3A_156 = arith.constant 0 : i32
        %dma_wait3A_157 = arith.constant 0 : i32
        %dma_wait3A_158 = tpu.memref_slice %arg15[%dma_wait3A_156, %dma_wait3A_157] : memref<10240x128xf32, #tpu.memory_space<vmem_shared>> -> memref<10240x128xf32, #tpu.memory_space<vmem_shared>>
        %dma_wait3A_159 = tpu.memref_slice %arg18[%sub3A_109] : memref<2x!tpu.dma_semaphore, #tpu.memory_space<semaphore_mem>> -> memref<1x!tpu.dma_semaphore, #tpu.memory_space<semaphore_mem>>
        %dma_wait3A_160 = tpu.memref_squeeze %dma_wait3A_159 : memref<1x!tpu.dma_semaphore, #tpu.memory_space<semaphore_mem>> -> memref<!tpu.dma_semaphore, #tpu.memory_space<semaphore_mem>>
        tpu.wait_indirect_dma semaphore(%dma_wait3A_160 : memref<!tpu.dma_semaphore, #tpu.memory_space<semaphore_mem>>) src(%dma_wait3A_152 : memref<128x128xf32, #tpu.memory_space<vmem>>) dst(%dma_wait3A_158 : memref<10240x128xf32, #tpu.memory_space<vmem_shared>>)
        %dma_wait3A_161 = arith.constant 0 : i32
        %dma_wait3A_162 = tpu.memref_slice %arg11[%scan3A_107, %dma_wait3A_161] : memref<40x128xi32, #tpu.memory_space<vmem>> -> memref<1x128xi32, #tpu.memory_space<vmem>>
        %dma_wait3A_163 = tpu.memref_squeeze %dma_wait3A_162 : memref<1x128xi32, #tpu.memory_space<vmem>> -> memref<128xi32, #tpu.memory_space<vmem>>
        %dma_wait3A_164 = arith.constant 0 : i32
        %dma_wait3A_165 = tpu.memref_slice %arg16[%dma_wait3A_164] : memref<10240xf32, #tpu.memory_space<vmem_shared>> -> memref<10240xf32, #tpu.memory_space<vmem_shared>>
        %dma_wait3A_166 = tpu.memref_slice %arg19[%sub3A_109] : memref<2x!tpu.dma_semaphore, #tpu.memory_space<semaphore_mem>> -> memref<1x!tpu.dma_semaphore, #tpu.memory_space<semaphore_mem>>
        %dma_wait3A_167 = tpu.memref_squeeze %dma_wait3A_166 : memref<1x!tpu.dma_semaphore, #tpu.memory_space<semaphore_mem>> -> memref<!tpu.dma_semaphore, #tpu.memory_space<semaphore_mem>>
        tpu.wait_indirect_dma semaphore(%dma_wait3A_167 : memref<!tpu.dma_semaphore, #tpu.memory_space<semaphore_mem>>) src(%arg13 : memref<128xf32, #tpu.memory_space<vmem>>) dst(%dma_wait3A_165 : memref<10240xf32, #tpu.memory_space<vmem_shared>>)
      } else {
      }
      %add3A_112 = arith.constant 1 : i32
      %add3A_113 = arith.addi %scan3A_107, %add3A_112 : i32
      %lt3A = arith.constant 40 : i32
      %lt3A_114 = arith.cmpi slt, %add3A_113, %lt3A : i32
      %convert_element_type3A_115 = arith.extui %lt3A_114 : i1 to i32
      %cond3A_116 = arith.constant 0 : i32
      %cond3A_117 = arith.cmpi ne, %convert_element_type3A_115, %cond3A_116 : i32
      scf.if %cond3A_117 {
        %add3A_149 = arith.constant 1 : i32
        %add3A_150 = arith.addi %scan3A_107, %add3A_149 : i32
        %dma_start3A_151 = arith.constant 0 : i32
        %dma_start3A_152 = arith.constant 0 : i32
        %dma_start3A_153 = tpu.memref_slice %arg12[%sub3A_109, %dma_start3A_151, %dma_start3A_152] : memref<2x128x128xf32, #tpu.memory_space<vmem>> -> memref<1x128x128xf32, #tpu.memory_space<vmem>>
        %dma_start3A_154 = tpu.memref_squeeze %dma_start3A_153 : memref<1x128x128xf32, #tpu.memory_space<vmem>> -> memref<128x128xf32, #tpu.memory_space<vmem>>
        %dma_start3A_155 = arith.constant 0 : i32
        %dma_start3A_156 = tpu.memref_slice %arg10[%add3A_150, %dma_start3A_155] : memref<40x128xi32, #tpu.memory_space<vmem>> -> memref<1x128xi32, #tpu.memory_space<vmem>>
        %dma_start3A_157 = tpu.memref_squeeze %dma_start3A_156 : memref<1x128xi32, #tpu.memory_space<vmem>> -> memref<128xi32, #tpu.memory_space<vmem>>
        %dma_start3A_158 = arith.constant 0 : i32
        %dma_start3A_159 = arith.constant 0 : i32
        %dma_start3A_160 = tpu.memref_slice %arg2[%dma_start3A_158, %dma_start3A_159] : memref<10000x128xf32, #tpu.memory_space<hbm>> -> memref<10000x128xf32, #tpu.memory_space<hbm>>
        %dma_start3A_161 = tpu.memref_slice %arg17[%sub3A_109] : memref<2x!tpu.dma_semaphore, #tpu.memory_space<semaphore_mem>> -> memref<1x!tpu.dma_semaphore, #tpu.memory_space<semaphore_mem>>
        %dma_start3A_162 = tpu.memref_squeeze %dma_start3A_161 : memref<1x!tpu.dma_semaphore, #tpu.memory_space<semaphore_mem>> -> memref<!tpu.dma_semaphore, #tpu.memory_space<semaphore_mem>>
        tpu.enqueue_indirect_dma source(%dma_start3A_160 : memref<10000x128xf32, #tpu.memory_space<hbm>>) target(%dma_start3A_154 : memref<128x128xf32, #tpu.memory_space<vmem>>) offsets(%dma_start3A_157 : memref<128xi32, #tpu.memory_space<vmem>>) semaphore(%dma_start3A_162 : memref<!tpu.dma_semaphore, #tpu.memory_space<semaphore_mem>>)
      } else {
      }
      %dma_wait3A_118 = arith.constant 0 : i32
      %dma_wait3A_119 = arith.constant 0 : i32
      %dma_wait3A_120 = tpu.memref_slice %arg12[%rem3A_108, %dma_wait3A_118, %dma_wait3A_119] : memref<2x128x128xf32, #tpu.memory_space<vmem>> -> memref<1x128x128xf32, #tpu.memory_space<vmem>>
      %dma_wait3A_121 = tpu.memref_squeeze %dma_wait3A_120 : memref<1x128x128xf32, #tpu.memory_space<vmem>> -> memref<128x128xf32, #tpu.memory_space<vmem>>
      %dma_wait3A_122 = arith.constant 0 : i32
      %dma_wait3A_123 = tpu.memref_slice %arg10[%scan3A_107, %dma_wait3A_122] : memref<40x128xi32, #tpu.memory_space<vmem>> -> memref<1x128xi32, #tpu.memory_space<vmem>>
      %dma_wait3A_124 = tpu.memref_squeeze %dma_wait3A_123 : memref<1x128xi32, #tpu.memory_space<vmem>> -> memref<128xi32, #tpu.memory_space<vmem>>
      %dma_wait3A_125 = arith.constant 0 : i32
      %dma_wait3A_126 = arith.constant 0 : i32
      %dma_wait3A_127 = tpu.memref_slice %arg2[%dma_wait3A_125, %dma_wait3A_126] : memref<10000x128xf32, #tpu.memory_space<hbm>> -> memref<10000x128xf32, #tpu.memory_space<hbm>>
      %dma_wait3A_128 = tpu.memref_slice %arg17[%rem3A_108] : memref<2x!tpu.dma_semaphore, #tpu.memory_space<semaphore_mem>> -> memref<1x!tpu.dma_semaphore, #tpu.memory_space<semaphore_mem>>
      %dma_wait3A_129 = tpu.memref_squeeze %dma_wait3A_128 : memref<1x!tpu.dma_semaphore, #tpu.memory_space<semaphore_mem>> -> memref<!tpu.dma_semaphore, #tpu.memory_space<semaphore_mem>>
      tpu.wait_indirect_dma semaphore(%dma_wait3A_129 : memref<!tpu.dma_semaphore, #tpu.memory_space<semaphore_mem>>) src(%dma_wait3A_127 : memref<10000x128xf32, #tpu.memory_space<hbm>>) dst(%dma_wait3A_121 : memref<128x128xf32, #tpu.memory_space<vmem>>)
      %dma_start3A_130 = arith.constant 0 : i32
      %dma_start3A_131 = arith.constant 0 : i32
      %dma_start3A_132 = tpu.memref_slice %arg12[%rem3A_108, %dma_start3A_130, %dma_start3A_131] : memref<2x128x128xf32, #tpu.memory_space<vmem>> -> memref<1x128x128xf32, #tpu.memory_space<vmem>>
      %dma_start3A_133 = tpu.memref_squeeze %dma_start3A_132 : memref<1x128x128xf32, #tpu.memory_space<vmem>> -> memref<128x128xf32, #tpu.memory_space<vmem>>
      %dma_start3A_134 = arith.constant 0 : i32
      %dma_start3A_135 = tpu.memref_slice %arg11[%scan3A_107, %dma_start3A_134] : memref<40x128xi32, #tpu.memory_space<vmem>> -> memref<1x128xi32, #tpu.memory_space<vmem>>
      %dma_start3A_136 = tpu.memref_squeeze %dma_start3A_135 : memref<1x128xi32, #tpu.memory_space<vmem>> -> memref<128xi32, #tpu.memory_space<vmem>>
      %dma_start3A_137 = arith.constant 0 : i32
      %dma_start3A_138 = arith.constant 0 : i32
      %dma_start3A_139 = tpu.memref_slice %arg15[%dma_start3A_137, %dma_start3A_138] : memref<10240x128xf32, #tpu.memory_space<vmem_shared>> -> memref<10240x128xf32, #tpu.memory_space<vmem_shared>>
      %dma_start3A_140 = tpu.memref_slice %arg18[%rem3A_108] : memref<2x!tpu.dma_semaphore, #tpu.memory_space<semaphore_mem>> -> memref<1x!tpu.dma_semaphore, #tpu.memory_space<semaphore_mem>>
      %dma_start3A_141 = tpu.memref_squeeze %dma_start3A_140 : memref<1x!tpu.dma_semaphore, #tpu.memory_space<semaphore_mem>> -> memref<!tpu.dma_semaphore, #tpu.memory_space<semaphore_mem>>
      tpu.enqueue_indirect_dma source(%dma_start3A_133 : memref<128x128xf32, #tpu.memory_space<vmem>>) target(%dma_start3A_139 : memref<10240x128xf32, #tpu.memory_space<vmem_shared>>) offsets(%dma_start3A_136 : memref<128xi32, #tpu.memory_space<vmem>>) semaphore(%dma_start3A_141 : memref<!tpu.dma_semaphore, #tpu.memory_space<semaphore_mem>>) {add = true}
      %dma_start3A_142 = arith.constant 0 : i32
      %dma_start3A_143 = tpu.memref_slice %arg11[%scan3A_107, %dma_start3A_142] : memref<40x128xi32, #tpu.memory_space<vmem>> -> memref<1x128xi32, #tpu.memory_space<vmem>>
      %dma_start3A_144 = tpu.memref_squeeze %dma_start3A_143 : memref<1x128xi32, #tpu.memory_space<vmem>> -> memref<128xi32, #tpu.memory_space<vmem>>
      %dma_start3A_145 = arith.constant 0 : i32
      %dma_start3A_146 = tpu.memref_slice %arg16[%dma_start3A_145] : memref<10240xf32, #tpu.memory_space<vmem_shared>> -> memref<10240xf32, #tpu.memory_space<vmem_shared>>
      %dma_start3A_147 = tpu.memref_slice %arg19[%rem3A_108] : memref<2x!tpu.dma_semaphore, #tpu.memory_space<semaphore_mem>> -> memref<1x!tpu.dma_semaphore, #tpu.memory_space<semaphore_mem>>
      %dma_start3A_148 = tpu.memref_squeeze %dma_start3A_147 : memref<1x!tpu.dma_semaphore, #tpu.memory_space<semaphore_mem>> -> memref<!tpu.dma_semaphore, #tpu.memory_space<semaphore_mem>>
      tpu.enqueue_indirect_dma source(%arg13 : memref<128xf32, #tpu.memory_space<vmem>>) target(%dma_start3A_146 : memref<10240xf32, #tpu.memory_space<vmem_shared>>) offsets(%dma_start3A_144 : memref<128xi32, #tpu.memory_space<vmem>>) semaphore(%dma_start3A_148 : memref<!tpu.dma_semaphore, #tpu.memory_space<semaphore_mem>>) {add = true}
    }
    %scan3A_67 = arith.constant 40 : i32
    %dma_wait3A_68 = arith.constant 1 : i32
    %dma_wait3A_69 = arith.constant 0 : i32
    %dma_wait3A_70 = arith.constant 1 : i32
    %dma_wait3A_71 = arith.constant 0 : i32
    %dma_wait3A_72 = arith.constant 0 : i32
    %dma_wait3A_73 = tpu.memref_slice %arg12[%dma_wait3A_68, %dma_wait3A_71, %dma_wait3A_72] : memref<2x128x128xf32, #tpu.memory_space<vmem>> -> memref<1x128x128xf32, #tpu.memory_space<vmem>>
    %dma_wait3A_74 = tpu.memref_squeeze %dma_wait3A_73 : memref<1x128x128xf32, #tpu.memory_space<vmem>> -> memref<128x128xf32, #tpu.memory_space<vmem>>
    %dma_wait3A_75 = arith.constant 0 : i32
    %dma_wait3A_76 = tpu.memref_slice %arg11[%dma_wait3A_69, %dma_wait3A_75] : memref<40x128xi32, #tpu.memory_space<vmem>> -> memref<1x128xi32, #tpu.memory_space<vmem>>
    %dma_wait3A_77 = tpu.memref_squeeze %dma_wait3A_76 : memref<1x128xi32, #tpu.memory_space<vmem>> -> memref<128xi32, #tpu.memory_space<vmem>>
    %dma_wait3A_78 = arith.constant 0 : i32
    %dma_wait3A_79 = arith.constant 0 : i32
    %dma_wait3A_80 = tpu.memref_slice %arg15[%dma_wait3A_78, %dma_wait3A_79] : memref<10240x128xf32, #tpu.memory_space<vmem_shared>> -> memref<10240x128xf32, #tpu.memory_space<vmem_shared>>
    %dma_wait3A_81 = tpu.memref_slice %arg18[%dma_wait3A_70] : memref<2x!tpu.dma_semaphore, #tpu.memory_space<semaphore_mem>> -> memref<1x!tpu.dma_semaphore, #tpu.memory_space<semaphore_mem>>
    %dma_wait3A_82 = tpu.memref_squeeze %dma_wait3A_81 : memref<1x!tpu.dma_semaphore, #tpu.memory_space<semaphore_mem>> -> memref<!tpu.dma_semaphore, #tpu.memory_space<semaphore_mem>>
    tpu.wait_indirect_dma semaphore(%dma_wait3A_82 : memref<!tpu.dma_semaphore, #tpu.memory_space<semaphore_mem>>) src(%dma_wait3A_74 : memref<128x128xf32, #tpu.memory_space<vmem>>) dst(%dma_wait3A_80 : memref<10240x128xf32, #tpu.memory_space<vmem_shared>>)
    %dma_wait3A_83 = arith.constant 0 : i32
    %dma_wait3A_84 = arith.constant 1 : i32
    %dma_wait3A_85 = arith.constant 0 : i32
    %dma_wait3A_86 = tpu.memref_slice %arg11[%dma_wait3A_83, %dma_wait3A_85] : memref<40x128xi32, #tpu.memory_space<vmem>> -> memref<1x128xi32, #tpu.memory_space<vmem>>
    %dma_wait3A_87 = tpu.memref_squeeze %dma_wait3A_86 : memref<1x128xi32, #tpu.memory_space<vmem>> -> memref<128xi32, #tpu.memory_space<vmem>>
    %dma_wait3A_88 = arith.constant 0 : i32
    %dma_wait3A_89 = tpu.memref_slice %arg16[%dma_wait3A_88] : memref<10240xf32, #tpu.memory_space<vmem_shared>> -> memref<10240xf32, #tpu.memory_space<vmem_shared>>
    %dma_wait3A_90 = tpu.memref_slice %arg19[%dma_wait3A_84] : memref<2x!tpu.dma_semaphore, #tpu.memory_space<semaphore_mem>> -> memref<1x!tpu.dma_semaphore, #tpu.memory_space<semaphore_mem>>
    %dma_wait3A_91 = tpu.memref_squeeze %dma_wait3A_90 : memref<1x!tpu.dma_semaphore, #tpu.memory_space<semaphore_mem>> -> memref<!tpu.dma_semaphore, #tpu.memory_space<semaphore_mem>>
    tpu.wait_indirect_dma semaphore(%dma_wait3A_91 : memref<!tpu.dma_semaphore, #tpu.memory_space<semaphore_mem>>) src(%arg13 : memref<128xf32, #tpu.memory_space<vmem>>) dst(%dma_wait3A_89 : memref<10240xf32, #tpu.memory_space<vmem_shared>>)
    %barrier3A_92 = arith.constant 0 : index
    tpu.barrier barrier_id(%barrier3A_92)
    %mul3A_93 = arith.constant 640 : i32
    %mul3A_94 = arith.muli %arg1, %mul3A_93 : i32
    %mul3A_95 = arith.constant 10240 : i32
    %mul3A_96 = arith.muli %arg0, %mul3A_95 : i32
    %mul3A_97 = arith.constant 640 : i32
    %mul3A_98 = arith.muli %arg1, %mul3A_97 : i32
    %add3A_99 = arith.addi %mul3A_96, %mul3A_98 : i32
    "tpu.region"() ({
      %run_scoped3A = tpu.sem_alloc : memref<!tpu.dma_semaphore, #tpu.memory_space<semaphore_mem>>
      %dma_start3A_107 = arith.constant 0 : i32
      %dma_start3A_108 = tpu.memref_slice %arg8[%add3A_99, %dma_start3A_107] : memref<20480x128xf32, #tpu.memory_space<hbm>> -> memref<640x128xf32, #tpu.memory_space<hbm>>
      %dma_start3A_109 = arith.constant 0 : i32
      %dma_start3A_110 = tpu.memref_slice %arg15[%mul3A_94, %dma_start3A_109] : memref<10240x128xf32, #tpu.memory_space<vmem_shared>> -> memref<640x128xf32, #tpu.memory_space<vmem_shared>>
      tpu.enqueue_dma source(%dma_start3A_110 : memref<640x128xf32, #tpu.memory_space<vmem_shared>>) target(%dma_start3A_108 : memref<640x128xf32, #tpu.memory_space<hbm>>) target_semaphore(%run_scoped3A : memref<!tpu.dma_semaphore, #tpu.memory_space<semaphore_mem>>)
      %dma_wait3A_111 = arith.constant 0 : i32
      %dma_wait3A_112 = tpu.memref_slice %arg8[%add3A_99, %dma_wait3A_111] : memref<20480x128xf32, #tpu.memory_space<hbm>> -> memref<640x128xf32, #tpu.memory_space<hbm>>
      %dma_wait3A_113 = arith.constant 0 : i32
      %dma_wait3A_114 = tpu.memref_slice %arg15[%mul3A_94, %dma_wait3A_113] : memref<10240x128xf32, #tpu.memory_space<vmem_shared>> -> memref<640x128xf32, #tpu.memory_space<vmem_shared>>
      tpu.wait_dma2 semaphore(%run_scoped3A : memref<!tpu.dma_semaphore, #tpu.memory_space<semaphore_mem>>) src(%dma_wait3A_114 : memref<640x128xf32, #tpu.memory_space<vmem_shared>>) dst(%dma_wait3A_112 : memref<640x128xf32, #tpu.memory_space<hbm>>)
      tpu.yield
    }) : () -> ()
    %mul3A_100 = arith.constant 640 : i32
    %mul3A_101 = arith.muli %arg1, %mul3A_100 : i32
    "tpu.region"() ({
      %run_scoped3A = tpu.sem_alloc : memref<!tpu.dma_semaphore, #tpu.memory_space<semaphore_mem>>
      %dma_start3A_107 = tpu.memref_slice %arg16[%mul3A_101] : memref<10240xf32, #tpu.memory_space<vmem_shared>> -> memref<640xf32, #tpu.memory_space<vmem_shared>>
      %dma_start3A_108 = tpu.memref_slice %arg16[%mul3A_101] : memref<10240xf32, #tpu.memory_space<vmem_shared>> -> memref<640xf32, #tpu.memory_space<vmem_shared>>
      tpu.enqueue_dma source(%dma_start3A_108 : memref<640xf32, #tpu.memory_space<vmem_shared>>) target(%arg14 : memref<640xf32, #tpu.memory_space<vmem>>) target_semaphore(%run_scoped3A : memref<!tpu.dma_semaphore, #tpu.memory_space<semaphore_mem>>)
      %dma_wait3A_109 = tpu.memref_slice %arg16[%mul3A_101] : memref<10240xf32, #tpu.memory_space<vmem_shared>> -> memref<640xf32, #tpu.memory_space<vmem_shared>>
      %dma_wait3A_110 = tpu.memref_slice %arg16[%mul3A_101] : memref<10240xf32, #tpu.memory_space<vmem_shared>> -> memref<640xf32, #tpu.memory_space<vmem_shared>>
      tpu.wait_dma2 semaphore(%run_scoped3A : memref<!tpu.dma_semaphore, #tpu.memory_space<semaphore_mem>>) src(%dma_wait3A_110 : memref<640xf32, #tpu.memory_space<vmem_shared>>) dst(%arg14 : memref<640xf32, #tpu.memory_space<vmem>>)
      tpu.yield
    }) : () -> ()
    %mul3A_102 = arith.constant 10240 : i32
    %mul3A_103 = arith.muli %arg0, %mul3A_102 : i32
    %mul3A_104 = arith.constant 640 : i32
    %mul3A_105 = arith.muli %arg1, %mul3A_104 : i32
    %add3A_106 = arith.addi %mul3A_103, %mul3A_105 : i32
    "tpu.region"() ({
      %run_scoped3A = tpu.sem_alloc : memref<!tpu.dma_semaphore, #tpu.memory_space<semaphore_mem>>
      %dma_start3A_107 = tpu.memref_slice %arg9[%add3A_106] : memref<20480xf32, #tpu.memory_space<hbm>> -> memref<640xf32, #tpu.memory_space<hbm>>
      %dma_start3A_108 = tpu.memref_slice %arg9[%add3A_106] : memref<20480xf32, #tpu.memory_space<hbm>> -> memref<640xf32, #tpu.memory_space<hbm>>
      tpu.enqueue_dma source(%arg14 : memref<640xf32, #tpu.memory_space<vmem>>) target(%dma_start3A_108 : memref<640xf32, #tpu.memory_space<hbm>>) target_semaphore(%run_scoped3A : memref<!tpu.dma_semaphore, #tpu.memory_space<semaphore_mem>>)
      %dma_wait3A_109 = tpu.memref_slice %arg9[%add3A_106] : memref<20480xf32, #tpu.memory_space<hbm>> -> memref<640xf32, #tpu.memory_space<hbm>>
      %dma_wait3A_110 = tpu.memref_slice %arg9[%add3A_106] : memref<20480xf32, #tpu.memory_space<hbm>> -> memref<640xf32, #tpu.memory_space<hbm>>
      tpu.wait_dma2 semaphore(%run_scoped3A : memref<!tpu.dma_semaphore, #tpu.memory_space<semaphore_mem>>) src(%arg14 : memref<640xf32, #tpu.memory_space<vmem>>) dst(%dma_wait3A_110 : memref<640xf32, #tpu.memory_space<hbm>>)
      tpu.yield
    }) : () -> ()
    return
  }
}

#map = affine_map<(d0, d1) -> (0, 0)>
#map1 = affine_map<(d0, d1) -> (0, 0, 0)>
#map2 = affine_map<(d0, d1) -> (0)>
module attributes {stable_mosaic.version = 14 : i64} {
  func.func @sc_agg(%arg0: i32, %arg1: i32, %arg2: memref<1000x128xf32, #tpu.memory_space<hbm>>, %arg3: memref<32x4x128xi32, #tpu.memory_space<hbm>>, %arg4: memref<32x4x128xi32, #tpu.memory_space<hbm>>, %arg5: memref<64x128xf32, #tpu.memory_space<hbm>>, %arg6: memref<64xf32, #tpu.memory_space<hbm>>, %arg7: memref<128xf32, #tpu.memory_space<hbm>>, %arg8: memref<2048x128xf32, #tpu.memory_space<hbm>>, %arg9: memref<2048xf32, #tpu.memory_space<hbm>>, %arg10: memref<4x128xi32, #tpu.memory_space<vmem>>, %arg11: memref<4x128xi32, #tpu.memory_space<vmem>>, %arg12: memref<2x128x128xf32, #tpu.memory_space<vmem>>, %arg13: memref<128xf32, #tpu.memory_space<vmem>>, %arg14: memref<64xf32, #tpu.memory_space<vmem>>, %arg15: memref<1024x128xf32, #tpu.memory_space<vmem_shared>>, %arg16: memref<1024xf32, #tpu.memory_space<vmem_shared>>, %arg17: memref<2x!tpu.dma_semaphore, #tpu.memory_space<semaphore_mem>>, %arg18: memref<2x!tpu.dma_semaphore, #tpu.memory_space<semaphore_mem>>, %arg19: memref<2x!tpu.dma_semaphore, #tpu.memory_space<semaphore_mem>>) attributes {dimension_semantics = [#tpu.dimension_semantics<core_parallel>, #tpu.dimension_semantics<subcore_parallel>], iteration_bounds = array<i64: 2, 16>, scalar_prefetch = 0 : i64, scratch_operands = 10 : i64, tpu.core_type = #tpu.core_type<sc_vector_subcore>, window_params = [{transform_indices = #map}, {transform_indices = #map1}, {transform_indices = #map1}, {transform_indices = #map}, {transform_indices = #map2}, {transform_indices = #map2}, {transform_indices = #map}, {transform_indices = #map2}]} {
    %mul3A = arith.constant 16 : i32
    %mul3A_0 = arith.muli %arg0, %mul3A : i32
    %add3A = arith.addi %mul3A_0, %arg1 : i32
    %mul3A_1 = arith.constant 64 : i32
    %mul3A_2 = arith.muli %arg1, %mul3A_1 : i32
    "tpu.region"() ({
      %run_scoped3A = tpu.sem_alloc : memref<!tpu.dma_semaphore, #tpu.memory_space<semaphore_mem>>
      %dma_start3A_62 = arith.constant 0 : i32
      %dma_start3A_63 = tpu.memref_slice %arg15[%mul3A_2, %dma_start3A_62] : memref<1024x128xf32, #tpu.memory_space<vmem_shared>> -> memref<64x128xf32, #tpu.memory_space<vmem_shared>>
      tpu.enqueue_dma source(%arg5 : memref<64x128xf32, #tpu.memory_space<hbm>>) target(%dma_start3A_63 : memref<64x128xf32, #tpu.memory_space<vmem_shared>>) target_semaphore(%run_scoped3A : memref<!tpu.dma_semaphore, #tpu.memory_space<semaphore_mem>>)
      %dma_wait3A_64 = arith.constant 0 : i32
      %dma_wait3A_65 = tpu.memref_slice %arg15[%mul3A_2, %dma_wait3A_64] : memref<1024x128xf32, #tpu.memory_space<vmem_shared>> -> memref<64x128xf32, #tpu.memory_space<vmem_shared>>
      tpu.wait_dma2 semaphore(%run_scoped3A : memref<!tpu.dma_semaphore, #tpu.memory_space<semaphore_mem>>) src(%arg5 : memref<64x128xf32, #tpu.memory_space<hbm>>) dst(%dma_wait3A_65 : memref<64x128xf32, #tpu.memory_space<vmem_shared>>)
      tpu.yield
    }) : () -> ()
    "tpu.region"() ({
      %run_scoped3A = tpu.sem_alloc : memref<!tpu.dma_semaphore, #tpu.memory_space<semaphore_mem>>
      tpu.enqueue_dma source(%arg6 : memref<64xf32, #tpu.memory_space<hbm>>) target(%arg14 : memref<64xf32, #tpu.memory_space<vmem>>) target_semaphore(%run_scoped3A : memref<!tpu.dma_semaphore, #tpu.memory_space<semaphore_mem>>)
      tpu.wait_dma2 semaphore(%run_scoped3A : memref<!tpu.dma_semaphore, #tpu.memory_space<semaphore_mem>>) src(%arg6 : memref<64xf32, #tpu.memory_space<hbm>>) dst(%arg14 : memref<64xf32, #tpu.memory_space<vmem>>)
      tpu.yield
    }) : () -> ()
    %mul3A_3 = arith.constant 64 : i32
    %mul3A_4 = arith.muli %arg1, %mul3A_3 : i32
    "tpu.region"() ({
      %run_scoped3A = tpu.sem_alloc : memref<!tpu.dma_semaphore, #tpu.memory_space<semaphore_mem>>
      %dma_start3A_62 = tpu.memref_slice %arg16[%mul3A_4] : memref<1024xf32, #tpu.memory_space<vmem_shared>> -> memref<64xf32, #tpu.memory_space<vmem_shared>>
      %dma_start3A_63 = tpu.memref_slice %arg16[%mul3A_4] : memref<1024xf32, #tpu.memory_space<vmem_shared>> -> memref<64xf32, #tpu.memory_space<vmem_shared>>
      tpu.enqueue_dma source(%arg14 : memref<64xf32, #tpu.memory_space<vmem>>) target(%dma_start3A_63 : memref<64xf32, #tpu.memory_space<vmem_shared>>) target_semaphore(%run_scoped3A : memref<!tpu.dma_semaphore, #tpu.memory_space<semaphore_mem>>)
      %dma_wait3A_64 = tpu.memref_slice %arg16[%mul3A_4] : memref<1024xf32, #tpu.memory_space<vmem_shared>> -> memref<64xf32, #tpu.memory_space<vmem_shared>>
      %dma_wait3A_65 = tpu.memref_slice %arg16[%mul3A_4] : memref<1024xf32, #tpu.memory_space<vmem_shared>> -> memref<64xf32, #tpu.memory_space<vmem_shared>>
      tpu.wait_dma2 semaphore(%run_scoped3A : memref<!tpu.dma_semaphore, #tpu.memory_space<semaphore_mem>>) src(%arg14 : memref<64xf32, #tpu.memory_space<vmem>>) dst(%dma_wait3A_65 : memref<64xf32, #tpu.memory_space<vmem_shared>>)
      tpu.yield
    }) : () -> ()
    "tpu.region"() ({
      %run_scoped3A = tpu.sem_alloc : memref<!tpu.dma_semaphore, #tpu.memory_space<semaphore_mem>>
      tpu.enqueue_dma source(%arg7 : memref<128xf32, #tpu.memory_space<hbm>>) target(%arg13 : memref<128xf32, #tpu.memory_space<vmem>>) target_semaphore(%run_scoped3A : memref<!tpu.dma_semaphore, #tpu.memory_space<semaphore_mem>>)
      tpu.wait_dma2 semaphore(%run_scoped3A : memref<!tpu.dma_semaphore, #tpu.memory_space<semaphore_mem>>) src(%arg7 : memref<128xf32, #tpu.memory_space<hbm>>) dst(%arg13 : memref<128xf32, #tpu.memory_space<vmem>>)
      tpu.yield
    }) : () -> ()
    %barrier3A = arith.constant 0 : index
    tpu.barrier barrier_id(%barrier3A)
    "tpu.region"() ({
      %run_scoped3A = tpu.sem_alloc : memref<!tpu.dma_semaphore, #tpu.memory_space<semaphore_mem>>
      %dma_start3A_62 = arith.constant 0 : i32
      %dma_start3A_63 = arith.constant 0 : i32
      %dma_start3A_64 = tpu.memref_slice %arg3[%add3A, %dma_start3A_62, %dma_start3A_63] : memref<32x4x128xi32, #tpu.memory_space<hbm>> -> memref<1x4x128xi32, #tpu.memory_space<hbm>>
      %dma_start3A_65 = tpu.memref_squeeze %dma_start3A_64 : memref<1x4x128xi32, #tpu.memory_space<hbm>> -> memref<4x128xi32, #tpu.memory_space<hbm>>
      %dma_start3A_66 = arith.constant 0 : i32
      %dma_start3A_67 = arith.constant 0 : i32
      %dma_start3A_68 = tpu.memref_slice %arg3[%add3A, %dma_start3A_66, %dma_start3A_67] : memref<32x4x128xi32, #tpu.memory_space<hbm>> -> memref<1x4x128xi32, #tpu.memory_space<hbm>>
      %dma_start3A_69 = tpu.memref_squeeze %dma_start3A_68 : memref<1x4x128xi32, #tpu.memory_space<hbm>> -> memref<4x128xi32, #tpu.memory_space<hbm>>
      tpu.enqueue_dma source(%dma_start3A_69 : memref<4x128xi32, #tpu.memory_space<hbm>>) target(%arg10 : memref<4x128xi32, #tpu.memory_space<vmem>>) target_semaphore(%run_scoped3A : memref<!tpu.dma_semaphore, #tpu.memory_space<semaphore_mem>>)
      %dma_wait3A_70 = arith.constant 0 : i32
      %dma_wait3A_71 = arith.constant 0 : i32
      %dma_wait3A_72 = tpu.memref_slice %arg3[%add3A, %dma_wait3A_70, %dma_wait3A_71] : memref<32x4x128xi32, #tpu.memory_space<hbm>> -> memref<1x4x128xi32, #tpu.memory_space<hbm>>
      %dma_wait3A_73 = tpu.memref_squeeze %dma_wait3A_72 : memref<1x4x128xi32, #tpu.memory_space<hbm>> -> memref<4x128xi32, #tpu.memory_space<hbm>>
      %dma_wait3A_74 = arith.constant 0 : i32
      %dma_wait3A_75 = arith.constant 0 : i32
      %dma_wait3A_76 = tpu.memref_slice %arg3[%add3A, %dma_wait3A_74, %dma_wait3A_75] : memref<32x4x128xi32, #tpu.memory_space<hbm>> -> memref<1x4x128xi32, #tpu.memory_space<hbm>>
      %dma_wait3A_77 = tpu.memref_squeeze %dma_wait3A_76 : memref<1x4x128xi32, #tpu.memory_space<hbm>> -> memref<4x128xi32, #tpu.memory_space<hbm>>
      tpu.wait_dma2 semaphore(%run_scoped3A : memref<!tpu.dma_semaphore, #tpu.memory_space<semaphore_mem>>) src(%dma_wait3A_77 : memref<4x128xi32, #tpu.memory_space<hbm>>) dst(%arg10 : memref<4x128xi32, #tpu.memory_space<vmem>>)
      tpu.yield
    }) : () -> ()
    "tpu.region"() ({
      %run_scoped3A = tpu.sem_alloc : memref<!tpu.dma_semaphore, #tpu.memory_space<semaphore_mem>>
      %dma_start3A_62 = arith.constant 0 : i32
      %dma_start3A_63 = arith.constant 0 : i32
      %dma_start3A_64 = tpu.memref_slice %arg4[%add3A, %dma_start3A_62, %dma_start3A_63] : memref<32x4x128xi32, #tpu.memory_space<hbm>> -> memref<1x4x128xi32, #tpu.memory_space<hbm>>
      %dma_start3A_65 = tpu.memref_squeeze %dma_start3A_64 : memref<1x4x128xi32, #tpu.memory_space<hbm>> -> memref<4x128xi32, #tpu.memory_space<hbm>>
      %dma_start3A_66 = arith.constant 0 : i32
      %dma_start3A_67 = arith.constant 0 : i32
      %dma_start3A_68 = tpu.memref_slice %arg4[%add3A, %dma_start3A_66, %dma_start3A_67] : memref<32x4x128xi32, #tpu.memory_space<hbm>> -> memref<1x4x128xi32, #tpu.memory_space<hbm>>
      %dma_start3A_69 = tpu.memref_squeeze %dma_start3A_68 : memref<1x4x128xi32, #tpu.memory_space<hbm>> -> memref<4x128xi32, #tpu.memory_space<hbm>>
      tpu.enqueue_dma source(%dma_start3A_69 : memref<4x128xi32, #tpu.memory_space<hbm>>) target(%arg11 : memref<4x128xi32, #tpu.memory_space<vmem>>) target_semaphore(%run_scoped3A : memref<!tpu.dma_semaphore, #tpu.memory_space<semaphore_mem>>)
      %dma_wait3A_70 = arith.constant 0 : i32
      %dma_wait3A_71 = arith.constant 0 : i32
      %dma_wait3A_72 = tpu.memref_slice %arg4[%add3A, %dma_wait3A_70, %dma_wait3A_71] : memref<32x4x128xi32, #tpu.memory_space<hbm>> -> memref<1x4x128xi32, #tpu.memory_space<hbm>>
      %dma_wait3A_73 = tpu.memref_squeeze %dma_wait3A_72 : memref<1x4x128xi32, #tpu.memory_space<hbm>> -> memref<4x128xi32, #tpu.memory_space<hbm>>
      %dma_wait3A_74 = arith.constant 0 : i32
      %dma_wait3A_75 = arith.constant 0 : i32
      %dma_wait3A_76 = tpu.memref_slice %arg4[%add3A, %dma_wait3A_74, %dma_wait3A_75] : memref<32x4x128xi32, #tpu.memory_space<hbm>> -> memref<1x4x128xi32, #tpu.memory_space<hbm>>
      %dma_wait3A_77 = tpu.memref_squeeze %dma_wait3A_76 : memref<1x4x128xi32, #tpu.memory_space<hbm>> -> memref<4x128xi32, #tpu.memory_space<hbm>>
      tpu.wait_dma2 semaphore(%run_scoped3A : memref<!tpu.dma_semaphore, #tpu.memory_space<semaphore_mem>>) src(%dma_wait3A_77 : memref<4x128xi32, #tpu.memory_space<hbm>>) dst(%arg11 : memref<4x128xi32, #tpu.memory_space<vmem>>)
      tpu.yield
    }) : () -> ()
    %dma_start3A = arith.constant 0 : i32
    %dma_start3A_5 = arith.constant 0 : i32
    %dma_start3A_6 = arith.constant 0 : i32
    %dma_start3A_7 = arith.constant 0 : i32
    %dma_start3A_8 = arith.constant 0 : i32
    %dma_start3A_9 = tpu.memref_slice %arg12[%dma_start3A_5, %dma_start3A_7, %dma_start3A_8] : memref<2x128x128xf32, #tpu.memory_space<vmem>> -> memref<1x128x128xf32, #tpu.memory_space<vmem>>
    %dma_start3A_10 = tpu.memref_squeeze %dma_start3A_9 : memref<1x128x128xf32, #tpu.memory_space<vmem>> -> memref<128x128xf32, #tpu.memory_space<vmem>>
    %dma_start3A_11 = arith.constant 0 : i32
    %dma_start3A_12 = tpu.memref_slice %arg10[%dma_start3A, %dma_start3A_11] : memref<4x128xi32, #tpu.memory_space<vmem>> -> memref<1x128xi32, #tpu.memory_space<vmem>>
    %dma_start3A_13 = tpu.memref_squeeze %dma_start3A_12 : memref<1x128xi32, #tpu.memory_space<vmem>> -> memref<128xi32, #tpu.memory_space<vmem>>
    %dma_start3A_14 = arith.constant 0 : i32
    %dma_start3A_15 = arith.constant 0 : i32
    %dma_start3A_16 = tpu.memref_slice %arg2[%dma_start3A_14, %dma_start3A_15] : memref<1000x128xf32, #tpu.memory_space<hbm>> -> memref<1000x128xf32, #tpu.memory_space<hbm>>
    %dma_start3A_17 = tpu.memref_slice %arg17[%dma_start3A_6] : memref<2x!tpu.dma_semaphore, #tpu.memory_space<semaphore_mem>> -> memref<1x!tpu.dma_semaphore, #tpu.memory_space<semaphore_mem>>
    %dma_start3A_18 = tpu.memref_squeeze %dma_start3A_17 : memref<1x!tpu.dma_semaphore, #tpu.memory_space<semaphore_mem>> -> memref<!tpu.dma_semaphore, #tpu.memory_space<semaphore_mem>>
    tpu.enqueue_indirect_dma source(%dma_start3A_16 : memref<1000x128xf32, #tpu.memory_space<hbm>>) target(%dma_start3A_10 : memref<128x128xf32, #tpu.memory_space<vmem>>) offsets(%dma_start3A_13 : memref<128xi32, #tpu.memory_space<vmem>>) semaphore(%dma_start3A_18 : memref<!tpu.dma_semaphore, #tpu.memory_space<semaphore_mem>>)
    %scan3A = arith.constant 0 : i32
    %scan3A_19 = arith.constant 0 : i32
    %scan3A_20 = arith.constant 4 : i32
    %scan3A_21 = arith.addi %scan3A_19, %scan3A_20 : i32
    %scan3A_22 = arith.constant 1 : i32
    scf.for %scan3A_62 = %scan3A_19 to %scan3A_21 step %scan3A_22  : i32 {
      %rem3A = arith.constant 2 : i32
      %rem3A_63 = arith.remsi %scan3A_62, %rem3A : i32
      %sub3A = arith.constant 1 : i32
      %sub3A_64 = arith.subi %sub3A, %rem3A_63 : i32
      %ge3A = arith.constant 1 : i32
      %ge3A_65 = arith.cmpi sge, %scan3A_62, %ge3A : i32
      %convert_element_type3A = arith.extui %ge3A_65 : i1 to i32
      %cond3A = arith.constant 0 : i32
      %cond3A_66 = arith.cmpi ne, %convert_element_type3A, %cond3A : i32
      scf.if %cond3A_66 {
        %dma_wait3A_104 = arith.constant 0 : i32
        %dma_wait3A_105 = arith.constant 0 : i32
        %dma_wait3A_106 = tpu.memref_slice %arg12[%sub3A_64, %dma_wait3A_104, %dma_wait3A_105] : memref<2x128x128xf32, #tpu.memory_space<vmem>> -> memref<1x128x128xf32, #tpu.memory_space<vmem>>
        %dma_wait3A_107 = tpu.memref_squeeze %dma_wait3A_106 : memref<1x128x128xf32, #tpu.memory_space<vmem>> -> memref<128x128xf32, #tpu.memory_space<vmem>>
        %dma_wait3A_108 = arith.constant 0 : i32
        %dma_wait3A_109 = tpu.memref_slice %arg11[%scan3A_62, %dma_wait3A_108] : memref<4x128xi32, #tpu.memory_space<vmem>> -> memref<1x128xi32, #tpu.memory_space<vmem>>
        %dma_wait3A_110 = tpu.memref_squeeze %dma_wait3A_109 : memref<1x128xi32, #tpu.memory_space<vmem>> -> memref<128xi32, #tpu.memory_space<vmem>>
        %dma_wait3A_111 = arith.constant 0 : i32
        %dma_wait3A_112 = arith.constant 0 : i32
        %dma_wait3A_113 = tpu.memref_slice %arg15[%dma_wait3A_111, %dma_wait3A_112] : memref<1024x128xf32, #tpu.memory_space<vmem_shared>> -> memref<1024x128xf32, #tpu.memory_space<vmem_shared>>
        %dma_wait3A_114 = tpu.memref_slice %arg18[%sub3A_64] : memref<2x!tpu.dma_semaphore, #tpu.memory_space<semaphore_mem>> -> memref<1x!tpu.dma_semaphore, #tpu.memory_space<semaphore_mem>>
        %dma_wait3A_115 = tpu.memref_squeeze %dma_wait3A_114 : memref<1x!tpu.dma_semaphore, #tpu.memory_space<semaphore_mem>> -> memref<!tpu.dma_semaphore, #tpu.memory_space<semaphore_mem>>
        tpu.wait_indirect_dma semaphore(%dma_wait3A_115 : memref<!tpu.dma_semaphore, #tpu.memory_space<semaphore_mem>>) src(%dma_wait3A_107 : memref<128x128xf32, #tpu.memory_space<vmem>>) dst(%dma_wait3A_113 : memref<1024x128xf32, #tpu.memory_space<vmem_shared>>)
        %dma_wait3A_116 = arith.constant 0 : i32
        %dma_wait3A_117 = tpu.memref_slice %arg11[%scan3A_62, %dma_wait3A_116] : memref<4x128xi32, #tpu.memory_space<vmem>> -> memref<1x128xi32, #tpu.memory_space<vmem>>
        %dma_wait3A_118 = tpu.memref_squeeze %dma_wait3A_117 : memref<1x128xi32, #tpu.memory_space<vmem>> -> memref<128xi32, #tpu.memory_space<vmem>>
        %dma_wait3A_119 = arith.constant 0 : i32
        %dma_wait3A_120 = tpu.memref_slice %arg16[%dma_wait3A_119] : memref<1024xf32, #tpu.memory_space<vmem_shared>> -> memref<1024xf32, #tpu.memory_space<vmem_shared>>
        %dma_wait3A_121 = tpu.memref_slice %arg19[%sub3A_64] : memref<2x!tpu.dma_semaphore, #tpu.memory_space<semaphore_mem>> -> memref<1x!tpu.dma_semaphore, #tpu.memory_space<semaphore_mem>>
        %dma_wait3A_122 = tpu.memref_squeeze %dma_wait3A_121 : memref<1x!tpu.dma_semaphore, #tpu.memory_space<semaphore_mem>> -> memref<!tpu.dma_semaphore, #tpu.memory_space<semaphore_mem>>
        tpu.wait_indirect_dma semaphore(%dma_wait3A_122 : memref<!tpu.dma_semaphore, #tpu.memory_space<semaphore_mem>>) src(%arg13 : memref<128xf32, #tpu.memory_space<vmem>>) dst(%dma_wait3A_120 : memref<1024xf32, #tpu.memory_space<vmem_shared>>)
      } else {
      }
      %add3A_67 = arith.constant 1 : i32
      %add3A_68 = arith.addi %scan3A_62, %add3A_67 : i32
      %lt3A = arith.constant 4 : i32
      %lt3A_69 = arith.cmpi slt, %add3A_68, %lt3A : i32
      %convert_element_type3A_70 = arith.extui %lt3A_69 : i1 to i32
      %cond3A_71 = arith.constant 0 : i32
      %cond3A_72 = arith.cmpi ne, %convert_element_type3A_70, %cond3A_71 : i32
      scf.if %cond3A_72 {
        %add3A_104 = arith.constant 1 : i32
        %add3A_105 = arith.addi %scan3A_62, %add3A_104 : i32
        %dma_start3A_106 = arith.constant 0 : i32
        %dma_start3A_107 = arith.constant 0 : i32
        %dma_start3A_108 = tpu.memref_slice %arg12[%sub3A_64, %dma_start3A_106, %dma_start3A_107] : memref<2x128x128xf32, #tpu.memory_space<vmem>> -> memref<1x128x128xf32, #tpu.memory_space<vmem>>
        %dma_start3A_109 = tpu.memref_squeeze %dma_start3A_108 : memref<1x128x128xf32, #tpu.memory_space<vmem>> -> memref<128x128xf32, #tpu.memory_space<vmem>>
        %dma_start3A_110 = arith.constant 0 : i32
        %dma_start3A_111 = tpu.memref_slice %arg10[%add3A_105, %dma_start3A_110] : memref<4x128xi32, #tpu.memory_space<vmem>> -> memref<1x128xi32, #tpu.memory_space<vmem>>
        %dma_start3A_112 = tpu.memref_squeeze %dma_start3A_111 : memref<1x128xi32, #tpu.memory_space<vmem>> -> memref<128xi32, #tpu.memory_space<vmem>>
        %dma_start3A_113 = arith.constant 0 : i32
        %dma_start3A_114 = arith.constant 0 : i32
        %dma_start3A_115 = tpu.memref_slice %arg2[%dma_start3A_113, %dma_start3A_114] : memref<1000x128xf32, #tpu.memory_space<hbm>> -> memref<1000x128xf32, #tpu.memory_space<hbm>>
        %dma_start3A_116 = tpu.memref_slice %arg17[%sub3A_64] : memref<2x!tpu.dma_semaphore, #tpu.memory_space<semaphore_mem>> -> memref<1x!tpu.dma_semaphore, #tpu.memory_space<semaphore_mem>>
        %dma_start3A_117 = tpu.memref_squeeze %dma_start3A_116 : memref<1x!tpu.dma_semaphore, #tpu.memory_space<semaphore_mem>> -> memref<!tpu.dma_semaphore, #tpu.memory_space<semaphore_mem>>
        tpu.enqueue_indirect_dma source(%dma_start3A_115 : memref<1000x128xf32, #tpu.memory_space<hbm>>) target(%dma_start3A_109 : memref<128x128xf32, #tpu.memory_space<vmem>>) offsets(%dma_start3A_112 : memref<128xi32, #tpu.memory_space<vmem>>) semaphore(%dma_start3A_117 : memref<!tpu.dma_semaphore, #tpu.memory_space<semaphore_mem>>)
      } else {
      }
      %dma_wait3A_73 = arith.constant 0 : i32
      %dma_wait3A_74 = arith.constant 0 : i32
      %dma_wait3A_75 = tpu.memref_slice %arg12[%rem3A_63, %dma_wait3A_73, %dma_wait3A_74] : memref<2x128x128xf32, #tpu.memory_space<vmem>> -> memref<1x128x128xf32, #tpu.memory_space<vmem>>
      %dma_wait3A_76 = tpu.memref_squeeze %dma_wait3A_75 : memref<1x128x128xf32, #tpu.memory_space<vmem>> -> memref<128x128xf32, #tpu.memory_space<vmem>>
      %dma_wait3A_77 = arith.constant 0 : i32
      %dma_wait3A_78 = tpu.memref_slice %arg10[%scan3A_62, %dma_wait3A_77] : memref<4x128xi32, #tpu.memory_space<vmem>> -> memref<1x128xi32, #tpu.memory_space<vmem>>
      %dma_wait3A_79 = tpu.memref_squeeze %dma_wait3A_78 : memref<1x128xi32, #tpu.memory_space<vmem>> -> memref<128xi32, #tpu.memory_space<vmem>>
      %dma_wait3A_80 = arith.constant 0 : i32
      %dma_wait3A_81 = arith.constant 0 : i32
      %dma_wait3A_82 = tpu.memref_slice %arg2[%dma_wait3A_80, %dma_wait3A_81] : memref<1000x128xf32, #tpu.memory_space<hbm>> -> memref<1000x128xf32, #tpu.memory_space<hbm>>
      %dma_wait3A_83 = tpu.memref_slice %arg17[%rem3A_63] : memref<2x!tpu.dma_semaphore, #tpu.memory_space<semaphore_mem>> -> memref<1x!tpu.dma_semaphore, #tpu.memory_space<semaphore_mem>>
      %dma_wait3A_84 = tpu.memref_squeeze %dma_wait3A_83 : memref<1x!tpu.dma_semaphore, #tpu.memory_space<semaphore_mem>> -> memref<!tpu.dma_semaphore, #tpu.memory_space<semaphore_mem>>
      tpu.wait_indirect_dma semaphore(%dma_wait3A_84 : memref<!tpu.dma_semaphore, #tpu.memory_space<semaphore_mem>>) src(%dma_wait3A_82 : memref<1000x128xf32, #tpu.memory_space<hbm>>) dst(%dma_wait3A_76 : memref<128x128xf32, #tpu.memory_space<vmem>>)
      %dma_start3A_85 = arith.constant 0 : i32
      %dma_start3A_86 = arith.constant 0 : i32
      %dma_start3A_87 = tpu.memref_slice %arg12[%rem3A_63, %dma_start3A_85, %dma_start3A_86] : memref<2x128x128xf32, #tpu.memory_space<vmem>> -> memref<1x128x128xf32, #tpu.memory_space<vmem>>
      %dma_start3A_88 = tpu.memref_squeeze %dma_start3A_87 : memref<1x128x128xf32, #tpu.memory_space<vmem>> -> memref<128x128xf32, #tpu.memory_space<vmem>>
      %dma_start3A_89 = arith.constant 0 : i32
      %dma_start3A_90 = tpu.memref_slice %arg11[%scan3A_62, %dma_start3A_89] : memref<4x128xi32, #tpu.memory_space<vmem>> -> memref<1x128xi32, #tpu.memory_space<vmem>>
      %dma_start3A_91 = tpu.memref_squeeze %dma_start3A_90 : memref<1x128xi32, #tpu.memory_space<vmem>> -> memref<128xi32, #tpu.memory_space<vmem>>
      %dma_start3A_92 = arith.constant 0 : i32
      %dma_start3A_93 = arith.constant 0 : i32
      %dma_start3A_94 = tpu.memref_slice %arg15[%dma_start3A_92, %dma_start3A_93] : memref<1024x128xf32, #tpu.memory_space<vmem_shared>> -> memref<1024x128xf32, #tpu.memory_space<vmem_shared>>
      %dma_start3A_95 = tpu.memref_slice %arg18[%rem3A_63] : memref<2x!tpu.dma_semaphore, #tpu.memory_space<semaphore_mem>> -> memref<1x!tpu.dma_semaphore, #tpu.memory_space<semaphore_mem>>
      %dma_start3A_96 = tpu.memref_squeeze %dma_start3A_95 : memref<1x!tpu.dma_semaphore, #tpu.memory_space<semaphore_mem>> -> memref<!tpu.dma_semaphore, #tpu.memory_space<semaphore_mem>>
      tpu.enqueue_indirect_dma source(%dma_start3A_88 : memref<128x128xf32, #tpu.memory_space<vmem>>) target(%dma_start3A_94 : memref<1024x128xf32, #tpu.memory_space<vmem_shared>>) offsets(%dma_start3A_91 : memref<128xi32, #tpu.memory_space<vmem>>) semaphore(%dma_start3A_96 : memref<!tpu.dma_semaphore, #tpu.memory_space<semaphore_mem>>) {add = true}
      %dma_start3A_97 = arith.constant 0 : i32
      %dma_start3A_98 = tpu.memref_slice %arg11[%scan3A_62, %dma_start3A_97] : memref<4x128xi32, #tpu.memory_space<vmem>> -> memref<1x128xi32, #tpu.memory_space<vmem>>
      %dma_start3A_99 = tpu.memref_squeeze %dma_start3A_98 : memref<1x128xi32, #tpu.memory_space<vmem>> -> memref<128xi32, #tpu.memory_space<vmem>>
      %dma_start3A_100 = arith.constant 0 : i32
      %dma_start3A_101 = tpu.memref_slice %arg16[%dma_start3A_100] : memref<1024xf32, #tpu.memory_space<vmem_shared>> -> memref<1024xf32, #tpu.memory_space<vmem_shared>>
      %dma_start3A_102 = tpu.memref_slice %arg19[%rem3A_63] : memref<2x!tpu.dma_semaphore, #tpu.memory_space<semaphore_mem>> -> memref<1x!tpu.dma_semaphore, #tpu.memory_space<semaphore_mem>>
      %dma_start3A_103 = tpu.memref_squeeze %dma_start3A_102 : memref<1x!tpu.dma_semaphore, #tpu.memory_space<semaphore_mem>> -> memref<!tpu.dma_semaphore, #tpu.memory_space<semaphore_mem>>
      tpu.enqueue_indirect_dma source(%arg13 : memref<128xf32, #tpu.memory_space<vmem>>) target(%dma_start3A_101 : memref<1024xf32, #tpu.memory_space<vmem_shared>>) offsets(%dma_start3A_99 : memref<128xi32, #tpu.memory_space<vmem>>) semaphore(%dma_start3A_103 : memref<!tpu.dma_semaphore, #tpu.memory_space<semaphore_mem>>) {add = true}
    }
    %scan3A_23 = arith.constant 4 : i32
    %dma_wait3A = arith.constant 1 : i32
    %dma_wait3A_24 = arith.constant 0 : i32
    %dma_wait3A_25 = arith.constant 1 : i32
    %dma_wait3A_26 = arith.constant 0 : i32
    %dma_wait3A_27 = arith.constant 0 : i32
    %dma_wait3A_28 = tpu.memref_slice %arg12[%dma_wait3A, %dma_wait3A_26, %dma_wait3A_27] : memref<2x128x128xf32, #tpu.memory_space<vmem>> -> memref<1x128x128xf32, #tpu.memory_space<vmem>>
    %dma_wait3A_29 = tpu.memref_squeeze %dma_wait3A_28 : memref<1x128x128xf32, #tpu.memory_space<vmem>> -> memref<128x128xf32, #tpu.memory_space<vmem>>
    %dma_wait3A_30 = arith.constant 0 : i32
    %dma_wait3A_31 = tpu.memref_slice %arg11[%dma_wait3A_24, %dma_wait3A_30] : memref<4x128xi32, #tpu.memory_space<vmem>> -> memref<1x128xi32, #tpu.memory_space<vmem>>
    %dma_wait3A_32 = tpu.memref_squeeze %dma_wait3A_31 : memref<1x128xi32, #tpu.memory_space<vmem>> -> memref<128xi32, #tpu.memory_space<vmem>>
    %dma_wait3A_33 = arith.constant 0 : i32
    %dma_wait3A_34 = arith.constant 0 : i32
    %dma_wait3A_35 = tpu.memref_slice %arg15[%dma_wait3A_33, %dma_wait3A_34] : memref<1024x128xf32, #tpu.memory_space<vmem_shared>> -> memref<1024x128xf32, #tpu.memory_space<vmem_shared>>
    %dma_wait3A_36 = tpu.memref_slice %arg18[%dma_wait3A_25] : memref<2x!tpu.dma_semaphore, #tpu.memory_space<semaphore_mem>> -> memref<1x!tpu.dma_semaphore, #tpu.memory_space<semaphore_mem>>
    %dma_wait3A_37 = tpu.memref_squeeze %dma_wait3A_36 : memref<1x!tpu.dma_semaphore, #tpu.memory_space<semaphore_mem>> -> memref<!tpu.dma_semaphore, #tpu.memory_space<semaphore_mem>>
    tpu.wait_indirect_dma semaphore(%dma_wait3A_37 : memref<!tpu.dma_semaphore, #tpu.memory_space<semaphore_mem>>) src(%dma_wait3A_29 : memref<128x128xf32, #tpu.memory_space<vmem>>) dst(%dma_wait3A_35 : memref<1024x128xf32, #tpu.memory_space<vmem_shared>>)
    %dma_wait3A_38 = arith.constant 0 : i32
    %dma_wait3A_39 = arith.constant 1 : i32
    %dma_wait3A_40 = arith.constant 0 : i32
    %dma_wait3A_41 = tpu.memref_slice %arg11[%dma_wait3A_38, %dma_wait3A_40] : memref<4x128xi32, #tpu.memory_space<vmem>> -> memref<1x128xi32, #tpu.memory_space<vmem>>
    %dma_wait3A_42 = tpu.memref_squeeze %dma_wait3A_41 : memref<1x128xi32, #tpu.memory_space<vmem>> -> memref<128xi32, #tpu.memory_space<vmem>>
    %dma_wait3A_43 = arith.constant 0 : i32
    %dma_wait3A_44 = tpu.memref_slice %arg16[%dma_wait3A_43] : memref<1024xf32, #tpu.memory_space<vmem_shared>> -> memref<1024xf32, #tpu.memory_space<vmem_shared>>
    %dma_wait3A_45 = tpu.memref_slice %arg19[%dma_wait3A_39] : memref<2x!tpu.dma_semaphore, #tpu.memory_space<semaphore_mem>> -> memref<1x!tpu.dma_semaphore, #tpu.memory_space<semaphore_mem>>
    %dma_wait3A_46 = tpu.memref_squeeze %dma_wait3A_45 : memref<1x!tpu.dma_semaphore, #tpu.memory_space<semaphore_mem>> -> memref<!tpu.dma_semaphore, #tpu.memory_space<semaphore_mem>>
    tpu.wait_indirect_dma semaphore(%dma_wait3A_46 : memref<!tpu.dma_semaphore, #tpu.memory_space<semaphore_mem>>) src(%arg13 : memref<128xf32, #tpu.memory_space<vmem>>) dst(%dma_wait3A_44 : memref<1024xf32, #tpu.memory_space<vmem_shared>>)
    %barrier3A_47 = arith.constant 0 : index
    tpu.barrier barrier_id(%barrier3A_47)
    %mul3A_48 = arith.constant 64 : i32
    %mul3A_49 = arith.muli %arg1, %mul3A_48 : i32
    %mul3A_50 = arith.constant 1024 : i32
    %mul3A_51 = arith.muli %arg0, %mul3A_50 : i32
    %mul3A_52 = arith.constant 64 : i32
    %mul3A_53 = arith.muli %arg1, %mul3A_52 : i32
    %add3A_54 = arith.addi %mul3A_51, %mul3A_53 : i32
    "tpu.region"() ({
      %run_scoped3A = tpu.sem_alloc : memref<!tpu.dma_semaphore, #tpu.memory_space<semaphore_mem>>
      %dma_start3A_62 = arith.constant 0 : i32
      %dma_start3A_63 = tpu.memref_slice %arg8[%add3A_54, %dma_start3A_62] : memref<2048x128xf32, #tpu.memory_space<hbm>> -> memref<64x128xf32, #tpu.memory_space<hbm>>
      %dma_start3A_64 = arith.constant 0 : i32
      %dma_start3A_65 = tpu.memref_slice %arg15[%mul3A_49, %dma_start3A_64] : memref<1024x128xf32, #tpu.memory_space<vmem_shared>> -> memref<64x128xf32, #tpu.memory_space<vmem_shared>>
      tpu.enqueue_dma source(%dma_start3A_65 : memref<64x128xf32, #tpu.memory_space<vmem_shared>>) target(%dma_start3A_63 : memref<64x128xf32, #tpu.memory_space<hbm>>) target_semaphore(%run_scoped3A : memref<!tpu.dma_semaphore, #tpu.memory_space<semaphore_mem>>)
      %dma_wait3A_66 = arith.constant 0 : i32
      %dma_wait3A_67 = tpu.memref_slice %arg8[%add3A_54, %dma_wait3A_66] : memref<2048x128xf32, #tpu.memory_space<hbm>> -> memref<64x128xf32, #tpu.memory_space<hbm>>
      %dma_wait3A_68 = arith.constant 0 : i32
      %dma_wait3A_69 = tpu.memref_slice %arg15[%mul3A_49, %dma_wait3A_68] : memref<1024x128xf32, #tpu.memory_space<vmem_shared>> -> memref<64x128xf32, #tpu.memory_space<vmem_shared>>
      tpu.wait_dma2 semaphore(%run_scoped3A : memref<!tpu.dma_semaphore, #tpu.memory_space<semaphore_mem>>) src(%dma_wait3A_69 : memref<64x128xf32, #tpu.memory_space<vmem_shared>>) dst(%dma_wait3A_67 : memref<64x128xf32, #tpu.memory_space<hbm>>)
      tpu.yield
    }) : () -> ()
    %mul3A_55 = arith.constant 64 : i32
    %mul3A_56 = arith.muli %arg1, %mul3A_55 : i32
    "tpu.region"() ({
      %run_scoped3A = tpu.sem_alloc : memref<!tpu.dma_semaphore, #tpu.memory_space<semaphore_mem>>
      %dma_start3A_62 = tpu.memref_slice %arg16[%mul3A_56] : memref<1024xf32, #tpu.memory_space<vmem_shared>> -> memref<64xf32, #tpu.memory_space<vmem_shared>>
      %dma_start3A_63 = tpu.memref_slice %arg16[%mul3A_56] : memref<1024xf32, #tpu.memory_space<vmem_shared>> -> memref<64xf32, #tpu.memory_space<vmem_shared>>
      tpu.enqueue_dma source(%dma_start3A_63 : memref<64xf32, #tpu.memory_space<vmem_shared>>) target(%arg14 : memref<64xf32, #tpu.memory_space<vmem>>) target_semaphore(%run_scoped3A : memref<!tpu.dma_semaphore, #tpu.memory_space<semaphore_mem>>)
      %dma_wait3A_64 = tpu.memref_slice %arg16[%mul3A_56] : memref<1024xf32, #tpu.memory_space<vmem_shared>> -> memref<64xf32, #tpu.memory_space<vmem_shared>>
      %dma_wait3A_65 = tpu.memref_slice %arg16[%mul3A_56] : memref<1024xf32, #tpu.memory_space<vmem_shared>> -> memref<64xf32, #tpu.memory_space<vmem_shared>>
      tpu.wait_dma2 semaphore(%run_scoped3A : memref<!tpu.dma_semaphore, #tpu.memory_space<semaphore_mem>>) src(%dma_wait3A_65 : memref<64xf32, #tpu.memory_space<vmem_shared>>) dst(%arg14 : memref<64xf32, #tpu.memory_space<vmem>>)
      tpu.yield
    }) : () -> ()
    %mul3A_57 = arith.constant 1024 : i32
    %mul3A_58 = arith.muli %arg0, %mul3A_57 : i32
    %mul3A_59 = arith.constant 64 : i32
    %mul3A_60 = arith.muli %arg1, %mul3A_59 : i32
    %add3A_61 = arith.addi %mul3A_58, %mul3A_60 : i32
    "tpu.region"() ({
      %run_scoped3A = tpu.sem_alloc : memref<!tpu.dma_semaphore, #tpu.memory_space<semaphore_mem>>
      %dma_start3A_62 = tpu.memref_slice %arg9[%add3A_61] : memref<2048xf32, #tpu.memory_space<hbm>> -> memref<64xf32, #tpu.memory_space<hbm>>
      %dma_start3A_63 = tpu.memref_slice %arg9[%add3A_61] : memref<2048xf32, #tpu.memory_space<hbm>> -> memref<64xf32, #tpu.memory_space<hbm>>
      tpu.enqueue_dma source(%arg14 : memref<64xf32, #tpu.memory_space<vmem>>) target(%dma_start3A_63 : memref<64xf32, #tpu.memory_space<hbm>>) target_semaphore(%run_scoped3A : memref<!tpu.dma_semaphore, #tpu.memory_space<semaphore_mem>>)
      %dma_wait3A_64 = tpu.memref_slice %arg9[%add3A_61] : memref<2048xf32, #tpu.memory_space<hbm>> -> memref<64xf32, #tpu.memory_space<hbm>>
      %dma_wait3A_65 = tpu.memref_slice %arg9[%add3A_61] : memref<2048xf32, #tpu.memory_space<hbm>> -> memref<64xf32, #tpu.memory_space<hbm>>
      tpu.wait_dma2 semaphore(%run_scoped3A : memref<!tpu.dma_semaphore, #tpu.memory_space<semaphore_mem>>) src(%arg14 : memref<64xf32, #tpu.memory_space<vmem>>) dst(%dma_wait3A_65 : memref<64xf32, #tpu.memory_space<hbm>>)
      tpu.yield
    }) : () -> ()
    return
  }
}

#map = affine_map<(d0, d1) -> (0, 0)>
#map1 = affine_map<(d0, d1) -> (0, 0, 0)>
#map2 = affine_map<(d0, d1) -> (0)>
module attributes {stable_mosaic.version = 14 : i64} {
  func.func @sc_agg(%arg0: i32, %arg1: i32, %arg2: memref<10000x128xf32, #tpu.memory_space<hbm>>, %arg3: memref<32x3x128xi32, #tpu.memory_space<hbm>>, %arg4: memref<32x3x128xi32, #tpu.memory_space<hbm>>, %arg5: memref<64x128xf32, #tpu.memory_space<hbm>>, %arg6: memref<64xf32, #tpu.memory_space<hbm>>, %arg7: memref<128xf32, #tpu.memory_space<hbm>>, %arg8: memref<2048x128xf32, #tpu.memory_space<hbm>>, %arg9: memref<2048xf32, #tpu.memory_space<hbm>>, %arg10: memref<3x128xi32, #tpu.memory_space<vmem>>, %arg11: memref<3x128xi32, #tpu.memory_space<vmem>>, %arg12: memref<2x128x128xf32, #tpu.memory_space<vmem>>, %arg13: memref<128xf32, #tpu.memory_space<vmem>>, %arg14: memref<64xf32, #tpu.memory_space<vmem>>, %arg15: memref<1024x128xf32, #tpu.memory_space<vmem_shared>>, %arg16: memref<1024xf32, #tpu.memory_space<vmem_shared>>, %arg17: memref<2x!tpu.dma_semaphore, #tpu.memory_space<semaphore_mem>>, %arg18: memref<2x!tpu.dma_semaphore, #tpu.memory_space<semaphore_mem>>, %arg19: memref<2x!tpu.dma_semaphore, #tpu.memory_space<semaphore_mem>>) attributes {dimension_semantics = [#tpu.dimension_semantics<core_parallel>, #tpu.dimension_semantics<subcore_parallel>], iteration_bounds = array<i64: 2, 16>, scalar_prefetch = 0 : i64, scratch_operands = 10 : i64, tpu.core_type = #tpu.core_type<sc_vector_subcore>, window_params = [{transform_indices = #map}, {transform_indices = #map1}, {transform_indices = #map1}, {transform_indices = #map}, {transform_indices = #map2}, {transform_indices = #map2}, {transform_indices = #map}, {transform_indices = #map2}]} {
    %mul3A = arith.constant 16 : i32
    %mul3A_0 = arith.muli %arg0, %mul3A : i32
    %add3A = arith.addi %mul3A_0, %arg1 : i32
    %mul3A_1 = arith.constant 64 : i32
    %mul3A_2 = arith.muli %arg1, %mul3A_1 : i32
    "tpu.region"() ({
      %run_scoped3A = tpu.sem_alloc : memref<!tpu.dma_semaphore, #tpu.memory_space<semaphore_mem>>
      %dma_start3A_62 = arith.constant 0 : i32
      %dma_start3A_63 = tpu.memref_slice %arg15[%mul3A_2, %dma_start3A_62] : memref<1024x128xf32, #tpu.memory_space<vmem_shared>> -> memref<64x128xf32, #tpu.memory_space<vmem_shared>>
      tpu.enqueue_dma source(%arg5 : memref<64x128xf32, #tpu.memory_space<hbm>>) target(%dma_start3A_63 : memref<64x128xf32, #tpu.memory_space<vmem_shared>>) target_semaphore(%run_scoped3A : memref<!tpu.dma_semaphore, #tpu.memory_space<semaphore_mem>>)
      %dma_wait3A_64 = arith.constant 0 : i32
      %dma_wait3A_65 = tpu.memref_slice %arg15[%mul3A_2, %dma_wait3A_64] : memref<1024x128xf32, #tpu.memory_space<vmem_shared>> -> memref<64x128xf32, #tpu.memory_space<vmem_shared>>
      tpu.wait_dma2 semaphore(%run_scoped3A : memref<!tpu.dma_semaphore, #tpu.memory_space<semaphore_mem>>) src(%arg5 : memref<64x128xf32, #tpu.memory_space<hbm>>) dst(%dma_wait3A_65 : memref<64x128xf32, #tpu.memory_space<vmem_shared>>)
      tpu.yield
    }) : () -> ()
    "tpu.region"() ({
      %run_scoped3A = tpu.sem_alloc : memref<!tpu.dma_semaphore, #tpu.memory_space<semaphore_mem>>
      tpu.enqueue_dma source(%arg6 : memref<64xf32, #tpu.memory_space<hbm>>) target(%arg14 : memref<64xf32, #tpu.memory_space<vmem>>) target_semaphore(%run_scoped3A : memref<!tpu.dma_semaphore, #tpu.memory_space<semaphore_mem>>)
      tpu.wait_dma2 semaphore(%run_scoped3A : memref<!tpu.dma_semaphore, #tpu.memory_space<semaphore_mem>>) src(%arg6 : memref<64xf32, #tpu.memory_space<hbm>>) dst(%arg14 : memref<64xf32, #tpu.memory_space<vmem>>)
      tpu.yield
    }) : () -> ()
    %mul3A_3 = arith.constant 64 : i32
    %mul3A_4 = arith.muli %arg1, %mul3A_3 : i32
    "tpu.region"() ({
      %run_scoped3A = tpu.sem_alloc : memref<!tpu.dma_semaphore, #tpu.memory_space<semaphore_mem>>
      %dma_start3A_62 = tpu.memref_slice %arg16[%mul3A_4] : memref<1024xf32, #tpu.memory_space<vmem_shared>> -> memref<64xf32, #tpu.memory_space<vmem_shared>>
      %dma_start3A_63 = tpu.memref_slice %arg16[%mul3A_4] : memref<1024xf32, #tpu.memory_space<vmem_shared>> -> memref<64xf32, #tpu.memory_space<vmem_shared>>
      tpu.enqueue_dma source(%arg14 : memref<64xf32, #tpu.memory_space<vmem>>) target(%dma_start3A_63 : memref<64xf32, #tpu.memory_space<vmem_shared>>) target_semaphore(%run_scoped3A : memref<!tpu.dma_semaphore, #tpu.memory_space<semaphore_mem>>)
      %dma_wait3A_64 = tpu.memref_slice %arg16[%mul3A_4] : memref<1024xf32, #tpu.memory_space<vmem_shared>> -> memref<64xf32, #tpu.memory_space<vmem_shared>>
      %dma_wait3A_65 = tpu.memref_slice %arg16[%mul3A_4] : memref<1024xf32, #tpu.memory_space<vmem_shared>> -> memref<64xf32, #tpu.memory_space<vmem_shared>>
      tpu.wait_dma2 semaphore(%run_scoped3A : memref<!tpu.dma_semaphore, #tpu.memory_space<semaphore_mem>>) src(%arg14 : memref<64xf32, #tpu.memory_space<vmem>>) dst(%dma_wait3A_65 : memref<64xf32, #tpu.memory_space<vmem_shared>>)
      tpu.yield
    }) : () -> ()
    "tpu.region"() ({
      %run_scoped3A = tpu.sem_alloc : memref<!tpu.dma_semaphore, #tpu.memory_space<semaphore_mem>>
      tpu.enqueue_dma source(%arg7 : memref<128xf32, #tpu.memory_space<hbm>>) target(%arg13 : memref<128xf32, #tpu.memory_space<vmem>>) target_semaphore(%run_scoped3A : memref<!tpu.dma_semaphore, #tpu.memory_space<semaphore_mem>>)
      tpu.wait_dma2 semaphore(%run_scoped3A : memref<!tpu.dma_semaphore, #tpu.memory_space<semaphore_mem>>) src(%arg7 : memref<128xf32, #tpu.memory_space<hbm>>) dst(%arg13 : memref<128xf32, #tpu.memory_space<vmem>>)
      tpu.yield
    }) : () -> ()
    %barrier3A = arith.constant 0 : index
    tpu.barrier barrier_id(%barrier3A)
    "tpu.region"() ({
      %run_scoped3A = tpu.sem_alloc : memref<!tpu.dma_semaphore, #tpu.memory_space<semaphore_mem>>
      %dma_start3A_62 = arith.constant 0 : i32
      %dma_start3A_63 = arith.constant 0 : i32
      %dma_start3A_64 = tpu.memref_slice %arg3[%add3A, %dma_start3A_62, %dma_start3A_63] : memref<32x3x128xi32, #tpu.memory_space<hbm>> -> memref<1x3x128xi32, #tpu.memory_space<hbm>>
      %dma_start3A_65 = tpu.memref_squeeze %dma_start3A_64 : memref<1x3x128xi32, #tpu.memory_space<hbm>> -> memref<3x128xi32, #tpu.memory_space<hbm>>
      %dma_start3A_66 = arith.constant 0 : i32
      %dma_start3A_67 = arith.constant 0 : i32
      %dma_start3A_68 = tpu.memref_slice %arg3[%add3A, %dma_start3A_66, %dma_start3A_67] : memref<32x3x128xi32, #tpu.memory_space<hbm>> -> memref<1x3x128xi32, #tpu.memory_space<hbm>>
      %dma_start3A_69 = tpu.memref_squeeze %dma_start3A_68 : memref<1x3x128xi32, #tpu.memory_space<hbm>> -> memref<3x128xi32, #tpu.memory_space<hbm>>
      tpu.enqueue_dma source(%dma_start3A_69 : memref<3x128xi32, #tpu.memory_space<hbm>>) target(%arg10 : memref<3x128xi32, #tpu.memory_space<vmem>>) target_semaphore(%run_scoped3A : memref<!tpu.dma_semaphore, #tpu.memory_space<semaphore_mem>>)
      %dma_wait3A_70 = arith.constant 0 : i32
      %dma_wait3A_71 = arith.constant 0 : i32
      %dma_wait3A_72 = tpu.memref_slice %arg3[%add3A, %dma_wait3A_70, %dma_wait3A_71] : memref<32x3x128xi32, #tpu.memory_space<hbm>> -> memref<1x3x128xi32, #tpu.memory_space<hbm>>
      %dma_wait3A_73 = tpu.memref_squeeze %dma_wait3A_72 : memref<1x3x128xi32, #tpu.memory_space<hbm>> -> memref<3x128xi32, #tpu.memory_space<hbm>>
      %dma_wait3A_74 = arith.constant 0 : i32
      %dma_wait3A_75 = arith.constant 0 : i32
      %dma_wait3A_76 = tpu.memref_slice %arg3[%add3A, %dma_wait3A_74, %dma_wait3A_75] : memref<32x3x128xi32, #tpu.memory_space<hbm>> -> memref<1x3x128xi32, #tpu.memory_space<hbm>>
      %dma_wait3A_77 = tpu.memref_squeeze %dma_wait3A_76 : memref<1x3x128xi32, #tpu.memory_space<hbm>> -> memref<3x128xi32, #tpu.memory_space<hbm>>
      tpu.wait_dma2 semaphore(%run_scoped3A : memref<!tpu.dma_semaphore, #tpu.memory_space<semaphore_mem>>) src(%dma_wait3A_77 : memref<3x128xi32, #tpu.memory_space<hbm>>) dst(%arg10 : memref<3x128xi32, #tpu.memory_space<vmem>>)
      tpu.yield
    }) : () -> ()
    "tpu.region"() ({
      %run_scoped3A = tpu.sem_alloc : memref<!tpu.dma_semaphore, #tpu.memory_space<semaphore_mem>>
      %dma_start3A_62 = arith.constant 0 : i32
      %dma_start3A_63 = arith.constant 0 : i32
      %dma_start3A_64 = tpu.memref_slice %arg4[%add3A, %dma_start3A_62, %dma_start3A_63] : memref<32x3x128xi32, #tpu.memory_space<hbm>> -> memref<1x3x128xi32, #tpu.memory_space<hbm>>
      %dma_start3A_65 = tpu.memref_squeeze %dma_start3A_64 : memref<1x3x128xi32, #tpu.memory_space<hbm>> -> memref<3x128xi32, #tpu.memory_space<hbm>>
      %dma_start3A_66 = arith.constant 0 : i32
      %dma_start3A_67 = arith.constant 0 : i32
      %dma_start3A_68 = tpu.memref_slice %arg4[%add3A, %dma_start3A_66, %dma_start3A_67] : memref<32x3x128xi32, #tpu.memory_space<hbm>> -> memref<1x3x128xi32, #tpu.memory_space<hbm>>
      %dma_start3A_69 = tpu.memref_squeeze %dma_start3A_68 : memref<1x3x128xi32, #tpu.memory_space<hbm>> -> memref<3x128xi32, #tpu.memory_space<hbm>>
      tpu.enqueue_dma source(%dma_start3A_69 : memref<3x128xi32, #tpu.memory_space<hbm>>) target(%arg11 : memref<3x128xi32, #tpu.memory_space<vmem>>) target_semaphore(%run_scoped3A : memref<!tpu.dma_semaphore, #tpu.memory_space<semaphore_mem>>)
      %dma_wait3A_70 = arith.constant 0 : i32
      %dma_wait3A_71 = arith.constant 0 : i32
      %dma_wait3A_72 = tpu.memref_slice %arg4[%add3A, %dma_wait3A_70, %dma_wait3A_71] : memref<32x3x128xi32, #tpu.memory_space<hbm>> -> memref<1x3x128xi32, #tpu.memory_space<hbm>>
      %dma_wait3A_73 = tpu.memref_squeeze %dma_wait3A_72 : memref<1x3x128xi32, #tpu.memory_space<hbm>> -> memref<3x128xi32, #tpu.memory_space<hbm>>
      %dma_wait3A_74 = arith.constant 0 : i32
      %dma_wait3A_75 = arith.constant 0 : i32
      %dma_wait3A_76 = tpu.memref_slice %arg4[%add3A, %dma_wait3A_74, %dma_wait3A_75] : memref<32x3x128xi32, #tpu.memory_space<hbm>> -> memref<1x3x128xi32, #tpu.memory_space<hbm>>
      %dma_wait3A_77 = tpu.memref_squeeze %dma_wait3A_76 : memref<1x3x128xi32, #tpu.memory_space<hbm>> -> memref<3x128xi32, #tpu.memory_space<hbm>>
      tpu.wait_dma2 semaphore(%run_scoped3A : memref<!tpu.dma_semaphore, #tpu.memory_space<semaphore_mem>>) src(%dma_wait3A_77 : memref<3x128xi32, #tpu.memory_space<hbm>>) dst(%arg11 : memref<3x128xi32, #tpu.memory_space<vmem>>)
      tpu.yield
    }) : () -> ()
    %dma_start3A = arith.constant 0 : i32
    %dma_start3A_5 = arith.constant 0 : i32
    %dma_start3A_6 = arith.constant 0 : i32
    %dma_start3A_7 = arith.constant 0 : i32
    %dma_start3A_8 = arith.constant 0 : i32
    %dma_start3A_9 = tpu.memref_slice %arg12[%dma_start3A_5, %dma_start3A_7, %dma_start3A_8] : memref<2x128x128xf32, #tpu.memory_space<vmem>> -> memref<1x128x128xf32, #tpu.memory_space<vmem>>
    %dma_start3A_10 = tpu.memref_squeeze %dma_start3A_9 : memref<1x128x128xf32, #tpu.memory_space<vmem>> -> memref<128x128xf32, #tpu.memory_space<vmem>>
    %dma_start3A_11 = arith.constant 0 : i32
    %dma_start3A_12 = tpu.memref_slice %arg10[%dma_start3A, %dma_start3A_11] : memref<3x128xi32, #tpu.memory_space<vmem>> -> memref<1x128xi32, #tpu.memory_space<vmem>>
    %dma_start3A_13 = tpu.memref_squeeze %dma_start3A_12 : memref<1x128xi32, #tpu.memory_space<vmem>> -> memref<128xi32, #tpu.memory_space<vmem>>
    %dma_start3A_14 = arith.constant 0 : i32
    %dma_start3A_15 = arith.constant 0 : i32
    %dma_start3A_16 = tpu.memref_slice %arg2[%dma_start3A_14, %dma_start3A_15] : memref<10000x128xf32, #tpu.memory_space<hbm>> -> memref<10000x128xf32, #tpu.memory_space<hbm>>
    %dma_start3A_17 = tpu.memref_slice %arg17[%dma_start3A_6] : memref<2x!tpu.dma_semaphore, #tpu.memory_space<semaphore_mem>> -> memref<1x!tpu.dma_semaphore, #tpu.memory_space<semaphore_mem>>
    %dma_start3A_18 = tpu.memref_squeeze %dma_start3A_17 : memref<1x!tpu.dma_semaphore, #tpu.memory_space<semaphore_mem>> -> memref<!tpu.dma_semaphore, #tpu.memory_space<semaphore_mem>>
    tpu.enqueue_indirect_dma source(%dma_start3A_16 : memref<10000x128xf32, #tpu.memory_space<hbm>>) target(%dma_start3A_10 : memref<128x128xf32, #tpu.memory_space<vmem>>) offsets(%dma_start3A_13 : memref<128xi32, #tpu.memory_space<vmem>>) semaphore(%dma_start3A_18 : memref<!tpu.dma_semaphore, #tpu.memory_space<semaphore_mem>>)
    %scan3A = arith.constant 0 : i32
    %scan3A_19 = arith.constant 0 : i32
    %scan3A_20 = arith.constant 3 : i32
    %scan3A_21 = arith.addi %scan3A_19, %scan3A_20 : i32
    %scan3A_22 = arith.constant 1 : i32
    scf.for %scan3A_62 = %scan3A_19 to %scan3A_21 step %scan3A_22  : i32 {
      %rem3A = arith.constant 2 : i32
      %rem3A_63 = arith.remsi %scan3A_62, %rem3A : i32
      %sub3A = arith.constant 1 : i32
      %sub3A_64 = arith.subi %sub3A, %rem3A_63 : i32
      %ge3A = arith.constant 1 : i32
      %ge3A_65 = arith.cmpi sge, %scan3A_62, %ge3A : i32
      %convert_element_type3A = arith.extui %ge3A_65 : i1 to i32
      %cond3A = arith.constant 0 : i32
      %cond3A_66 = arith.cmpi ne, %convert_element_type3A, %cond3A : i32
      scf.if %cond3A_66 {
        %dma_wait3A_104 = arith.constant 0 : i32
        %dma_wait3A_105 = arith.constant 0 : i32
        %dma_wait3A_106 = tpu.memref_slice %arg12[%sub3A_64, %dma_wait3A_104, %dma_wait3A_105] : memref<2x128x128xf32, #tpu.memory_space<vmem>> -> memref<1x128x128xf32, #tpu.memory_space<vmem>>
        %dma_wait3A_107 = tpu.memref_squeeze %dma_wait3A_106 : memref<1x128x128xf32, #tpu.memory_space<vmem>> -> memref<128x128xf32, #tpu.memory_space<vmem>>
        %dma_wait3A_108 = arith.constant 0 : i32
        %dma_wait3A_109 = tpu.memref_slice %arg11[%scan3A_62, %dma_wait3A_108] : memref<3x128xi32, #tpu.memory_space<vmem>> -> memref<1x128xi32, #tpu.memory_space<vmem>>
        %dma_wait3A_110 = tpu.memref_squeeze %dma_wait3A_109 : memref<1x128xi32, #tpu.memory_space<vmem>> -> memref<128xi32, #tpu.memory_space<vmem>>
        %dma_wait3A_111 = arith.constant 0 : i32
        %dma_wait3A_112 = arith.constant 0 : i32
        %dma_wait3A_113 = tpu.memref_slice %arg15[%dma_wait3A_111, %dma_wait3A_112] : memref<1024x128xf32, #tpu.memory_space<vmem_shared>> -> memref<1024x128xf32, #tpu.memory_space<vmem_shared>>
        %dma_wait3A_114 = tpu.memref_slice %arg18[%sub3A_64] : memref<2x!tpu.dma_semaphore, #tpu.memory_space<semaphore_mem>> -> memref<1x!tpu.dma_semaphore, #tpu.memory_space<semaphore_mem>>
        %dma_wait3A_115 = tpu.memref_squeeze %dma_wait3A_114 : memref<1x!tpu.dma_semaphore, #tpu.memory_space<semaphore_mem>> -> memref<!tpu.dma_semaphore, #tpu.memory_space<semaphore_mem>>
        tpu.wait_indirect_dma semaphore(%dma_wait3A_115 : memref<!tpu.dma_semaphore, #tpu.memory_space<semaphore_mem>>) src(%dma_wait3A_107 : memref<128x128xf32, #tpu.memory_space<vmem>>) dst(%dma_wait3A_113 : memref<1024x128xf32, #tpu.memory_space<vmem_shared>>)
        %dma_wait3A_116 = arith.constant 0 : i32
        %dma_wait3A_117 = tpu.memref_slice %arg11[%scan3A_62, %dma_wait3A_116] : memref<3x128xi32, #tpu.memory_space<vmem>> -> memref<1x128xi32, #tpu.memory_space<vmem>>
        %dma_wait3A_118 = tpu.memref_squeeze %dma_wait3A_117 : memref<1x128xi32, #tpu.memory_space<vmem>> -> memref<128xi32, #tpu.memory_space<vmem>>
        %dma_wait3A_119 = arith.constant 0 : i32
        %dma_wait3A_120 = tpu.memref_slice %arg16[%dma_wait3A_119] : memref<1024xf32, #tpu.memory_space<vmem_shared>> -> memref<1024xf32, #tpu.memory_space<vmem_shared>>
        %dma_wait3A_121 = tpu.memref_slice %arg19[%sub3A_64] : memref<2x!tpu.dma_semaphore, #tpu.memory_space<semaphore_mem>> -> memref<1x!tpu.dma_semaphore, #tpu.memory_space<semaphore_mem>>
        %dma_wait3A_122 = tpu.memref_squeeze %dma_wait3A_121 : memref<1x!tpu.dma_semaphore, #tpu.memory_space<semaphore_mem>> -> memref<!tpu.dma_semaphore, #tpu.memory_space<semaphore_mem>>
        tpu.wait_indirect_dma semaphore(%dma_wait3A_122 : memref<!tpu.dma_semaphore, #tpu.memory_space<semaphore_mem>>) src(%arg13 : memref<128xf32, #tpu.memory_space<vmem>>) dst(%dma_wait3A_120 : memref<1024xf32, #tpu.memory_space<vmem_shared>>)
      } else {
      }
      %add3A_67 = arith.constant 1 : i32
      %add3A_68 = arith.addi %scan3A_62, %add3A_67 : i32
      %lt3A = arith.constant 3 : i32
      %lt3A_69 = arith.cmpi slt, %add3A_68, %lt3A : i32
      %convert_element_type3A_70 = arith.extui %lt3A_69 : i1 to i32
      %cond3A_71 = arith.constant 0 : i32
      %cond3A_72 = arith.cmpi ne, %convert_element_type3A_70, %cond3A_71 : i32
      scf.if %cond3A_72 {
        %add3A_104 = arith.constant 1 : i32
        %add3A_105 = arith.addi %scan3A_62, %add3A_104 : i32
        %dma_start3A_106 = arith.constant 0 : i32
        %dma_start3A_107 = arith.constant 0 : i32
        %dma_start3A_108 = tpu.memref_slice %arg12[%sub3A_64, %dma_start3A_106, %dma_start3A_107] : memref<2x128x128xf32, #tpu.memory_space<vmem>> -> memref<1x128x128xf32, #tpu.memory_space<vmem>>
        %dma_start3A_109 = tpu.memref_squeeze %dma_start3A_108 : memref<1x128x128xf32, #tpu.memory_space<vmem>> -> memref<128x128xf32, #tpu.memory_space<vmem>>
        %dma_start3A_110 = arith.constant 0 : i32
        %dma_start3A_111 = tpu.memref_slice %arg10[%add3A_105, %dma_start3A_110] : memref<3x128xi32, #tpu.memory_space<vmem>> -> memref<1x128xi32, #tpu.memory_space<vmem>>
        %dma_start3A_112 = tpu.memref_squeeze %dma_start3A_111 : memref<1x128xi32, #tpu.memory_space<vmem>> -> memref<128xi32, #tpu.memory_space<vmem>>
        %dma_start3A_113 = arith.constant 0 : i32
        %dma_start3A_114 = arith.constant 0 : i32
        %dma_start3A_115 = tpu.memref_slice %arg2[%dma_start3A_113, %dma_start3A_114] : memref<10000x128xf32, #tpu.memory_space<hbm>> -> memref<10000x128xf32, #tpu.memory_space<hbm>>
        %dma_start3A_116 = tpu.memref_slice %arg17[%sub3A_64] : memref<2x!tpu.dma_semaphore, #tpu.memory_space<semaphore_mem>> -> memref<1x!tpu.dma_semaphore, #tpu.memory_space<semaphore_mem>>
        %dma_start3A_117 = tpu.memref_squeeze %dma_start3A_116 : memref<1x!tpu.dma_semaphore, #tpu.memory_space<semaphore_mem>> -> memref<!tpu.dma_semaphore, #tpu.memory_space<semaphore_mem>>
        tpu.enqueue_indirect_dma source(%dma_start3A_115 : memref<10000x128xf32, #tpu.memory_space<hbm>>) target(%dma_start3A_109 : memref<128x128xf32, #tpu.memory_space<vmem>>) offsets(%dma_start3A_112 : memref<128xi32, #tpu.memory_space<vmem>>) semaphore(%dma_start3A_117 : memref<!tpu.dma_semaphore, #tpu.memory_space<semaphore_mem>>)
      } else {
      }
      %dma_wait3A_73 = arith.constant 0 : i32
      %dma_wait3A_74 = arith.constant 0 : i32
      %dma_wait3A_75 = tpu.memref_slice %arg12[%rem3A_63, %dma_wait3A_73, %dma_wait3A_74] : memref<2x128x128xf32, #tpu.memory_space<vmem>> -> memref<1x128x128xf32, #tpu.memory_space<vmem>>
      %dma_wait3A_76 = tpu.memref_squeeze %dma_wait3A_75 : memref<1x128x128xf32, #tpu.memory_space<vmem>> -> memref<128x128xf32, #tpu.memory_space<vmem>>
      %dma_wait3A_77 = arith.constant 0 : i32
      %dma_wait3A_78 = tpu.memref_slice %arg10[%scan3A_62, %dma_wait3A_77] : memref<3x128xi32, #tpu.memory_space<vmem>> -> memref<1x128xi32, #tpu.memory_space<vmem>>
      %dma_wait3A_79 = tpu.memref_squeeze %dma_wait3A_78 : memref<1x128xi32, #tpu.memory_space<vmem>> -> memref<128xi32, #tpu.memory_space<vmem>>
      %dma_wait3A_80 = arith.constant 0 : i32
      %dma_wait3A_81 = arith.constant 0 : i32
      %dma_wait3A_82 = tpu.memref_slice %arg2[%dma_wait3A_80, %dma_wait3A_81] : memref<10000x128xf32, #tpu.memory_space<hbm>> -> memref<10000x128xf32, #tpu.memory_space<hbm>>
      %dma_wait3A_83 = tpu.memref_slice %arg17[%rem3A_63] : memref<2x!tpu.dma_semaphore, #tpu.memory_space<semaphore_mem>> -> memref<1x!tpu.dma_semaphore, #tpu.memory_space<semaphore_mem>>
      %dma_wait3A_84 = tpu.memref_squeeze %dma_wait3A_83 : memref<1x!tpu.dma_semaphore, #tpu.memory_space<semaphore_mem>> -> memref<!tpu.dma_semaphore, #tpu.memory_space<semaphore_mem>>
      tpu.wait_indirect_dma semaphore(%dma_wait3A_84 : memref<!tpu.dma_semaphore, #tpu.memory_space<semaphore_mem>>) src(%dma_wait3A_82 : memref<10000x128xf32, #tpu.memory_space<hbm>>) dst(%dma_wait3A_76 : memref<128x128xf32, #tpu.memory_space<vmem>>)
      %dma_start3A_85 = arith.constant 0 : i32
      %dma_start3A_86 = arith.constant 0 : i32
      %dma_start3A_87 = tpu.memref_slice %arg12[%rem3A_63, %dma_start3A_85, %dma_start3A_86] : memref<2x128x128xf32, #tpu.memory_space<vmem>> -> memref<1x128x128xf32, #tpu.memory_space<vmem>>
      %dma_start3A_88 = tpu.memref_squeeze %dma_start3A_87 : memref<1x128x128xf32, #tpu.memory_space<vmem>> -> memref<128x128xf32, #tpu.memory_space<vmem>>
      %dma_start3A_89 = arith.constant 0 : i32
      %dma_start3A_90 = tpu.memref_slice %arg11[%scan3A_62, %dma_start3A_89] : memref<3x128xi32, #tpu.memory_space<vmem>> -> memref<1x128xi32, #tpu.memory_space<vmem>>
      %dma_start3A_91 = tpu.memref_squeeze %dma_start3A_90 : memref<1x128xi32, #tpu.memory_space<vmem>> -> memref<128xi32, #tpu.memory_space<vmem>>
      %dma_start3A_92 = arith.constant 0 : i32
      %dma_start3A_93 = arith.constant 0 : i32
      %dma_start3A_94 = tpu.memref_slice %arg15[%dma_start3A_92, %dma_start3A_93] : memref<1024x128xf32, #tpu.memory_space<vmem_shared>> -> memref<1024x128xf32, #tpu.memory_space<vmem_shared>>
      %dma_start3A_95 = tpu.memref_slice %arg18[%rem3A_63] : memref<2x!tpu.dma_semaphore, #tpu.memory_space<semaphore_mem>> -> memref<1x!tpu.dma_semaphore, #tpu.memory_space<semaphore_mem>>
      %dma_start3A_96 = tpu.memref_squeeze %dma_start3A_95 : memref<1x!tpu.dma_semaphore, #tpu.memory_space<semaphore_mem>> -> memref<!tpu.dma_semaphore, #tpu.memory_space<semaphore_mem>>
      tpu.enqueue_indirect_dma source(%dma_start3A_88 : memref<128x128xf32, #tpu.memory_space<vmem>>) target(%dma_start3A_94 : memref<1024x128xf32, #tpu.memory_space<vmem_shared>>) offsets(%dma_start3A_91 : memref<128xi32, #tpu.memory_space<vmem>>) semaphore(%dma_start3A_96 : memref<!tpu.dma_semaphore, #tpu.memory_space<semaphore_mem>>) {add = true}
      %dma_start3A_97 = arith.constant 0 : i32
      %dma_start3A_98 = tpu.memref_slice %arg11[%scan3A_62, %dma_start3A_97] : memref<3x128xi32, #tpu.memory_space<vmem>> -> memref<1x128xi32, #tpu.memory_space<vmem>>
      %dma_start3A_99 = tpu.memref_squeeze %dma_start3A_98 : memref<1x128xi32, #tpu.memory_space<vmem>> -> memref<128xi32, #tpu.memory_space<vmem>>
      %dma_start3A_100 = arith.constant 0 : i32
      %dma_start3A_101 = tpu.memref_slice %arg16[%dma_start3A_100] : memref<1024xf32, #tpu.memory_space<vmem_shared>> -> memref<1024xf32, #tpu.memory_space<vmem_shared>>
      %dma_start3A_102 = tpu.memref_slice %arg19[%rem3A_63] : memref<2x!tpu.dma_semaphore, #tpu.memory_space<semaphore_mem>> -> memref<1x!tpu.dma_semaphore, #tpu.memory_space<semaphore_mem>>
      %dma_start3A_103 = tpu.memref_squeeze %dma_start3A_102 : memref<1x!tpu.dma_semaphore, #tpu.memory_space<semaphore_mem>> -> memref<!tpu.dma_semaphore, #tpu.memory_space<semaphore_mem>>
      tpu.enqueue_indirect_dma source(%arg13 : memref<128xf32, #tpu.memory_space<vmem>>) target(%dma_start3A_101 : memref<1024xf32, #tpu.memory_space<vmem_shared>>) offsets(%dma_start3A_99 : memref<128xi32, #tpu.memory_space<vmem>>) semaphore(%dma_start3A_103 : memref<!tpu.dma_semaphore, #tpu.memory_space<semaphore_mem>>) {add = true}
    }
    %scan3A_23 = arith.constant 3 : i32
    %dma_wait3A = arith.constant 0 : i32
    %dma_wait3A_24 = arith.constant 0 : i32
    %dma_wait3A_25 = arith.constant 0 : i32
    %dma_wait3A_26 = arith.constant 0 : i32
    %dma_wait3A_27 = arith.constant 0 : i32
    %dma_wait3A_28 = tpu.memref_slice %arg12[%dma_wait3A, %dma_wait3A_26, %dma_wait3A_27] : memref<2x128x128xf32, #tpu.memory_space<vmem>> -> memref<1x128x128xf32, #tpu.memory_space<vmem>>
    %dma_wait3A_29 = tpu.memref_squeeze %dma_wait3A_28 : memref<1x128x128xf32, #tpu.memory_space<vmem>> -> memref<128x128xf32, #tpu.memory_space<vmem>>
    %dma_wait3A_30 = arith.constant 0 : i32
    %dma_wait3A_31 = tpu.memref_slice %arg11[%dma_wait3A_24, %dma_wait3A_30] : memref<3x128xi32, #tpu.memory_space<vmem>> -> memref<1x128xi32, #tpu.memory_space<vmem>>
    %dma_wait3A_32 = tpu.memref_squeeze %dma_wait3A_31 : memref<1x128xi32, #tpu.memory_space<vmem>> -> memref<128xi32, #tpu.memory_space<vmem>>
    %dma_wait3A_33 = arith.constant 0 : i32
    %dma_wait3A_34 = arith.constant 0 : i32
    %dma_wait3A_35 = tpu.memref_slice %arg15[%dma_wait3A_33, %dma_wait3A_34] : memref<1024x128xf32, #tpu.memory_space<vmem_shared>> -> memref<1024x128xf32, #tpu.memory_space<vmem_shared>>
    %dma_wait3A_36 = tpu.memref_slice %arg18[%dma_wait3A_25] : memref<2x!tpu.dma_semaphore, #tpu.memory_space<semaphore_mem>> -> memref<1x!tpu.dma_semaphore, #tpu.memory_space<semaphore_mem>>
    %dma_wait3A_37 = tpu.memref_squeeze %dma_wait3A_36 : memref<1x!tpu.dma_semaphore, #tpu.memory_space<semaphore_mem>> -> memref<!tpu.dma_semaphore, #tpu.memory_space<semaphore_mem>>
    tpu.wait_indirect_dma semaphore(%dma_wait3A_37 : memref<!tpu.dma_semaphore, #tpu.memory_space<semaphore_mem>>) src(%dma_wait3A_29 : memref<128x128xf32, #tpu.memory_space<vmem>>) dst(%dma_wait3A_35 : memref<1024x128xf32, #tpu.memory_space<vmem_shared>>)
    %dma_wait3A_38 = arith.constant 0 : i32
    %dma_wait3A_39 = arith.constant 0 : i32
    %dma_wait3A_40 = arith.constant 0 : i32
    %dma_wait3A_41 = tpu.memref_slice %arg11[%dma_wait3A_38, %dma_wait3A_40] : memref<3x128xi32, #tpu.memory_space<vmem>> -> memref<1x128xi32, #tpu.memory_space<vmem>>
    %dma_wait3A_42 = tpu.memref_squeeze %dma_wait3A_41 : memref<1x128xi32, #tpu.memory_space<vmem>> -> memref<128xi32, #tpu.memory_space<vmem>>
    %dma_wait3A_43 = arith.constant 0 : i32
    %dma_wait3A_44 = tpu.memref_slice %arg16[%dma_wait3A_43] : memref<1024xf32, #tpu.memory_space<vmem_shared>> -> memref<1024xf32, #tpu.memory_space<vmem_shared>>
    %dma_wait3A_45 = tpu.memref_slice %arg19[%dma_wait3A_39] : memref<2x!tpu.dma_semaphore, #tpu.memory_space<semaphore_mem>> -> memref<1x!tpu.dma_semaphore, #tpu.memory_space<semaphore_mem>>
    %dma_wait3A_46 = tpu.memref_squeeze %dma_wait3A_45 : memref<1x!tpu.dma_semaphore, #tpu.memory_space<semaphore_mem>> -> memref<!tpu.dma_semaphore, #tpu.memory_space<semaphore_mem>>
    tpu.wait_indirect_dma semaphore(%dma_wait3A_46 : memref<!tpu.dma_semaphore, #tpu.memory_space<semaphore_mem>>) src(%arg13 : memref<128xf32, #tpu.memory_space<vmem>>) dst(%dma_wait3A_44 : memref<1024xf32, #tpu.memory_space<vmem_shared>>)
    %barrier3A_47 = arith.constant 0 : index
    tpu.barrier barrier_id(%barrier3A_47)
    %mul3A_48 = arith.constant 64 : i32
    %mul3A_49 = arith.muli %arg1, %mul3A_48 : i32
    %mul3A_50 = arith.constant 1024 : i32
    %mul3A_51 = arith.muli %arg0, %mul3A_50 : i32
    %mul3A_52 = arith.constant 64 : i32
    %mul3A_53 = arith.muli %arg1, %mul3A_52 : i32
    %add3A_54 = arith.addi %mul3A_51, %mul3A_53 : i32
    "tpu.region"() ({
      %run_scoped3A = tpu.sem_alloc : memref<!tpu.dma_semaphore, #tpu.memory_space<semaphore_mem>>
      %dma_start3A_62 = arith.constant 0 : i32
      %dma_start3A_63 = tpu.memref_slice %arg8[%add3A_54, %dma_start3A_62] : memref<2048x128xf32, #tpu.memory_space<hbm>> -> memref<64x128xf32, #tpu.memory_space<hbm>>
      %dma_start3A_64 = arith.constant 0 : i32
      %dma_start3A_65 = tpu.memref_slice %arg15[%mul3A_49, %dma_start3A_64] : memref<1024x128xf32, #tpu.memory_space<vmem_shared>> -> memref<64x128xf32, #tpu.memory_space<vmem_shared>>
      tpu.enqueue_dma source(%dma_start3A_65 : memref<64x128xf32, #tpu.memory_space<vmem_shared>>) target(%dma_start3A_63 : memref<64x128xf32, #tpu.memory_space<hbm>>) target_semaphore(%run_scoped3A : memref<!tpu.dma_semaphore, #tpu.memory_space<semaphore_mem>>)
      %dma_wait3A_66 = arith.constant 0 : i32
      %dma_wait3A_67 = tpu.memref_slice %arg8[%add3A_54, %dma_wait3A_66] : memref<2048x128xf32, #tpu.memory_space<hbm>> -> memref<64x128xf32, #tpu.memory_space<hbm>>
      %dma_wait3A_68 = arith.constant 0 : i32
      %dma_wait3A_69 = tpu.memref_slice %arg15[%mul3A_49, %dma_wait3A_68] : memref<1024x128xf32, #tpu.memory_space<vmem_shared>> -> memref<64x128xf32, #tpu.memory_space<vmem_shared>>
      tpu.wait_dma2 semaphore(%run_scoped3A : memref<!tpu.dma_semaphore, #tpu.memory_space<semaphore_mem>>) src(%dma_wait3A_69 : memref<64x128xf32, #tpu.memory_space<vmem_shared>>) dst(%dma_wait3A_67 : memref<64x128xf32, #tpu.memory_space<hbm>>)
      tpu.yield
    }) : () -> ()
    %mul3A_55 = arith.constant 64 : i32
    %mul3A_56 = arith.muli %arg1, %mul3A_55 : i32
    "tpu.region"() ({
      %run_scoped3A = tpu.sem_alloc : memref<!tpu.dma_semaphore, #tpu.memory_space<semaphore_mem>>
      %dma_start3A_62 = tpu.memref_slice %arg16[%mul3A_56] : memref<1024xf32, #tpu.memory_space<vmem_shared>> -> memref<64xf32, #tpu.memory_space<vmem_shared>>
      %dma_start3A_63 = tpu.memref_slice %arg16[%mul3A_56] : memref<1024xf32, #tpu.memory_space<vmem_shared>> -> memref<64xf32, #tpu.memory_space<vmem_shared>>
      tpu.enqueue_dma source(%dma_start3A_63 : memref<64xf32, #tpu.memory_space<vmem_shared>>) target(%arg14 : memref<64xf32, #tpu.memory_space<vmem>>) target_semaphore(%run_scoped3A : memref<!tpu.dma_semaphore, #tpu.memory_space<semaphore_mem>>)
      %dma_wait3A_64 = tpu.memref_slice %arg16[%mul3A_56] : memref<1024xf32, #tpu.memory_space<vmem_shared>> -> memref<64xf32, #tpu.memory_space<vmem_shared>>
      %dma_wait3A_65 = tpu.memref_slice %arg16[%mul3A_56] : memref<1024xf32, #tpu.memory_space<vmem_shared>> -> memref<64xf32, #tpu.memory_space<vmem_shared>>
      tpu.wait_dma2 semaphore(%run_scoped3A : memref<!tpu.dma_semaphore, #tpu.memory_space<semaphore_mem>>) src(%dma_wait3A_65 : memref<64xf32, #tpu.memory_space<vmem_shared>>) dst(%arg14 : memref<64xf32, #tpu.memory_space<vmem>>)
      tpu.yield
    }) : () -> ()
    %mul3A_57 = arith.constant 1024 : i32
    %mul3A_58 = arith.muli %arg0, %mul3A_57 : i32
    %mul3A_59 = arith.constant 64 : i32
    %mul3A_60 = arith.muli %arg1, %mul3A_59 : i32
    %add3A_61 = arith.addi %mul3A_58, %mul3A_60 : i32
    "tpu.region"() ({
      %run_scoped3A = tpu.sem_alloc : memref<!tpu.dma_semaphore, #tpu.memory_space<semaphore_mem>>
      %dma_start3A_62 = tpu.memref_slice %arg9[%add3A_61] : memref<2048xf32, #tpu.memory_space<hbm>> -> memref<64xf32, #tpu.memory_space<hbm>>
      %dma_start3A_63 = tpu.memref_slice %arg9[%add3A_61] : memref<2048xf32, #tpu.memory_space<hbm>> -> memref<64xf32, #tpu.memory_space<hbm>>
      tpu.enqueue_dma source(%arg14 : memref<64xf32, #tpu.memory_space<vmem>>) target(%dma_start3A_63 : memref<64xf32, #tpu.memory_space<hbm>>) target_semaphore(%run_scoped3A : memref<!tpu.dma_semaphore, #tpu.memory_space<semaphore_mem>>)
      %dma_wait3A_64 = tpu.memref_slice %arg9[%add3A_61] : memref<2048xf32, #tpu.memory_space<hbm>> -> memref<64xf32, #tpu.memory_space<hbm>>
      %dma_wait3A_65 = tpu.memref_slice %arg9[%add3A_61] : memref<2048xf32, #tpu.memory_space<hbm>> -> memref<64xf32, #tpu.memory_space<hbm>>
      tpu.wait_dma2 semaphore(%run_scoped3A : memref<!tpu.dma_semaphore, #tpu.memory_space<semaphore_mem>>) src(%arg14 : memref<64xf32, #tpu.memory_space<vmem>>) dst(%dma_wait3A_65 : memref<64xf32, #tpu.memory_space<hbm>>)
      tpu.yield
    }) : () -> ()
    return
  }
}

#map = affine_map<(d0, d1) -> (0, 0)>
#map1 = affine_map<(d0, d1) -> (0, 0, 0)>
#map2 = affine_map<(d0, d1) -> (0)>
module attributes {stable_mosaic.version = 14 : i64} {
  func.func @sc_agg(%arg0: i32, %arg1: i32, %arg2: memref<10000x128xf32, #tpu.memory_space<hbm>>, %arg3: memref<32x80x128xi32, #tpu.memory_space<hbm>>, %arg4: memref<32x80x128xi32, #tpu.memory_space<hbm>>, %arg5: memref<640x128xf32, #tpu.memory_space<hbm>>, %arg6: memref<640xf32, #tpu.memory_space<hbm>>, %arg7: memref<128xf32, #tpu.memory_space<hbm>>, %arg8: memref<20480x128xf32, #tpu.memory_space<hbm>>, %arg9: memref<20480xf32, #tpu.memory_space<hbm>>, %arg10: memref<40x128xi32, #tpu.memory_space<vmem>>, %arg11: memref<40x128xi32, #tpu.memory_space<vmem>>, %arg12: memref<2x128x128xf32, #tpu.memory_space<vmem>>, %arg13: memref<128xf32, #tpu.memory_space<vmem>>, %arg14: memref<640xf32, #tpu.memory_space<vmem>>, %arg15: memref<10240x128xf32, #tpu.memory_space<vmem_shared>>, %arg16: memref<10240xf32, #tpu.memory_space<vmem_shared>>, %arg17: memref<2x!tpu.dma_semaphore, #tpu.memory_space<semaphore_mem>>, %arg18: memref<2x!tpu.dma_semaphore, #tpu.memory_space<semaphore_mem>>, %arg19: memref<2x!tpu.dma_semaphore, #tpu.memory_space<semaphore_mem>>) attributes {dimension_semantics = [#tpu.dimension_semantics<core_parallel>, #tpu.dimension_semantics<subcore_parallel>], iteration_bounds = array<i64: 2, 16>, scalar_prefetch = 0 : i64, scratch_operands = 10 : i64, tpu.core_type = #tpu.core_type<sc_vector_subcore>, window_params = [{transform_indices = #map}, {transform_indices = #map1}, {transform_indices = #map1}, {transform_indices = #map}, {transform_indices = #map2}, {transform_indices = #map2}, {transform_indices = #map}, {transform_indices = #map2}]} {
    %mul3A = arith.constant 16 : i32
    %mul3A_0 = arith.muli %arg0, %mul3A : i32
    %add3A = arith.addi %mul3A_0, %arg1 : i32
    %mul3A_1 = arith.constant 640 : i32
    %mul3A_2 = arith.muli %arg1, %mul3A_1 : i32
    "tpu.region"() ({
      %run_scoped3A = tpu.sem_alloc : memref<!tpu.dma_semaphore, #tpu.memory_space<semaphore_mem>>
      %dma_start3A_89 = arith.constant 0 : i32
      %dma_start3A_90 = tpu.memref_slice %arg15[%mul3A_2, %dma_start3A_89] : memref<10240x128xf32, #tpu.memory_space<vmem_shared>> -> memref<640x128xf32, #tpu.memory_space<vmem_shared>>
      tpu.enqueue_dma source(%arg5 : memref<640x128xf32, #tpu.memory_space<hbm>>) target(%dma_start3A_90 : memref<640x128xf32, #tpu.memory_space<vmem_shared>>) target_semaphore(%run_scoped3A : memref<!tpu.dma_semaphore, #tpu.memory_space<semaphore_mem>>)
      %dma_wait3A_91 = arith.constant 0 : i32
      %dma_wait3A_92 = tpu.memref_slice %arg15[%mul3A_2, %dma_wait3A_91] : memref<10240x128xf32, #tpu.memory_space<vmem_shared>> -> memref<640x128xf32, #tpu.memory_space<vmem_shared>>
      tpu.wait_dma2 semaphore(%run_scoped3A : memref<!tpu.dma_semaphore, #tpu.memory_space<semaphore_mem>>) src(%arg5 : memref<640x128xf32, #tpu.memory_space<hbm>>) dst(%dma_wait3A_92 : memref<640x128xf32, #tpu.memory_space<vmem_shared>>)
      tpu.yield
    }) : () -> ()
    "tpu.region"() ({
      %run_scoped3A = tpu.sem_alloc : memref<!tpu.dma_semaphore, #tpu.memory_space<semaphore_mem>>
      tpu.enqueue_dma source(%arg6 : memref<640xf32, #tpu.memory_space<hbm>>) target(%arg14 : memref<640xf32, #tpu.memory_space<vmem>>) target_semaphore(%run_scoped3A : memref<!tpu.dma_semaphore, #tpu.memory_space<semaphore_mem>>)
      tpu.wait_dma2 semaphore(%run_scoped3A : memref<!tpu.dma_semaphore, #tpu.memory_space<semaphore_mem>>) src(%arg6 : memref<640xf32, #tpu.memory_space<hbm>>) dst(%arg14 : memref<640xf32, #tpu.memory_space<vmem>>)
      tpu.yield
    }) : () -> ()
    %mul3A_3 = arith.constant 640 : i32
    %mul3A_4 = arith.muli %arg1, %mul3A_3 : i32
    "tpu.region"() ({
      %run_scoped3A = tpu.sem_alloc : memref<!tpu.dma_semaphore, #tpu.memory_space<semaphore_mem>>
      %dma_start3A_89 = tpu.memref_slice %arg16[%mul3A_4] : memref<10240xf32, #tpu.memory_space<vmem_shared>> -> memref<640xf32, #tpu.memory_space<vmem_shared>>
      %dma_start3A_90 = tpu.memref_slice %arg16[%mul3A_4] : memref<10240xf32, #tpu.memory_space<vmem_shared>> -> memref<640xf32, #tpu.memory_space<vmem_shared>>
      tpu.enqueue_dma source(%arg14 : memref<640xf32, #tpu.memory_space<vmem>>) target(%dma_start3A_90 : memref<640xf32, #tpu.memory_space<vmem_shared>>) target_semaphore(%run_scoped3A : memref<!tpu.dma_semaphore, #tpu.memory_space<semaphore_mem>>)
      %dma_wait3A_91 = tpu.memref_slice %arg16[%mul3A_4] : memref<10240xf32, #tpu.memory_space<vmem_shared>> -> memref<640xf32, #tpu.memory_space<vmem_shared>>
      %dma_wait3A_92 = tpu.memref_slice %arg16[%mul3A_4] : memref<10240xf32, #tpu.memory_space<vmem_shared>> -> memref<640xf32, #tpu.memory_space<vmem_shared>>
      tpu.wait_dma2 semaphore(%run_scoped3A : memref<!tpu.dma_semaphore, #tpu.memory_space<semaphore_mem>>) src(%arg14 : memref<640xf32, #tpu.memory_space<vmem>>) dst(%dma_wait3A_92 : memref<640xf32, #tpu.memory_space<vmem_shared>>)
      tpu.yield
    }) : () -> ()
    "tpu.region"() ({
      %run_scoped3A = tpu.sem_alloc : memref<!tpu.dma_semaphore, #tpu.memory_space<semaphore_mem>>
      tpu.enqueue_dma source(%arg7 : memref<128xf32, #tpu.memory_space<hbm>>) target(%arg13 : memref<128xf32, #tpu.memory_space<vmem>>) target_semaphore(%run_scoped3A : memref<!tpu.dma_semaphore, #tpu.memory_space<semaphore_mem>>)
      tpu.wait_dma2 semaphore(%run_scoped3A : memref<!tpu.dma_semaphore, #tpu.memory_space<semaphore_mem>>) src(%arg7 : memref<128xf32, #tpu.memory_space<hbm>>) dst(%arg13 : memref<128xf32, #tpu.memory_space<vmem>>)
      tpu.yield
    }) : () -> ()
    %barrier3A = arith.constant 0 : index
    tpu.barrier barrier_id(%barrier3A)
    "tpu.region"() ({
      %run_scoped3A = tpu.sem_alloc : memref<!tpu.dma_semaphore, #tpu.memory_space<semaphore_mem>>
      %dma_start3A_89 = arith.constant 0 : i32
      %dma_start3A_90 = arith.constant 0 : i32
      %dma_start3A_91 = tpu.memref_slice %arg3[%add3A, %dma_start3A_89, %dma_start3A_90] : memref<32x80x128xi32, #tpu.memory_space<hbm>> -> memref<1x40x128xi32, #tpu.memory_space<hbm>>
      %dma_start3A_92 = tpu.memref_squeeze %dma_start3A_91 : memref<1x40x128xi32, #tpu.memory_space<hbm>> -> memref<40x128xi32, #tpu.memory_space<hbm>>
      %dma_start3A_93 = arith.constant 0 : i32
      %dma_start3A_94 = arith.constant 0 : i32
      %dma_start3A_95 = tpu.memref_slice %arg3[%add3A, %dma_start3A_93, %dma_start3A_94] : memref<32x80x128xi32, #tpu.memory_space<hbm>> -> memref<1x40x128xi32, #tpu.memory_space<hbm>>
      %dma_start3A_96 = tpu.memref_squeeze %dma_start3A_95 : memref<1x40x128xi32, #tpu.memory_space<hbm>> -> memref<40x128xi32, #tpu.memory_space<hbm>>
      tpu.enqueue_dma source(%dma_start3A_96 : memref<40x128xi32, #tpu.memory_space<hbm>>) target(%arg10 : memref<40x128xi32, #tpu.memory_space<vmem>>) target_semaphore(%run_scoped3A : memref<!tpu.dma_semaphore, #tpu.memory_space<semaphore_mem>>)
      %dma_wait3A_97 = arith.constant 0 : i32
      %dma_wait3A_98 = arith.constant 0 : i32
      %dma_wait3A_99 = tpu.memref_slice %arg3[%add3A, %dma_wait3A_97, %dma_wait3A_98] : memref<32x80x128xi32, #tpu.memory_space<hbm>> -> memref<1x40x128xi32, #tpu.memory_space<hbm>>
      %dma_wait3A_100 = tpu.memref_squeeze %dma_wait3A_99 : memref<1x40x128xi32, #tpu.memory_space<hbm>> -> memref<40x128xi32, #tpu.memory_space<hbm>>
      %dma_wait3A_101 = arith.constant 0 : i32
      %dma_wait3A_102 = arith.constant 0 : i32
      %dma_wait3A_103 = tpu.memref_slice %arg3[%add3A, %dma_wait3A_101, %dma_wait3A_102] : memref<32x80x128xi32, #tpu.memory_space<hbm>> -> memref<1x40x128xi32, #tpu.memory_space<hbm>>
      %dma_wait3A_104 = tpu.memref_squeeze %dma_wait3A_103 : memref<1x40x128xi32, #tpu.memory_space<hbm>> -> memref<40x128xi32, #tpu.memory_space<hbm>>
      tpu.wait_dma2 semaphore(%run_scoped3A : memref<!tpu.dma_semaphore, #tpu.memory_space<semaphore_mem>>) src(%dma_wait3A_104 : memref<40x128xi32, #tpu.memory_space<hbm>>) dst(%arg10 : memref<40x128xi32, #tpu.memory_space<vmem>>)
      tpu.yield
    }) : () -> ()
    "tpu.region"() ({
      %run_scoped3A = tpu.sem_alloc : memref<!tpu.dma_semaphore, #tpu.memory_space<semaphore_mem>>
      %dma_start3A_89 = arith.constant 0 : i32
      %dma_start3A_90 = arith.constant 0 : i32
      %dma_start3A_91 = tpu.memref_slice %arg4[%add3A, %dma_start3A_89, %dma_start3A_90] : memref<32x80x128xi32, #tpu.memory_space<hbm>> -> memref<1x40x128xi32, #tpu.memory_space<hbm>>
      %dma_start3A_92 = tpu.memref_squeeze %dma_start3A_91 : memref<1x40x128xi32, #tpu.memory_space<hbm>> -> memref<40x128xi32, #tpu.memory_space<hbm>>
      %dma_start3A_93 = arith.constant 0 : i32
      %dma_start3A_94 = arith.constant 0 : i32
      %dma_start3A_95 = tpu.memref_slice %arg4[%add3A, %dma_start3A_93, %dma_start3A_94] : memref<32x80x128xi32, #tpu.memory_space<hbm>> -> memref<1x40x128xi32, #tpu.memory_space<hbm>>
      %dma_start3A_96 = tpu.memref_squeeze %dma_start3A_95 : memref<1x40x128xi32, #tpu.memory_space<hbm>> -> memref<40x128xi32, #tpu.memory_space<hbm>>
      tpu.enqueue_dma source(%dma_start3A_96 : memref<40x128xi32, #tpu.memory_space<hbm>>) target(%arg11 : memref<40x128xi32, #tpu.memory_space<vmem>>) target_semaphore(%run_scoped3A : memref<!tpu.dma_semaphore, #tpu.memory_space<semaphore_mem>>)
      %dma_wait3A_97 = arith.constant 0 : i32
      %dma_wait3A_98 = arith.constant 0 : i32
      %dma_wait3A_99 = tpu.memref_slice %arg4[%add3A, %dma_wait3A_97, %dma_wait3A_98] : memref<32x80x128xi32, #tpu.memory_space<hbm>> -> memref<1x40x128xi32, #tpu.memory_space<hbm>>
      %dma_wait3A_100 = tpu.memref_squeeze %dma_wait3A_99 : memref<1x40x128xi32, #tpu.memory_space<hbm>> -> memref<40x128xi32, #tpu.memory_space<hbm>>
      %dma_wait3A_101 = arith.constant 0 : i32
      %dma_wait3A_102 = arith.constant 0 : i32
      %dma_wait3A_103 = tpu.memref_slice %arg4[%add3A, %dma_wait3A_101, %dma_wait3A_102] : memref<32x80x128xi32, #tpu.memory_space<hbm>> -> memref<1x40x128xi32, #tpu.memory_space<hbm>>
      %dma_wait3A_104 = tpu.memref_squeeze %dma_wait3A_103 : memref<1x40x128xi32, #tpu.memory_space<hbm>> -> memref<40x128xi32, #tpu.memory_space<hbm>>
      tpu.wait_dma2 semaphore(%run_scoped3A : memref<!tpu.dma_semaphore, #tpu.memory_space<semaphore_mem>>) src(%dma_wait3A_104 : memref<40x128xi32, #tpu.memory_space<hbm>>) dst(%arg11 : memref<40x128xi32, #tpu.memory_space<vmem>>)
      tpu.yield
    }) : () -> ()
    %dma_start3A = arith.constant 0 : i32
    %dma_start3A_5 = arith.constant 0 : i32
    %dma_start3A_6 = arith.constant 0 : i32
    %dma_start3A_7 = arith.constant 0 : i32
    %dma_start3A_8 = arith.constant 0 : i32
    %dma_start3A_9 = tpu.memref_slice %arg12[%dma_start3A_5, %dma_start3A_7, %dma_start3A_8] : memref<2x128x128xf32, #tpu.memory_space<vmem>> -> memref<1x128x128xf32, #tpu.memory_space<vmem>>
    %dma_start3A_10 = tpu.memref_squeeze %dma_start3A_9 : memref<1x128x128xf32, #tpu.memory_space<vmem>> -> memref<128x128xf32, #tpu.memory_space<vmem>>
    %dma_start3A_11 = arith.constant 0 : i32
    %dma_start3A_12 = tpu.memref_slice %arg10[%dma_start3A, %dma_start3A_11] : memref<40x128xi32, #tpu.memory_space<vmem>> -> memref<1x128xi32, #tpu.memory_space<vmem>>
    %dma_start3A_13 = tpu.memref_squeeze %dma_start3A_12 : memref<1x128xi32, #tpu.memory_space<vmem>> -> memref<128xi32, #tpu.memory_space<vmem>>
    %dma_start3A_14 = arith.constant 0 : i32
    %dma_start3A_15 = arith.constant 0 : i32
    %dma_start3A_16 = tpu.memref_slice %arg2[%dma_start3A_14, %dma_start3A_15] : memref<10000x128xf32, #tpu.memory_space<hbm>> -> memref<10000x128xf32, #tpu.memory_space<hbm>>
    %dma_start3A_17 = tpu.memref_slice %arg17[%dma_start3A_6] : memref<2x!tpu.dma_semaphore, #tpu.memory_space<semaphore_mem>> -> memref<1x!tpu.dma_semaphore, #tpu.memory_space<semaphore_mem>>
    %dma_start3A_18 = tpu.memref_squeeze %dma_start3A_17 : memref<1x!tpu.dma_semaphore, #tpu.memory_space<semaphore_mem>> -> memref<!tpu.dma_semaphore, #tpu.memory_space<semaphore_mem>>
    tpu.enqueue_indirect_dma source(%dma_start3A_16 : memref<10000x128xf32, #tpu.memory_space<hbm>>) target(%dma_start3A_10 : memref<128x128xf32, #tpu.memory_space<vmem>>) offsets(%dma_start3A_13 : memref<128xi32, #tpu.memory_space<vmem>>) semaphore(%dma_start3A_18 : memref<!tpu.dma_semaphore, #tpu.memory_space<semaphore_mem>>)
    %scan3A = arith.constant 0 : i32
    %scan3A_19 = arith.constant 0 : i32
    %scan3A_20 = arith.constant 40 : i32
    %scan3A_21 = arith.addi %scan3A_19, %scan3A_20 : i32
    %scan3A_22 = arith.constant 1 : i32
    scf.for %scan3A_89 = %scan3A_19 to %scan3A_21 step %scan3A_22  : i32 {
      %rem3A = arith.constant 2 : i32
      %rem3A_90 = arith.remsi %scan3A_89, %rem3A : i32
      %sub3A = arith.constant 1 : i32
      %sub3A_91 = arith.subi %sub3A, %rem3A_90 : i32
      %ge3A = arith.constant 1 : i32
      %ge3A_92 = arith.cmpi sge, %scan3A_89, %ge3A : i32
      %convert_element_type3A = arith.extui %ge3A_92 : i1 to i32
      %cond3A = arith.constant 0 : i32
      %cond3A_93 = arith.cmpi ne, %convert_element_type3A, %cond3A : i32
      scf.if %cond3A_93 {
        %dma_wait3A_124 = arith.constant 0 : i32
        %dma_wait3A_125 = arith.constant 0 : i32
        %dma_wait3A_126 = tpu.memref_slice %arg12[%sub3A_91, %dma_wait3A_124, %dma_wait3A_125] : memref<2x128x128xf32, #tpu.memory_space<vmem>> -> memref<1x128x128xf32, #tpu.memory_space<vmem>>
        %dma_wait3A_127 = tpu.memref_squeeze %dma_wait3A_126 : memref<1x128x128xf32, #tpu.memory_space<vmem>> -> memref<128x128xf32, #tpu.memory_space<vmem>>
        %dma_wait3A_128 = arith.constant 0 : i32
        %dma_wait3A_129 = tpu.memref_slice %arg11[%scan3A_89, %dma_wait3A_128] : memref<40x128xi32, #tpu.memory_space<vmem>> -> memref<1x128xi32, #tpu.memory_space<vmem>>
        %dma_wait3A_130 = tpu.memref_squeeze %dma_wait3A_129 : memref<1x128xi32, #tpu.memory_space<vmem>> -> memref<128xi32, #tpu.memory_space<vmem>>
        %dma_wait3A_131 = arith.constant 0 : i32
        %dma_wait3A_132 = arith.constant 0 : i32
        %dma_wait3A_133 = tpu.memref_slice %arg15[%dma_wait3A_131, %dma_wait3A_132] : memref<10240x128xf32, #tpu.memory_space<vmem_shared>> -> memref<10240x128xf32, #tpu.memory_space<vmem_shared>>
        %dma_wait3A_134 = tpu.memref_slice %arg18[%sub3A_91] : memref<2x!tpu.dma_semaphore, #tpu.memory_space<semaphore_mem>> -> memref<1x!tpu.dma_semaphore, #tpu.memory_space<semaphore_mem>>
        %dma_wait3A_135 = tpu.memref_squeeze %dma_wait3A_134 : memref<1x!tpu.dma_semaphore, #tpu.memory_space<semaphore_mem>> -> memref<!tpu.dma_semaphore, #tpu.memory_space<semaphore_mem>>
        tpu.wait_indirect_dma semaphore(%dma_wait3A_135 : memref<!tpu.dma_semaphore, #tpu.memory_space<semaphore_mem>>) src(%dma_wait3A_127 : memref<128x128xf32, #tpu.memory_space<vmem>>) dst(%dma_wait3A_133 : memref<10240x128xf32, #tpu.memory_space<vmem_shared>>)
      } else {
      }
      %add3A_94 = arith.constant 1 : i32
      %add3A_95 = arith.addi %scan3A_89, %add3A_94 : i32
      %lt3A = arith.constant 40 : i32
      %lt3A_96 = arith.cmpi slt, %add3A_95, %lt3A : i32
      %convert_element_type3A_97 = arith.extui %lt3A_96 : i1 to i32
      %cond3A_98 = arith.constant 0 : i32
      %cond3A_99 = arith.cmpi ne, %convert_element_type3A_97, %cond3A_98 : i32
      scf.if %cond3A_99 {
        %add3A_124 = arith.constant 1 : i32
        %add3A_125 = arith.addi %scan3A_89, %add3A_124 : i32
        %dma_start3A_126 = arith.constant 0 : i32
        %dma_start3A_127 = arith.constant 0 : i32
        %dma_start3A_128 = tpu.memref_slice %arg12[%sub3A_91, %dma_start3A_126, %dma_start3A_127] : memref<2x128x128xf32, #tpu.memory_space<vmem>> -> memref<1x128x128xf32, #tpu.memory_space<vmem>>
        %dma_start3A_129 = tpu.memref_squeeze %dma_start3A_128 : memref<1x128x128xf32, #tpu.memory_space<vmem>> -> memref<128x128xf32, #tpu.memory_space<vmem>>
        %dma_start3A_130 = arith.constant 0 : i32
        %dma_start3A_131 = tpu.memref_slice %arg10[%add3A_125, %dma_start3A_130] : memref<40x128xi32, #tpu.memory_space<vmem>> -> memref<1x128xi32, #tpu.memory_space<vmem>>
        %dma_start3A_132 = tpu.memref_squeeze %dma_start3A_131 : memref<1x128xi32, #tpu.memory_space<vmem>> -> memref<128xi32, #tpu.memory_space<vmem>>
        %dma_start3A_133 = arith.constant 0 : i32
        %dma_start3A_134 = arith.constant 0 : i32
        %dma_start3A_135 = tpu.memref_slice %arg2[%dma_start3A_133, %dma_start3A_134] : memref<10000x128xf32, #tpu.memory_space<hbm>> -> memref<10000x128xf32, #tpu.memory_space<hbm>>
        %dma_start3A_136 = tpu.memref_slice %arg17[%sub3A_91] : memref<2x!tpu.dma_semaphore, #tpu.memory_space<semaphore_mem>> -> memref<1x!tpu.dma_semaphore, #tpu.memory_space<semaphore_mem>>
        %dma_start3A_137 = tpu.memref_squeeze %dma_start3A_136 : memref<1x!tpu.dma_semaphore, #tpu.memory_space<semaphore_mem>> -> memref<!tpu.dma_semaphore, #tpu.memory_space<semaphore_mem>>
        tpu.enqueue_indirect_dma source(%dma_start3A_135 : memref<10000x128xf32, #tpu.memory_space<hbm>>) target(%dma_start3A_129 : memref<128x128xf32, #tpu.memory_space<vmem>>) offsets(%dma_start3A_132 : memref<128xi32, #tpu.memory_space<vmem>>) semaphore(%dma_start3A_137 : memref<!tpu.dma_semaphore, #tpu.memory_space<semaphore_mem>>)
      } else {
      }
      %dma_wait3A_100 = arith.constant 0 : i32
      %dma_wait3A_101 = arith.constant 0 : i32
      %dma_wait3A_102 = tpu.memref_slice %arg12[%rem3A_90, %dma_wait3A_100, %dma_wait3A_101] : memref<2x128x128xf32, #tpu.memory_space<vmem>> -> memref<1x128x128xf32, #tpu.memory_space<vmem>>
      %dma_wait3A_103 = tpu.memref_squeeze %dma_wait3A_102 : memref<1x128x128xf32, #tpu.memory_space<vmem>> -> memref<128x128xf32, #tpu.memory_space<vmem>>
      %dma_wait3A_104 = arith.constant 0 : i32
      %dma_wait3A_105 = tpu.memref_slice %arg10[%scan3A_89, %dma_wait3A_104] : memref<40x128xi32, #tpu.memory_space<vmem>> -> memref<1x128xi32, #tpu.memory_space<vmem>>
      %dma_wait3A_106 = tpu.memref_squeeze %dma_wait3A_105 : memref<1x128xi32, #tpu.memory_space<vmem>> -> memref<128xi32, #tpu.memory_space<vmem>>
      %dma_wait3A_107 = arith.constant 0 : i32
      %dma_wait3A_108 = arith.constant 0 : i32
      %dma_wait3A_109 = tpu.memref_slice %arg2[%dma_wait3A_107, %dma_wait3A_108] : memref<10000x128xf32, #tpu.memory_space<hbm>> -> memref<10000x128xf32, #tpu.memory_space<hbm>>
      %dma_wait3A_110 = tpu.memref_slice %arg17[%rem3A_90] : memref<2x!tpu.dma_semaphore, #tpu.memory_space<semaphore_mem>> -> memref<1x!tpu.dma_semaphore, #tpu.memory_space<semaphore_mem>>
      %dma_wait3A_111 = tpu.memref_squeeze %dma_wait3A_110 : memref<1x!tpu.dma_semaphore, #tpu.memory_space<semaphore_mem>> -> memref<!tpu.dma_semaphore, #tpu.memory_space<semaphore_mem>>
      tpu.wait_indirect_dma semaphore(%dma_wait3A_111 : memref<!tpu.dma_semaphore, #tpu.memory_space<semaphore_mem>>) src(%dma_wait3A_109 : memref<10000x128xf32, #tpu.memory_space<hbm>>) dst(%dma_wait3A_103 : memref<128x128xf32, #tpu.memory_space<vmem>>)
      %dma_start3A_112 = arith.constant 0 : i32
      %dma_start3A_113 = arith.constant 0 : i32
      %dma_start3A_114 = tpu.memref_slice %arg12[%rem3A_90, %dma_start3A_112, %dma_start3A_113] : memref<2x128x128xf32, #tpu.memory_space<vmem>> -> memref<1x128x128xf32, #tpu.memory_space<vmem>>
      %dma_start3A_115 = tpu.memref_squeeze %dma_start3A_114 : memref<1x128x128xf32, #tpu.memory_space<vmem>> -> memref<128x128xf32, #tpu.memory_space<vmem>>
      %dma_start3A_116 = arith.constant 0 : i32
      %dma_start3A_117 = tpu.memref_slice %arg11[%scan3A_89, %dma_start3A_116] : memref<40x128xi32, #tpu.memory_space<vmem>> -> memref<1x128xi32, #tpu.memory_space<vmem>>
      %dma_start3A_118 = tpu.memref_squeeze %dma_start3A_117 : memref<1x128xi32, #tpu.memory_space<vmem>> -> memref<128xi32, #tpu.memory_space<vmem>>
      %dma_start3A_119 = arith.constant 0 : i32
      %dma_start3A_120 = arith.constant 0 : i32
      %dma_start3A_121 = tpu.memref_slice %arg15[%dma_start3A_119, %dma_start3A_120] : memref<10240x128xf32, #tpu.memory_space<vmem_shared>> -> memref<10240x128xf32, #tpu.memory_space<vmem_shared>>
      %dma_start3A_122 = tpu.memref_slice %arg18[%rem3A_90] : memref<2x!tpu.dma_semaphore, #tpu.memory_space<semaphore_mem>> -> memref<1x!tpu.dma_semaphore, #tpu.memory_space<semaphore_mem>>
      %dma_start3A_123 = tpu.memref_squeeze %dma_start3A_122 : memref<1x!tpu.dma_semaphore, #tpu.memory_space<semaphore_mem>> -> memref<!tpu.dma_semaphore, #tpu.memory_space<semaphore_mem>>
      tpu.enqueue_indirect_dma source(%dma_start3A_115 : memref<128x128xf32, #tpu.memory_space<vmem>>) target(%dma_start3A_121 : memref<10240x128xf32, #tpu.memory_space<vmem_shared>>) offsets(%dma_start3A_118 : memref<128xi32, #tpu.memory_space<vmem>>) semaphore(%dma_start3A_123 : memref<!tpu.dma_semaphore, #tpu.memory_space<semaphore_mem>>) {add = true}
    }
    %scan3A_23 = arith.constant 40 : i32
    %dma_wait3A = arith.constant 1 : i32
    %dma_wait3A_24 = arith.constant 0 : i32
    %dma_wait3A_25 = arith.constant 1 : i32
    %dma_wait3A_26 = arith.constant 0 : i32
    %dma_wait3A_27 = arith.constant 0 : i32
    %dma_wait3A_28 = tpu.memref_slice %arg12[%dma_wait3A, %dma_wait3A_26, %dma_wait3A_27] : memref<2x128x128xf32, #tpu.memory_space<vmem>> -> memref<1x128x128xf32, #tpu.memory_space<vmem>>
    %dma_wait3A_29 = tpu.memref_squeeze %dma_wait3A_28 : memref<1x128x128xf32, #tpu.memory_space<vmem>> -> memref<128x128xf32, #tpu.memory_space<vmem>>
    %dma_wait3A_30 = arith.constant 0 : i32
    %dma_wait3A_31 = tpu.memref_slice %arg11[%dma_wait3A_24, %dma_wait3A_30] : memref<40x128xi32, #tpu.memory_space<vmem>> -> memref<1x128xi32, #tpu.memory_space<vmem>>
    %dma_wait3A_32 = tpu.memref_squeeze %dma_wait3A_31 : memref<1x128xi32, #tpu.memory_space<vmem>> -> memref<128xi32, #tpu.memory_space<vmem>>
    %dma_wait3A_33 = arith.constant 0 : i32
    %dma_wait3A_34 = arith.constant 0 : i32
    %dma_wait3A_35 = tpu.memref_slice %arg15[%dma_wait3A_33, %dma_wait3A_34] : memref<10240x128xf32, #tpu.memory_space<vmem_shared>> -> memref<10240x128xf32, #tpu.memory_space<vmem_shared>>
    %dma_wait3A_36 = tpu.memref_slice %arg18[%dma_wait3A_25] : memref<2x!tpu.dma_semaphore, #tpu.memory_space<semaphore_mem>> -> memref<1x!tpu.dma_semaphore, #tpu.memory_space<semaphore_mem>>
    %dma_wait3A_37 = tpu.memref_squeeze %dma_wait3A_36 : memref<1x!tpu.dma_semaphore, #tpu.memory_space<semaphore_mem>> -> memref<!tpu.dma_semaphore, #tpu.memory_space<semaphore_mem>>
    tpu.wait_indirect_dma semaphore(%dma_wait3A_37 : memref<!tpu.dma_semaphore, #tpu.memory_space<semaphore_mem>>) src(%dma_wait3A_29 : memref<128x128xf32, #tpu.memory_space<vmem>>) dst(%dma_wait3A_35 : memref<10240x128xf32, #tpu.memory_space<vmem_shared>>)
    "tpu.region"() ({
      %run_scoped3A = tpu.sem_alloc : memref<!tpu.dma_semaphore, #tpu.memory_space<semaphore_mem>>
      %dma_start3A_89 = arith.constant 40 : i32
      %dma_start3A_90 = arith.constant 0 : i32
      %dma_start3A_91 = tpu.memref_slice %arg3[%add3A, %dma_start3A_89, %dma_start3A_90] : memref<32x80x128xi32, #tpu.memory_space<hbm>> -> memref<1x40x128xi32, #tpu.memory_space<hbm>>
      %dma_start3A_92 = tpu.memref_squeeze %dma_start3A_91 : memref<1x40x128xi32, #tpu.memory_space<hbm>> -> memref<40x128xi32, #tpu.memory_space<hbm>>
      %dma_start3A_93 = arith.constant 40 : i32
      %dma_start3A_94 = arith.constant 0 : i32
      %dma_start3A_95 = tpu.memref_slice %arg3[%add3A, %dma_start3A_93, %dma_start3A_94] : memref<32x80x128xi32, #tpu.memory_space<hbm>> -> memref<1x40x128xi32, #tpu.memory_space<hbm>>
      %dma_start3A_96 = tpu.memref_squeeze %dma_start3A_95 : memref<1x40x128xi32, #tpu.memory_space<hbm>> -> memref<40x128xi32, #tpu.memory_space<hbm>>
      tpu.enqueue_dma source(%dma_start3A_96 : memref<40x128xi32, #tpu.memory_space<hbm>>) target(%arg10 : memref<40x128xi32, #tpu.memory_space<vmem>>) target_semaphore(%run_scoped3A : memref<!tpu.dma_semaphore, #tpu.memory_space<semaphore_mem>>)
      %dma_wait3A_97 = arith.constant 40 : i32
      %dma_wait3A_98 = arith.constant 0 : i32
      %dma_wait3A_99 = tpu.memref_slice %arg3[%add3A, %dma_wait3A_97, %dma_wait3A_98] : memref<32x80x128xi32, #tpu.memory_space<hbm>> -> memref<1x40x128xi32, #tpu.memory_space<hbm>>
      %dma_wait3A_100 = tpu.memref_squeeze %dma_wait3A_99 : memref<1x40x128xi32, #tpu.memory_space<hbm>> -> memref<40x128xi32, #tpu.memory_space<hbm>>
      %dma_wait3A_101 = arith.constant 40 : i32
      %dma_wait3A_102 = arith.constant 0 : i32
      %dma_wait3A_103 = tpu.memref_slice %arg3[%add3A, %dma_wait3A_101, %dma_wait3A_102] : memref<32x80x128xi32, #tpu.memory_space<hbm>> -> memref<1x40x128xi32, #tpu.memory_space<hbm>>
      %dma_wait3A_104 = tpu.memref_squeeze %dma_wait3A_103 : memref<1x40x128xi32, #tpu.memory_space<hbm>> -> memref<40x128xi32, #tpu.memory_space<hbm>>
      tpu.wait_dma2 semaphore(%run_scoped3A : memref<!tpu.dma_semaphore, #tpu.memory_space<semaphore_mem>>) src(%dma_wait3A_104 : memref<40x128xi32, #tpu.memory_space<hbm>>) dst(%arg10 : memref<40x128xi32, #tpu.memory_space<vmem>>)
      tpu.yield
    }) : () -> ()
    "tpu.region"() ({
      %run_scoped3A = tpu.sem_alloc : memref<!tpu.dma_semaphore, #tpu.memory_space<semaphore_mem>>
      %dma_start3A_89 = arith.constant 40 : i32
      %dma_start3A_90 = arith.constant 0 : i32
      %dma_start3A_91 = tpu.memref_slice %arg4[%add3A, %dma_start3A_89, %dma_start3A_90] : memref<32x80x128xi32, #tpu.memory_space<hbm>> -> memref<1x40x128xi32, #tpu.memory_space<hbm>>
      %dma_start3A_92 = tpu.memref_squeeze %dma_start3A_91 : memref<1x40x128xi32, #tpu.memory_space<hbm>> -> memref<40x128xi32, #tpu.memory_space<hbm>>
      %dma_start3A_93 = arith.constant 40 : i32
      %dma_start3A_94 = arith.constant 0 : i32
      %dma_start3A_95 = tpu.memref_slice %arg4[%add3A, %dma_start3A_93, %dma_start3A_94] : memref<32x80x128xi32, #tpu.memory_space<hbm>> -> memref<1x40x128xi32, #tpu.memory_space<hbm>>
      %dma_start3A_96 = tpu.memref_squeeze %dma_start3A_95 : memref<1x40x128xi32, #tpu.memory_space<hbm>> -> memref<40x128xi32, #tpu.memory_space<hbm>>
      tpu.enqueue_dma source(%dma_start3A_96 : memref<40x128xi32, #tpu.memory_space<hbm>>) target(%arg11 : memref<40x128xi32, #tpu.memory_space<vmem>>) target_semaphore(%run_scoped3A : memref<!tpu.dma_semaphore, #tpu.memory_space<semaphore_mem>>)
      %dma_wait3A_97 = arith.constant 40 : i32
      %dma_wait3A_98 = arith.constant 0 : i32
      %dma_wait3A_99 = tpu.memref_slice %arg4[%add3A, %dma_wait3A_97, %dma_wait3A_98] : memref<32x80x128xi32, #tpu.memory_space<hbm>> -> memref<1x40x128xi32, #tpu.memory_space<hbm>>
      %dma_wait3A_100 = tpu.memref_squeeze %dma_wait3A_99 : memref<1x40x128xi32, #tpu.memory_space<hbm>> -> memref<40x128xi32, #tpu.memory_space<hbm>>
      %dma_wait3A_101 = arith.constant 40 : i32
      %dma_wait3A_102 = arith.constant 0 : i32
      %dma_wait3A_103 = tpu.memref_slice %arg4[%add3A, %dma_wait3A_101, %dma_wait3A_102] : memref<32x80x128xi32, #tpu.memory_space<hbm>> -> memref<1x40x128xi32, #tpu.memory_space<hbm>>
      %dma_wait3A_104 = tpu.memref_squeeze %dma_wait3A_103 : memref<1x40x128xi32, #tpu.memory_space<hbm>> -> memref<40x128xi32, #tpu.memory_space<hbm>>
      tpu.wait_dma2 semaphore(%run_scoped3A : memref<!tpu.dma_semaphore, #tpu.memory_space<semaphore_mem>>) src(%dma_wait3A_104 : memref<40x128xi32, #tpu.memory_space<hbm>>) dst(%arg11 : memref<40x128xi32, #tpu.memory_space<vmem>>)
      tpu.yield
    }) : () -> ()
    %dma_start3A_38 = arith.constant 0 : i32
    %dma_start3A_39 = arith.constant 0 : i32
    %dma_start3A_40 = arith.constant 0 : i32
    %dma_start3A_41 = arith.constant 0 : i32
    %dma_start3A_42 = arith.constant 0 : i32
    %dma_start3A_43 = tpu.memref_slice %arg12[%dma_start3A_39, %dma_start3A_41, %dma_start3A_42] : memref<2x128x128xf32, #tpu.memory_space<vmem>> -> memref<1x128x128xf32, #tpu.memory_space<vmem>>
    %dma_start3A_44 = tpu.memref_squeeze %dma_start3A_43 : memref<1x128x128xf32, #tpu.memory_space<vmem>> -> memref<128x128xf32, #tpu.memory_space<vmem>>
    %dma_start3A_45 = arith.constant 0 : i32
    %dma_start3A_46 = tpu.memref_slice %arg10[%dma_start3A_38, %dma_start3A_45] : memref<40x128xi32, #tpu.memory_space<vmem>> -> memref<1x128xi32, #tpu.memory_space<vmem>>
    %dma_start3A_47 = tpu.memref_squeeze %dma_start3A_46 : memref<1x128xi32, #tpu.memory_space<vmem>> -> memref<128xi32, #tpu.memory_space<vmem>>
    %dma_start3A_48 = arith.constant 0 : i32
    %dma_start3A_49 = arith.constant 0 : i32
    %dma_start3A_50 = tpu.memref_slice %arg2[%dma_start3A_48, %dma_start3A_49] : memref<10000x128xf32, #tpu.memory_space<hbm>> -> memref<10000x128xf32, #tpu.memory_space<hbm>>
    %dma_start3A_51 = tpu.memref_slice %arg17[%dma_start3A_40] : memref<2x!tpu.dma_semaphore, #tpu.memory_space<semaphore_mem>> -> memref<1x!tpu.dma_semaphore, #tpu.memory_space<semaphore_mem>>
    %dma_start3A_52 = tpu.memref_squeeze %dma_start3A_51 : memref<1x!tpu.dma_semaphore, #tpu.memory_space<semaphore_mem>> -> memref<!tpu.dma_semaphore, #tpu.memory_space<semaphore_mem>>
    tpu.enqueue_indirect_dma source(%dma_start3A_50 : memref<10000x128xf32, #tpu.memory_space<hbm>>) target(%dma_start3A_44 : memref<128x128xf32, #tpu.memory_space<vmem>>) offsets(%dma_start3A_47 : memref<128xi32, #tpu.memory_space<vmem>>) semaphore(%dma_start3A_52 : memref<!tpu.dma_semaphore, #tpu.memory_space<semaphore_mem>>)
    %scan3A_53 = arith.constant 0 : i32
    %scan3A_54 = arith.constant 0 : i32
    %scan3A_55 = arith.constant 40 : i32
    %scan3A_56 = arith.addi %scan3A_54, %scan3A_55 : i32
    %scan3A_57 = arith.constant 1 : i32
    scf.for %scan3A_89 = %scan3A_54 to %scan3A_56 step %scan3A_57  : i32 {
      %rem3A = arith.constant 2 : i32
      %rem3A_90 = arith.remsi %scan3A_89, %rem3A : i32
      %sub3A = arith.constant 1 : i32
      %sub3A_91 = arith.subi %sub3A, %rem3A_90 : i32
      %ge3A = arith.constant 1 : i32
      %ge3A_92 = arith.cmpi sge, %scan3A_89, %ge3A : i32
      %convert_element_type3A = arith.extui %ge3A_92 : i1 to i32
      %cond3A = arith.constant 0 : i32
      %cond3A_93 = arith.cmpi ne, %convert_element_type3A, %cond3A : i32
      scf.if %cond3A_93 {
        %dma_wait3A_124 = arith.constant 0 : i32
        %dma_wait3A_125 = arith.constant 0 : i32
        %dma_wait3A_126 = tpu.memref_slice %arg12[%sub3A_91, %dma_wait3A_124, %dma_wait3A_125] : memref<2x128x128xf32, #tpu.memory_space<vmem>> -> memref<1x128x128xf32, #tpu.memory_space<vmem>>
        %dma_wait3A_127 = tpu.memref_squeeze %dma_wait3A_126 : memref<1x128x128xf32, #tpu.memory_space<vmem>> -> memref<128x128xf32, #tpu.memory_space<vmem>>
        %dma_wait3A_128 = arith.constant 0 : i32
        %dma_wait3A_129 = tpu.memref_slice %arg11[%scan3A_89, %dma_wait3A_128] : memref<40x128xi32, #tpu.memory_space<vmem>> -> memref<1x128xi32, #tpu.memory_space<vmem>>
        %dma_wait3A_130 = tpu.memref_squeeze %dma_wait3A_129 : memref<1x128xi32, #tpu.memory_space<vmem>> -> memref<128xi32, #tpu.memory_space<vmem>>
        %dma_wait3A_131 = arith.constant 0 : i32
        %dma_wait3A_132 = arith.constant 0 : i32
        %dma_wait3A_133 = tpu.memref_slice %arg15[%dma_wait3A_131, %dma_wait3A_132] : memref<10240x128xf32, #tpu.memory_space<vmem_shared>> -> memref<10240x128xf32, #tpu.memory_space<vmem_shared>>
        %dma_wait3A_134 = tpu.memref_slice %arg18[%sub3A_91] : memref<2x!tpu.dma_semaphore, #tpu.memory_space<semaphore_mem>> -> memref<1x!tpu.dma_semaphore, #tpu.memory_space<semaphore_mem>>
        %dma_wait3A_135 = tpu.memref_squeeze %dma_wait3A_134 : memref<1x!tpu.dma_semaphore, #tpu.memory_space<semaphore_mem>> -> memref<!tpu.dma_semaphore, #tpu.memory_space<semaphore_mem>>
        tpu.wait_indirect_dma semaphore(%dma_wait3A_135 : memref<!tpu.dma_semaphore, #tpu.memory_space<semaphore_mem>>) src(%dma_wait3A_127 : memref<128x128xf32, #tpu.memory_space<vmem>>) dst(%dma_wait3A_133 : memref<10240x128xf32, #tpu.memory_space<vmem_shared>>)
      } else {
      }
      %add3A_94 = arith.constant 1 : i32
      %add3A_95 = arith.addi %scan3A_89, %add3A_94 : i32
      %lt3A = arith.constant 40 : i32
      %lt3A_96 = arith.cmpi slt, %add3A_95, %lt3A : i32
      %convert_element_type3A_97 = arith.extui %lt3A_96 : i1 to i32
      %cond3A_98 = arith.constant 0 : i32
      %cond3A_99 = arith.cmpi ne, %convert_element_type3A_97, %cond3A_98 : i32
      scf.if %cond3A_99 {
        %add3A_124 = arith.constant 1 : i32
        %add3A_125 = arith.addi %scan3A_89, %add3A_124 : i32
        %dma_start3A_126 = arith.constant 0 : i32
        %dma_start3A_127 = arith.constant 0 : i32
        %dma_start3A_128 = tpu.memref_slice %arg12[%sub3A_91, %dma_start3A_126, %dma_start3A_127] : memref<2x128x128xf32, #tpu.memory_space<vmem>> -> memref<1x128x128xf32, #tpu.memory_space<vmem>>
        %dma_start3A_129 = tpu.memref_squeeze %dma_start3A_128 : memref<1x128x128xf32, #tpu.memory_space<vmem>> -> memref<128x128xf32, #tpu.memory_space<vmem>>
        %dma_start3A_130 = arith.constant 0 : i32
        %dma_start3A_131 = tpu.memref_slice %arg10[%add3A_125, %dma_start3A_130] : memref<40x128xi32, #tpu.memory_space<vmem>> -> memref<1x128xi32, #tpu.memory_space<vmem>>
        %dma_start3A_132 = tpu.memref_squeeze %dma_start3A_131 : memref<1x128xi32, #tpu.memory_space<vmem>> -> memref<128xi32, #tpu.memory_space<vmem>>
        %dma_start3A_133 = arith.constant 0 : i32
        %dma_start3A_134 = arith.constant 0 : i32
        %dma_start3A_135 = tpu.memref_slice %arg2[%dma_start3A_133, %dma_start3A_134] : memref<10000x128xf32, #tpu.memory_space<hbm>> -> memref<10000x128xf32, #tpu.memory_space<hbm>>
        %dma_start3A_136 = tpu.memref_slice %arg17[%sub3A_91] : memref<2x!tpu.dma_semaphore, #tpu.memory_space<semaphore_mem>> -> memref<1x!tpu.dma_semaphore, #tpu.memory_space<semaphore_mem>>
        %dma_start3A_137 = tpu.memref_squeeze %dma_start3A_136 : memref<1x!tpu.dma_semaphore, #tpu.memory_space<semaphore_mem>> -> memref<!tpu.dma_semaphore, #tpu.memory_space<semaphore_mem>>
        tpu.enqueue_indirect_dma source(%dma_start3A_135 : memref<10000x128xf32, #tpu.memory_space<hbm>>) target(%dma_start3A_129 : memref<128x128xf32, #tpu.memory_space<vmem>>) offsets(%dma_start3A_132 : memref<128xi32, #tpu.memory_space<vmem>>) semaphore(%dma_start3A_137 : memref<!tpu.dma_semaphore, #tpu.memory_space<semaphore_mem>>)
      } else {
      }
      %dma_wait3A_100 = arith.constant 0 : i32
      %dma_wait3A_101 = arith.constant 0 : i32
      %dma_wait3A_102 = tpu.memref_slice %arg12[%rem3A_90, %dma_wait3A_100, %dma_wait3A_101] : memref<2x128x128xf32, #tpu.memory_space<vmem>> -> memref<1x128x128xf32, #tpu.memory_space<vmem>>
      %dma_wait3A_103 = tpu.memref_squeeze %dma_wait3A_102 : memref<1x128x128xf32, #tpu.memory_space<vmem>> -> memref<128x128xf32, #tpu.memory_space<vmem>>
      %dma_wait3A_104 = arith.constant 0 : i32
      %dma_wait3A_105 = tpu.memref_slice %arg10[%scan3A_89, %dma_wait3A_104] : memref<40x128xi32, #tpu.memory_space<vmem>> -> memref<1x128xi32, #tpu.memory_space<vmem>>
      %dma_wait3A_106 = tpu.memref_squeeze %dma_wait3A_105 : memref<1x128xi32, #tpu.memory_space<vmem>> -> memref<128xi32, #tpu.memory_space<vmem>>
      %dma_wait3A_107 = arith.constant 0 : i32
      %dma_wait3A_108 = arith.constant 0 : i32
      %dma_wait3A_109 = tpu.memref_slice %arg2[%dma_wait3A_107, %dma_wait3A_108] : memref<10000x128xf32, #tpu.memory_space<hbm>> -> memref<10000x128xf32, #tpu.memory_space<hbm>>
      %dma_wait3A_110 = tpu.memref_slice %arg17[%rem3A_90] : memref<2x!tpu.dma_semaphore, #tpu.memory_space<semaphore_mem>> -> memref<1x!tpu.dma_semaphore, #tpu.memory_space<semaphore_mem>>
      %dma_wait3A_111 = tpu.memref_squeeze %dma_wait3A_110 : memref<1x!tpu.dma_semaphore, #tpu.memory_space<semaphore_mem>> -> memref<!tpu.dma_semaphore, #tpu.memory_space<semaphore_mem>>
      tpu.wait_indirect_dma semaphore(%dma_wait3A_111 : memref<!tpu.dma_semaphore, #tpu.memory_space<semaphore_mem>>) src(%dma_wait3A_109 : memref<10000x128xf32, #tpu.memory_space<hbm>>) dst(%dma_wait3A_103 : memref<128x128xf32, #tpu.memory_space<vmem>>)
      %dma_start3A_112 = arith.constant 0 : i32
      %dma_start3A_113 = arith.constant 0 : i32
      %dma_start3A_114 = tpu.memref_slice %arg12[%rem3A_90, %dma_start3A_112, %dma_start3A_113] : memref<2x128x128xf32, #tpu.memory_space<vmem>> -> memref<1x128x128xf32, #tpu.memory_space<vmem>>
      %dma_start3A_115 = tpu.memref_squeeze %dma_start3A_114 : memref<1x128x128xf32, #tpu.memory_space<vmem>> -> memref<128x128xf32, #tpu.memory_space<vmem>>
      %dma_start3A_116 = arith.constant 0 : i32
      %dma_start3A_117 = tpu.memref_slice %arg11[%scan3A_89, %dma_start3A_116] : memref<40x128xi32, #tpu.memory_space<vmem>> -> memref<1x128xi32, #tpu.memory_space<vmem>>
      %dma_start3A_118 = tpu.memref_squeeze %dma_start3A_117 : memref<1x128xi32, #tpu.memory_space<vmem>> -> memref<128xi32, #tpu.memory_space<vmem>>
      %dma_start3A_119 = arith.constant 0 : i32
      %dma_start3A_120 = arith.constant 0 : i32
      %dma_start3A_121 = tpu.memref_slice %arg15[%dma_start3A_119, %dma_start3A_120] : memref<10240x128xf32, #tpu.memory_space<vmem_shared>> -> memref<10240x128xf32, #tpu.memory_space<vmem_shared>>
      %dma_start3A_122 = tpu.memref_slice %arg18[%rem3A_90] : memref<2x!tpu.dma_semaphore, #tpu.memory_space<semaphore_mem>> -> memref<1x!tpu.dma_semaphore, #tpu.memory_space<semaphore_mem>>
      %dma_start3A_123 = tpu.memref_squeeze %dma_start3A_122 : memref<1x!tpu.dma_semaphore, #tpu.memory_space<semaphore_mem>> -> memref<!tpu.dma_semaphore, #tpu.memory_space<semaphore_mem>>
      tpu.enqueue_indirect_dma source(%dma_start3A_115 : memref<128x128xf32, #tpu.memory_space<vmem>>) target(%dma_start3A_121 : memref<10240x128xf32, #tpu.memory_space<vmem_shared>>) offsets(%dma_start3A_118 : memref<128xi32, #tpu.memory_space<vmem>>) semaphore(%dma_start3A_123 : memref<!tpu.dma_semaphore, #tpu.memory_space<semaphore_mem>>) {add = true}
    }
    %scan3A_58 = arith.constant 40 : i32
    %dma_wait3A_59 = arith.constant 1 : i32
    %dma_wait3A_60 = arith.constant 0 : i32
    %dma_wait3A_61 = arith.constant 1 : i32
    %dma_wait3A_62 = arith.constant 0 : i32
    %dma_wait3A_63 = arith.constant 0 : i32
    %dma_wait3A_64 = tpu.memref_slice %arg12[%dma_wait3A_59, %dma_wait3A_62, %dma_wait3A_63] : memref<2x128x128xf32, #tpu.memory_space<vmem>> -> memref<1x128x128xf32, #tpu.memory_space<vmem>>
    %dma_wait3A_65 = tpu.memref_squeeze %dma_wait3A_64 : memref<1x128x128xf32, #tpu.memory_space<vmem>> -> memref<128x128xf32, #tpu.memory_space<vmem>>
    %dma_wait3A_66 = arith.constant 0 : i32
    %dma_wait3A_67 = tpu.memref_slice %arg11[%dma_wait3A_60, %dma_wait3A_66] : memref<40x128xi32, #tpu.memory_space<vmem>> -> memref<1x128xi32, #tpu.memory_space<vmem>>
    %dma_wait3A_68 = tpu.memref_squeeze %dma_wait3A_67 : memref<1x128xi32, #tpu.memory_space<vmem>> -> memref<128xi32, #tpu.memory_space<vmem>>
    %dma_wait3A_69 = arith.constant 0 : i32
    %dma_wait3A_70 = arith.constant 0 : i32
    %dma_wait3A_71 = tpu.memref_slice %arg15[%dma_wait3A_69, %dma_wait3A_70] : memref<10240x128xf32, #tpu.memory_space<vmem_shared>> -> memref<10240x128xf32, #tpu.memory_space<vmem_shared>>
    %dma_wait3A_72 = tpu.memref_slice %arg18[%dma_wait3A_61] : memref<2x!tpu.dma_semaphore, #tpu.memory_space<semaphore_mem>> -> memref<1x!tpu.dma_semaphore, #tpu.memory_space<semaphore_mem>>
    %dma_wait3A_73 = tpu.memref_squeeze %dma_wait3A_72 : memref<1x!tpu.dma_semaphore, #tpu.memory_space<semaphore_mem>> -> memref<!tpu.dma_semaphore, #tpu.memory_space<semaphore_mem>>
    tpu.wait_indirect_dma semaphore(%dma_wait3A_73 : memref<!tpu.dma_semaphore, #tpu.memory_space<semaphore_mem>>) src(%dma_wait3A_65 : memref<128x128xf32, #tpu.memory_space<vmem>>) dst(%dma_wait3A_71 : memref<10240x128xf32, #tpu.memory_space<vmem_shared>>)
    %barrier3A_74 = arith.constant 0 : index
    tpu.barrier barrier_id(%barrier3A_74)
    %mul3A_75 = arith.constant 640 : i32
    %mul3A_76 = arith.muli %arg1, %mul3A_75 : i32
    %mul3A_77 = arith.constant 10240 : i32
    %mul3A_78 = arith.muli %arg0, %mul3A_77 : i32
    %mul3A_79 = arith.constant 640 : i32
    %mul3A_80 = arith.muli %arg1, %mul3A_79 : i32
    %add3A_81 = arith.addi %mul3A_78, %mul3A_80 : i32
    "tpu.region"() ({
      %run_scoped3A = tpu.sem_alloc : memref<!tpu.dma_semaphore, #tpu.memory_space<semaphore_mem>>
      %dma_start3A_89 = arith.constant 0 : i32
      %dma_start3A_90 = tpu.memref_slice %arg8[%add3A_81, %dma_start3A_89] : memref<20480x128xf32, #tpu.memory_space<hbm>> -> memref<640x128xf32, #tpu.memory_space<hbm>>
      %dma_start3A_91 = arith.constant 0 : i32
      %dma_start3A_92 = tpu.memref_slice %arg15[%mul3A_76, %dma_start3A_91] : memref<10240x128xf32, #tpu.memory_space<vmem_shared>> -> memref<640x128xf32, #tpu.memory_space<vmem_shared>>
      tpu.enqueue_dma source(%dma_start3A_92 : memref<640x128xf32, #tpu.memory_space<vmem_shared>>) target(%dma_start3A_90 : memref<640x128xf32, #tpu.memory_space<hbm>>) target_semaphore(%run_scoped3A : memref<!tpu.dma_semaphore, #tpu.memory_space<semaphore_mem>>)
      %dma_wait3A_93 = arith.constant 0 : i32
      %dma_wait3A_94 = tpu.memref_slice %arg8[%add3A_81, %dma_wait3A_93] : memref<20480x128xf32, #tpu.memory_space<hbm>> -> memref<640x128xf32, #tpu.memory_space<hbm>>
      %dma_wait3A_95 = arith.constant 0 : i32
      %dma_wait3A_96 = tpu.memref_slice %arg15[%mul3A_76, %dma_wait3A_95] : memref<10240x128xf32, #tpu.memory_space<vmem_shared>> -> memref<640x128xf32, #tpu.memory_space<vmem_shared>>
      tpu.wait_dma2 semaphore(%run_scoped3A : memref<!tpu.dma_semaphore, #tpu.memory_space<semaphore_mem>>) src(%dma_wait3A_96 : memref<640x128xf32, #tpu.memory_space<vmem_shared>>) dst(%dma_wait3A_94 : memref<640x128xf32, #tpu.memory_space<hbm>>)
      tpu.yield
    }) : () -> ()
    %mul3A_82 = arith.constant 640 : i32
    %mul3A_83 = arith.muli %arg1, %mul3A_82 : i32
    "tpu.region"() ({
      %run_scoped3A = tpu.sem_alloc : memref<!tpu.dma_semaphore, #tpu.memory_space<semaphore_mem>>
      %dma_start3A_89 = tpu.memref_slice %arg16[%mul3A_83] : memref<10240xf32, #tpu.memory_space<vmem_shared>> -> memref<640xf32, #tpu.memory_space<vmem_shared>>
      %dma_start3A_90 = tpu.memref_slice %arg16[%mul3A_83] : memref<10240xf32, #tpu.memory_space<vmem_shared>> -> memref<640xf32, #tpu.memory_space<vmem_shared>>
      tpu.enqueue_dma source(%dma_start3A_90 : memref<640xf32, #tpu.memory_space<vmem_shared>>) target(%arg14 : memref<640xf32, #tpu.memory_space<vmem>>) target_semaphore(%run_scoped3A : memref<!tpu.dma_semaphore, #tpu.memory_space<semaphore_mem>>)
      %dma_wait3A_91 = tpu.memref_slice %arg16[%mul3A_83] : memref<10240xf32, #tpu.memory_space<vmem_shared>> -> memref<640xf32, #tpu.memory_space<vmem_shared>>
      %dma_wait3A_92 = tpu.memref_slice %arg16[%mul3A_83] : memref<10240xf32, #tpu.memory_space<vmem_shared>> -> memref<640xf32, #tpu.memory_space<vmem_shared>>
      tpu.wait_dma2 semaphore(%run_scoped3A : memref<!tpu.dma_semaphore, #tpu.memory_space<semaphore_mem>>) src(%dma_wait3A_92 : memref<640xf32, #tpu.memory_space<vmem_shared>>) dst(%arg14 : memref<640xf32, #tpu.memory_space<vmem>>)
      tpu.yield
    }) : () -> ()
    %mul3A_84 = arith.constant 10240 : i32
    %mul3A_85 = arith.muli %arg0, %mul3A_84 : i32
    %mul3A_86 = arith.constant 640 : i32
    %mul3A_87 = arith.muli %arg1, %mul3A_86 : i32
    %add3A_88 = arith.addi %mul3A_85, %mul3A_87 : i32
    "tpu.region"() ({
      %run_scoped3A = tpu.sem_alloc : memref<!tpu.dma_semaphore, #tpu.memory_space<semaphore_mem>>
      %dma_start3A_89 = tpu.memref_slice %arg9[%add3A_88] : memref<20480xf32, #tpu.memory_space<hbm>> -> memref<640xf32, #tpu.memory_space<hbm>>
      %dma_start3A_90 = tpu.memref_slice %arg9[%add3A_88] : memref<20480xf32, #tpu.memory_space<hbm>> -> memref<640xf32, #tpu.memory_space<hbm>>
      tpu.enqueue_dma source(%arg14 : memref<640xf32, #tpu.memory_space<vmem>>) target(%dma_start3A_90 : memref<640xf32, #tpu.memory_space<hbm>>) target_semaphore(%run_scoped3A : memref<!tpu.dma_semaphore, #tpu.memory_space<semaphore_mem>>)
      %dma_wait3A_91 = tpu.memref_slice %arg9[%add3A_88] : memref<20480xf32, #tpu.memory_space<hbm>> -> memref<640xf32, #tpu.memory_space<hbm>>
      %dma_wait3A_92 = tpu.memref_slice %arg9[%add3A_88] : memref<20480xf32, #tpu.memory_space<hbm>> -> memref<640xf32, #tpu.memory_space<hbm>>
      tpu.wait_dma2 semaphore(%run_scoped3A : memref<!tpu.dma_semaphore, #tpu.memory_space<semaphore_mem>>) src(%arg14 : memref<640xf32, #tpu.memory_space<vmem>>) dst(%dma_wait3A_92 : memref<640xf32, #tpu.memory_space<hbm>>)
      tpu.yield
    }) : () -> ()
    return
  }
}

#map = affine_map<(d0, d1) -> (0, 0)>
#map1 = affine_map<(d0, d1) -> (0, 0, 0)>
#map2 = affine_map<(d0, d1) -> (0)>
module attributes {stable_mosaic.version = 14 : i64} {
  func.func @sc_agg(%arg0: i32, %arg1: i32, %arg2: memref<1000x128xf32, #tpu.memory_space<hbm>>, %arg3: memref<32x4x128xi32, #tpu.memory_space<hbm>>, %arg4: memref<32x4x128xi32, #tpu.memory_space<hbm>>, %arg5: memref<64x128xf32, #tpu.memory_space<hbm>>, %arg6: memref<64xf32, #tpu.memory_space<hbm>>, %arg7: memref<128xf32, #tpu.memory_space<hbm>>, %arg8: memref<2048x128xf32, #tpu.memory_space<hbm>>, %arg9: memref<2048xf32, #tpu.memory_space<hbm>>, %arg10: memref<4x128xi32, #tpu.memory_space<vmem>>, %arg11: memref<4x128xi32, #tpu.memory_space<vmem>>, %arg12: memref<2x128x128xf32, #tpu.memory_space<vmem>>, %arg13: memref<128xf32, #tpu.memory_space<vmem>>, %arg14: memref<64xf32, #tpu.memory_space<vmem>>, %arg15: memref<1024x128xf32, #tpu.memory_space<vmem_shared>>, %arg16: memref<1024xf32, #tpu.memory_space<vmem_shared>>, %arg17: memref<2x!tpu.dma_semaphore, #tpu.memory_space<semaphore_mem>>, %arg18: memref<2x!tpu.dma_semaphore, #tpu.memory_space<semaphore_mem>>, %arg19: memref<2x!tpu.dma_semaphore, #tpu.memory_space<semaphore_mem>>) attributes {dimension_semantics = [#tpu.dimension_semantics<core_parallel>, #tpu.dimension_semantics<subcore_parallel>], iteration_bounds = array<i64: 2, 16>, scalar_prefetch = 0 : i64, scratch_operands = 10 : i64, tpu.core_type = #tpu.core_type<sc_vector_subcore>, window_params = [{transform_indices = #map}, {transform_indices = #map1}, {transform_indices = #map1}, {transform_indices = #map}, {transform_indices = #map2}, {transform_indices = #map2}, {transform_indices = #map}, {transform_indices = #map2}]} {
    %mul3A = arith.constant 16 : i32
    %mul3A_0 = arith.muli %arg0, %mul3A : i32
    %add3A = arith.addi %mul3A_0, %arg1 : i32
    %mul3A_1 = arith.constant 64 : i32
    %mul3A_2 = arith.muli %arg1, %mul3A_1 : i32
    "tpu.region"() ({
      %run_scoped3A = tpu.sem_alloc : memref<!tpu.dma_semaphore, #tpu.memory_space<semaphore_mem>>
      %dma_start3A_53 = arith.constant 0 : i32
      %dma_start3A_54 = tpu.memref_slice %arg15[%mul3A_2, %dma_start3A_53] : memref<1024x128xf32, #tpu.memory_space<vmem_shared>> -> memref<64x128xf32, #tpu.memory_space<vmem_shared>>
      tpu.enqueue_dma source(%arg5 : memref<64x128xf32, #tpu.memory_space<hbm>>) target(%dma_start3A_54 : memref<64x128xf32, #tpu.memory_space<vmem_shared>>) target_semaphore(%run_scoped3A : memref<!tpu.dma_semaphore, #tpu.memory_space<semaphore_mem>>)
      %dma_wait3A_55 = arith.constant 0 : i32
      %dma_wait3A_56 = tpu.memref_slice %arg15[%mul3A_2, %dma_wait3A_55] : memref<1024x128xf32, #tpu.memory_space<vmem_shared>> -> memref<64x128xf32, #tpu.memory_space<vmem_shared>>
      tpu.wait_dma2 semaphore(%run_scoped3A : memref<!tpu.dma_semaphore, #tpu.memory_space<semaphore_mem>>) src(%arg5 : memref<64x128xf32, #tpu.memory_space<hbm>>) dst(%dma_wait3A_56 : memref<64x128xf32, #tpu.memory_space<vmem_shared>>)
      tpu.yield
    }) : () -> ()
    "tpu.region"() ({
      %run_scoped3A = tpu.sem_alloc : memref<!tpu.dma_semaphore, #tpu.memory_space<semaphore_mem>>
      tpu.enqueue_dma source(%arg6 : memref<64xf32, #tpu.memory_space<hbm>>) target(%arg14 : memref<64xf32, #tpu.memory_space<vmem>>) target_semaphore(%run_scoped3A : memref<!tpu.dma_semaphore, #tpu.memory_space<semaphore_mem>>)
      tpu.wait_dma2 semaphore(%run_scoped3A : memref<!tpu.dma_semaphore, #tpu.memory_space<semaphore_mem>>) src(%arg6 : memref<64xf32, #tpu.memory_space<hbm>>) dst(%arg14 : memref<64xf32, #tpu.memory_space<vmem>>)
      tpu.yield
    }) : () -> ()
    %mul3A_3 = arith.constant 64 : i32
    %mul3A_4 = arith.muli %arg1, %mul3A_3 : i32
    "tpu.region"() ({
      %run_scoped3A = tpu.sem_alloc : memref<!tpu.dma_semaphore, #tpu.memory_space<semaphore_mem>>
      %dma_start3A_53 = tpu.memref_slice %arg16[%mul3A_4] : memref<1024xf32, #tpu.memory_space<vmem_shared>> -> memref<64xf32, #tpu.memory_space<vmem_shared>>
      %dma_start3A_54 = tpu.memref_slice %arg16[%mul3A_4] : memref<1024xf32, #tpu.memory_space<vmem_shared>> -> memref<64xf32, #tpu.memory_space<vmem_shared>>
      tpu.enqueue_dma source(%arg14 : memref<64xf32, #tpu.memory_space<vmem>>) target(%dma_start3A_54 : memref<64xf32, #tpu.memory_space<vmem_shared>>) target_semaphore(%run_scoped3A : memref<!tpu.dma_semaphore, #tpu.memory_space<semaphore_mem>>)
      %dma_wait3A_55 = tpu.memref_slice %arg16[%mul3A_4] : memref<1024xf32, #tpu.memory_space<vmem_shared>> -> memref<64xf32, #tpu.memory_space<vmem_shared>>
      %dma_wait3A_56 = tpu.memref_slice %arg16[%mul3A_4] : memref<1024xf32, #tpu.memory_space<vmem_shared>> -> memref<64xf32, #tpu.memory_space<vmem_shared>>
      tpu.wait_dma2 semaphore(%run_scoped3A : memref<!tpu.dma_semaphore, #tpu.memory_space<semaphore_mem>>) src(%arg14 : memref<64xf32, #tpu.memory_space<vmem>>) dst(%dma_wait3A_56 : memref<64xf32, #tpu.memory_space<vmem_shared>>)
      tpu.yield
    }) : () -> ()
    "tpu.region"() ({
      %run_scoped3A = tpu.sem_alloc : memref<!tpu.dma_semaphore, #tpu.memory_space<semaphore_mem>>
      tpu.enqueue_dma source(%arg7 : memref<128xf32, #tpu.memory_space<hbm>>) target(%arg13 : memref<128xf32, #tpu.memory_space<vmem>>) target_semaphore(%run_scoped3A : memref<!tpu.dma_semaphore, #tpu.memory_space<semaphore_mem>>)
      tpu.wait_dma2 semaphore(%run_scoped3A : memref<!tpu.dma_semaphore, #tpu.memory_space<semaphore_mem>>) src(%arg7 : memref<128xf32, #tpu.memory_space<hbm>>) dst(%arg13 : memref<128xf32, #tpu.memory_space<vmem>>)
      tpu.yield
    }) : () -> ()
    %barrier3A = arith.constant 0 : index
    tpu.barrier barrier_id(%barrier3A)
    "tpu.region"() ({
      %run_scoped3A = tpu.sem_alloc : memref<!tpu.dma_semaphore, #tpu.memory_space<semaphore_mem>>
      %dma_start3A_53 = arith.constant 0 : i32
      %dma_start3A_54 = arith.constant 0 : i32
      %dma_start3A_55 = tpu.memref_slice %arg3[%add3A, %dma_start3A_53, %dma_start3A_54] : memref<32x4x128xi32, #tpu.memory_space<hbm>> -> memref<1x4x128xi32, #tpu.memory_space<hbm>>
      %dma_start3A_56 = tpu.memref_squeeze %dma_start3A_55 : memref<1x4x128xi32, #tpu.memory_space<hbm>> -> memref<4x128xi32, #tpu.memory_space<hbm>>
      %dma_start3A_57 = arith.constant 0 : i32
      %dma_start3A_58 = arith.constant 0 : i32
      %dma_start3A_59 = tpu.memref_slice %arg3[%add3A, %dma_start3A_57, %dma_start3A_58] : memref<32x4x128xi32, #tpu.memory_space<hbm>> -> memref<1x4x128xi32, #tpu.memory_space<hbm>>
      %dma_start3A_60 = tpu.memref_squeeze %dma_start3A_59 : memref<1x4x128xi32, #tpu.memory_space<hbm>> -> memref<4x128xi32, #tpu.memory_space<hbm>>
      tpu.enqueue_dma source(%dma_start3A_60 : memref<4x128xi32, #tpu.memory_space<hbm>>) target(%arg10 : memref<4x128xi32, #tpu.memory_space<vmem>>) target_semaphore(%run_scoped3A : memref<!tpu.dma_semaphore, #tpu.memory_space<semaphore_mem>>)
      %dma_wait3A_61 = arith.constant 0 : i32
      %dma_wait3A_62 = arith.constant 0 : i32
      %dma_wait3A_63 = tpu.memref_slice %arg3[%add3A, %dma_wait3A_61, %dma_wait3A_62] : memref<32x4x128xi32, #tpu.memory_space<hbm>> -> memref<1x4x128xi32, #tpu.memory_space<hbm>>
      %dma_wait3A_64 = tpu.memref_squeeze %dma_wait3A_63 : memref<1x4x128xi32, #tpu.memory_space<hbm>> -> memref<4x128xi32, #tpu.memory_space<hbm>>
      %dma_wait3A_65 = arith.constant 0 : i32
      %dma_wait3A_66 = arith.constant 0 : i32
      %dma_wait3A_67 = tpu.memref_slice %arg3[%add3A, %dma_wait3A_65, %dma_wait3A_66] : memref<32x4x128xi32, #tpu.memory_space<hbm>> -> memref<1x4x128xi32, #tpu.memory_space<hbm>>
      %dma_wait3A_68 = tpu.memref_squeeze %dma_wait3A_67 : memref<1x4x128xi32, #tpu.memory_space<hbm>> -> memref<4x128xi32, #tpu.memory_space<hbm>>
      tpu.wait_dma2 semaphore(%run_scoped3A : memref<!tpu.dma_semaphore, #tpu.memory_space<semaphore_mem>>) src(%dma_wait3A_68 : memref<4x128xi32, #tpu.memory_space<hbm>>) dst(%arg10 : memref<4x128xi32, #tpu.memory_space<vmem>>)
      tpu.yield
    }) : () -> ()
    "tpu.region"() ({
      %run_scoped3A = tpu.sem_alloc : memref<!tpu.dma_semaphore, #tpu.memory_space<semaphore_mem>>
      %dma_start3A_53 = arith.constant 0 : i32
      %dma_start3A_54 = arith.constant 0 : i32
      %dma_start3A_55 = tpu.memref_slice %arg4[%add3A, %dma_start3A_53, %dma_start3A_54] : memref<32x4x128xi32, #tpu.memory_space<hbm>> -> memref<1x4x128xi32, #tpu.memory_space<hbm>>
      %dma_start3A_56 = tpu.memref_squeeze %dma_start3A_55 : memref<1x4x128xi32, #tpu.memory_space<hbm>> -> memref<4x128xi32, #tpu.memory_space<hbm>>
      %dma_start3A_57 = arith.constant 0 : i32
      %dma_start3A_58 = arith.constant 0 : i32
      %dma_start3A_59 = tpu.memref_slice %arg4[%add3A, %dma_start3A_57, %dma_start3A_58] : memref<32x4x128xi32, #tpu.memory_space<hbm>> -> memref<1x4x128xi32, #tpu.memory_space<hbm>>
      %dma_start3A_60 = tpu.memref_squeeze %dma_start3A_59 : memref<1x4x128xi32, #tpu.memory_space<hbm>> -> memref<4x128xi32, #tpu.memory_space<hbm>>
      tpu.enqueue_dma source(%dma_start3A_60 : memref<4x128xi32, #tpu.memory_space<hbm>>) target(%arg11 : memref<4x128xi32, #tpu.memory_space<vmem>>) target_semaphore(%run_scoped3A : memref<!tpu.dma_semaphore, #tpu.memory_space<semaphore_mem>>)
      %dma_wait3A_61 = arith.constant 0 : i32
      %dma_wait3A_62 = arith.constant 0 : i32
      %dma_wait3A_63 = tpu.memref_slice %arg4[%add3A, %dma_wait3A_61, %dma_wait3A_62] : memref<32x4x128xi32, #tpu.memory_space<hbm>> -> memref<1x4x128xi32, #tpu.memory_space<hbm>>
      %dma_wait3A_64 = tpu.memref_squeeze %dma_wait3A_63 : memref<1x4x128xi32, #tpu.memory_space<hbm>> -> memref<4x128xi32, #tpu.memory_space<hbm>>
      %dma_wait3A_65 = arith.constant 0 : i32
      %dma_wait3A_66 = arith.constant 0 : i32
      %dma_wait3A_67 = tpu.memref_slice %arg4[%add3A, %dma_wait3A_65, %dma_wait3A_66] : memref<32x4x128xi32, #tpu.memory_space<hbm>> -> memref<1x4x128xi32, #tpu.memory_space<hbm>>
      %dma_wait3A_68 = tpu.memref_squeeze %dma_wait3A_67 : memref<1x4x128xi32, #tpu.memory_space<hbm>> -> memref<4x128xi32, #tpu.memory_space<hbm>>
      tpu.wait_dma2 semaphore(%run_scoped3A : memref<!tpu.dma_semaphore, #tpu.memory_space<semaphore_mem>>) src(%dma_wait3A_68 : memref<4x128xi32, #tpu.memory_space<hbm>>) dst(%arg11 : memref<4x128xi32, #tpu.memory_space<vmem>>)
      tpu.yield
    }) : () -> ()
    %dma_start3A = arith.constant 0 : i32
    %dma_start3A_5 = arith.constant 0 : i32
    %dma_start3A_6 = arith.constant 0 : i32
    %dma_start3A_7 = arith.constant 0 : i32
    %dma_start3A_8 = arith.constant 0 : i32
    %dma_start3A_9 = tpu.memref_slice %arg12[%dma_start3A_5, %dma_start3A_7, %dma_start3A_8] : memref<2x128x128xf32, #tpu.memory_space<vmem>> -> memref<1x128x128xf32, #tpu.memory_space<vmem>>
    %dma_start3A_10 = tpu.memref_squeeze %dma_start3A_9 : memref<1x128x128xf32, #tpu.memory_space<vmem>> -> memref<128x128xf32, #tpu.memory_space<vmem>>
    %dma_start3A_11 = arith.constant 0 : i32
    %dma_start3A_12 = tpu.memref_slice %arg10[%dma_start3A, %dma_start3A_11] : memref<4x128xi32, #tpu.memory_space<vmem>> -> memref<1x128xi32, #tpu.memory_space<vmem>>
    %dma_start3A_13 = tpu.memref_squeeze %dma_start3A_12 : memref<1x128xi32, #tpu.memory_space<vmem>> -> memref<128xi32, #tpu.memory_space<vmem>>
    %dma_start3A_14 = arith.constant 0 : i32
    %dma_start3A_15 = arith.constant 0 : i32
    %dma_start3A_16 = tpu.memref_slice %arg2[%dma_start3A_14, %dma_start3A_15] : memref<1000x128xf32, #tpu.memory_space<hbm>> -> memref<1000x128xf32, #tpu.memory_space<hbm>>
    %dma_start3A_17 = tpu.memref_slice %arg17[%dma_start3A_6] : memref<2x!tpu.dma_semaphore, #tpu.memory_space<semaphore_mem>> -> memref<1x!tpu.dma_semaphore, #tpu.memory_space<semaphore_mem>>
    %dma_start3A_18 = tpu.memref_squeeze %dma_start3A_17 : memref<1x!tpu.dma_semaphore, #tpu.memory_space<semaphore_mem>> -> memref<!tpu.dma_semaphore, #tpu.memory_space<semaphore_mem>>
    tpu.enqueue_indirect_dma source(%dma_start3A_16 : memref<1000x128xf32, #tpu.memory_space<hbm>>) target(%dma_start3A_10 : memref<128x128xf32, #tpu.memory_space<vmem>>) offsets(%dma_start3A_13 : memref<128xi32, #tpu.memory_space<vmem>>) semaphore(%dma_start3A_18 : memref<!tpu.dma_semaphore, #tpu.memory_space<semaphore_mem>>)
    %scan3A = arith.constant 0 : i32
    %scan3A_19 = arith.constant 0 : i32
    %scan3A_20 = arith.constant 4 : i32
    %scan3A_21 = arith.addi %scan3A_19, %scan3A_20 : i32
    %scan3A_22 = arith.constant 1 : i32
    scf.for %scan3A_53 = %scan3A_19 to %scan3A_21 step %scan3A_22  : i32 {
      %rem3A = arith.constant 2 : i32
      %rem3A_54 = arith.remsi %scan3A_53, %rem3A : i32
      %sub3A = arith.constant 1 : i32
      %sub3A_55 = arith.subi %sub3A, %rem3A_54 : i32
      %ge3A = arith.constant 1 : i32
      %ge3A_56 = arith.cmpi sge, %scan3A_53, %ge3A : i32
      %convert_element_type3A = arith.extui %ge3A_56 : i1 to i32
      %cond3A = arith.constant 0 : i32
      %cond3A_57 = arith.cmpi ne, %convert_element_type3A, %cond3A : i32
      scf.if %cond3A_57 {
        %dma_wait3A_88 = arith.constant 0 : i32
        %dma_wait3A_89 = arith.constant 0 : i32
        %dma_wait3A_90 = tpu.memref_slice %arg12[%sub3A_55, %dma_wait3A_88, %dma_wait3A_89] : memref<2x128x128xf32, #tpu.memory_space<vmem>> -> memref<1x128x128xf32, #tpu.memory_space<vmem>>
        %dma_wait3A_91 = tpu.memref_squeeze %dma_wait3A_90 : memref<1x128x128xf32, #tpu.memory_space<vmem>> -> memref<128x128xf32, #tpu.memory_space<vmem>>
        %dma_wait3A_92 = arith.constant 0 : i32
        %dma_wait3A_93 = tpu.memref_slice %arg11[%scan3A_53, %dma_wait3A_92] : memref<4x128xi32, #tpu.memory_space<vmem>> -> memref<1x128xi32, #tpu.memory_space<vmem>>
        %dma_wait3A_94 = tpu.memref_squeeze %dma_wait3A_93 : memref<1x128xi32, #tpu.memory_space<vmem>> -> memref<128xi32, #tpu.memory_space<vmem>>
        %dma_wait3A_95 = arith.constant 0 : i32
        %dma_wait3A_96 = arith.constant 0 : i32
        %dma_wait3A_97 = tpu.memref_slice %arg15[%dma_wait3A_95, %dma_wait3A_96] : memref<1024x128xf32, #tpu.memory_space<vmem_shared>> -> memref<1024x128xf32, #tpu.memory_space<vmem_shared>>
        %dma_wait3A_98 = tpu.memref_slice %arg18[%sub3A_55] : memref<2x!tpu.dma_semaphore, #tpu.memory_space<semaphore_mem>> -> memref<1x!tpu.dma_semaphore, #tpu.memory_space<semaphore_mem>>
        %dma_wait3A_99 = tpu.memref_squeeze %dma_wait3A_98 : memref<1x!tpu.dma_semaphore, #tpu.memory_space<semaphore_mem>> -> memref<!tpu.dma_semaphore, #tpu.memory_space<semaphore_mem>>
        tpu.wait_indirect_dma semaphore(%dma_wait3A_99 : memref<!tpu.dma_semaphore, #tpu.memory_space<semaphore_mem>>) src(%dma_wait3A_91 : memref<128x128xf32, #tpu.memory_space<vmem>>) dst(%dma_wait3A_97 : memref<1024x128xf32, #tpu.memory_space<vmem_shared>>)
      } else {
      }
      %add3A_58 = arith.constant 1 : i32
      %add3A_59 = arith.addi %scan3A_53, %add3A_58 : i32
      %lt3A = arith.constant 4 : i32
      %lt3A_60 = arith.cmpi slt, %add3A_59, %lt3A : i32
      %convert_element_type3A_61 = arith.extui %lt3A_60 : i1 to i32
      %cond3A_62 = arith.constant 0 : i32
      %cond3A_63 = arith.cmpi ne, %convert_element_type3A_61, %cond3A_62 : i32
      scf.if %cond3A_63 {
        %add3A_88 = arith.constant 1 : i32
        %add3A_89 = arith.addi %scan3A_53, %add3A_88 : i32
        %dma_start3A_90 = arith.constant 0 : i32
        %dma_start3A_91 = arith.constant 0 : i32
        %dma_start3A_92 = tpu.memref_slice %arg12[%sub3A_55, %dma_start3A_90, %dma_start3A_91] : memref<2x128x128xf32, #tpu.memory_space<vmem>> -> memref<1x128x128xf32, #tpu.memory_space<vmem>>
        %dma_start3A_93 = tpu.memref_squeeze %dma_start3A_92 : memref<1x128x128xf32, #tpu.memory_space<vmem>> -> memref<128x128xf32, #tpu.memory_space<vmem>>
        %dma_start3A_94 = arith.constant 0 : i32
        %dma_start3A_95 = tpu.memref_slice %arg10[%add3A_89, %dma_start3A_94] : memref<4x128xi32, #tpu.memory_space<vmem>> -> memref<1x128xi32, #tpu.memory_space<vmem>>
        %dma_start3A_96 = tpu.memref_squeeze %dma_start3A_95 : memref<1x128xi32, #tpu.memory_space<vmem>> -> memref<128xi32, #tpu.memory_space<vmem>>
        %dma_start3A_97 = arith.constant 0 : i32
        %dma_start3A_98 = arith.constant 0 : i32
        %dma_start3A_99 = tpu.memref_slice %arg2[%dma_start3A_97, %dma_start3A_98] : memref<1000x128xf32, #tpu.memory_space<hbm>> -> memref<1000x128xf32, #tpu.memory_space<hbm>>
        %dma_start3A_100 = tpu.memref_slice %arg17[%sub3A_55] : memref<2x!tpu.dma_semaphore, #tpu.memory_space<semaphore_mem>> -> memref<1x!tpu.dma_semaphore, #tpu.memory_space<semaphore_mem>>
        %dma_start3A_101 = tpu.memref_squeeze %dma_start3A_100 : memref<1x!tpu.dma_semaphore, #tpu.memory_space<semaphore_mem>> -> memref<!tpu.dma_semaphore, #tpu.memory_space<semaphore_mem>>
        tpu.enqueue_indirect_dma source(%dma_start3A_99 : memref<1000x128xf32, #tpu.memory_space<hbm>>) target(%dma_start3A_93 : memref<128x128xf32, #tpu.memory_space<vmem>>) offsets(%dma_start3A_96 : memref<128xi32, #tpu.memory_space<vmem>>) semaphore(%dma_start3A_101 : memref<!tpu.dma_semaphore, #tpu.memory_space<semaphore_mem>>)
      } else {
      }
      %dma_wait3A_64 = arith.constant 0 : i32
      %dma_wait3A_65 = arith.constant 0 : i32
      %dma_wait3A_66 = tpu.memref_slice %arg12[%rem3A_54, %dma_wait3A_64, %dma_wait3A_65] : memref<2x128x128xf32, #tpu.memory_space<vmem>> -> memref<1x128x128xf32, #tpu.memory_space<vmem>>
      %dma_wait3A_67 = tpu.memref_squeeze %dma_wait3A_66 : memref<1x128x128xf32, #tpu.memory_space<vmem>> -> memref<128x128xf32, #tpu.memory_space<vmem>>
      %dma_wait3A_68 = arith.constant 0 : i32
      %dma_wait3A_69 = tpu.memref_slice %arg10[%scan3A_53, %dma_wait3A_68] : memref<4x128xi32, #tpu.memory_space<vmem>> -> memref<1x128xi32, #tpu.memory_space<vmem>>
      %dma_wait3A_70 = tpu.memref_squeeze %dma_wait3A_69 : memref<1x128xi32, #tpu.memory_space<vmem>> -> memref<128xi32, #tpu.memory_space<vmem>>
      %dma_wait3A_71 = arith.constant 0 : i32
      %dma_wait3A_72 = arith.constant 0 : i32
      %dma_wait3A_73 = tpu.memref_slice %arg2[%dma_wait3A_71, %dma_wait3A_72] : memref<1000x128xf32, #tpu.memory_space<hbm>> -> memref<1000x128xf32, #tpu.memory_space<hbm>>
      %dma_wait3A_74 = tpu.memref_slice %arg17[%rem3A_54] : memref<2x!tpu.dma_semaphore, #tpu.memory_space<semaphore_mem>> -> memref<1x!tpu.dma_semaphore, #tpu.memory_space<semaphore_mem>>
      %dma_wait3A_75 = tpu.memref_squeeze %dma_wait3A_74 : memref<1x!tpu.dma_semaphore, #tpu.memory_space<semaphore_mem>> -> memref<!tpu.dma_semaphore, #tpu.memory_space<semaphore_mem>>
      tpu.wait_indirect_dma semaphore(%dma_wait3A_75 : memref<!tpu.dma_semaphore, #tpu.memory_space<semaphore_mem>>) src(%dma_wait3A_73 : memref<1000x128xf32, #tpu.memory_space<hbm>>) dst(%dma_wait3A_67 : memref<128x128xf32, #tpu.memory_space<vmem>>)
      %dma_start3A_76 = arith.constant 0 : i32
      %dma_start3A_77 = arith.constant 0 : i32
      %dma_start3A_78 = tpu.memref_slice %arg12[%rem3A_54, %dma_start3A_76, %dma_start3A_77] : memref<2x128x128xf32, #tpu.memory_space<vmem>> -> memref<1x128x128xf32, #tpu.memory_space<vmem>>
      %dma_start3A_79 = tpu.memref_squeeze %dma_start3A_78 : memref<1x128x128xf32, #tpu.memory_space<vmem>> -> memref<128x128xf32, #tpu.memory_space<vmem>>
      %dma_start3A_80 = arith.constant 0 : i32
      %dma_start3A_81 = tpu.memref_slice %arg11[%scan3A_53, %dma_start3A_80] : memref<4x128xi32, #tpu.memory_space<vmem>> -> memref<1x128xi32, #tpu.memory_space<vmem>>
      %dma_start3A_82 = tpu.memref_squeeze %dma_start3A_81 : memref<1x128xi32, #tpu.memory_space<vmem>> -> memref<128xi32, #tpu.memory_space<vmem>>
      %dma_start3A_83 = arith.constant 0 : i32
      %dma_start3A_84 = arith.constant 0 : i32
      %dma_start3A_85 = tpu.memref_slice %arg15[%dma_start3A_83, %dma_start3A_84] : memref<1024x128xf32, #tpu.memory_space<vmem_shared>> -> memref<1024x128xf32, #tpu.memory_space<vmem_shared>>
      %dma_start3A_86 = tpu.memref_slice %arg18[%rem3A_54] : memref<2x!tpu.dma_semaphore, #tpu.memory_space<semaphore_mem>> -> memref<1x!tpu.dma_semaphore, #tpu.memory_space<semaphore_mem>>
      %dma_start3A_87 = tpu.memref_squeeze %dma_start3A_86 : memref<1x!tpu.dma_semaphore, #tpu.memory_space<semaphore_mem>> -> memref<!tpu.dma_semaphore, #tpu.memory_space<semaphore_mem>>
      tpu.enqueue_indirect_dma source(%dma_start3A_79 : memref<128x128xf32, #tpu.memory_space<vmem>>) target(%dma_start3A_85 : memref<1024x128xf32, #tpu.memory_space<vmem_shared>>) offsets(%dma_start3A_82 : memref<128xi32, #tpu.memory_space<vmem>>) semaphore(%dma_start3A_87 : memref<!tpu.dma_semaphore, #tpu.memory_space<semaphore_mem>>) {add = true}
    }
    %scan3A_23 = arith.constant 4 : i32
    %dma_wait3A = arith.constant 1 : i32
    %dma_wait3A_24 = arith.constant 0 : i32
    %dma_wait3A_25 = arith.constant 1 : i32
    %dma_wait3A_26 = arith.constant 0 : i32
    %dma_wait3A_27 = arith.constant 0 : i32
    %dma_wait3A_28 = tpu.memref_slice %arg12[%dma_wait3A, %dma_wait3A_26, %dma_wait3A_27] : memref<2x128x128xf32, #tpu.memory_space<vmem>> -> memref<1x128x128xf32, #tpu.memory_space<vmem>>
    %dma_wait3A_29 = tpu.memref_squeeze %dma_wait3A_28 : memref<1x128x128xf32, #tpu.memory_space<vmem>> -> memref<128x128xf32, #tpu.memory_space<vmem>>
    %dma_wait3A_30 = arith.constant 0 : i32
    %dma_wait3A_31 = tpu.memref_slice %arg11[%dma_wait3A_24, %dma_wait3A_30] : memref<4x128xi32, #tpu.memory_space<vmem>> -> memref<1x128xi32, #tpu.memory_space<vmem>>
    %dma_wait3A_32 = tpu.memref_squeeze %dma_wait3A_31 : memref<1x128xi32, #tpu.memory_space<vmem>> -> memref<128xi32, #tpu.memory_space<vmem>>
    %dma_wait3A_33 = arith.constant 0 : i32
    %dma_wait3A_34 = arith.constant 0 : i32
    %dma_wait3A_35 = tpu.memref_slice %arg15[%dma_wait3A_33, %dma_wait3A_34] : memref<1024x128xf32, #tpu.memory_space<vmem_shared>> -> memref<1024x128xf32, #tpu.memory_space<vmem_shared>>
    %dma_wait3A_36 = tpu.memref_slice %arg18[%dma_wait3A_25] : memref<2x!tpu.dma_semaphore, #tpu.memory_space<semaphore_mem>> -> memref<1x!tpu.dma_semaphore, #tpu.memory_space<semaphore_mem>>
    %dma_wait3A_37 = tpu.memref_squeeze %dma_wait3A_36 : memref<1x!tpu.dma_semaphore, #tpu.memory_space<semaphore_mem>> -> memref<!tpu.dma_semaphore, #tpu.memory_space<semaphore_mem>>
    tpu.wait_indirect_dma semaphore(%dma_wait3A_37 : memref<!tpu.dma_semaphore, #tpu.memory_space<semaphore_mem>>) src(%dma_wait3A_29 : memref<128x128xf32, #tpu.memory_space<vmem>>) dst(%dma_wait3A_35 : memref<1024x128xf32, #tpu.memory_space<vmem_shared>>)
    %barrier3A_38 = arith.constant 0 : index
    tpu.barrier barrier_id(%barrier3A_38)
    %mul3A_39 = arith.constant 64 : i32
    %mul3A_40 = arith.muli %arg1, %mul3A_39 : i32
    %mul3A_41 = arith.constant 1024 : i32
    %mul3A_42 = arith.muli %arg0, %mul3A_41 : i32
    %mul3A_43 = arith.constant 64 : i32
    %mul3A_44 = arith.muli %arg1, %mul3A_43 : i32
    %add3A_45 = arith.addi %mul3A_42, %mul3A_44 : i32
    "tpu.region"() ({
      %run_scoped3A = tpu.sem_alloc : memref<!tpu.dma_semaphore, #tpu.memory_space<semaphore_mem>>
      %dma_start3A_53 = arith.constant 0 : i32
      %dma_start3A_54 = tpu.memref_slice %arg8[%add3A_45, %dma_start3A_53] : memref<2048x128xf32, #tpu.memory_space<hbm>> -> memref<64x128xf32, #tpu.memory_space<hbm>>
      %dma_start3A_55 = arith.constant 0 : i32
      %dma_start3A_56 = tpu.memref_slice %arg15[%mul3A_40, %dma_start3A_55] : memref<1024x128xf32, #tpu.memory_space<vmem_shared>> -> memref<64x128xf32, #tpu.memory_space<vmem_shared>>
      tpu.enqueue_dma source(%dma_start3A_56 : memref<64x128xf32, #tpu.memory_space<vmem_shared>>) target(%dma_start3A_54 : memref<64x128xf32, #tpu.memory_space<hbm>>) target_semaphore(%run_scoped3A : memref<!tpu.dma_semaphore, #tpu.memory_space<semaphore_mem>>)
      %dma_wait3A_57 = arith.constant 0 : i32
      %dma_wait3A_58 = tpu.memref_slice %arg8[%add3A_45, %dma_wait3A_57] : memref<2048x128xf32, #tpu.memory_space<hbm>> -> memref<64x128xf32, #tpu.memory_space<hbm>>
      %dma_wait3A_59 = arith.constant 0 : i32
      %dma_wait3A_60 = tpu.memref_slice %arg15[%mul3A_40, %dma_wait3A_59] : memref<1024x128xf32, #tpu.memory_space<vmem_shared>> -> memref<64x128xf32, #tpu.memory_space<vmem_shared>>
      tpu.wait_dma2 semaphore(%run_scoped3A : memref<!tpu.dma_semaphore, #tpu.memory_space<semaphore_mem>>) src(%dma_wait3A_60 : memref<64x128xf32, #tpu.memory_space<vmem_shared>>) dst(%dma_wait3A_58 : memref<64x128xf32, #tpu.memory_space<hbm>>)
      tpu.yield
    }) : () -> ()
    %mul3A_46 = arith.constant 64 : i32
    %mul3A_47 = arith.muli %arg1, %mul3A_46 : i32
    "tpu.region"() ({
      %run_scoped3A = tpu.sem_alloc : memref<!tpu.dma_semaphore, #tpu.memory_space<semaphore_mem>>
      %dma_start3A_53 = tpu.memref_slice %arg16[%mul3A_47] : memref<1024xf32, #tpu.memory_space<vmem_shared>> -> memref<64xf32, #tpu.memory_space<vmem_shared>>
      %dma_start3A_54 = tpu.memref_slice %arg16[%mul3A_47] : memref<1024xf32, #tpu.memory_space<vmem_shared>> -> memref<64xf32, #tpu.memory_space<vmem_shared>>
      tpu.enqueue_dma source(%dma_start3A_54 : memref<64xf32, #tpu.memory_space<vmem_shared>>) target(%arg14 : memref<64xf32, #tpu.memory_space<vmem>>) target_semaphore(%run_scoped3A : memref<!tpu.dma_semaphore, #tpu.memory_space<semaphore_mem>>)
      %dma_wait3A_55 = tpu.memref_slice %arg16[%mul3A_47] : memref<1024xf32, #tpu.memory_space<vmem_shared>> -> memref<64xf32, #tpu.memory_space<vmem_shared>>
      %dma_wait3A_56 = tpu.memref_slice %arg16[%mul3A_47] : memref<1024xf32, #tpu.memory_space<vmem_shared>> -> memref<64xf32, #tpu.memory_space<vmem_shared>>
      tpu.wait_dma2 semaphore(%run_scoped3A : memref<!tpu.dma_semaphore, #tpu.memory_space<semaphore_mem>>) src(%dma_wait3A_56 : memref<64xf32, #tpu.memory_space<vmem_shared>>) dst(%arg14 : memref<64xf32, #tpu.memory_space<vmem>>)
      tpu.yield
    }) : () -> ()
    %mul3A_48 = arith.constant 1024 : i32
    %mul3A_49 = arith.muli %arg0, %mul3A_48 : i32
    %mul3A_50 = arith.constant 64 : i32
    %mul3A_51 = arith.muli %arg1, %mul3A_50 : i32
    %add3A_52 = arith.addi %mul3A_49, %mul3A_51 : i32
    "tpu.region"() ({
      %run_scoped3A = tpu.sem_alloc : memref<!tpu.dma_semaphore, #tpu.memory_space<semaphore_mem>>
      %dma_start3A_53 = tpu.memref_slice %arg9[%add3A_52] : memref<2048xf32, #tpu.memory_space<hbm>> -> memref<64xf32, #tpu.memory_space<hbm>>
      %dma_start3A_54 = tpu.memref_slice %arg9[%add3A_52] : memref<2048xf32, #tpu.memory_space<hbm>> -> memref<64xf32, #tpu.memory_space<hbm>>
      tpu.enqueue_dma source(%arg14 : memref<64xf32, #tpu.memory_space<vmem>>) target(%dma_start3A_54 : memref<64xf32, #tpu.memory_space<hbm>>) target_semaphore(%run_scoped3A : memref<!tpu.dma_semaphore, #tpu.memory_space<semaphore_mem>>)
      %dma_wait3A_55 = tpu.memref_slice %arg9[%add3A_52] : memref<2048xf32, #tpu.memory_space<hbm>> -> memref<64xf32, #tpu.memory_space<hbm>>
      %dma_wait3A_56 = tpu.memref_slice %arg9[%add3A_52] : memref<2048xf32, #tpu.memory_space<hbm>> -> memref<64xf32, #tpu.memory_space<hbm>>
      tpu.wait_dma2 semaphore(%run_scoped3A : memref<!tpu.dma_semaphore, #tpu.memory_space<semaphore_mem>>) src(%arg14 : memref<64xf32, #tpu.memory_space<vmem>>) dst(%dma_wait3A_56 : memref<64xf32, #tpu.memory_space<hbm>>)
      tpu.yield
    }) : () -> ()
    return
  }
}

module attributes {stable_mosaic.version = 14 : i64} {
  func.func @body(%arg0: i32, %arg1: memref<1000x128xf32, #tpu.memory_space<vmem>>, %arg2: memref<128x128xf32, #tpu.memory_space<vmem>>, %arg3: memref<1000x128xf32, #tpu.memory_space<vmem>>) attributes {dimension_semantics = [#tpu.dimension_semantics<arbitrary>], iteration_bounds = array<i64: 10>, scalar_prefetch = 0 : i64, scratch_operands = 0 : i64, tpu.core_type = #tpu.core_type<tc>, window_params = [{transform_indices = @transform_0, window_bounds = array<i64: 1000, 128>}, {pipeline_mode = #tpu.pipeline_mode<synchronous>, transform_indices = @transform_1, window_bounds = array<i64: 128, 128>}, {transform_indices = @transform_2, window_bounds = array<i64: 1000, 128>}]} {
    %get3A = arith.constant 0 : index
    %get3A_0 = arith.constant 0 : index
    %get3A_1 = vector.load %arg1[%get3A, %get3A_0] : memref<1000x128xf32, #tpu.memory_space<vmem>>, vector<1000x128xf32>
    %get3A_2 = arith.constant 0 : index
    %get3A_3 = arith.constant 0 : index
    %get3A_4 = vector.load %arg2[%get3A_2, %get3A_3] : memref<128x128xf32, #tpu.memory_space<vmem>>, vector<128x128xf32>
    %dot_general3A = arith.constant dense<0.000000e+00> : vector<1000x128xf32>
    %dot_general3A_5 = tpu.matmul %get3A_1, %get3A_4, %dot_general3A {dimension_numbers = #tpu.dot_dimension_numbers<[1], [0], [0], [1], [0, 0, 1, 1], [], []>, transpose_lhs_hint = false} : vector<1000x128xf32>, vector<128x128xf32>, vector<1000x128xf32> -> vector<1000x128xf32>
    %swap3A = arith.constant 0 : index
    %swap3A_6 = arith.constant 0 : index
    %swap3A_7 = vector.load %arg3[%swap3A, %swap3A_6] : memref<1000x128xf32, #tpu.memory_space<vmem>>, vector<1000x128xf32>
    tpu.vector_store %arg3[%swap3A, %swap3A_6], %dot_general3A_5 {strides = array<i32>} : memref<1000x128xf32, #tpu.memory_space<vmem>>, vector<1000x128xf32>,
    return
  }
  func.func @transform_0(%arg0: i32) -> (i32, i32) {
    %c0_i32 = arith.constant 0 : i32
    %c0_i32_0 = arith.constant 0 : i32
    return %arg0, %c0_i32 : i32, i32
  }
  func.func @transform_1(%arg0: i32) -> (i32, i32) {
    %c0_i32 = arith.constant 0 : i32
    %c0_i32_0 = arith.constant 0 : i32
    %c0_i32_1 = arith.constant 0 : i32
    return %c0_i32, %c0_i32_0 : i32, i32
  }
  func.func @transform_2(%arg0: i32) -> (i32, i32) {
    %c0_i32 = arith.constant 0 : i32
    %c0_i32_0 = arith.constant 0 : i32
    return %arg0, %c0_i32 : i32, i32
  }
}

module attributes {stable_mosaic.version = 14 : i64} {
  func.func @body(%arg0: i32, %arg1: memref<1000x128xf32, #tpu.memory_space<vmem>>, %arg2: memref<1000x128xf32, #tpu.memory_space<vmem>>, %arg3: memref<1000x1xf32, #tpu.memory_space<vmem>>, %arg4: memref<1000x1xf32, #tpu.memory_space<vmem>>, %arg5: memref<1x128xf32, #tpu.memory_space<vmem>>, %arg6: memref<128x128xf32, #tpu.memory_space<vmem>>, %arg7: memref<1000x128xf32, #tpu.memory_space<vmem>>) attributes {dimension_semantics = [#tpu.dimension_semantics<arbitrary>], iteration_bounds = array<i64: 10>, scalar_prefetch = 0 : i64, scratch_operands = 0 : i64, tpu.core_type = #tpu.core_type<tc>, window_params = [{transform_indices = @transform_0, window_bounds = array<i64: 1000, 128>}, {transform_indices = @transform_1, window_bounds = array<i64: 1000, 128>}, {transform_indices = @transform_2, window_bounds = array<i64: 1000, 1>}, {transform_indices = @transform_3, window_bounds = array<i64: 1000, 1>}, {pipeline_mode = #tpu.pipeline_mode<synchronous>, transform_indices = @transform_4, window_bounds = array<i64: 1, 128>}, {pipeline_mode = #tpu.pipeline_mode<synchronous>, transform_indices = @transform_5, window_bounds = array<i64: 128, 128>}, {transform_indices = @transform_6, window_bounds = array<i64: 1000, 128>}]} {
    %get3A = arith.constant 0 : index
    %get3A_0 = arith.constant 0 : index
    %get3A_1 = vector.load %arg3[%get3A, %get3A_0] : memref<1000x1xf32, #tpu.memory_space<vmem>>, vector<1000x1xf32>
    %get3A_2 = arith.constant 0 : index
    %get3A_3 = arith.constant 0 : index
    %get3A_4 = vector.load %arg4[%get3A_2, %get3A_3] : memref<1000x1xf32, #tpu.memory_space<vmem>>, vector<1000x1xf32>
    %add3A = arith.addf %get3A_1, %get3A_4 : vector<1000x1xf32>
    %max3A = arith.constant 1.000000e+00 : f32
    %max3A_5 = vector.broadcast %max3A : f32 to vector<1000x1xf32>
    %max3A_6 = arith.maximumf %add3A, %max3A_5 : vector<1000x1xf32>
    %get3A_7 = arith.constant 0 : index
    %get3A_8 = arith.constant 0 : index
    %get3A_9 = vector.load %arg1[%get3A_7, %get3A_8] : memref<1000x128xf32, #tpu.memory_space<vmem>>, vector<1000x128xf32>
    %get3A_10 = arith.constant 0 : index
    %get3A_11 = arith.constant 0 : index
    %get3A_12 = vector.load %arg2[%get3A_10, %get3A_11] : memref<1000x128xf32, #tpu.memory_space<vmem>>, vector<1000x128xf32>
    %add3A_13 = arith.addf %get3A_9, %get3A_12 : vector<1000x128xf32>
    %div3A = vector.broadcast %max3A_6 : vector<1000x1xf32> to vector<1000x128xf32>
    %div3A_14 = arith.divf %add3A_13, %div3A : vector<1000x128xf32>
    %get3A_15 = arith.constant 0 : index
    %get3A_16 = arith.constant 0 : index
    %get3A_17 = vector.load %arg5[%get3A_15, %get3A_16] : memref<1x128xf32, #tpu.memory_space<vmem>>, vector<1x128xf32>
    %add3A_18 = vector.broadcast %get3A_17 : vector<1x128xf32> to vector<1000x128xf32>
    %add3A_19 = arith.addf %div3A_14, %add3A_18 : vector<1000x128xf32>
    %max3A_20 = arith.constant 0.000000e+00 : f32
    %max3A_21 = vector.broadcast %max3A_20 : f32 to vector<1000x128xf32>
    %max3A_22 = arith.maximumf %add3A_19, %max3A_21 : vector<1000x128xf32>
    %get3A_23 = arith.constant 0 : index
    %get3A_24 = arith.constant 0 : index
    %get3A_25 = vector.load %arg6[%get3A_23, %get3A_24] : memref<128x128xf32, #tpu.memory_space<vmem>>, vector<128x128xf32>
    %dot_general3A = arith.constant dense<0.000000e+00> : vector<1000x128xf32>
    %dot_general3A_26 = tpu.matmul %max3A_22, %get3A_25, %dot_general3A {dimension_numbers = #tpu.dot_dimension_numbers<[1], [0], [0], [1], [0, 0, 1, 1], [], []>, transpose_lhs_hint = false} : vector<1000x128xf32>, vector<128x128xf32>, vector<1000x128xf32> -> vector<1000x128xf32>
    %swap3A = arith.constant 0 : index
    %swap3A_27 = arith.constant 0 : index
    %swap3A_28 = vector.load %arg7[%swap3A, %swap3A_27] : memref<1000x128xf32, #tpu.memory_space<vmem>>, vector<1000x128xf32>
    tpu.vector_store %arg7[%swap3A, %swap3A_27], %dot_general3A_26 {strides = array<i32>} : memref<1000x128xf32, #tpu.memory_space<vmem>>, vector<1000x128xf32>,
    return
  }
  func.func @transform_0(%arg0: i32) -> (i32, i32) {
    %c0_i32 = arith.constant 0 : i32
    %c0_i32_0 = arith.constant 0 : i32
    return %arg0, %c0_i32 : i32, i32
  }
  func.func @transform_1(%arg0: i32) -> (i32, i32) {
    %c0_i32 = arith.constant 0 : i32
    %c0_i32_0 = arith.constant 0 : i32
    return %arg0, %c0_i32 : i32, i32
  }
  func.func @transform_2(%arg0: i32) -> (i32, i32) {
    %c0_i32 = arith.constant 0 : i32
    %c0_i32_0 = arith.constant 0 : i32
    return %arg0, %c0_i32 : i32, i32
  }
  func.func @transform_3(%arg0: i32) -> (i32, i32) {
    %c0_i32 = arith.constant 0 : i32
    %c0_i32_0 = arith.constant 0 : i32
    return %arg0, %c0_i32 : i32, i32
  }
  func.func @transform_4(%arg0: i32) -> (i32, i32) {
    %c0_i32 = arith.constant 0 : i32
    %c0_i32_0 = arith.constant 0 : i32
    %c0_i32_1 = arith.constant 0 : i32
    return %c0_i32, %c0_i32_0 : i32, i32
  }
  func.func @transform_5(%arg0: i32) -> (i32, i32) {
    %c0_i32 = arith.constant 0 : i32
    %c0_i32_0 = arith.constant 0 : i32
    %c0_i32_1 = arith.constant 0 : i32
    return %c0_i32, %c0_i32_0 : i32, i32
  }
  func.func @transform_6(%arg0: i32) -> (i32, i32) {
    %c0_i32 = arith.constant 0 : i32
    %c0_i32_0 = arith.constant 0 : i32
    return %arg0, %c0_i32 : i32, i32
  }
}

module attributes {stable_mosaic.version = 14 : i64} {
  func.func @body(%arg0: i32, %arg1: memref<1000x128xf32, #tpu.memory_space<vmem>>, %arg2: memref<1000x128xf32, #tpu.memory_space<vmem>>, %arg3: memref<1000x1xf32, #tpu.memory_space<vmem>>, %arg4: memref<1000x1xf32, #tpu.memory_space<vmem>>, %arg5: memref<1x128xf32, #tpu.memory_space<vmem>>, %arg6: memref<1000x128xf32, #tpu.memory_space<vmem>>) attributes {dimension_semantics = [#tpu.dimension_semantics<arbitrary>], iteration_bounds = array<i64: 10>, scalar_prefetch = 0 : i64, scratch_operands = 0 : i64, tpu.core_type = #tpu.core_type<tc>, window_params = [{transform_indices = @transform_0, window_bounds = array<i64: 1000, 128>}, {transform_indices = @transform_1, window_bounds = array<i64: 1000, 128>}, {transform_indices = @transform_2, window_bounds = array<i64: 1000, 1>}, {transform_indices = @transform_3, window_bounds = array<i64: 1000, 1>}, {pipeline_mode = #tpu.pipeline_mode<synchronous>, transform_indices = @transform_4, window_bounds = array<i64: 1, 128>}, {transform_indices = @transform_5, window_bounds = array<i64: 1000, 128>}]} {
    %get3A = arith.constant 0 : index
    %get3A_0 = arith.constant 0 : index
    %get3A_1 = vector.load %arg3[%get3A, %get3A_0] : memref<1000x1xf32, #tpu.memory_space<vmem>>, vector<1000x1xf32>
    %get3A_2 = arith.constant 0 : index
    %get3A_3 = arith.constant 0 : index
    %get3A_4 = vector.load %arg4[%get3A_2, %get3A_3] : memref<1000x1xf32, #tpu.memory_space<vmem>>, vector<1000x1xf32>
    %add3A = arith.addf %get3A_1, %get3A_4 : vector<1000x1xf32>
    %max3A = arith.constant 1.000000e+00 : f32
    %max3A_5 = vector.broadcast %max3A : f32 to vector<1000x1xf32>
    %max3A_6 = arith.maximumf %add3A, %max3A_5 : vector<1000x1xf32>
    %get3A_7 = arith.constant 0 : index
    %get3A_8 = arith.constant 0 : index
    %get3A_9 = vector.load %arg1[%get3A_7, %get3A_8] : memref<1000x128xf32, #tpu.memory_space<vmem>>, vector<1000x128xf32>
    %get3A_10 = arith.constant 0 : index
    %get3A_11 = arith.constant 0 : index
    %get3A_12 = vector.load %arg2[%get3A_10, %get3A_11] : memref<1000x128xf32, #tpu.memory_space<vmem>>, vector<1000x128xf32>
    %add3A_13 = arith.addf %get3A_9, %get3A_12 : vector<1000x128xf32>
    %div3A = vector.broadcast %max3A_6 : vector<1000x1xf32> to vector<1000x128xf32>
    %div3A_14 = arith.divf %add3A_13, %div3A : vector<1000x128xf32>
    %get3A_15 = arith.constant 0 : index
    %get3A_16 = arith.constant 0 : index
    %get3A_17 = vector.load %arg5[%get3A_15, %get3A_16] : memref<1x128xf32, #tpu.memory_space<vmem>>, vector<1x128xf32>
    %add3A_18 = vector.broadcast %get3A_17 : vector<1x128xf32> to vector<1000x128xf32>
    %add3A_19 = arith.addf %div3A_14, %add3A_18 : vector<1000x128xf32>
    %swap3A = arith.constant 0 : index
    %swap3A_20 = arith.constant 0 : index
    %swap3A_21 = vector.load %arg6[%swap3A, %swap3A_20] : memref<1000x128xf32, #tpu.memory_space<vmem>>, vector<1000x128xf32>
    tpu.vector_store %arg6[%swap3A, %swap3A_20], %add3A_19 {strides = array<i32>} : memref<1000x128xf32, #tpu.memory_space<vmem>>, vector<1000x128xf32>,
    return
  }
  func.func @transform_0(%arg0: i32) -> (i32, i32) {
    %c0_i32 = arith.constant 0 : i32
    %c0_i32_0 = arith.constant 0 : i32
    return %arg0, %c0_i32 : i32, i32
  }
  func.func @transform_1(%arg0: i32) -> (i32, i32) {
    %c0_i32 = arith.constant 0 : i32
    %c0_i32_0 = arith.constant 0 : i32
    return %arg0, %c0_i32 : i32, i32
  }
  func.func @transform_2(%arg0: i32) -> (i32, i32) {
    %c0_i32 = arith.constant 0 : i32
    %c0_i32_0 = arith.constant 0 : i32
    return %arg0, %c0_i32 : i32, i32
  }
  func.func @transform_3(%arg0: i32) -> (i32, i32) {
    %c0_i32 = arith.constant 0 : i32
    %c0_i32_0 = arith.constant 0 : i32
    return %arg0, %c0_i32 : i32, i32
  }
  func.func @transform_4(%arg0: i32) -> (i32, i32) {
    %c0_i32 = arith.constant 0 : i32
    %c0_i32_0 = arith.constant 0 : i32
    %c0_i32_1 = arith.constant 0 : i32
    return %c0_i32, %c0_i32_0 : i32, i32
  }
  func.func @transform_5(%arg0: i32) -> (i32, i32) {
    %c0_i32 = arith.constant 0 : i32
    %c0_i32_0 = arith.constant 0 : i32
    return %arg0, %c0_i32 : i32, i32
  }
}

module attributes {stable_mosaic.version = 14 : i64} {
  func.func @body(%arg0: i32, %arg1: memref<1000x128xf32, #tpu.memory_space<vmem>>, %arg2: memref<1000x128xf32, #tpu.memory_space<vmem>>, %arg3: memref<1000x1xf32, #tpu.memory_space<vmem>>, %arg4: memref<1000x1xf32, #tpu.memory_space<vmem>>, %arg5: memref<1x128xf32, #tpu.memory_space<vmem>>, %arg6: memref<128x128xf32, #tpu.memory_space<vmem>>, %arg7: memref<1000x128xf32, #tpu.memory_space<vmem>>) attributes {dimension_semantics = [#tpu.dimension_semantics<arbitrary>], iteration_bounds = array<i64: 1>, scalar_prefetch = 0 : i64, scratch_operands = 0 : i64, tpu.core_type = #tpu.core_type<tc>, window_params = [{transform_indices = @transform_0, window_bounds = array<i64: 1000, 128>}, {transform_indices = @transform_1, window_bounds = array<i64: 1000, 128>}, {transform_indices = @transform_2, window_bounds = array<i64: 1000, 1>}, {transform_indices = @transform_3, window_bounds = array<i64: 1000, 1>}, {pipeline_mode = #tpu.pipeline_mode<synchronous>, transform_indices = @transform_4, window_bounds = array<i64: 1, 128>}, {pipeline_mode = #tpu.pipeline_mode<synchronous>, transform_indices = @transform_5, window_bounds = array<i64: 128, 128>}, {transform_indices = @transform_6, window_bounds = array<i64: 1000, 128>}]} {
    %get3A = arith.constant 0 : index
    %get3A_0 = arith.constant 0 : index
    %get3A_1 = vector.load %arg3[%get3A, %get3A_0] : memref<1000x1xf32, #tpu.memory_space<vmem>>, vector<1000x1xf32>
    %get3A_2 = arith.constant 0 : index
    %get3A_3 = arith.constant 0 : index
    %get3A_4 = vector.load %arg4[%get3A_2, %get3A_3] : memref<1000x1xf32, #tpu.memory_space<vmem>>, vector<1000x1xf32>
    %add3A = arith.addf %get3A_1, %get3A_4 : vector<1000x1xf32>
    %max3A = arith.constant 1.000000e+00 : f32
    %max3A_5 = vector.broadcast %max3A : f32 to vector<1000x1xf32>
    %max3A_6 = arith.maximumf %add3A, %max3A_5 : vector<1000x1xf32>
    %get3A_7 = arith.constant 0 : index
    %get3A_8 = arith.constant 0 : index
    %get3A_9 = vector.load %arg1[%get3A_7, %get3A_8] : memref<1000x128xf32, #tpu.memory_space<vmem>>, vector<1000x128xf32>
    %get3A_10 = arith.constant 0 : index
    %get3A_11 = arith.constant 0 : index
    %get3A_12 = vector.load %arg2[%get3A_10, %get3A_11] : memref<1000x128xf32, #tpu.memory_space<vmem>>, vector<1000x128xf32>
    %add3A_13 = arith.addf %get3A_9, %get3A_12 : vector<1000x128xf32>
    %div3A = vector.broadcast %max3A_6 : vector<1000x1xf32> to vector<1000x128xf32>
    %div3A_14 = arith.divf %add3A_13, %div3A : vector<1000x128xf32>
    %get3A_15 = arith.constant 0 : index
    %get3A_16 = arith.constant 0 : index
    %get3A_17 = vector.load %arg5[%get3A_15, %get3A_16] : memref<1x128xf32, #tpu.memory_space<vmem>>, vector<1x128xf32>
    %add3A_18 = vector.broadcast %get3A_17 : vector<1x128xf32> to vector<1000x128xf32>
    %add3A_19 = arith.addf %div3A_14, %add3A_18 : vector<1000x128xf32>
    %get3A_20 = arith.constant 0 : index
    %get3A_21 = arith.constant 0 : index
    %get3A_22 = vector.load %arg6[%get3A_20, %get3A_21] : memref<128x128xf32, #tpu.memory_space<vmem>>, vector<128x128xf32>
    %dot_general3A = arith.constant dense<0.000000e+00> : vector<1000x128xf32>
    %dot_general3A_23 = tpu.matmul %add3A_19, %get3A_22, %dot_general3A {dimension_numbers = #tpu.dot_dimension_numbers<[1], [0], [0], [1], [0, 0, 1, 1], [], []>, transpose_lhs_hint = false} : vector<1000x128xf32>, vector<128x128xf32>, vector<1000x128xf32> -> vector<1000x128xf32>
    %swap3A = arith.constant 0 : index
    %swap3A_24 = arith.constant 0 : index
    %swap3A_25 = vector.load %arg7[%swap3A, %swap3A_24] : memref<1000x128xf32, #tpu.memory_space<vmem>>, vector<1000x128xf32>
    tpu.vector_store %arg7[%swap3A, %swap3A_24], %dot_general3A_23 {strides = array<i32>} : memref<1000x128xf32, #tpu.memory_space<vmem>>, vector<1000x128xf32>,
    return
  }
  func.func @transform_0(%arg0: i32) -> (i32, i32) {
    %c0_i32 = arith.constant 0 : i32
    %c0_i32_0 = arith.constant 0 : i32
    return %arg0, %c0_i32 : i32, i32
  }
  func.func @transform_1(%arg0: i32) -> (i32, i32) {
    %c0_i32 = arith.constant 0 : i32
    %c0_i32_0 = arith.constant 0 : i32
    return %arg0, %c0_i32 : i32, i32
  }
  func.func @transform_2(%arg0: i32) -> (i32, i32) {
    %c0_i32 = arith.constant 0 : i32
    %c0_i32_0 = arith.constant 0 : i32
    return %arg0, %c0_i32 : i32, i32
  }
  func.func @transform_3(%arg0: i32) -> (i32, i32) {
    %c0_i32 = arith.constant 0 : i32
    %c0_i32_0 = arith.constant 0 : i32
    return %arg0, %c0_i32 : i32, i32
  }
  func.func @transform_4(%arg0: i32) -> (i32, i32) {
    %c0_i32 = arith.constant 0 : i32
    %c0_i32_0 = arith.constant 0 : i32
    %c0_i32_1 = arith.constant 0 : i32
    return %c0_i32, %c0_i32_0 : i32, i32
  }
  func.func @transform_5(%arg0: i32) -> (i32, i32) {
    %c0_i32 = arith.constant 0 : i32
    %c0_i32_0 = arith.constant 0 : i32
    %c0_i32_1 = arith.constant 0 : i32
    return %c0_i32, %c0_i32_0 : i32, i32
  }
  func.func @transform_6(%arg0: i32) -> (i32, i32) {
    %c0_i32 = arith.constant 0 : i32
    %c0_i32_0 = arith.constant 0 : i32
    return %arg0, %c0_i32 : i32, i32
  }
}

module attributes {stable_mosaic.version = 14 : i64} {
  func.func @body(%arg0: i32, %arg1: memref<1000x128xf32, #tpu.memory_space<vmem>>, %arg2: memref<1000x128xf32, #tpu.memory_space<vmem>>, %arg3: memref<1000x1xf32, #tpu.memory_space<vmem>>, %arg4: memref<1000x1xf32, #tpu.memory_space<vmem>>, %arg5: memref<1x128xf32, #tpu.memory_space<vmem>>, %arg6: memref<128x128xf32, #tpu.memory_space<vmem>>, %arg7: memref<1000x128xf32, #tpu.memory_space<vmem>>) attributes {dimension_semantics = [#tpu.dimension_semantics<arbitrary>], iteration_bounds = array<i64: 1>, scalar_prefetch = 0 : i64, scratch_operands = 0 : i64, tpu.core_type = #tpu.core_type<tc>, window_params = [{transform_indices = @transform_0, window_bounds = array<i64: 1000, 128>}, {transform_indices = @transform_1, window_bounds = array<i64: 1000, 128>}, {transform_indices = @transform_2, window_bounds = array<i64: 1000, 1>}, {transform_indices = @transform_3, window_bounds = array<i64: 1000, 1>}, {pipeline_mode = #tpu.pipeline_mode<synchronous>, transform_indices = @transform_4, window_bounds = array<i64: 1, 128>}, {pipeline_mode = #tpu.pipeline_mode<synchronous>, transform_indices = @transform_5, window_bounds = array<i64: 128, 128>}, {transform_indices = @transform_6, window_bounds = array<i64: 1000, 128>}]} {
    %get3A = arith.constant 0 : index
    %get3A_0 = arith.constant 0 : index
    %get3A_1 = vector.load %arg3[%get3A, %get3A_0] : memref<1000x1xf32, #tpu.memory_space<vmem>>, vector<1000x1xf32>
    %get3A_2 = arith.constant 0 : index
    %get3A_3 = arith.constant 0 : index
    %get3A_4 = vector.load %arg4[%get3A_2, %get3A_3] : memref<1000x1xf32, #tpu.memory_space<vmem>>, vector<1000x1xf32>
    %add3A = arith.addf %get3A_1, %get3A_4 : vector<1000x1xf32>
    %max3A = arith.constant 1.000000e+00 : f32
    %max3A_5 = vector.broadcast %max3A : f32 to vector<1000x1xf32>
    %max3A_6 = arith.maximumf %add3A, %max3A_5 : vector<1000x1xf32>
    %get3A_7 = arith.constant 0 : index
    %get3A_8 = arith.constant 0 : index
    %get3A_9 = vector.load %arg1[%get3A_7, %get3A_8] : memref<1000x128xf32, #tpu.memory_space<vmem>>, vector<1000x128xf32>
    %get3A_10 = arith.constant 0 : index
    %get3A_11 = arith.constant 0 : index
    %get3A_12 = vector.load %arg2[%get3A_10, %get3A_11] : memref<1000x128xf32, #tpu.memory_space<vmem>>, vector<1000x128xf32>
    %add3A_13 = arith.addf %get3A_9, %get3A_12 : vector<1000x128xf32>
    %div3A = vector.broadcast %max3A_6 : vector<1000x1xf32> to vector<1000x128xf32>
    %div3A_14 = arith.divf %add3A_13, %div3A : vector<1000x128xf32>
    %get3A_15 = arith.constant 0 : index
    %get3A_16 = arith.constant 0 : index
    %get3A_17 = vector.load %arg5[%get3A_15, %get3A_16] : memref<1x128xf32, #tpu.memory_space<vmem>>, vector<1x128xf32>
    %add3A_18 = vector.broadcast %get3A_17 : vector<1x128xf32> to vector<1000x128xf32>
    %add3A_19 = arith.addf %div3A_14, %add3A_18 : vector<1000x128xf32>
    %max3A_20 = arith.constant 0.000000e+00 : f32
    %max3A_21 = vector.broadcast %max3A_20 : f32 to vector<1000x128xf32>
    %max3A_22 = arith.maximumf %add3A_19, %max3A_21 : vector<1000x128xf32>
    %get3A_23 = arith.constant 0 : index
    %get3A_24 = arith.constant 0 : index
    %get3A_25 = vector.load %arg6[%get3A_23, %get3A_24] : memref<128x128xf32, #tpu.memory_space<vmem>>, vector<128x128xf32>
    %dot_general3A = arith.constant dense<0.000000e+00> : vector<1000x128xf32>
    %dot_general3A_26 = tpu.matmul %max3A_22, %get3A_25, %dot_general3A {dimension_numbers = #tpu.dot_dimension_numbers<[1], [0], [0], [1], [0, 0, 1, 1], [], []>, transpose_lhs_hint = false} : vector<1000x128xf32>, vector<128x128xf32>, vector<1000x128xf32> -> vector<1000x128xf32>
    %swap3A = arith.constant 0 : index
    %swap3A_27 = arith.constant 0 : index
    %swap3A_28 = vector.load %arg7[%swap3A, %swap3A_27] : memref<1000x128xf32, #tpu.memory_space<vmem>>, vector<1000x128xf32>
    tpu.vector_store %arg7[%swap3A, %swap3A_27], %dot_general3A_26 {strides = array<i32>} : memref<1000x128xf32, #tpu.memory_space<vmem>>, vector<1000x128xf32>,
    return
  }
  func.func @transform_0(%arg0: i32) -> (i32, i32) {
    %c0_i32 = arith.constant 0 : i32
    %c0_i32_0 = arith.constant 0 : i32
    return %arg0, %c0_i32 : i32, i32
  }
  func.func @transform_1(%arg0: i32) -> (i32, i32) {
    %c0_i32 = arith.constant 0 : i32
    %c0_i32_0 = arith.constant 0 : i32
    return %arg0, %c0_i32 : i32, i32
  }
  func.func @transform_2(%arg0: i32) -> (i32, i32) {
    %c0_i32 = arith.constant 0 : i32
    %c0_i32_0 = arith.constant 0 : i32
    return %arg0, %c0_i32 : i32, i32
  }
  func.func @transform_3(%arg0: i32) -> (i32, i32) {
    %c0_i32 = arith.constant 0 : i32
    %c0_i32_0 = arith.constant 0 : i32
    return %arg0, %c0_i32 : i32, i32
  }
  func.func @transform_4(%arg0: i32) -> (i32, i32) {
    %c0_i32 = arith.constant 0 : i32
    %c0_i32_0 = arith.constant 0 : i32
    %c0_i32_1 = arith.constant 0 : i32
    return %c0_i32, %c0_i32_0 : i32, i32
  }
  func.func @transform_5(%arg0: i32) -> (i32, i32) {
    %c0_i32 = arith.constant 0 : i32
    %c0_i32_0 = arith.constant 0 : i32
    %c0_i32_1 = arith.constant 0 : i32
    return %c0_i32, %c0_i32_0 : i32, i32
  }
  func.func @transform_6(%arg0: i32) -> (i32, i32) {
    %c0_i32 = arith.constant 0 : i32
    %c0_i32_0 = arith.constant 0 : i32
    return %arg0, %c0_i32 : i32, i32
  }
}

module attributes {stable_mosaic.version = 14 : i64} {
  func.func @body(%arg0: i32, %arg1: memref<1000x64xf32, #tpu.memory_space<vmem>>, %arg2: memref<1000x64xf32, #tpu.memory_space<vmem>>, %arg3: memref<1000x1xf32, #tpu.memory_space<vmem>>, %arg4: memref<1000x1xf32, #tpu.memory_space<vmem>>, %arg5: memref<1x64xf32, #tpu.memory_space<vmem>>, %arg6: memref<1000x64xf32, #tpu.memory_space<vmem>>) attributes {dimension_semantics = [#tpu.dimension_semantics<arbitrary>], iteration_bounds = array<i64: 1>, scalar_prefetch = 0 : i64, scratch_operands = 0 : i64, tpu.core_type = #tpu.core_type<tc>, window_params = [{transform_indices = @transform_0, window_bounds = array<i64: 1000, 64>}, {transform_indices = @transform_1, window_bounds = array<i64: 1000, 64>}, {transform_indices = @transform_2, window_bounds = array<i64: 1000, 1>}, {transform_indices = @transform_3, window_bounds = array<i64: 1000, 1>}, {pipeline_mode = #tpu.pipeline_mode<synchronous>, transform_indices = @transform_4, window_bounds = array<i64: 1, 64>}, {transform_indices = @transform_5, window_bounds = array<i64: 1000, 64>}]} {
    %get3A = arith.constant 0 : index
    %get3A_0 = arith.constant 0 : index
    %get3A_1 = vector.load %arg3[%get3A, %get3A_0] : memref<1000x1xf32, #tpu.memory_space<vmem>>, vector<1000x1xf32>
    %get3A_2 = arith.constant 0 : index
    %get3A_3 = arith.constant 0 : index
    %get3A_4 = vector.load %arg4[%get3A_2, %get3A_3] : memref<1000x1xf32, #tpu.memory_space<vmem>>, vector<1000x1xf32>
    %add3A = arith.addf %get3A_1, %get3A_4 : vector<1000x1xf32>
    %max3A = arith.constant 1.000000e+00 : f32
    %max3A_5 = vector.broadcast %max3A : f32 to vector<1000x1xf32>
    %max3A_6 = arith.maximumf %add3A, %max3A_5 : vector<1000x1xf32>
    %get3A_7 = arith.constant 0 : index
    %get3A_8 = arith.constant 0 : index
    %get3A_9 = vector.load %arg1[%get3A_7, %get3A_8] : memref<1000x64xf32, #tpu.memory_space<vmem>>, vector<1000x64xf32>
    %get3A_10 = arith.constant 0 : index
    %get3A_11 = arith.constant 0 : index
    %get3A_12 = vector.load %arg2[%get3A_10, %get3A_11] : memref<1000x64xf32, #tpu.memory_space<vmem>>, vector<1000x64xf32>
    %add3A_13 = arith.addf %get3A_9, %get3A_12 : vector<1000x64xf32>
    %div3A = vector.broadcast %max3A_6 : vector<1000x1xf32> to vector<1000x64xf32>
    %div3A_14 = arith.divf %add3A_13, %div3A : vector<1000x64xf32>
    %get3A_15 = arith.constant 0 : index
    %get3A_16 = arith.constant 0 : index
    %get3A_17 = vector.load %arg5[%get3A_15, %get3A_16] : memref<1x64xf32, #tpu.memory_space<vmem>>, vector<1x64xf32>
    %add3A_18 = vector.broadcast %get3A_17 : vector<1x64xf32> to vector<1000x64xf32>
    %add3A_19 = arith.addf %div3A_14, %add3A_18 : vector<1000x64xf32>
    %swap3A = arith.constant 0 : index
    %swap3A_20 = arith.constant 0 : index
    %swap3A_21 = vector.load %arg6[%swap3A, %swap3A_20] : memref<1000x64xf32, #tpu.memory_space<vmem>>, vector<1000x64xf32>
    tpu.vector_store %arg6[%swap3A, %swap3A_20], %add3A_19 {strides = array<i32>} : memref<1000x64xf32, #tpu.memory_space<vmem>>, vector<1000x64xf32>,
    return
  }
  func.func @transform_0(%arg0: i32) -> (i32, i32) {
    %c0_i32 = arith.constant 0 : i32
    %c0_i32_0 = arith.constant 0 : i32
    return %arg0, %c0_i32 : i32, i32
  }
  func.func @transform_1(%arg0: i32) -> (i32, i32) {
    %c0_i32 = arith.constant 0 : i32
    %c0_i32_0 = arith.constant 0 : i32
    return %arg0, %c0_i32 : i32, i32
  }
  func.func @transform_2(%arg0: i32) -> (i32, i32) {
    %c0_i32 = arith.constant 0 : i32
    %c0_i32_0 = arith.constant 0 : i32
    return %arg0, %c0_i32 : i32, i32
  }
  func.func @transform_3(%arg0: i32) -> (i32, i32) {
    %c0_i32 = arith.constant 0 : i32
    %c0_i32_0 = arith.constant 0 : i32
    return %arg0, %c0_i32 : i32, i32
  }
  func.func @transform_4(%arg0: i32) -> (i32, i32) {
    %c0_i32 = arith.constant 0 : i32
    %c0_i32_0 = arith.constant 0 : i32
    %c0_i32_1 = arith.constant 0 : i32
    return %c0_i32, %c0_i32_0 : i32, i32
  }
  func.func @transform_5(%arg0: i32) -> (i32, i32) {
    %c0_i32 = arith.constant 0 : i32
    %c0_i32_0 = arith.constant 0 : i32
    return %arg0, %c0_i32 : i32, i32
  }
}

</mosaic_0001>

<sc_bundles>
// kernel: kernel.13.cloned.1.call-start
scs
__scs_entry_jumppad:
0x0: {  	(pc) =	sbr.rel $0x88, $3  }
0x1: {  	(tag) =	ssettag $0x0;
	lr =	simm.s32 $0x1  }
0x2: {  	[smem:$0x3F95] =	sst lr;
	_ =	strace $0xD0000000  }
0x3: {  	_ = 	snop  }
0x4: {  	_ = 	snop  }
0x5: {  	_ = 	snop  }
0x6: {  	_ = 	snop  }
0x7: {  	_ = 	snop  }
__scs_overlays_trampoline_lowered:
0x8: {  	[smem:$0x3FA4] =	sst s0  }
0x9: {  	[smem:$0x3FA5] =	sst s1  }
0xa: {  	[smem:$0x3FA6] =	sst s2  }
0xb: {  	[smem:$0x3FA7] =	sst s3  }
0xc: {  	[smem:$0x3FA8] =	sst s4  }
0xd: {  	[smem:$0x3FA9] =	sst s5  }
0xe: {  	[smem:$0x3FAA] =	sst s6  }
0xf: {  	[smem:$0x3FAB] =	sst s7  }
0x10: {  	[smem:$0x3FAC] =	sst s8  }
0x11: {  	[smem:$0x3FAD] =	sst s9;
	s0 =	simm.s32 @!p0 $0x0  }
0x12: {  	s1 =	sld [smem:$0x3F93];
	s0 =	simm.s32 @p0 $0x1  }
0x13: {  	[smem:$0x3FAE] =	sst s0;
	s0 =	simm.s32 @!p1 $0x0  }
0x14: {  	s2 =	sld [smem:$0x3F92];
	s0 =	simm.s32 @p1 $0x1  }
0x15: {  	[smem:$0x3FAF] =	sst s0;
	s0 =	simm.s32 @!p2 $0x0  }
0x16: {  	s3 =	sld [smem:$0x3FDB];
	s0 =	simm.s32 @p2 $0x1  }
0x17: {  	s4 =	simm.s32 $0x1BF5;
	[smem:$0x3FB1] =	sst s0  }
0x18: {  	s0 =	sld [smem:$0x3F94];
	_ =	swait.ge [sflag:s4], $0x0  }
0x19: {  	s7 =	sld [smem:$0x3F95]  }
0x1a: {  	s8 =	sadd.s32 $0xFFFFE003, lr  }
0x1b: {  	s9 =	sadd.s32 $0xFFFFFEF7, lr;
	s5 =	simm.s32 $0xFFFFFFFF;
	p2 =	slt.u32 s8, $0xFFFFF086  }
0x1c: {  	p1 =	slt.u32 s9, $0xF7A;
	s5 =	simm.s32 @!p2 $0x0  }
0x1d: {  	s5 =	simm.s32 @p1 $0x1;
	p0 =	seq.s32 s7, s2  }
0x1e: {  	s7 =	smul.u32 @!p0 $0xF7A, s2;
	p2 =	seq.s32 @!p0 s5, $0x0  }
0x1f: {  	s9 =	smul.u32 $0xF7A, s1;
	s8 =	simm.s32 @!p0 $0x1BF5;
	p2 =	por !p2, p0  }
0x20: {  	[sflag:s8] =	ssyncset.s32 @!p0 $0xFFFFF086;
	s6 =	sadd.s32 @!p0 s3, s7;
	s7 =	simm.s32 @!p0 $0x108  }
0x21: {  	s3 =	sadd.s32 s3, s9;
	s6 =	sadd.s32 @!p0 $0x88, s6;
	s7 =	simm.s32 @p2 $0x1082  }
0x22: {  	[simem:s7], [sflag:s8] =	dma.local @!p0 [hbm:s6], $0xF7A  }
0x23: {  	s9 =	sor.u32 $0xD0000000, s2;
	s6 =	simm.s32 $0x108;
	_ =	swait.ge @!p0 [sflag:s8], $0x0  }
0x24: {  	s3 =	sadd.s32 $0x88, s3;
	s6 =	simm.s32 @!p1 $0x1082;
	[sflag:s4] =	ssyncset.s32 $0xFFFFF086  }
0x25: {  	[simem:s6], [sflag:s4] =	dma.local [hbm:s3], $0xF7A  }
0x26: {  	[smem:$0x3F95] =	sst s1;
	(tag) =	ssettag s2;
	_ =	strace s9  }
0x27: {  	s1 =	sld [smem:$0x3FA5]  }
0x28: {  	s2 =	sld [smem:$0x3FA6]  }
0x29: {  	s4 =	sld [smem:$0x3FA8]  }
0x2a: {  	p0 =	seq.s32 s5, $0x0;
	s5 =	sld [smem:$0x3FA9]  }
0x2b: {  	s6 =	sld [smem:$0x3FAA]  }
0x2c: {  	s7 =	sld [smem:$0x3FAB]  }
0x2d: {  	s3 =	simm.s32 $0x108;
	s8 =	sld [smem:$0x3FAC]  }
0x2e: {  	s3 =	simm.s32 @!p0 $0x1082;
	s9 =	sld [smem:$0x3FAD]  }
0x2f: {  	lr =	sadd.s32 s0, s3;
	s0 =	sld [smem:$0x3FA4]  }
0x30: {  	s3 =	sld [smem:$0x3FA7]  }
0x31: {  	[smem:$0x3FB0] =	sst s10  }
0x32: {  	s10 =	sld [smem:$0x3FAE];
	_ =	sdelay $0x3  }
0x33: {  	p0 =	seq.s32 s10, $0x1;
	s10 =	sld [smem:$0x3FB0];
	_ =	sdelay $0x3  }
0x34: {  	[smem:$0x3FB0] =	sst s10  }
0x35: {  	s10 =	sld [smem:$0x3FAF];
	_ =	sdelay $0x3  }
0x36: {  	p1 =	seq.s32 s10, $0x1;
	s10 =	sld [smem:$0x3FB0];
	_ =	sdelay $0x3  }
0x37: {  	[smem:$0x3FB0] =	sst s10  }
0x38: {  	s10 =	sld [smem:$0x3FB1]  }
0x39: {  	_ = 	snop;
	(pc) =	sbr.ind lr, $3  }
0x3a: {  	_ = 	snop  }
0x3b: {  	_ = 	snop  }
0x3c: {  	p2 =	seq.s32 s10, $0x1;
	s10 =	sld [smem:$0x3FB0]  }
0x3d: {  	_ =	shalt  }
0x3e: {  	_ =	shalt  }
0x3f: {  	_ =	shalt  }
0x40: {  	_ =	shalt  }
0x41: {  	_ =	shalt  }
0x42: {  	_ =	shalt  }
0x43: {  	_ =	shalt  }
0x44: {  	_ =	shalt  }
0x45: {  	_ =	shalt  }
0x46: {  	_ =	shalt  }
0x47: {  	_ =	shalt  }
0x48: {  	_ =	shalt  }
0x49: {  	_ =	shalt  }
0x4a: {  	_ =	shalt  }
0x4b: {  	_ =	shalt  }
0x4c: {  	_ =	shalt  }
0x4d: {  	_ =	shalt  }
0x4e: {  	_ =	shalt  }
0x4f: {  	_ =	shalt  }
0x50: {  	_ =	shalt  }
0x51: {  	_ =	shalt  }
0x52: {  	_ =	shalt  }
0x53: {  	_ =	shalt  }
0x54: {  	_ =	shalt  }
0x55: {  	_ =	shalt  }
0x56: {  	_ =	shalt  }
0x57: {  	_ =	shalt  }
0x58: {  	_ =	shalt  }
0x59: {  	_ =	shalt  }
0x5a: {  	_ =	shalt  }
0x5b: {  	_ =	shalt  }
0x5c: {  	_ =	shalt  }
0x5d: {  	_ =	shalt  }
0x5e: {  	_ =	shalt  }
0x5f: {  	_ =	shalt  }
0x60: {  	_ =	shalt  }
0x61: {  	_ =	shalt  }
0x62: {  	_ =	shalt  }
0x63: {  	_ =	shalt  }
0x64: {  	_ =	shalt  }
0x65: {  	_ =	shalt  }
0x66: {  	_ =	shalt  }
0x67: {  	_ =	shalt  }
0x68: {  	_ =	shalt  }
0x69: {  	_ =	shalt  }
0x6a: {  	_ =	shalt  }
0x6b: {  	_ =	shalt  }
0x6c: {  	_ =	shalt  }
0x6d: {  	_ =	shalt  }
0x6e: {  	_ =	shalt  }
0x6f: {  	_ =	shalt  }
0x70: {  	_ =	shalt  }
0x71: {  	_ =	shalt  }
0x72: {  	_ =	shalt  }
0x73: {  	_ =	shalt  }
0x74: {  	_ =	shalt  }
0x75: {  	_ =	shalt  }
0x76: {  	_ =	shalt  }
0x77: {  	_ =	shalt  }
0x78: {  	_ =	shalt  }
0x79: {  	_ =	shalt  }
0x7a: {  	_ =	shalt  }
0x7b: {  	_ =	shalt  }
0x7c: {  	_ =	shalt  }
0x7d: {  	_ =	shalt  }
0x7e: {  	_ =	shalt  }
0x7f: {  	_ =	shalt  }
0x80: {  	_ =	shalt  }
0x81: {  	_ =	shalt  }
0x82: {  	_ =	shalt  }
0x83: {  	_ =	shalt  }
0x84: {  	_ =	shalt  }
0x85: {  	_ =	shalt  }
0x86: {  	_ =	shalt  }
0x87: {  	_ =	shalt  }
.Lfunc_end0:
.L_simem_size_0:
called_computation_lowered:
.L_overlay_start_0:
0x88: {  	s2 =	sld [smem:$0x3FD9]  }
0x89: {  	s3 =	sld [smem:$0x3FFE];
	_ =	sdelay $0x1  }
0x8a: {  	s1 =	srdreg.scid  }
0x8b: {  	s0 =	sand.u32 $0x1, s1  }
0x8c: {  	s17 =	sshll.u32 s0, $0xA;
	s2 =	sadd.s32 s3, s2  }
0x8d: {  	s2 =	sadd.s32 s2, s17  }
0x8e: {  	[smem:$0x3FBC] =	sst s2  }
0x8f: {  	_ = 	snop  }
0x90: {  	s2 =	sld [smem:$0x3FD0];
	(tm) =	ssettm $0x1  }
0x91: {  	s18 =	sld [smem:$0x3FFB];
	_ =	sdelay $0x3  }
0x92: {  	_ =	strace s18  }
0x93: {  	s3 =	sld [smem:$0x3FFC];
	_ =	sdelay $0x3  }
0x94: {  	_ =	strace s3  }
0x95: {  	s3 =	sld [smem:$0x3FFD];
	_ =	sdelay $0x3  }
0x96: {  	_ =	strace s3  }
0x97: {  	_ =	strace $0x8FFFFFFF  }
0x98: {  	s19 =	sld [smem:$0x3FDB];
	_ =	sdelay $0x1  }
0x99: {  	s4 =	simm.s32 $_scs_section_size  }
0x9a: {  	s5 =	simm.s32 $_size__tile_overlayer_lowered;
	s6 =	simm.s32 $_tile_overlayer_lowered  }
0x9b: {  	s22 =	simm.s32 $0x1BFF;
	s21 =	sshll.u32 s6, $0x1;
	s3 =	sadd.s32 s4, s19  }
0x9c: {  	s7 =	simm.s32 $0x0;
	s20 =	sshll.u32 s5, $0x1;
	s5 =	sadd.s32 s21, s3  }
0x9d: {  	[timem:s7], [sflag:s22] =	dma.local [hbm:s5], s20  }
0x9e: {  	_ =	swait.ge [sflag:s22], s20  }
0x9f: {  	s4 =	ssub.s32 $0x0, s20;
	[sflag:s22] =	ssyncset.done $0x0  }
0xa0: {  	[sflag:s22] =	ssyncadd.s32 s4;
	_ =	sdelay $0x1  }
0xa1: {  	s23 =	simm.s32 $0x1B8B  }
0xa2: {  	_ =	swait.ge [sflag:s23], $0x1  }
0xa3: {  	[sflag:s23] =	ssyncset.done $0x0  }
0xa4: {  	s25 =	simm.s32 $0x1B8E;
	s24 =	sld [smem:$0x3FFE];
	[sflag:s23] =	ssyncadd.s32 $0xFFFFFFFF  }
0xa5: {  	s26 =	simm.s32 $execute0_lowered;
	[smem:$0x3FD2] =	sst s25  }
0xa6: {  	s5 =	sshll.u32 s26, $0x1;
	_ =	strace $0x80000046;
	[dreg:$0x1] =	wrdreg $0xFFFFFFFF  }
0xa7: {  	s28 =	simm.s32 $_size_execute0_lowered;
	s3 =	sadd.s32 s3, s5;
	[dreg:$0x0] =	wrdreg $0x0  }
0xa8: {  	s5 =	sshll.u32 s28, $0x1;
	[dreg:$0x2] =	wrdreg s3  }
0xa9: {  	[dreg:$0x3] =	wrdreg s5  }
0xaa: {  	[dreg:$0x4] =	wrdreg $0xC0  }
0xab: {  	_ =	task [dreg:s7], $0x5FFFF  }
0xac: {  	[dreg:$0x1] =	wrdreg $0xFFFFFFFF  }
0xad: {  	[dreg:$0x0] =	wrdreg $0x60  }
0xae: {  	[dreg:$0x2] =	wrdreg s24  }
0xaf: {  	[dreg:$0x3] =	wrdreg s2  }
0xb0: {  	[dreg:$0x4] =	wrdreg $0xAB000  }
0xb1: {  	[dreg:$0x5] =	wrdreg $0x1EB000  }
0xb2: {  	[dreg:$0x6] =	wrdreg $0x9  }
0xb3: {  	_ =	task.clear_ibuf [dreg:s7], $0x7FFFF;
	_ =	strace $0x90000046  }
0xb4: {  	s29 =	simm.s32 $0x9;
	_ =	strace $0x80000048  }
0xb5: {  	_ =	swait.ge [sflag:s29], $0x1  }
0xb6: {  	[sflag:s29] =	ssyncadd.s32 $0xFFFFFFFF  }
0xb7: {  	_ =	strace $0x90000048  }
0xb8: {  	_ =	sfence  }
0xb9: {  	s30 =	sld [smem:$0x0];
	_ =	sdelay $0x2  }
0xba: {  	s31 =	sshll.u32 s1, $0xD;
	s1 =	sshrl.u32 s1, $0x2  }
0xbb: {  	s3 =	sand.u32 $0x4000, s31;
	s1 =	sadd.s32 s1, s30  }
0xbc: {  	s0 =	sor.u32 s3, s0;
	s1 =	sshll.u32 s1, $0x11  }
0xbd: {  	s0 =	sor.u32 s1, s0  }
0xbe: {  	s0 =	sadd.s32 $0x8F2B, s0  }
0xbf: {  	[sflag:s0] =	ssyncadd.remote.s32 $0x1  }
0xc0: {  	_ =	sfence.sel $0xFFFF  }
0xc1: {  	[dreg:$0x0] =	wrdreg $0xFFFFFFFF;
	(pc) =	sbr.abs _section_cstart, $3  }
0xc2: {  	[dreg:$0x1] =	wrdreg $0xFFFFFFFF  }
0xc3: {  	_ =	task.clear_ibuf [dreg:s7], $0x2FFFF;
	_ =	strace $0x9FFFFFFF  }
0xc4: {  	(tm) =	ssettm $0x7FFFFFFF  }
0xc5: {  	_ =	shalt  }
tec
execute0_lowered:
.L_overlay_start_1:
0x0: {  	(tag) =	ssettag $0x1  }
0x1: {  	s0 =	rddreg [dreg:$0x0]  }
0x2: {  	s16 =	rddreg [dreg:$0x1]  }
0x3: {  	s1 =	rddreg [dreg:$0x2]  }
0x4: {  	s2 =	rddreg [dreg:$0x3]  }
0x5: {  	s4 =	simm.s32 $0x0;
	s5 =	srdreg.scid;
	s3 =	stileid.u32  }
0x6: {  	s20 =	simm.s32 $0xA880;
	s21 =	simm.s32 $0xA800;
	s22 =	simm.s32 $0x1400  }
0x7: {  	s23 =	simm.s32 $0x80;
	s28 =	simm.s32 $0x0;
	[smem:$0x7FF] =	sst s4  }
0x8: {  	s9 =	sand.u32 $0x1, s5;
	s10 =	smul.u32 $0x280, s3;
	s5 =	sadd.s32 $0x4C00, s0  }
0x9: {  	s13 =	sadd.s32 $0x2BE00, s0;
	s14 =	sadd.s32 $0x35E00, s0;
	s6 =	sadd.s32 $0x3FE00, s0  }
0xa: {  	s7 =	sadd.s32 $0x42600, s0;
	s8 =	sadd.s32 $0x42800, s0;
	s12 =	smul.u32 $0x50000, s3  }
0xb: {  	s26 =	sshll.u32 s3, $0x6;
	_ =	strace $0x80000047;
	s11 =	smul.u32 $0x2800, s9  }
0xc: {  	[dreg:$0x5] =	wrdreg s6;
	s24 =	sshll.u32 s9, $0x4;
	s9 =	ssub.s32 $0x2, s9  }
0xd: {  	s18 =	sshrl.u32 s9, $0x1;
	s25 =	sshrl.u32 s12, $0x2;
	s17 =	sadd.s32 s10, s11  }
0xe: {  	s11 =	sor.u32 s3, s24;
	s18 =	ssub.s32 s9, s18;
	s19 =	sadd.s32 s25, s1  }
0xf: {  	s9 =	sor.u32 $0x1C07, s26;
	s10 =	sadd.s32 s10, s2;
	s24 =	simm.s32 $0x2800  }
0x10: {  	s25 =	simm.s32 $0x4;
	s26 =	simm.s32 $0x6;
	s11 =	smul.u32 $0x2800, s11  }
.Ltmp0:
0x11: {  	s15 =	sshll.u32 s17, $0x4;
	s31 =	sshrl.u32 s17, $0x3;
	(pc) =	sbr.rel .LBB2_1-.Ltmp0, $4  }
0x12: {  	s17 =	smax.u32 s18, $0x1;
	s18 =	sshrl.u32 s19, $0x3;
	s19 =	simm.s32 $0x7  }
0x13: {  	s0 =	sadd.s32 s15, s0;
	s16 =	sadd.s32 s16, s31;
	s29 =	sshrl.u32 s11, $0x3  }
0x14: {  	s15 =	sadd.s32 $0x42A00, s0;
	s30 =	sadd.s32 $0x280, s29;
	s11 =	sadd.s32 s13, s29  }
0x15: {  	s12 =	sadd.s32 s14, s29;
	s13 =	sadd.s32 s13, s30;
	s14 =	sadd.s32 s14, s30  }
.LBB2_9:
0x16: {  	_ =	swait.ge [sflag:s25], $0x4000  }
0x17: {  	[sflag:s25] =	ssyncset.done $0x0  }
0x18: {  	[sflag:s25] =	ssyncadd.s32 $0xFFFFC000  }
0x19: {  	_ =	swait.ge [sflag:s26], $0x80  }
0x1a: {  	[sflag:s26] =	ssyncset.done $0x0  }
0x1b: {  	[sflag:s26] =	ssyncadd.s32 $0xFFFFFF80  }
0x1c: {  	[bflag:$0x0] =	sbarrier.arrive $0xFFFF  }
0x1d: {  	[hbm:s15], [sflag:s9] =	dma.local [spmem:s18], $0x2800  }
0x1e: {  	_ =	swait.ge [sflag:s19], $0x2800  }
0x1f: {  	[sflag:s19] =	ssyncset.done $0x0  }
0x20: {  	[sflag:s19] =	ssyncadd.s32 $0xFFFFD800  }
0x21: {  	[tilespmem:s20], [sflag:$0x7] =	stream.linear.gather [spmem:s10], $0x280, $0x38;
	[tilespmem:$0x1ED80] =	vst v63  }
0x22: {  	s28 =	sadd.s32 $0x1, s28;
	_ =	swait.ge [sflag:s19], $0x280  }
0x23: {  	p0 =	sne.s32 s28, s17;
	[sflag:s19] =	ssyncset.done $0x0  }
.Ltmp1:
0x24: {  	[sflag:s19] =	ssyncadd.s32 $0xFFFFFD80;
	(pc) =	sbr.rel @!p0 .LBB2_10-.Ltmp1, $4  }
0x25: {  	[hbm4b:s16+s4] =	stream.linear.scatter [tilespmem:s20], [sflag:$0x7], $0x280, $0x38;
	[tilespmem:$0x1ED80] =	vst v63  }
0x26: {  	_ =	swait.ge [sflag:s19], $0x280  }
0x27: {  	[sflag:s19] =	ssyncset.done $0x0  }
0x28: {  	[sflag:s19] =	ssyncadd.s32 $0xFFFFFD80  }
.LBB2_1:
0x29: {  	s0 =	rddreg [dreg:$0x5]  }
0x2a: {  	[spmem:s18], [sflag:s9] =	dma.local [hbm:s0], $0x2800  }
0x2b: {  	_ =	swait.ge [sflag:s19], $0x2800  }
0x2c: {  	[sflag:s19] =	ssyncset.done $0x0  }
0x2d: {  	[sflag:s19] =	ssyncadd.s32 $0xFFFFD800  }
0x2e: {  	[tilespmem:s20], [sflag:$0x7] =	stream.linear.gather [hbm4b:s7+s4], $0x280, $0x38;
	[tilespmem:$0x1ED80] =	vst v63  }
0x2f: {  	_ =	swait.ge [sflag:s19], $0x280  }
0x30: {  	[sflag:s19] =	ssyncset.done $0x0  }
0x31: {  	[sflag:s19] =	ssyncadd.s32 $0xFFFFFD80  }
0x32: {  	[spmem:s10] =	stream.linear.scatter [tilespmem:s20], [sflag:$0x7], $0x280, $0x38;
	[tilespmem:$0x1ED80] =	vst v63  }
0x33: {  	_ =	swait.ge [sflag:s19], $0x280  }
0x34: {  	[sflag:s19] =	ssyncset.done $0x0  }
0x35: {  	[sflag:s19] =	ssyncadd.s32 $0xFFFFFD80  }
0x36: {  	[tilespmem:s21], [sflag:$0x7] =	stream.linear.gather [hbm4b:s8+s4], $0x80, $0x38;
	[tilespmem:$0x1ED80] =	vst v63  }
0x37: {  	_ =	swait.ge [sflag:s19], $0x80  }
0x38: {  	[sflag:s19] =	ssyncset.done $0x0  }
0x39: {  	[sflag:s19] =	ssyncadd.s32 $0xFFFFFF80  }
0x3a: {  	[bflag:$0x0] =	sbarrier.arrive $0xFFFF  }
0x3b: {  	[tilespmem:s4], [sflag:$0x7] =	stream.linear.gather [hbm4b:s11+s4], $0x1400, $0x38;
	[tilespmem:$0x1ED80] =	vst v63  }
0x3c: {  	_ =	swait.ge [sflag:s19], $0x1400  }
0x3d: {  	[sflag:s19] =	ssyncset.done $0x0  }
0x3e: {  	[sflag:s19] =	ssyncadd.s32 $0xFFFFEC00  }
0x3f: {  	[tilespmem:s22], [sflag:$0x7] =	stream.linear.gather [hbm4b:s12+s4], $0x1400, $0x38;
	[tilespmem:$0x1ED80] =	vst v63  }
.Ltmp2:
0x40: {  	_ = 	snop;
	(pc) =	sbr.rel .LBB2_2-.Ltmp2, $4  }
0x41: {  	_ =	swait.ge [sflag:s19], $0x1400  }
0x42: {  	[sflag:s19] =	ssyncset.done $0x0  }
0x43: {  	s30 =	simm.s32 $0x0;
	[sflag:s19] =	ssyncadd.s32 $0xFFFFEC00  }
0x44: {  	[tilespmem:s24], [sflag:$0x1] =	stream.indirect.gather [hbm4b:s5+s23], $0x80, s4, s23, $0xb8;
	[tilespmem:$0x1ED80] =	vst v63  }
.LBB2_4:
0x45: {  	s0 =	sadd.s32 $0x1, s29;
	s3 =	sshll.u32 s29, $0xE;
	s6 =	sshll.u32 s30, $0x7  }
0x46: {  	p0 =	slt.u32 s31, $0x28;
	_ =	swait.ge [sflag:s0], $0x4000;
	s3 =	sor.u32 $0x2800, s3  }
.Ltmp3:
0x47: {  	s6 =	sand.u32 $0x3FFFFF80, s6;
	[sflag:s0] =	ssyncset.done $0x0;
	(pc) =	sbr.rel @!p0 .LBB2_5-.Ltmp3, $4  }
0x48: {  	[sflag:s0] =	ssyncadd.s32 $0xFFFFC000;
	s0 =	sadd.s32 $0x1400, s6;
	s6 =	sadd.s32 $0x3, s29  }
0x49: {  	[spmem:s1] =	stream.indirect.scatter.add.f32 [tilespmem:s3], [sflag:s6], $0x80, s0, s23, $0xb8;
	[tilespmem:$0x1ED80] =	vst v63  }
0x4a: {  	s30 =	smov.u32 s31;
	s29 =	sadd.s32 $0x5, s29  }
0x4b: {  	[spmem:s2] =	stream.indirect.scatter.add.f32 [tilespmem:s21], [sflag:s29], $0x1, s0, s23, $0xb8;
	[tilespmem:$0x1ED80] =	vst v63  }
.LBB2_2:
0x4c: {  	s29 =	sand.u32 $0x1, s30  }
0x4d: {  	p0 =	seq.s32 s30, $0x0;
	s0 =	sxor.u32 $0x1, s29  }
0x4e: {  	p1 =	seq.s32 @!p0 s30, $0x27;
	s31 =	sadd.s32 @!p0 $0x3, s0  }
0x4f: {  	p1 =	por p0, !p1;
	_ =	swait.ge @!p0 [sflag:s31], $0x4000  }
.Ltmp4:
0x50: {  	[sflag:s31] =	ssyncset.done @!p0 $0x0;
	(pc) =	sbr.rel @!p1 .LBB2_4-.Ltmp4, $4  }
0x51: {  	[sflag:s31] =	ssyncadd.s32 @!p0 $0xFFFFC000;
	s31 =	sadd.s32 @!p0 $0x5, s0  }
0x52: {  	_ =	swait.ge @!p0 [sflag:s31], $0x80  }
0x53: {  	[sflag:s31] =	ssyncset.done @!p0 $0x0  }
0x54: {  	[sflag:s31] =	ssyncadd.s32 @!p0 $0xFFFFFF80;
	s31 =	simm.s32 @!p0 $0x28  }
.Ltmp5:
0x55: {  	s31 =	sadd.s32 @!p0 $0x1, s30;
	(pc) =	sbr.rel .LBB2_4-.Ltmp5, $4  }
0x56: {  	s31 =	simm.s32 @p0 $0x1  }
0x57: {  	s3 =	sshll.u32 s0, $0xE;
	s6 =	sshll.u32 s31, $0x7  }
0x58: {  	s0 =	sadd.s32 $0x1, s0;
	s3 =	sor.u32 $0x2800, s3;
	s6 =	sand.u32 $0x3FFFFF80, s6  }
0x59: {  	[tilespmem:s3], [sflag:s0] =	stream.indirect.gather [hbm4b:s5+s23], $0x80, s6, s23, $0xb8;
	[tilespmem:$0x1ED80] =	vst v63  }
.LBB2_5:
0x5a: {  	_ =	swait.ge [sflag:s25], $0x4000  }
0x5b: {  	[sflag:s25] =	ssyncset.done $0x0  }
0x5c: {  	[sflag:s25] =	ssyncadd.s32 $0xFFFFC000  }
0x5d: {  	_ =	swait.ge [sflag:s26], $0x80  }
0x5e: {  	[sflag:s26] =	ssyncset.done $0x0  }
0x5f: {  	s29 =	simm.s32 $0x0;
	[sflag:s26] =	ssyncadd.s32 $0xFFFFFF80  }
0x60: {  	[tilespmem:s29], [sflag:$0x7] =	stream.linear.gather [hbm4b:s13+s29], $0x1400, $0x38;
	[tilespmem:$0x1ED80] =	vst v63  }
0x61: {  	_ =	swait.ge [sflag:s19], $0x1400  }
0x62: {  	[sflag:s19] =	ssyncset.done $0x0  }
0x63: {  	[sflag:s19] =	ssyncadd.s32 $0xFFFFEC00  }
0x64: {  	[tilespmem:s22], [sflag:$0x7] =	stream.linear.gather [hbm4b:s14+s29], $0x1400, $0x38;
	[tilespmem:$0x1ED80] =	vst v63  }
.Ltmp6:
0x65: {  	_ = 	snop;
	(pc) =	sbr.rel .LBB2_6-.Ltmp6, $4  }
0x66: {  	_ =	swait.ge [sflag:s19], $0x1400  }
0x67: {  	[sflag:s19] =	ssyncset.done $0x0  }
0x68: {  	[sflag:s19] =	ssyncadd.s32 $0xFFFFEC00  }
0x69: {  	[tilespmem:s24], [sflag:$0x1] =	stream.indirect.gather [hbm4b:s5+s23], $0x80, s29, s23, $0xb8;
	[tilespmem:$0x1ED80] =	vst v63  }
.LBB2_8:
0x6a: {  	s0 =	sadd.s32 $0x1, s30;
	s3 =	sshll.u32 s30, $0xE;
	s6 =	sshll.u32 s29, $0x7  }
0x6b: {  	p0 =	slt.u32 s31, $0x28;
	_ =	swait.ge [sflag:s0], $0x4000;
	s3 =	sor.u32 $0x2800, s3  }
.Ltmp7:
0x6c: {  	s6 =	sand.u32 $0x3FFFFF80, s6;
	[sflag:s0] =	ssyncset.done $0x0;
	(pc) =	sbr.rel @!p0 .LBB2_9-.Ltmp7, $4  }
0x6d: {  	[sflag:s0] =	ssyncadd.s32 $0xFFFFC000;
	s0 =	sadd.s32 $0x1400, s6;
	s6 =	sadd.s32 $0x3, s30  }
0x6e: {  	[spmem:s1] =	stream.indirect.scatter.add.f32 [tilespmem:s3], [sflag:s6], $0x80, s0, s23, $0xb8;
	[tilespmem:$0x1ED80] =	vst v63  }
0x6f: {  	s29 =	smov.u32 s31;
	s30 =	sadd.s32 $0x5, s30  }
0x70: {  	[spmem:s2] =	stream.indirect.scatter.add.f32 [tilespmem:s21], [sflag:s30], $0x1, s0, s23, $0xb8;
	[tilespmem:$0x1ED80] =	vst v63  }
.LBB2_6:
0x71: {  	s30 =	sand.u32 $0x1, s29  }
0x72: {  	p0 =	seq.s32 s29, $0x0;
	s0 =	sxor.u32 $0x1, s30  }
0x73: {  	p1 =	seq.s32 @!p0 s29, $0x27;
	s3 =	sadd.s32 @!p0 $0x3, s0  }
0x74: {  	p1 =	por p0, !p1;
	_ =	swait.ge @!p0 [sflag:s3], $0x4000  }
.Ltmp8:
0x75: {  	[sflag:s3] =	ssyncset.done @!p0 $0x0;
	(pc) =	sbr.rel @!p1 .LBB2_8-.Ltmp8, $4  }
0x76: {  	[sflag:s3] =	ssyncadd.s32 @!p0 $0xFFFFC000;
	s3 =	sadd.s32 @!p0 $0x5, s0  }
0x77: {  	_ =	swait.ge @!p0 [sflag:s3], $0x80  }
0x78: {  	[sflag:s3] =	ssyncset.done @!p0 $0x0  }
0x79: {  	s31 =	simm.s32 @!p0 $0x28;
	[sflag:s3] =	ssyncadd.s32 @!p0 $0xFFFFFF80  }
.Ltmp9:
0x7a: {  	s31 =	sadd.s32 @!p0 $0x1, s29;
	(pc) =	sbr.rel .LBB2_8-.Ltmp9, $4  }
0x7b: {  	s31 =	simm.s32 @p0 $0x1  }
0x7c: {  	s3 =	sshll.u32 s0, $0xE;
	s6 =	sshll.u32 s31, $0x7  }
0x7d: {  	s0 =	sadd.s32 $0x1, s0;
	s3 =	sor.u32 $0x2800, s3;
	s6 =	sand.u32 $0x3FFFFF80, s6  }
0x7e: {  	[tilespmem:s3], [sflag:s0] =	stream.indirect.gather [hbm4b:s5+s23], $0x80, s6, s23, $0xb8;
	[tilespmem:$0x1ED80] =	vst v63  }
.LBB2_10:
0x7f: {  	_ =	sfence.sel $0x180000  }
0x80: {  	[bflag:$0x0] =	sbarrier.arrive $0xFFFF  }
0x81: {  	_ =	strace $0x90000047  }
0x82: {  	s0 =	stileid.u32;
	[bflag:$0x2] =	sbarrier.arrive $0xFFFF  }
0x83: {  	p0 =	sne.s32 s0, $0x0;
	s0 =	rddreg [dreg:$0x4]  }
0x84: {  	s0 =	sadd.s32 @!p0 $0x100000, s0  }
0x85: {  	[sflag:s0] =	ssyncadd.tile.s32 @!p0 $0x1;
	_ =	shalt  }
.Lfunc_end2:
_tile_overlayer_lowered:
.L_overlay_start_2:
0x86: {  	(tag) =	ssettag $0x2  }
0x87: {  	s0 =	rddreg [dreg:$0x0];
	s2 =	stileid.u32  }
0x88: {  	s1 =	rddreg [dreg:$0x1];
	p0 =	sne.s32 s2, $0x0  }
0x89: {  	s3 =	rddreg [dreg:$0x2];
	[bflag:$0x3] =	sbarrier.arrive $0xFFFF;
	s2 =	simm.s32 @!p0 $0x1C07  }
0x8a: {  	[timem:s3], [sflag:s2] =	dma.local @!p0 [hbm:s0], s1  }
0x8b: {  	s0 =	simm.s32 @!p0 $0x7  }
0x8c: {  	_ =	swait.ge @!p0 [sflag:s0], s1  }
0x8d: {  	s1 =	ssub.s32 @!p0 $0x0, s1;
	[sflag:s0] =	ssyncset.done @!p0 $0x0  }
0x8e: {  	[sflag:s0] =	ssyncadd.s32 @!p0 s1  }
0x8f: {  	[bflag:$0x3] =	sbarrier.arrive $0xFFFF  }
0x90: {  	_ =	shalt  }

// kernel: kernel.16.cloned.1.call-start
scs
__scs_entry_jumppad:
0x0: {  	(pc) =	sbr.rel $0x88, $3  }
0x1: {  	(tag) =	ssettag $0x0;
	lr =	simm.s32 $0x1  }
0x2: {  	[smem:$0x3F95] =	sst lr;
	_ =	strace $0xD0000000  }
0x3: {  	_ = 	snop  }
0x4: {  	_ = 	snop  }
0x5: {  	_ = 	snop  }
0x6: {  	_ = 	snop  }
0x7: {  	_ = 	snop  }
__scs_overlays_trampoline_lowered:
0x8: {  	[smem:$0x3FA4] =	sst s0  }
0x9: {  	[smem:$0x3FA5] =	sst s1  }
0xa: {  	[smem:$0x3FA6] =	sst s2  }
0xb: {  	[smem:$0x3FA7] =	sst s3  }
0xc: {  	[smem:$0x3FA8] =	sst s4  }
0xd: {  	[smem:$0x3FA9] =	sst s5  }
0xe: {  	[smem:$0x3FAA] =	sst s6  }
0xf: {  	[smem:$0x3FAB] =	sst s7  }
0x10: {  	[smem:$0x3FAC] =	sst s8  }
0x11: {  	[smem:$0x3FAD] =	sst s9;
	s0 =	simm.s32 @!p0 $0x0  }
0x12: {  	s1 =	sld [smem:$0x3F93];
	s0 =	simm.s32 @p0 $0x1  }
0x13: {  	[smem:$0x3FAE] =	sst s0;
	s0 =	simm.s32 @!p1 $0x0  }
0x14: {  	s2 =	sld [smem:$0x3F92];
	s0 =	simm.s32 @p1 $0x1  }
0x15: {  	[smem:$0x3FAF] =	sst s0;
	s0 =	simm.s32 @!p2 $0x0  }
0x16: {  	s3 =	sld [smem:$0x3FDB];
	s0 =	simm.s32 @p2 $0x1  }
0x17: {  	s4 =	simm.s32 $0x1BF5;
	[smem:$0x3FB1] =	sst s0  }
0x18: {  	s0 =	sld [smem:$0x3F94];
	_ =	swait.ge [sflag:s4], $0x0  }
0x19: {  	s7 =	sld [smem:$0x3F95]  }
0x1a: {  	s8 =	sadd.s32 $0xFFFFE003, lr  }
0x1b: {  	s9 =	sadd.s32 $0xFFFFFEF7, lr;
	s5 =	simm.s32 $0xFFFFFFFF;
	p2 =	slt.u32 s8, $0xFFFFF086  }
0x1c: {  	p1 =	slt.u32 s9, $0xF7A;
	s5 =	simm.s32 @!p2 $0x0  }
0x1d: {  	s5 =	simm.s32 @p1 $0x1;
	p0 =	seq.s32 s7, s2  }
0x1e: {  	s7 =	smul.u32 @!p0 $0xF7A, s2;
	p2 =	seq.s32 @!p0 s5, $0x0  }
0x1f: {  	s9 =	smul.u32 $0xF7A, s1;
	s8 =	simm.s32 @!p0 $0x1BF5;
	p2 =	por !p2, p0  }
0x20: {  	[sflag:s8] =	ssyncset.s32 @!p0 $0xFFFFF086;
	s6 =	sadd.s32 @!p0 s3, s7;
	s7 =	simm.s32 @!p0 $0x108  }
0x21: {  	s3 =	sadd.s32 s3, s9;
	s6 =	sadd.s32 @!p0 $0x88, s6;
	s7 =	simm.s32 @p2 $0x1082  }
0x22: {  	[simem:s7], [sflag:s8] =	dma.local @!p0 [hbm:s6], $0xF7A  }
0x23: {  	s9 =	sor.u32 $0xD0000000, s2;
	s6 =	simm.s32 $0x108;
	_ =	swait.ge @!p0 [sflag:s8], $0x0  }
0x24: {  	s3 =	sadd.s32 $0x88, s3;
	s6 =	simm.s32 @!p1 $0x1082;
	[sflag:s4] =	ssyncset.s32 $0xFFFFF086  }
0x25: {  	[simem:s6], [sflag:s4] =	dma.local [hbm:s3], $0xF7A  }
0x26: {  	[smem:$0x3F95] =	sst s1;
	(tag) =	ssettag s2;
	_ =	strace s9  }
0x27: {  	s1 =	sld [smem:$0x3FA5]  }
0x28: {  	s2 =	sld [smem:$0x3FA6]  }
0x29: {  	s4 =	sld [smem:$0x3FA8]  }
0x2a: {  	p0 =	seq.s32 s5, $0x0;
	s5 =	sld [smem:$0x3FA9]  }
0x2b: {  	s6 =	sld [smem:$0x3FAA]  }
0x2c: {  	s7 =	sld [smem:$0x3FAB]  }
0x2d: {  	s3 =	simm.s32 $0x108;
	s8 =	sld [smem:$0x3FAC]  }
0x2e: {  	s3 =	simm.s32 @!p0 $0x1082;
	s9 =	sld [smem:$0x3FAD]  }
0x2f: {  	lr =	sadd.s32 s0, s3;
	s0 =	sld [smem:$0x3FA4]  }
0x30: {  	s3 =	sld [smem:$0x3FA7]  }
0x31: {  	[smem:$0x3FB0] =	sst s10  }
0x32: {  	s10 =	sld [smem:$0x3FAE];
	_ =	sdelay $0x3  }
0x33: {  	p0 =	seq.s32 s10, $0x1;
	s10 =	sld [smem:$0x3FB0];
	_ =	sdelay $0x3  }
0x34: {  	[smem:$0x3FB0] =	sst s10  }
0x35: {  	s10 =	sld [smem:$0x3FAF];
	_ =	sdelay $0x3  }
0x36: {  	p1 =	seq.s32 s10, $0x1;
	s10 =	sld [smem:$0x3FB0];
	_ =	sdelay $0x3  }
0x37: {  	[smem:$0x3FB0] =	sst s10  }
0x38: {  	s10 =	sld [smem:$0x3FB1]  }
0x39: {  	_ = 	snop;
	(pc) =	sbr.ind lr, $3  }
0x3a: {  	_ = 	snop  }
0x3b: {  	_ = 	snop  }
0x3c: {  	p2 =	seq.s32 s10, $0x1;
	s10 =	sld [smem:$0x3FB0]  }
0x3d: {  	_ =	shalt  }
0x3e: {  	_ =	shalt  }
0x3f: {  	_ =	shalt  }
0x40: {  	_ =	shalt  }
0x41: {  	_ =	shalt  }
0x42: {  	_ =	shalt  }
0x43: {  	_ =	shalt  }
0x44: {  	_ =	shalt  }
0x45: {  	_ =	shalt  }
0x46: {  	_ =	shalt  }
0x47: {  	_ =	shalt  }
0x48: {  	_ =	shalt  }
0x49: {  	_ =	shalt  }
0x4a: {  	_ =	shalt  }
0x4b: {  	_ =	shalt  }
0x4c: {  	_ =	shalt  }
0x4d: {  	_ =	shalt  }
0x4e: {  	_ =	shalt  }
0x4f: {  	_ =	shalt  }
0x50: {  	_ =	shalt  }
0x51: {  	_ =	shalt  }
0x52: {  	_ =	shalt  }
0x53: {  	_ =	shalt  }
0x54: {  	_ =	shalt  }
0x55: {  	_ =	shalt  }
0x56: {  	_ =	shalt  }
0x57: {  	_ =	shalt  }
0x58: {  	_ =	shalt  }
0x59: {  	_ =	shalt  }
0x5a: {  	_ =	shalt  }
0x5b: {  	_ =	shalt  }
0x5c: {  	_ =	shalt  }
0x5d: {  	_ =	shalt  }
0x5e: {  	_ =	shalt  }
0x5f: {  	_ =	shalt  }
0x60: {  	_ =	shalt  }
0x61: {  	_ =	shalt  }
0x62: {  	_ =	shalt  }
0x63: {  	_ =	shalt  }
0x64: {  	_ =	shalt  }
0x65: {  	_ =	shalt  }
0x66: {  	_ =	shalt  }
0x67: {  	_ =	shalt  }
0x68: {  	_ =	shalt  }
0x69: {  	_ =	shalt  }
0x6a: {  	_ =	shalt  }
0x6b: {  	_ =	shalt  }
0x6c: {  	_ =	shalt  }
0x6d: {  	_ =	shalt  }
0x6e: {  	_ =	shalt  }
0x6f: {  	_ =	shalt  }
0x70: {  	_ =	shalt  }
0x71: {  	_ =	shalt  }
0x72: {  	_ =	shalt  }
0x73: {  	_ =	shalt  }
0x74: {  	_ =	shalt  }
0x75: {  	_ =	shalt  }
0x76: {  	_ =	shalt  }
0x77: {  	_ =	shalt  }
0x78: {  	_ =	shalt  }
0x79: {  	_ =	shalt  }
0x7a: {  	_ =	shalt  }
0x7b: {  	_ =	shalt  }
0x7c: {  	_ =	shalt  }
0x7d: {  	_ =	shalt  }
0x7e: {  	_ =	shalt  }
0x7f: {  	_ =	shalt  }
0x80: {  	_ =	shalt  }
0x81: {  	_ =	shalt  }
0x82: {  	_ =	shalt  }
0x83: {  	_ =	shalt  }
0x84: {  	_ =	shalt  }
0x85: {  	_ =	shalt  }
0x86: {  	_ =	shalt  }
0x87: {  	_ =	shalt  }
.Lfunc_end0:
.L_simem_size_0:
called_computation.1_lowered:
.L_overlay_start_0:
0x88: {  	s2 =	sld [smem:$0x3FD9]  }
0x89: {  	s3 =	sld [smem:$0x3FFE];
	_ =	sdelay $0x1  }
0x8a: {  	s1 =	srdreg.scid  }
0x8b: {  	s0 =	sand.u32 $0x1, s1  }
0x8c: {  	s17 =	sshll.u32 s0, $0xA;
	s2 =	sadd.s32 s3, s2  }
0x8d: {  	s2 =	sadd.s32 s2, s17  }
0x8e: {  	[smem:$0x3FBC] =	sst s2  }
0x8f: {  	_ = 	snop  }
0x90: {  	s2 =	sld [smem:$0x3FD0];
	(tm) =	ssettm $0x1  }
0x91: {  	s18 =	sld [smem:$0x3FFB];
	_ =	sdelay $0x3  }
0x92: {  	_ =	strace s18  }
0x93: {  	s3 =	sld [smem:$0x3FFC];
	_ =	sdelay $0x3  }
0x94: {  	_ =	strace s3  }
0x95: {  	s3 =	sld [smem:$0x3FFD];
	_ =	sdelay $0x3  }
0x96: {  	_ =	strace s3  }
0x97: {  	_ =	strace $0x8FFFFFFF  }
0x98: {  	s19 =	sld [smem:$0x3FDB];
	_ =	sdelay $0x1  }
0x99: {  	s4 =	simm.s32 $_scs_section_size  }
0x9a: {  	s5 =	simm.s32 $_size__tile_overlayer_lowered;
	s6 =	simm.s32 $_tile_overlayer_lowered  }
0x9b: {  	s22 =	simm.s32 $0x1BFF;
	s21 =	sshll.u32 s6, $0x1;
	s3 =	sadd.s32 s4, s19  }
0x9c: {  	s7 =	simm.s32 $0x0;
	s20 =	sshll.u32 s5, $0x1;
	s5 =	sadd.s32 s21, s3  }
0x9d: {  	[timem:s7], [sflag:s22] =	dma.local [hbm:s5], s20  }
0x9e: {  	_ =	swait.ge [sflag:s22], s20  }
0x9f: {  	s4 =	ssub.s32 $0x0, s20;
	[sflag:s22] =	ssyncset.done $0x0  }
0xa0: {  	[sflag:s22] =	ssyncadd.s32 s4;
	_ =	sdelay $0x1  }
0xa1: {  	s23 =	simm.s32 $0x1B8B  }
0xa2: {  	_ =	swait.ge [sflag:s23], $0x1  }
0xa3: {  	[sflag:s23] =	ssyncset.done $0x0  }
0xa4: {  	s25 =	simm.s32 $0x1B8E;
	s24 =	sld [smem:$0x3FFE];
	[sflag:s23] =	ssyncadd.s32 $0xFFFFFFFF  }
0xa5: {  	s26 =	simm.s32 $execute0_lowered;
	[smem:$0x3FD2] =	sst s25  }
0xa6: {  	s5 =	sshll.u32 s26, $0x1;
	_ =	strace $0x80000049;
	[dreg:$0x1] =	wrdreg $0xFFFFFFFF  }
0xa7: {  	s28 =	simm.s32 $_size_execute0_lowered;
	s3 =	sadd.s32 s3, s5;
	[dreg:$0x0] =	wrdreg $0x0  }
0xa8: {  	s5 =	sshll.u32 s28, $0x1;
	[dreg:$0x2] =	wrdreg s3  }
0xa9: {  	[dreg:$0x3] =	wrdreg s5  }
0xaa: {  	[dreg:$0x4] =	wrdreg $0xC0  }
0xab: {  	_ =	task [dreg:s7], $0x5FFFF  }
0xac: {  	[dreg:$0x1] =	wrdreg $0xFFFFFFFF  }
0xad: {  	[dreg:$0x0] =	wrdreg $0x60  }
0xae: {  	[dreg:$0x2] =	wrdreg s24  }
0xaf: {  	[dreg:$0x3] =	wrdreg s2  }
0xb0: {  	[dreg:$0x4] =	wrdreg $0xAB000  }
0xb1: {  	[dreg:$0x5] =	wrdreg $0x1EB000  }
0xb2: {  	[dreg:$0x6] =	wrdreg $0x9  }
0xb3: {  	_ =	task.clear_ibuf [dreg:s7], $0x7FFFF;
	_ =	strace $0x90000049  }
0xb4: {  	s29 =	simm.s32 $0x9;
	_ =	strace $0x8000004B  }
0xb5: {  	_ =	swait.ge [sflag:s29], $0x1  }
0xb6: {  	[sflag:s29] =	ssyncadd.s32 $0xFFFFFFFF  }
0xb7: {  	_ =	strace $0x9000004B  }
0xb8: {  	_ =	sfence  }
0xb9: {  	s30 =	sld [smem:$0x0];
	_ =	sdelay $0x2  }
0xba: {  	s31 =	sshll.u32 s1, $0xD;
	s1 =	sshrl.u32 s1, $0x2  }
0xbb: {  	s3 =	sand.u32 $0x4000, s31;
	s1 =	sadd.s32 s1, s30  }
0xbc: {  	s0 =	sor.u32 s3, s0;
	s1 =	sshll.u32 s1, $0x11  }
0xbd: {  	s0 =	sor.u32 s1, s0  }
0xbe: {  	s0 =	sadd.s32 $0x8F2B, s0  }
0xbf: {  	[sflag:s0] =	ssyncadd.remote.s32 $0x1  }
0xc0: {  	_ =	sfence.sel $0xFFFF  }
0xc1: {  	[dreg:$0x0] =	wrdreg $0xFFFFFFFF;
	(pc) =	sbr.abs _section_cstart, $3  }
0xc2: {  	[dreg:$0x1] =	wrdreg $0xFFFFFFFF  }
0xc3: {  	_ =	task.clear_ibuf [dreg:s7], $0x2FFFF;
	_ =	strace $0x9FFFFFFF  }
0xc4: {  	(tm) =	ssettm $0x7FFFFFFF  }
0xc5: {  	_ =	shalt  }
tec
execute0_lowered:
.L_overlay_start_1:
0x0: {  	(tag) =	ssettag $0x1  }
0x1: {  	s8 =	rddreg [dreg:$0x0]  }
0x2: {  	s15 =	rddreg [dreg:$0x1]  }
0x3: {  	s1 =	rddreg [dreg:$0x2]  }
0x4: {  	s9 =	rddreg [dreg:$0x3];
	s3 =	simm.s32 $0x0  }
0x5: {  	s4 =	srdreg.scid;
	s2 =	stileid.u32;
	s21 =	simm.s32 $0x1400  }
0x6: {  	s22 =	simm.s32 $0x80;
	s23 =	simm.s32 $0x2800;
	[smem:$0x7FF] =	sst s3  }
0x7: {  	s10 =	sand.u32 $0x1, s4;
	s11 =	smul.u32 $0x280, s2;
	s4 =	sadd.s32 $0x42A00, s8  }
0x8: {  	s13 =	sadd.s32 $0x2BE00, s8;
	s14 =	sadd.s32 $0x35E00, s8;
	s5 =	sadd.s32 $0x3FE00, s8  }
0x9: {  	s6 =	sadd.s32 $0x42600, s8;
	s7 =	sadd.s32 $0x42800, s8;
	s18 =	smul.u32 $0x50000, s2  }
0xa: {  	s30 =	sshll.u32 s2, $0x6;
	_ =	strace $0x8000004A;
	s17 =	sshll.u32 s10, $0x4  }
0xb: {  	s12 =	smul.u32 $0x2800, s10;
	s24 =	ssub.s32 $0x2, s10;
	s25 =	sor.u32 s2, s17  }
0xc: {  	s26 =	sshrl.u32 s24, $0x1;
	s28 =	sshrl.u32 s18, $0x2;
	s9 =	sadd.s32 s11, s9  }
0xd: {  	s18 =	simm.s32 $0x5;
	s16 =	sadd.s32 s11, s12;
	s10 =	smul.u32 $0x2800, s25  }
0xe: {  	s29 =	ssub.s32 s24, s26;
	s17 =	sadd.s32 s28, s1;
	s24 =	simm.s32 $0x4  }
0xf: {  	s25 =	simm.s32 $0x0;
	s12 =	sshll.u32 s16, $0x4;
	s16 =	sshrl.u32 s16, $0x3  }
.Ltmp0:
0x10: {  	s17 =	sshrl.u32 s17, $0x3;
	s19 =	sadd.s32 s12, s8;
	(pc) =	sbr.rel .LBB2_1-.Ltmp0, $4  }
0x11: {  	s8 =	sor.u32 $0x1C05, s30;
	s31 =	sshrl.u32 s10, $0x3;
	s15 =	sadd.s32 s15, s16  }
0x12: {  	s16 =	smax.u32 s29, $0x1;
	s10 =	sadd.s32 s13, s31;
	s20 =	sadd.s32 $0x280, s31  }
0x13: {  	s11 =	sadd.s32 s14, s31;
	s12 =	sadd.s32 s13, s20;
	s13 =	sadd.s32 s14, s20  }
0x14: {  	s14 =	sadd.s32 $0x69C00, s19;
	s19 =	simm.s32 $0xA880;
	s20 =	simm.s32 $0xA800  }
.LBB2_9:
0x15: {  	_ =	swait.ge [sflag:s24], $0x4000  }
0x16: {  	[sflag:s24] =	ssyncset.done $0x0  }
0x17: {  	[sflag:s24] =	ssyncadd.s32 $0xFFFFC000  }
0x18: {  	[bflag:$0x0] =	sbarrier.arrive $0xFFFF  }
0x19: {  	[hbm:s14], [sflag:s8] =	dma.local [spmem:s17], $0x2800  }
0x1a: {  	_ =	swait.ge [sflag:s18], $0x2800  }
0x1b: {  	[sflag:s18] =	ssyncset.done $0x0  }
0x1c: {  	[sflag:s18] =	ssyncadd.s32 $0xFFFFD800  }
0x1d: {  	[tilespmem:s19], [sflag:$0x5] =	stream.linear.gather [spmem:s9], $0x280, $0x38;
	[tilespmem:$0x1ED80] =	vst v63  }
0x1e: {  	s25 =	sadd.s32 $0x1, s25;
	_ =	swait.ge [sflag:s18], $0x280  }
0x1f: {  	p0 =	sne.s32 s25, s16;
	[sflag:s18] =	ssyncset.done $0x0  }
.Ltmp1:
0x20: {  	[sflag:s18] =	ssyncadd.s32 $0xFFFFFD80;
	(pc) =	sbr.rel @!p0 .LBB2_10-.Ltmp1, $4  }
0x21: {  	[hbm4b:s15+s3] =	stream.linear.scatter [tilespmem:s19], [sflag:$0x5], $0x280, $0x38;
	[tilespmem:$0x1ED80] =	vst v63  }
0x22: {  	_ =	swait.ge [sflag:s18], $0x280  }
0x23: {  	[sflag:s18] =	ssyncset.done $0x0  }
0x24: {  	[sflag:s18] =	ssyncadd.s32 $0xFFFFFD80  }
.LBB2_1:
0x25: {  	[spmem:s17], [sflag:s8] =	dma.local [hbm:s5], $0x2800  }
0x26: {  	_ =	swait.ge [sflag:s18], $0x2800  }
0x27: {  	[sflag:s18] =	ssyncset.done $0x0  }
0x28: {  	[sflag:s18] =	ssyncadd.s32 $0xFFFFD800  }
0x29: {  	[tilespmem:s19], [sflag:$0x5] =	stream.linear.gather [hbm4b:s6+s3], $0x280, $0x38;
	[tilespmem:$0x1ED80] =	vst v63  }
0x2a: {  	_ =	swait.ge [sflag:s18], $0x280  }
0x2b: {  	[sflag:s18] =	ssyncset.done $0x0  }
0x2c: {  	[sflag:s18] =	ssyncadd.s32 $0xFFFFFD80  }
0x2d: {  	[spmem:s9] =	stream.linear.scatter [tilespmem:s19], [sflag:$0x5], $0x280, $0x38;
	[tilespmem:$0x1ED80] =	vst v63  }
0x2e: {  	_ =	swait.ge [sflag:s18], $0x280  }
0x2f: {  	[sflag:s18] =	ssyncset.done $0x0  }
0x30: {  	[sflag:s18] =	ssyncadd.s32 $0xFFFFFD80  }
0x31: {  	[tilespmem:s20], [sflag:$0x5] =	stream.linear.gather [hbm4b:s7+s3], $0x80, $0x38;
	[tilespmem:$0x1ED80] =	vst v63  }
0x32: {  	_ =	swait.ge [sflag:s18], $0x80  }
0x33: {  	[sflag:s18] =	ssyncset.done $0x0  }
0x34: {  	[sflag:s18] =	ssyncadd.s32 $0xFFFFFF80  }
0x35: {  	[bflag:$0x0] =	sbarrier.arrive $0xFFFF  }
0x36: {  	[tilespmem:s3], [sflag:$0x5] =	stream.linear.gather [hbm4b:s10+s3], $0x1400, $0x38;
	[tilespmem:$0x1ED80] =	vst v63  }
0x37: {  	_ =	swait.ge [sflag:s18], $0x1400  }
0x38: {  	[sflag:s18] =	ssyncset.done $0x0  }
0x39: {  	[sflag:s18] =	ssyncadd.s32 $0xFFFFEC00  }
0x3a: {  	[tilespmem:s21], [sflag:$0x5] =	stream.linear.gather [hbm4b:s11+s3], $0x1400, $0x38;
	[tilespmem:$0x1ED80] =	vst v63  }
.Ltmp2:
0x3b: {  	_ = 	snop;
	(pc) =	sbr.rel .LBB2_2-.Ltmp2, $4  }
0x3c: {  	_ =	swait.ge [sflag:s18], $0x1400  }
0x3d: {  	[sflag:s18] =	ssyncset.done $0x0  }
0x3e: {  	s28 =	simm.s32 $0x0;
	[sflag:s18] =	ssyncadd.s32 $0xFFFFEC00  }
0x3f: {  	[tilespmem:s23], [sflag:$0x1] =	stream.indirect.gather [hbm4b:s4+s22], $0x80, s3, s22, $0xb8;
	[tilespmem:$0x1ED80] =	vst v63  }
.LBB2_4:
0x40: {  	p0 =	slt.u32 s29, $0x28  }
.Ltmp3:
0x41: {  	s0 =	sadd.s32 $0x1, s26;
	s30 =	sshll.u32 s26, $0xE;
	(pc) =	sbr.rel @!p0 .LBB2_5-.Ltmp3, $4  }
0x42: {  	s28 =	sshll.u32 s28, $0x7;
	s31 =	sadd.s32 $0x3, s26;
	_ =	swait.ge [sflag:s0], $0x4000  }
0x43: {  	s30 =	sor.u32 $0x2800, s30;
	s28 =	sand.u32 $0x3FFFFF80, s28;
	[sflag:s0] =	ssyncset.done $0x0  }
0x44: {  	[sflag:s0] =	ssyncadd.s32 $0xFFFFC000;
	s0 =	sadd.s32 $0x1400, s28;
	s28 =	smov.u32 s29  }
0x45: {  	[spmem:s1] =	stream.indirect.scatter.add.f32 [tilespmem:s30], [sflag:s31], $0x80, s0, s22, $0xb8;
	[tilespmem:$0x1ED80] =	vst v63  }
.LBB2_2:
0x46: {  	p0 =	seq.s32 s28, $0x0  }
0x47: {  	p1 =	seq.s32 @!p0 s28, $0x27  }
0x48: {  	s26 =	sand.u32 $0x1, s28;
	p1 =	por p0, !p1  }
.Ltmp4:
0x49: {  	s30 =	sxor.u32 $0x1, s26;
	(pc) =	sbr.rel @!p1 .LBB2_4-.Ltmp4, $4  }
0x4a: {  	s29 =	sadd.s32 @!p0 $0x3, s30  }
0x4b: {  	_ =	swait.ge @!p0 [sflag:s29], $0x4000  }
0x4c: {  	[sflag:s29] =	ssyncset.done @!p0 $0x0  }
0x4d: {  	[sflag:s29] =	ssyncadd.s32 @!p0 $0xFFFFC000;
	s29 =	simm.s32 @!p0 $0x28  }
.Ltmp5:
0x4e: {  	s29 =	sadd.s32 @!p0 $0x1, s28;
	(pc) =	sbr.rel .LBB2_4-.Ltmp5, $4  }
0x4f: {  	s29 =	simm.s32 @p0 $0x1  }
0x50: {  	s31 =	sshll.u32 s30, $0xE;
	s0 =	sshll.u32 s29, $0x7  }
0x51: {  	s30 =	sadd.s32 $0x1, s30;
	s31 =	sor.u32 $0x2800, s31;
	s0 =	sand.u32 $0x3FFFFF80, s0  }
0x52: {  	[tilespmem:s31], [sflag:s30] =	stream.indirect.gather [hbm4b:s4+s22], $0x80, s0, s22, $0xb8;
	[tilespmem:$0x1ED80] =	vst v63  }
.LBB2_5:
0x53: {  	_ =	swait.ge [sflag:s24], $0x4000  }
0x54: {  	[sflag:s24] =	ssyncset.done $0x0  }
0x55: {  	s26 =	simm.s32 $0x0;
	[sflag:s24] =	ssyncadd.s32 $0xFFFFC000  }
0x56: {  	[tilespmem:s26], [sflag:$0x5] =	stream.linear.gather [hbm4b:s12+s26], $0x1400, $0x38;
	[tilespmem:$0x1ED80] =	vst v63  }
0x57: {  	_ =	swait.ge [sflag:s18], $0x1400  }
0x58: {  	[sflag:s18] =	ssyncset.done $0x0  }
0x59: {  	[sflag:s18] =	ssyncadd.s32 $0xFFFFEC00  }
0x5a: {  	[tilespmem:s21], [sflag:$0x5] =	stream.linear.gather [hbm4b:s13+s26], $0x1400, $0x38;
	[tilespmem:$0x1ED80] =	vst v63  }
.Ltmp6:
0x5b: {  	_ = 	snop;
	(pc) =	sbr.rel .LBB2_6-.Ltmp6, $4  }
0x5c: {  	_ =	swait.ge [sflag:s18], $0x1400  }
0x5d: {  	[sflag:s18] =	ssyncset.done $0x0  }
0x5e: {  	[sflag:s18] =	ssyncadd.s32 $0xFFFFEC00  }
0x5f: {  	[tilespmem:s23], [sflag:$0x1] =	stream.indirect.gather [hbm4b:s4+s22], $0x80, s26, s22, $0xb8;
	[tilespmem:$0x1ED80] =	vst v63  }
.LBB2_8:
0x60: {  	s0 =	sadd.s32 $0x1, s28;
	s30 =	sshll.u32 s28, $0xE;
	p0 =	slt.u32 s29, $0x28  }
.Ltmp7:
0x61: {  	s26 =	sshll.u32 s26, $0x7;
	_ =	swait.ge [sflag:s0], $0x4000;
	(pc) =	sbr.rel @!p0 .LBB2_9-.Ltmp7, $4  }
0x62: {  	s31 =	sadd.s32 $0x3, s28;
	s26 =	sand.u32 $0x3FFFFF80, s26;
	[sflag:s0] =	ssyncset.done $0x0  }
0x63: {  	s30 =	sor.u32 $0x2800, s30;
	s26 =	sadd.s32 $0x1400, s26;
	[sflag:s0] =	ssyncadd.s32 $0xFFFFC000  }
0x64: {  	[spmem:s1] =	stream.indirect.scatter.add.f32 [tilespmem:s30], [sflag:s31], $0x80, s26, s22, $0xb8;
	[tilespmem:$0x1ED80] =	vst v63  }
0x65: {  	s26 =	smov.u32 s29  }
.LBB2_6:
0x66: {  	p0 =	seq.s32 s26, $0x0  }
0x67: {  	p1 =	seq.s32 @!p0 s26, $0x27  }
0x68: {  	s28 =	sand.u32 $0x1, s26;
	p1 =	por p0, !p1  }
.Ltmp8:
0x69: {  	s30 =	sxor.u32 $0x1, s28;
	(pc) =	sbr.rel @!p1 .LBB2_8-.Ltmp8, $4  }
0x6a: {  	s0 =	sadd.s32 @!p0 $0x3, s30  }
0x6b: {  	_ =	swait.ge @!p0 [sflag:s0], $0x4000  }
0x6c: {  	[sflag:s0] =	ssyncset.done @!p0 $0x0  }
0x6d: {  	s29 =	simm.s32 @!p0 $0x28;
	[sflag:s0] =	ssyncadd.s32 @!p0 $0xFFFFC000  }
.Ltmp9:
0x6e: {  	s29 =	sadd.s32 @!p0 $0x1, s26;
	(pc) =	sbr.rel .LBB2_8-.Ltmp9, $4  }
0x6f: {  	s29 =	simm.s32 @p0 $0x1  }
0x70: {  	s0 =	sshll.u32 s30, $0xE;
	s31 =	sshll.u32 s29, $0x7  }
0x71: {  	s30 =	sadd.s32 $0x1, s30;
	s0 =	sor.u32 $0x2800, s0;
	s31 =	sand.u32 $0x3FFFFF80, s31  }
0x72: {  	[tilespmem:s0], [sflag:s30] =	stream.indirect.gather [hbm4b:s4+s22], $0x80, s31, s22, $0xb8;
	[tilespmem:$0x1ED80] =	vst v63  }
.LBB2_10:
0x73: {  	_ =	sfence.sel $0x180000  }
0x74: {  	[bflag:$0x0] =	sbarrier.arrive $0xFFFF  }
0x75: {  	_ =	strace $0x9000004A  }
0x76: {  	[bflag:$0x2] =	sbarrier.arrive $0xFFFF  }
0x77: {  	p0 =	sne.s32 s2, $0x0;
	s0 =	rddreg [dreg:$0x4]  }
0x78: {  	s0 =	sadd.s32 @!p0 $0x100000, s0  }
0x79: {  	[sflag:s0] =	ssyncadd.tile.s32 @!p0 $0x1;
	_ =	shalt  }
.Lfunc_end2:
_tile_overlayer_lowered:
.L_overlay_start_2:
0x7a: {  	(tag) =	ssettag $0x2  }
0x7b: {  	s0 =	rddreg [dreg:$0x0];
	s2 =	stileid.u32  }
0x7c: {  	s1 =	rddreg [dreg:$0x1];
	p0 =	sne.s32 s2, $0x0  }
0x7d: {  	s3 =	rddreg [dreg:$0x2];
	[bflag:$0x3] =	sbarrier.arrive $0xFFFF;
	s2 =	simm.s32 @!p0 $0x1C05  }
0x7e: {  	[timem:s3], [sflag:s2] =	dma.local @!p0 [hbm:s0], s1  }
0x7f: {  	s0 =	simm.s32 @!p0 $0x5  }
0x80: {  	_ =	swait.ge @!p0 [sflag:s0], s1  }
0x81: {  	s1 =	ssub.s32 @!p0 $0x0, s1;
	[sflag:s0] =	ssyncset.done @!p0 $0x0  }
0x82: {  	[sflag:s0] =	ssyncadd.s32 @!p0 s1  }
0x83: {  	[bflag:$0x3] =	sbarrier.arrive $0xFFFF  }
0x84: {  	_ =	shalt  }

// kernel: kernel.19.cloned.1.call-start
scs
__scs_entry_jumppad:
0x0: {  	(pc) =	sbr.rel $0x88, $3  }
0x1: {  	(tag) =	ssettag $0x0;
	lr =	simm.s32 $0x1  }
0x2: {  	[smem:$0x3F95] =	sst lr;
	_ =	strace $0xD0000000  }
0x3: {  	_ = 	snop  }
0x4: {  	_ = 	snop  }
0x5: {  	_ = 	snop  }
0x6: {  	_ = 	snop  }
0x7: {  	_ = 	snop  }
__scs_overlays_trampoline_lowered:
0x8: {  	[smem:$0x3FA4] =	sst s0  }
0x9: {  	[smem:$0x3FA5] =	sst s1  }
0xa: {  	[smem:$0x3FA6] =	sst s2  }
0xb: {  	[smem:$0x3FA7] =	sst s3  }
0xc: {  	[smem:$0x3FA8] =	sst s4  }
0xd: {  	[smem:$0x3FA9] =	sst s5  }
0xe: {  	[smem:$0x3FAA] =	sst s6  }
0xf: {  	[smem:$0x3FAB] =	sst s7  }
0x10: {  	[smem:$0x3FAC] =	sst s8  }
0x11: {  	[smem:$0x3FAD] =	sst s9;
	s0 =	simm.s32 @!p0 $0x0  }
0x12: {  	s1 =	sld [smem:$0x3F93];
	s0 =	simm.s32 @p0 $0x1  }
0x13: {  	[smem:$0x3FAE] =	sst s0;
	s0 =	simm.s32 @!p1 $0x0  }
0x14: {  	s2 =	sld [smem:$0x3F92];
	s0 =	simm.s32 @p1 $0x1  }
0x15: {  	[smem:$0x3FAF] =	sst s0;
	s0 =	simm.s32 @!p2 $0x0  }
0x16: {  	s3 =	sld [smem:$0x3FDB];
	s0 =	simm.s32 @p2 $0x1  }
0x17: {  	s4 =	simm.s32 $0x1BF5;
	[smem:$0x3FB1] =	sst s0  }
0x18: {  	s0 =	sld [smem:$0x3F94];
	_ =	swait.ge [sflag:s4], $0x0  }
0x19: {  	s7 =	sld [smem:$0x3F95]  }
0x1a: {  	s8 =	sadd.s32 $0xFFFFE003, lr  }
0x1b: {  	s9 =	sadd.s32 $0xFFFFFEF7, lr;
	s5 =	simm.s32 $0xFFFFFFFF;
	p2 =	slt.u32 s8, $0xFFFFF086  }
0x1c: {  	p1 =	slt.u32 s9, $0xF7A;
	s5 =	simm.s32 @!p2 $0x0  }
0x1d: {  	s5 =	simm.s32 @p1 $0x1;
	p0 =	seq.s32 s7, s2  }
0x1e: {  	s7 =	smul.u32 @!p0 $0xF7A, s2;
	p2 =	seq.s32 @!p0 s5, $0x0  }
0x1f: {  	s9 =	smul.u32 $0xF7A, s1;
	s8 =	simm.s32 @!p0 $0x1BF5;
	p2 =	por !p2, p0  }
0x20: {  	[sflag:s8] =	ssyncset.s32 @!p0 $0xFFFFF086;
	s6 =	sadd.s32 @!p0 s3, s7;
	s7 =	simm.s32 @!p0 $0x108  }
0x21: {  	s3 =	sadd.s32 s3, s9;
	s6 =	sadd.s32 @!p0 $0x88, s6;
	s7 =	simm.s32 @p2 $0x1082  }
0x22: {  	[simem:s7], [sflag:s8] =	dma.local @!p0 [hbm:s6], $0xF7A  }
0x23: {  	s9 =	sor.u32 $0xD0000000, s2;
	s6 =	simm.s32 $0x108;
	_ =	swait.ge @!p0 [sflag:s8], $0x0  }
0x24: {  	s3 =	sadd.s32 $0x88, s3;
	s6 =	simm.s32 @!p1 $0x1082;
	[sflag:s4] =	ssyncset.s32 $0xFFFFF086  }
0x25: {  	[simem:s6], [sflag:s4] =	dma.local [hbm:s3], $0xF7A  }
0x26: {  	[smem:$0x3F95] =	sst s1;
	(tag) =	ssettag s2;
	_ =	strace s9  }
0x27: {  	s1 =	sld [smem:$0x3FA5]  }
0x28: {  	s2 =	sld [smem:$0x3FA6]  }
0x29: {  	s4 =	sld [smem:$0x3FA8]  }
0x2a: {  	p0 =	seq.s32 s5, $0x0;
	s5 =	sld [smem:$0x3FA9]  }
0x2b: {  	s6 =	sld [smem:$0x3FAA]  }
0x2c: {  	s7 =	sld [smem:$0x3FAB]  }
0x2d: {  	s3 =	simm.s32 $0x108;
	s8 =	sld [smem:$0x3FAC]  }
0x2e: {  	s3 =	simm.s32 @!p0 $0x1082;
	s9 =	sld [smem:$0x3FAD]  }
0x2f: {  	lr =	sadd.s32 s0, s3;
	s0 =	sld [smem:$0x3FA4]  }
0x30: {  	s3 =	sld [smem:$0x3FA7]  }
0x31: {  	[smem:$0x3FB0] =	sst s10  }
0x32: {  	s10 =	sld [smem:$0x3FAE];
	_ =	sdelay $0x3  }
0x33: {  	p0 =	seq.s32 s10, $0x1;
	s10 =	sld [smem:$0x3FB0];
	_ =	sdelay $0x3  }
0x34: {  	[smem:$0x3FB0] =	sst s10  }
0x35: {  	s10 =	sld [smem:$0x3FAF];
	_ =	sdelay $0x3  }
0x36: {  	p1 =	seq.s32 s10, $0x1;
	s10 =	sld [smem:$0x3FB0];
	_ =	sdelay $0x3  }
0x37: {  	[smem:$0x3FB0] =	sst s10  }
0x38: {  	s10 =	sld [smem:$0x3FB1]  }
0x39: {  	_ = 	snop;
	(pc) =	sbr.ind lr, $3  }
0x3a: {  	_ = 	snop  }
0x3b: {  	_ = 	snop  }
0x3c: {  	p2 =	seq.s32 s10, $0x1;
	s10 =	sld [smem:$0x3FB0]  }
0x3d: {  	_ =	shalt  }
0x3e: {  	_ =	shalt  }
0x3f: {  	_ =	shalt  }
0x40: {  	_ =	shalt  }
0x41: {  	_ =	shalt  }
0x42: {  	_ =	shalt  }
0x43: {  	_ =	shalt  }
0x44: {  	_ =	shalt  }
0x45: {  	_ =	shalt  }
0x46: {  	_ =	shalt  }
0x47: {  	_ =	shalt  }
0x48: {  	_ =	shalt  }
0x49: {  	_ =	shalt  }
0x4a: {  	_ =	shalt  }
0x4b: {  	_ =	shalt  }
0x4c: {  	_ =	shalt  }
0x4d: {  	_ =	shalt  }
0x4e: {  	_ =	shalt  }
0x4f: {  	_ =	shalt  }
0x50: {  	_ =	shalt  }
0x51: {  	_ =	shalt  }
0x52: {  	_ =	shalt  }
0x53: {  	_ =	shalt  }
0x54: {  	_ =	shalt  }
0x55: {  	_ =	shalt  }
0x56: {  	_ =	shalt  }
0x57: {  	_ =	shalt  }
0x58: {  	_ =	shalt  }
0x59: {  	_ =	shalt  }
0x5a: {  	_ =	shalt  }
0x5b: {  	_ =	shalt  }
0x5c: {  	_ =	shalt  }
0x5d: {  	_ =	shalt  }
0x5e: {  	_ =	shalt  }
0x5f: {  	_ =	shalt  }
0x60: {  	_ =	shalt  }
0x61: {  	_ =	shalt  }
0x62: {  	_ =	shalt  }
0x63: {  	_ =	shalt  }
0x64: {  	_ =	shalt  }
0x65: {  	_ =	shalt  }
0x66: {  	_ =	shalt  }
0x67: {  	_ =	shalt  }
0x68: {  	_ =	shalt  }
0x69: {  	_ =	shalt  }
0x6a: {  	_ =	shalt  }
0x6b: {  	_ =	shalt  }
0x6c: {  	_ =	shalt  }
0x6d: {  	_ =	shalt  }
0x6e: {  	_ =	shalt  }
0x6f: {  	_ =	shalt  }
0x70: {  	_ =	shalt  }
0x71: {  	_ =	shalt  }
0x72: {  	_ =	shalt  }
0x73: {  	_ =	shalt  }
0x74: {  	_ =	shalt  }
0x75: {  	_ =	shalt  }
0x76: {  	_ =	shalt  }
0x77: {  	_ =	shalt  }
0x78: {  	_ =	shalt  }
0x79: {  	_ =	shalt  }
0x7a: {  	_ =	shalt  }
0x7b: {  	_ =	shalt  }
0x7c: {  	_ =	shalt  }
0x7d: {  	_ =	shalt  }
0x7e: {  	_ =	shalt  }
0x7f: {  	_ =	shalt  }
0x80: {  	_ =	shalt  }
0x81: {  	_ =	shalt  }
0x82: {  	_ =	shalt  }
0x83: {  	_ =	shalt  }
0x84: {  	_ =	shalt  }
0x85: {  	_ =	shalt  }
0x86: {  	_ =	shalt  }
0x87: {  	_ =	shalt  }
.Lfunc_end0:
.L_simem_size_0:
called_computation.2_lowered:
.L_overlay_start_0:
0x88: {  	s2 =	sld [smem:$0x3FD9]  }
0x89: {  	s3 =	sld [smem:$0x3FFE];
	_ =	sdelay $0x1  }
0x8a: {  	s1 =	srdreg.scid  }
0x8b: {  	s0 =	sand.u32 $0x1, s1  }
0x8c: {  	s16 =	sshll.u32 s0, $0xA;
	s2 =	sadd.s32 s3, s2  }
0x8d: {  	s2 =	sadd.s32 s2, s16  }
0x8e: {  	[smem:$0x3FBC] =	sst s2  }
0x8f: {  	_ = 	snop  }
0x90: {  	(tm) =	ssettm $0x1  }
0x91: {  	s17 =	sld [smem:$0x3FFB];
	_ =	sdelay $0x3  }
0x92: {  	_ =	strace s17  }
0x93: {  	s2 =	sld [smem:$0x3FFC];
	_ =	sdelay $0x3  }
0x94: {  	_ =	strace s2  }
0x95: {  	s2 =	sld [smem:$0x3FFD];
	_ =	sdelay $0x3  }
0x96: {  	_ =	strace s2  }
0x97: {  	_ =	strace $0x8FFFFFFF  }
0x98: {  	s18 =	sld [smem:$0x3FDB];
	_ =	sdelay $0x1  }
0x99: {  	s19 =	simm.s32 $_scs_section_size  }
0x9a: {  	s4 =	simm.s32 $_size__tile_overlayer_lowered;
	s5 =	simm.s32 $_tile_overlayer_lowered  }
0x9b: {  	s22 =	simm.s32 $0x1BFF;
	s21 =	sshll.u32 s5, $0x1;
	s2 =	sadd.s32 s19, s18  }
0x9c: {  	s6 =	simm.s32 $0x0;
	s20 =	sshll.u32 s4, $0x1;
	s4 =	sadd.s32 s21, s2  }
0x9d: {  	[timem:s6], [sflag:s22] =	dma.local [hbm:s4], s20  }
0x9e: {  	_ =	swait.ge [sflag:s22], s20  }
0x9f: {  	s3 =	ssub.s32 $0x0, s20;
	[sflag:s22] =	ssyncset.done $0x0  }
0xa0: {  	[sflag:s22] =	ssyncadd.s32 s3;
	_ =	sdelay $0x1  }
0xa1: {  	s23 =	simm.s32 $0x1B8B  }
0xa2: {  	_ =	swait.ge [sflag:s23], $0x1  }
0xa3: {  	[sflag:s23] =	ssyncset.done $0x0  }
0xa4: {  	s25 =	simm.s32 $0x1B8E;
	s24 =	sld [smem:$0x3FFE];
	[sflag:s23] =	ssyncadd.s32 $0xFFFFFFFF  }
0xa5: {  	s26 =	simm.s32 $execute0_lowered;
	[smem:$0x3FD2] =	sst s25  }
0xa6: {  	s4 =	sshll.u32 s26, $0x1;
	_ =	strace $0x8000004C;
	[dreg:$0x1] =	wrdreg $0xFFFFFFFF  }
0xa7: {  	s28 =	simm.s32 $_size_execute0_lowered;
	s2 =	sadd.s32 s2, s4;
	[dreg:$0x0] =	wrdreg $0x0  }
0xa8: {  	s4 =	sshll.u32 s28, $0x1;
	[dreg:$0x2] =	wrdreg s2  }
0xa9: {  	[dreg:$0x3] =	wrdreg s4  }
0xaa: {  	[dreg:$0x4] =	wrdreg $0xC0  }
0xab: {  	_ =	task [dreg:s6], $0x5FFFF  }
0xac: {  	[dreg:$0x1] =	wrdreg $0xFFFFFFFF  }
0xad: {  	[dreg:$0x0] =	wrdreg $0x60  }
0xae: {  	[dreg:$0x2] =	wrdreg s24  }
0xaf: {  	[dreg:$0x3] =	wrdreg $0x85000  }
0xb0: {  	[dreg:$0x4] =	wrdreg $0xA5000  }
0xb1: {  	[dreg:$0x5] =	wrdreg $0x9  }
0xb2: {  	_ =	task.clear_ibuf [dreg:s6], $0x6FFFF;
	_ =	strace $0x9000004C  }
0xb3: {  	s29 =	simm.s32 $0x9;
	_ =	strace $0x8000004E  }
0xb4: {  	_ =	swait.ge [sflag:s29], $0x1  }
0xb5: {  	[sflag:s29] =	ssyncadd.s32 $0xFFFFFFFF  }
0xb6: {  	_ =	strace $0x9000004E  }
0xb7: {  	_ =	sfence  }
0xb8: {  	s30 =	sld [smem:$0x0];
	_ =	sdelay $0x2  }
0xb9: {  	s31 =	sshll.u32 s1, $0xD;
	s1 =	sshrl.u32 s1, $0x2  }
0xba: {  	s3 =	sand.u32 $0x4000, s31;
	s1 =	sadd.s32 s1, s30  }
0xbb: {  	s0 =	sor.u32 s3, s0;
	s1 =	sshll.u32 s1, $0x11  }
0xbc: {  	s0 =	sor.u32 s1, s0  }
0xbd: {  	s0 =	sadd.s32 $0x8F2B, s0  }
0xbe: {  	[sflag:s0] =	ssyncadd.remote.s32 $0x1  }
0xbf: {  	_ =	sfence.sel $0xFFFF  }
0xc0: {  	[dreg:$0x0] =	wrdreg $0xFFFFFFFF;
	(pc) =	sbr.abs _section_cstart, $3  }
0xc1: {  	[dreg:$0x1] =	wrdreg $0xFFFFFFFF  }
0xc2: {  	_ =	task.clear_ibuf [dreg:s6], $0x2FFFF;
	_ =	strace $0x9FFFFFFF  }
0xc3: {  	(tm) =	ssettm $0x7FFFFFFF  }
tec
execute0_lowered:
.L_overlay_start_1:
0x0: {  	(tag) =	ssettag $0x1  }
0x1: {  	s9 =	rddreg [dreg:$0x0]  }
0x2: {  	s1 =	rddreg [dreg:$0x1]  }
0x3: {  	s3 =	rddreg [dreg:$0x2];
	s5 =	srdreg.scid;
	s4 =	simm.s32 $0x0  }
0x4: {  	s2 =	stileid.u32;
	s18 =	simm.s32 $0x8480;
	s19 =	simm.s32 $0x8400  }
0x5: {  	s20 =	simm.s32 $0x200;
	s21 =	simm.s32 $0x80;
	s22 =	simm.s32 $0x400  }
0x6: {  	s23 =	simm.s32 $0x3;
	s24 =	simm.s32 $0x5;
	s25 =	simm.s32 $0x0  }
0x7: {  	s10 =	sand.u32 $0x1, s5;
	[smem:$0x7FF] =	sst s4;
	s11 =	sshll.u32 s2, $0x6  }
0x8: {  	s5 =	sadd.s32 $0x4C00, s9;
	s7 =	sadd.s32 $0x2C200, s9;
	s8 =	sadd.s32 $0x42800, s9  }
0x9: {  	s31 =	sshll.u32 s2, $0xD;
	s6 =	sshll.u32 s10, $0xA;
	_ =	strace $0x8000004D  }
0xa: {  	s10 =	ssub.s32 $0x2, s10;
	s17 =	sadd.s32 s31, s1;
	s12 =	sor.u32 s11, s6  }
0xb: {  	s6 =	sadd.s32 $0x2BE00, s9;
	s15 =	sshrl.u32 s10, $0x1;
	s13 =	sadd.s32 s12, s9  }
.Ltmp0:
0xc: {  	s14 =	sshll.u32 s12, $0x4;
	s12 =	sshrl.u32 s12, $0x3;
	(pc) =	sbr.rel .LBB2_1-.Ltmp0, $4  }
0xd: {  	s15 =	ssub.s32 s10, s15;
	s10 =	sadd.s32 s11, s3;
	s14 =	sadd.s32 s14, s9  }
0xe: {  	s16 =	sadd.s32 s12, s9;
	s9 =	sor.u32 $0x1C07, s11;
	s11 =	sadd.s32 $0xB9C00, s13  }
0xf: {  	s12 =	sadd.s32 $0xBA400, s13;
	s15 =	smax.u32 s15, $0x1;
	s13 =	sadd.s32 $0x2C400, s14  }
0x10: {  	s14 =	sadd.s32 $0x34400, s16;
	s16 =	sshrl.u32 s17, $0x3;
	s17 =	simm.s32 $0x7  }
.LBB2_5:
0x11: {  	_ =	swait.ge [sflag:s23], $0x4000  }
0x12: {  	[sflag:s23] =	ssyncset.done $0x0  }
0x13: {  	[sflag:s23] =	ssyncadd.s32 $0xFFFFC000  }
0x14: {  	_ =	swait.ge [sflag:s24], $0x80  }
0x15: {  	[sflag:s24] =	ssyncset.done $0x0  }
0x16: {  	[sflag:s24] =	ssyncadd.s32 $0xFFFFFF80  }
0x17: {  	[bflag:$0x0] =	sbarrier.arrive $0xFFFF  }
0x18: {  	[hbm:s13], [sflag:s9] =	dma.local [spmem:s16], $0x400  }
0x19: {  	_ =	swait.ge [sflag:s17], $0x400  }
0x1a: {  	[sflag:s17] =	ssyncset.done $0x0  }
0x1b: {  	[sflag:s17] =	ssyncadd.s32 $0xFFFFFC00  }
0x1c: {  	[tilespmem:s18], [sflag:$0x7] =	stream.linear.gather [spmem:s10], $0x40, $0x38;
	[tilespmem:$0xA540] =	vst v63  }
0x1d: {  	s25 =	sadd.s32 $0x1, s25;
	_ =	swait.ge [sflag:s17], $0x40  }
0x1e: {  	p0 =	sne.s32 s25, s15;
	[sflag:s17] =	ssyncset.done $0x0  }
.Ltmp1:
0x1f: {  	[sflag:s17] =	ssyncadd.s32 $0xFFFFFFC0;
	(pc) =	sbr.rel @!p0 .LBB2_6-.Ltmp1, $4  }
0x20: {  	[hbm4b:s14+s4] =	stream.linear.scatter [tilespmem:s18], [sflag:$0x7], $0x40, $0x38;
	[tilespmem:$0xA540] =	vst v63  }
0x21: {  	_ =	swait.ge [sflag:s17], $0x40  }
0x22: {  	[sflag:s17] =	ssyncset.done $0x0  }
0x23: {  	[sflag:s17] =	ssyncadd.s32 $0xFFFFFFC0  }
.LBB2_1:
0x24: {  	[spmem:s16], [sflag:s9] =	dma.local [hbm:s6], $0x400  }
0x25: {  	_ =	swait.ge [sflag:s17], $0x400  }
0x26: {  	[sflag:s17] =	ssyncset.done $0x0  }
0x27: {  	[sflag:s17] =	ssyncadd.s32 $0xFFFFFC00  }
0x28: {  	[tilespmem:s18], [sflag:$0x7] =	stream.linear.gather [hbm4b:s7+s4], $0x80, $0x38;
	[tilespmem:$0xA540] =	vst v63  }
0x29: {  	_ =	swait.ge [sflag:s17], $0x80  }
0x2a: {  	[sflag:s17] =	ssyncset.done $0x0  }
0x2b: {  	[sflag:s17] =	ssyncadd.s32 $0xFFFFFF80  }
0x2c: {  	[spmem:s10] =	stream.linear.scatter [tilespmem:s18], [sflag:$0x7], $0x40, $0x38;
	[tilespmem:$0xA540] =	vst v63  }
0x2d: {  	_ =	swait.ge [sflag:s17], $0x40  }
0x2e: {  	[sflag:s17] =	ssyncset.done $0x0  }
0x2f: {  	[sflag:s17] =	ssyncadd.s32 $0xFFFFFFC0  }
0x30: {  	[tilespmem:s19], [sflag:$0x7] =	stream.linear.gather [hbm4b:s8+s4], $0x80, $0x38;
	[tilespmem:$0xA540] =	vst v63  }
0x31: {  	_ =	swait.ge [sflag:s17], $0x80  }
0x32: {  	[sflag:s17] =	ssyncset.done $0x0  }
0x33: {  	[sflag:s17] =	ssyncadd.s32 $0xFFFFFF80  }
0x34: {  	[bflag:$0x0] =	sbarrier.arrive $0xFFFF  }
0x35: {  	[tilespmem:s4], [sflag:$0x7] =	stream.linear.gather [hbm4b:s11+s4], $0x180, $0x38;
	[tilespmem:$0xA540] =	vst v63  }
0x36: {  	_ =	swait.ge [sflag:s17], $0x180  }
0x37: {  	[sflag:s17] =	ssyncset.done $0x0  }
0x38: {  	[sflag:s17] =	ssyncadd.s32 $0xFFFFFE80  }
0x39: {  	[tilespmem:s20], [sflag:$0x7] =	stream.linear.gather [hbm4b:s12+s4], $0x180, $0x38;
	[tilespmem:$0xA540] =	vst v63  }
.Ltmp2:
0x3a: {  	_ = 	snop;
	(pc) =	sbr.rel .LBB2_2-.Ltmp2, $4  }
0x3b: {  	_ =	swait.ge [sflag:s17], $0x180  }
0x3c: {  	[sflag:s17] =	ssyncset.done $0x0  }
0x3d: {  	s28 =	simm.s32 $0x0;
	[sflag:s17] =	ssyncadd.s32 $0xFFFFFE80  }
0x3e: {  	[tilespmem:s22], [sflag:$0x1] =	stream.indirect.gather [hbm4b:s5+s21], $0x80, s4, s21, $0xb8;
	[tilespmem:$0xA540] =	vst v63  }
.LBB2_4:
0x3f: {  	s0 =	sadd.s32 $0x1, s26;
	s30 =	sshll.u32 s26, $0xE;
	s28 =	sshll.u32 s28, $0x7  }
0x40: {  	p0 =	slt.u32 s29, $0x3;
	_ =	swait.ge [sflag:s0], $0x4000;
	s30 =	sor.u32 $0x400, s30  }
.Ltmp3:
0x41: {  	s28 =	sand.u32 $0x3FFFFF80, s28;
	[sflag:s0] =	ssyncset.done $0x0;
	(pc) =	sbr.rel @!p0 .LBB2_5-.Ltmp3, $4  }
0x42: {  	[sflag:s0] =	ssyncadd.s32 $0xFFFFC000;
	s0 =	sadd.s32 $0x200, s28;
	s28 =	sadd.s32 $0x3, s26  }
0x43: {  	[spmem:s1] =	stream.indirect.scatter.add.f32 [tilespmem:s30], [sflag:s28], $0x80, s0, s21, $0xb8;
	[tilespmem:$0xA540] =	vst v63  }
0x44: {  	s31 =	sadd.s32 $0x5, s26;
	s28 =	smov.u32 s29  }
0x45: {  	[spmem:s3] =	stream.indirect.scatter.add.f32 [tilespmem:s19], [sflag:s31], $0x1, s0, s21, $0xb8;
	[tilespmem:$0xA540] =	vst v63  }
.LBB2_2:
0x46: {  	s26 =	sand.u32 $0x1, s28  }
0x47: {  	p0 =	seq.s32 s28, $0x0;
	s30 =	sxor.u32 $0x1, s26  }
0x48: {  	p1 =	seq.s32 @!p0 s28, $0x2;
	s29 =	sadd.s32 @!p0 $0x3, s30  }
0x49: {  	p1 =	por p0, !p1;
	_ =	swait.ge @!p0 [sflag:s29], $0x4000  }
.Ltmp4:
0x4a: {  	[sflag:s29] =	ssyncset.done @!p0 $0x0;
	(pc) =	sbr.rel @!p1 .LBB2_4-.Ltmp4, $4  }
0x4b: {  	[sflag:s29] =	ssyncadd.s32 @!p0 $0xFFFFC000;
	s29 =	sadd.s32 @!p0 $0x5, s30  }
0x4c: {  	_ =	swait.ge @!p0 [sflag:s29], $0x80  }
0x4d: {  	[sflag:s29] =	ssyncset.done @!p0 $0x0  }
0x4e: {  	[sflag:s29] =	ssyncadd.s32 @!p0 $0xFFFFFF80;
	s29 =	simm.s32 @!p0 $0x3  }
.Ltmp5:
0x4f: {  	(pc) =	sbr.rel .LBB2_4-.Ltmp5, $4  }
0x50: {  	s29 =	simm.s32 @!p0 $0x2  }
0x51: {  	s31 =	sshll.u32 s30, $0xE;
	s29 =	simm.s32 @p0 $0x1  }
0x52: {  	s30 =	sadd.s32 $0x1, s30;
	s31 =	sor.u32 $0x400, s31;
	s0 =	sshll.u32 s29, $0x7  }
0x53: {  	[tilespmem:s31], [sflag:s30] =	stream.indirect.gather [hbm4b:s5+s21], $0x80, s0, s21, $0xb8;
	[tilespmem:$0xA540] =	vst v63  }
.LBB2_6:
0x54: {  	_ =	sfence.sel $0x180000  }
0x55: {  	[bflag:$0x0] =	sbarrier.arrive $0xFFFF  }
0x56: {  	_ =	strace $0x9000004D  }
0x57: {  	[bflag:$0x2] =	sbarrier.arrive $0xFFFF  }
0x58: {  	p0 =	sne.s32 s2, $0x0;
	s0 =	rddreg [dreg:$0x3]  }
0x59: {  	s0 =	sadd.s32 @!p0 $0x100000, s0  }
0x5a: {  	[sflag:s0] =	ssyncadd.tile.s32 @!p0 $0x1;
	_ =	shalt  }
.Lfunc_end2:
_tile_overlayer_lowered:
.L_overlay_start_2:
0x5b: {  	(tag) =	ssettag $0x2  }
0x5c: {  	s0 =	rddreg [dreg:$0x0];
	s2 =	stileid.u32  }
0x5d: {  	s1 =	rddreg [dreg:$0x1];
	p0 =	sne.s32 s2, $0x0  }
0x5e: {  	s3 =	rddreg [dreg:$0x2];
	[bflag:$0x3] =	sbarrier.arrive $0xFFFF;
	s2 =	simm.s32 @!p0 $0x1C07  }
0x5f: {  	[timem:s3], [sflag:s2] =	dma.local @!p0 [hbm:s0], s1  }
0x60: {  	s0 =	simm.s32 @!p0 $0x7  }
0x61: {  	_ =	swait.ge @!p0 [sflag:s0], s1  }
0x62: {  	s1 =	ssub.s32 @!p0 $0x0, s1;
	[sflag:s0] =	ssyncset.done @!p0 $0x0  }
0x63: {  	[sflag:s0] =	ssyncadd.s32 @!p0 s1  }
0x64: {  	[bflag:$0x3] =	sbarrier.arrive $0xFFFF  }
0x65: {  	_ =	shalt  }

// kernel: kernel.22.cloned.1.call-start
scs
__scs_entry_jumppad:
0x0: {  	(pc) =	sbr.rel $0x88, $3  }
0x1: {  	(tag) =	ssettag $0x0;
	lr =	simm.s32 $0x1  }
0x2: {  	[smem:$0x3F95] =	sst lr;
	_ =	strace $0xD0000000  }
0x3: {  	_ = 	snop  }
0x4: {  	_ = 	snop  }
0x5: {  	_ = 	snop  }
0x6: {  	_ = 	snop  }
0x7: {  	_ = 	snop  }
__scs_overlays_trampoline_lowered:
0x8: {  	[smem:$0x3FA4] =	sst s0  }
0x9: {  	[smem:$0x3FA5] =	sst s1  }
0xa: {  	[smem:$0x3FA6] =	sst s2  }
0xb: {  	[smem:$0x3FA7] =	sst s3  }
0xc: {  	[smem:$0x3FA8] =	sst s4  }
0xd: {  	[smem:$0x3FA9] =	sst s5  }
0xe: {  	[smem:$0x3FAA] =	sst s6  }
0xf: {  	[smem:$0x3FAB] =	sst s7  }
0x10: {  	[smem:$0x3FAC] =	sst s8  }
0x11: {  	[smem:$0x3FAD] =	sst s9;
	s0 =	simm.s32 @!p0 $0x0  }
0x12: {  	s1 =	sld [smem:$0x3F93];
	s0 =	simm.s32 @p0 $0x1  }
0x13: {  	[smem:$0x3FAE] =	sst s0;
	s0 =	simm.s32 @!p1 $0x0  }
0x14: {  	s2 =	sld [smem:$0x3F92];
	s0 =	simm.s32 @p1 $0x1  }
0x15: {  	[smem:$0x3FAF] =	sst s0;
	s0 =	simm.s32 @!p2 $0x0  }
0x16: {  	s3 =	sld [smem:$0x3FDB];
	s0 =	simm.s32 @p2 $0x1  }
0x17: {  	s4 =	simm.s32 $0x1BF5;
	[smem:$0x3FB1] =	sst s0  }
0x18: {  	s0 =	sld [smem:$0x3F94];
	_ =	swait.ge [sflag:s4], $0x0  }
0x19: {  	s7 =	sld [smem:$0x3F95]  }
0x1a: {  	s8 =	sadd.s32 $0xFFFFE003, lr  }
0x1b: {  	s9 =	sadd.s32 $0xFFFFFEF7, lr;
	s5 =	simm.s32 $0xFFFFFFFF;
	p2 =	slt.u32 s8, $0xFFFFF086  }
0x1c: {  	p1 =	slt.u32 s9, $0xF7A;
	s5 =	simm.s32 @!p2 $0x0  }
0x1d: {  	s5 =	simm.s32 @p1 $0x1;
	p0 =	seq.s32 s7, s2  }
0x1e: {  	s7 =	smul.u32 @!p0 $0xF7A, s2;
	p2 =	seq.s32 @!p0 s5, $0x0  }
0x1f: {  	s9 =	smul.u32 $0xF7A, s1;
	s8 =	simm.s32 @!p0 $0x1BF5;
	p2 =	por !p2, p0  }
0x20: {  	[sflag:s8] =	ssyncset.s32 @!p0 $0xFFFFF086;
	s6 =	sadd.s32 @!p0 s3, s7;
	s7 =	simm.s32 @!p0 $0x108  }
0x21: {  	s3 =	sadd.s32 s3, s9;
	s6 =	sadd.s32 @!p0 $0x88, s6;
	s7 =	simm.s32 @p2 $0x1082  }
0x22: {  	[simem:s7], [sflag:s8] =	dma.local @!p0 [hbm:s6], $0xF7A  }
0x23: {  	s9 =	sor.u32 $0xD0000000, s2;
	s6 =	simm.s32 $0x108;
	_ =	swait.ge @!p0 [sflag:s8], $0x0  }
0x24: {  	s3 =	sadd.s32 $0x88, s3;
	s6 =	simm.s32 @!p1 $0x1082;
	[sflag:s4] =	ssyncset.s32 $0xFFFFF086  }
0x25: {  	[simem:s6], [sflag:s4] =	dma.local [hbm:s3], $0xF7A  }
0x26: {  	[smem:$0x3F95] =	sst s1;
	(tag) =	ssettag s2;
	_ =	strace s9  }
0x27: {  	s1 =	sld [smem:$0x3FA5]  }
0x28: {  	s2 =	sld [smem:$0x3FA6]  }
0x29: {  	s4 =	sld [smem:$0x3FA8]  }
0x2a: {  	p0 =	seq.s32 s5, $0x0;
	s5 =	sld [smem:$0x3FA9]  }
0x2b: {  	s6 =	sld [smem:$0x3FAA]  }
0x2c: {  	s7 =	sld [smem:$0x3FAB]  }
0x2d: {  	s3 =	simm.s32 $0x108;
	s8 =	sld [smem:$0x3FAC]  }
0x2e: {  	s3 =	simm.s32 @!p0 $0x1082;
	s9 =	sld [smem:$0x3FAD]  }
0x2f: {  	lr =	sadd.s32 s0, s3;
	s0 =	sld [smem:$0x3FA4]  }
0x30: {  	s3 =	sld [smem:$0x3FA7]  }
0x31: {  	[smem:$0x3FB0] =	sst s10  }
0x32: {  	s10 =	sld [smem:$0x3FAE];
	_ =	sdelay $0x3  }
0x33: {  	p0 =	seq.s32 s10, $0x1;
	s10 =	sld [smem:$0x3FB0];
	_ =	sdelay $0x3  }
0x34: {  	[smem:$0x3FB0] =	sst s10  }
0x35: {  	s10 =	sld [smem:$0x3FAF];
	_ =	sdelay $0x3  }
0x36: {  	p1 =	seq.s32 s10, $0x1;
	s10 =	sld [smem:$0x3FB0];
	_ =	sdelay $0x3  }
0x37: {  	[smem:$0x3FB0] =	sst s10  }
0x38: {  	s10 =	sld [smem:$0x3FB1]  }
0x39: {  	_ = 	snop;
	(pc) =	sbr.ind lr, $3  }
0x3a: {  	_ = 	snop  }
0x3b: {  	_ = 	snop  }
0x3c: {  	p2 =	seq.s32 s10, $0x1;
	s10 =	sld [smem:$0x3FB0]  }
0x3d: {  	_ =	shalt  }
0x3e: {  	_ =	shalt  }
0x3f: {  	_ =	shalt  }
0x40: {  	_ =	shalt  }
0x41: {  	_ =	shalt  }
0x42: {  	_ =	shalt  }
0x43: {  	_ =	shalt  }
0x44: {  	_ =	shalt  }
0x45: {  	_ =	shalt  }
0x46: {  	_ =	shalt  }
0x47: {  	_ =	shalt  }
0x48: {  	_ =	shalt  }
0x49: {  	_ =	shalt  }
0x4a: {  	_ =	shalt  }
0x4b: {  	_ =	shalt  }
0x4c: {  	_ =	shalt  }
0x4d: {  	_ =	shalt  }
0x4e: {  	_ =	shalt  }
0x4f: {  	_ =	shalt  }
0x50: {  	_ =	shalt  }
0x51: {  	_ =	shalt  }
0x52: {  	_ =	shalt  }
0x53: {  	_ =	shalt  }
0x54: {  	_ =	shalt  }
0x55: {  	_ =	shalt  }
0x56: {  	_ =	shalt  }
0x57: {  	_ =	shalt  }
0x58: {  	_ =	shalt  }
0x59: {  	_ =	shalt  }
0x5a: {  	_ =	shalt  }
0x5b: {  	_ =	shalt  }
0x5c: {  	_ =	shalt  }
0x5d: {  	_ =	shalt  }
0x5e: {  	_ =	shalt  }
0x5f: {  	_ =	shalt  }
0x60: {  	_ =	shalt  }
0x61: {  	_ =	shalt  }
0x62: {  	_ =	shalt  }
0x63: {  	_ =	shalt  }
0x64: {  	_ =	shalt  }
0x65: {  	_ =	shalt  }
0x66: {  	_ =	shalt  }
0x67: {  	_ =	shalt  }
0x68: {  	_ =	shalt  }
0x69: {  	_ =	shalt  }
0x6a: {  	_ =	shalt  }
0x6b: {  	_ =	shalt  }
0x6c: {  	_ =	shalt  }
0x6d: {  	_ =	shalt  }
0x6e: {  	_ =	shalt  }
0x6f: {  	_ =	shalt  }
0x70: {  	_ =	shalt  }
0x71: {  	_ =	shalt  }
0x72: {  	_ =	shalt  }
0x73: {  	_ =	shalt  }
0x74: {  	_ =	shalt  }
0x75: {  	_ =	shalt  }
0x76: {  	_ =	shalt  }
0x77: {  	_ =	shalt  }
0x78: {  	_ =	shalt  }
0x79: {  	_ =	shalt  }
0x7a: {  	_ =	shalt  }
0x7b: {  	_ =	shalt  }
0x7c: {  	_ =	shalt  }
0x7d: {  	_ =	shalt  }
0x7e: {  	_ =	shalt  }
0x7f: {  	_ =	shalt  }
0x80: {  	_ =	shalt  }
0x81: {  	_ =	shalt  }
0x82: {  	_ =	shalt  }
0x83: {  	_ =	shalt  }
0x84: {  	_ =	shalt  }
0x85: {  	_ =	shalt  }
0x86: {  	_ =	shalt  }
0x87: {  	_ =	shalt  }
.Lfunc_end0:
.L_simem_size_0:
called_computation.3_lowered:
.L_overlay_start_0:
0x88: {  	s2 =	sld [smem:$0x3FD9]  }
0x89: {  	s3 =	sld [smem:$0x3FFE];
	_ =	sdelay $0x1  }
0x8a: {  	s1 =	srdreg.scid  }
0x8b: {  	s0 =	sand.u32 $0x1, s1  }
0x8c: {  	s17 =	sshll.u32 s0, $0xA;
	s2 =	sadd.s32 s3, s2  }
0x8d: {  	s2 =	sadd.s32 s2, s17  }
0x8e: {  	[smem:$0x3FBC] =	sst s2  }
0x8f: {  	_ = 	snop  }
0x90: {  	s2 =	sld [smem:$0x3FD0];
	(tm) =	ssettm $0x1  }
0x91: {  	s18 =	sld [smem:$0x3FFB];
	_ =	sdelay $0x3  }
0x92: {  	_ =	strace s18  }
0x93: {  	s3 =	sld [smem:$0x3FFC];
	_ =	sdelay $0x3  }
0x94: {  	_ =	strace s3  }
0x95: {  	s3 =	sld [smem:$0x3FFD];
	_ =	sdelay $0x3  }
0x96: {  	_ =	strace s3  }
0x97: {  	_ =	strace $0x8FFFFFFF  }
0x98: {  	s19 =	sld [smem:$0x3FDB];
	_ =	sdelay $0x1  }
0x99: {  	s4 =	simm.s32 $_scs_section_size  }
0x9a: {  	s5 =	simm.s32 $_size__tile_overlayer_lowered;
	s6 =	simm.s32 $_tile_overlayer_lowered  }
0x9b: {  	s22 =	simm.s32 $0x1BFF;
	s21 =	sshll.u32 s6, $0x1;
	s3 =	sadd.s32 s4, s19  }
0x9c: {  	s7 =	simm.s32 $0x0;
	s20 =	sshll.u32 s5, $0x1;
	s5 =	sadd.s32 s21, s3  }
0x9d: {  	[timem:s7], [sflag:s22] =	dma.local [hbm:s5], s20  }
0x9e: {  	_ =	swait.ge [sflag:s22], s20  }
0x9f: {  	s4 =	ssub.s32 $0x0, s20;
	[sflag:s22] =	ssyncset.done $0x0  }
0xa0: {  	[sflag:s22] =	ssyncadd.s32 s4;
	_ =	sdelay $0x1  }
0xa1: {  	s23 =	simm.s32 $0x1B8B  }
0xa2: {  	_ =	swait.ge [sflag:s23], $0x1  }
0xa3: {  	[sflag:s23] =	ssyncset.done $0x0  }
0xa4: {  	s25 =	simm.s32 $0x1B8E;
	s24 =	sld [smem:$0x3FFE];
	[sflag:s23] =	ssyncadd.s32 $0xFFFFFFFF  }
0xa5: {  	s26 =	simm.s32 $execute0_lowered;
	[smem:$0x3FD2] =	sst s25  }
0xa6: {  	s5 =	sshll.u32 s26, $0x1;
	_ =	strace $0x8000004F;
	[dreg:$0x1] =	wrdreg $0xFFFFFFFF  }
0xa7: {  	s28 =	simm.s32 $_size_execute0_lowered;
	s3 =	sadd.s32 s3, s5;
	[dreg:$0x0] =	wrdreg $0x0  }
0xa8: {  	s5 =	sshll.u32 s28, $0x1;
	[dreg:$0x2] =	wrdreg s3  }
0xa9: {  	[dreg:$0x3] =	wrdreg s5  }
0xaa: {  	[dreg:$0x4] =	wrdreg $0xC0  }
0xab: {  	_ =	task [dreg:s7], $0x5FFFF  }
0xac: {  	[dreg:$0x1] =	wrdreg $0xFFFFFFFF  }
0xad: {  	[dreg:$0x0] =	wrdreg $0x60  }
0xae: {  	[dreg:$0x2] =	wrdreg s24  }
0xaf: {  	[dreg:$0x3] =	wrdreg s2  }
0xb0: {  	[dreg:$0x4] =	wrdreg $0x85000  }
0xb1: {  	[dreg:$0x5] =	wrdreg $0xA5000  }
0xb2: {  	[dreg:$0x6] =	wrdreg $0x9  }
0xb3: {  	_ =	task.clear_ibuf [dreg:s7], $0x7FFFF;
	_ =	strace $0x9000004F  }
0xb4: {  	s29 =	simm.s32 $0x9;
	_ =	strace $0x80000051  }
0xb5: {  	_ =	swait.ge [sflag:s29], $0x1  }
0xb6: {  	[sflag:s29] =	ssyncadd.s32 $0xFFFFFFFF  }
0xb7: {  	_ =	strace $0x90000051  }
0xb8: {  	_ =	sfence  }
0xb9: {  	s30 =	sld [smem:$0x0];
	_ =	sdelay $0x2  }
0xba: {  	s31 =	sshll.u32 s1, $0xD;
	s1 =	sshrl.u32 s1, $0x2  }
0xbb: {  	s3 =	sand.u32 $0x4000, s31;
	s1 =	sadd.s32 s1, s30  }
0xbc: {  	s0 =	sor.u32 s3, s0;
	s1 =	sshll.u32 s1, $0x11  }
0xbd: {  	s0 =	sor.u32 s1, s0  }
0xbe: {  	s0 =	sadd.s32 $0x8F2B, s0  }
0xbf: {  	[sflag:s0] =	ssyncadd.remote.s32 $0x1  }
0xc0: {  	_ =	sfence.sel $0xFFFF  }
0xc1: {  	[dreg:$0x0] =	wrdreg $0xFFFFFFFF;
	(pc) =	sbr.abs _section_cstart, $3  }
0xc2: {  	[dreg:$0x1] =	wrdreg $0xFFFFFFFF  }
0xc3: {  	_ =	task.clear_ibuf [dreg:s7], $0x2FFFF;
	_ =	strace $0x9FFFFFFF  }
0xc4: {  	(tm) =	ssettm $0x7FFFFFFF  }
0xc5: {  	_ =	shalt  }
tec
execute0_lowered:
.L_overlay_start_1:
0x0: {  	(tag) =	ssettag $0x1  }
0x1: {  	s9 =	rddreg [dreg:$0x0]  }
0x2: {  	s11 =	rddreg [dreg:$0x1]  }
0x3: {  	s1 =	rddreg [dreg:$0x2]  }
0x4: {  	s3 =	rddreg [dreg:$0x3];
	s5 =	srdreg.scid;
	s4 =	simm.s32 $0x0  }
0x5: {  	s2 =	stileid.u32;
	s19 =	simm.s32 $0x8400;
	s20 =	simm.s32 $0x200  }
0x6: {  	s21 =	simm.s32 $0x80;
	s22 =	simm.s32 $0x400;
	s23 =	simm.s32 $0x4  }
0x7: {  	s24 =	simm.s32 $0x6;
	s25 =	simm.s32 $0x0;
	s10 =	sand.u32 $0x1, s5  }
0x8: {  	[smem:$0x7FF] =	sst s4;
	s12 =	sshll.u32 s2, $0x6;
	s5 =	sadd.s32 $0x2C400, s9  }
0x9: {  	s7 =	sadd.s32 $0x2C200, s9;
	s8 =	sadd.s32 $0x42800, s9;
	s31 =	sshll.u32 s2, $0xD  }
0xa: {  	s6 =	sshll.u32 s10, $0xA;
	_ =	strace $0x80000050;
	s10 =	ssub.s32 $0x2, s10  }
0xb: {  	s18 =	sadd.s32 s31, s1;
	s13 =	sor.u32 s12, s6;
	s6 =	sadd.s32 $0x2BE00, s9  }
0xc: {  	s17 =	sshrl.u32 s10, $0x1;
	s14 =	sadd.s32 s13, s9;
	s15 =	sshll.u32 s13, $0x4  }
.Ltmp0:
0xd: {  	s16 =	sshrl.u32 s13, $0x3;
	s17 =	ssub.s32 s10, s17;
	(pc) =	sbr.rel .LBB2_1-.Ltmp0, $4  }
0xe: {  	s10 =	sadd.s32 s12, s3;
	s11 =	sadd.s32 s11, s13;
	s15 =	sadd.s32 s15, s9  }
0xf: {  	s16 =	sadd.s32 s16, s9;
	s9 =	sor.u32 $0x1C07, s12;
	s12 =	sadd.s32 $0x34600, s14  }
0x10: {  	s13 =	sadd.s32 $0x34E00, s15;
	s14 =	sadd.s32 $0x30400, s16;
	s15 =	smax.u32 s17, $0x1  }
0x11: {  	s16 =	sshrl.u32 s18, $0x3;
	s17 =	simm.s32 $0x7;
	s18 =	simm.s32 $0x8480  }
.LBB2_5:
0x12: {  	_ =	swait.ge [sflag:s23], $0x4000  }
0x13: {  	[sflag:s23] =	ssyncset.done $0x0  }
0x14: {  	[sflag:s23] =	ssyncadd.s32 $0xFFFFC000  }
0x15: {  	_ =	swait.ge [sflag:s24], $0x80  }
0x16: {  	[sflag:s24] =	ssyncset.done $0x0  }
0x17: {  	[sflag:s24] =	ssyncadd.s32 $0xFFFFFF80  }
0x18: {  	[bflag:$0x0] =	sbarrier.arrive $0xFFFF  }
0x19: {  	[hbm:s13], [sflag:s9] =	dma.local [spmem:s16], $0x400  }
0x1a: {  	_ =	swait.ge [sflag:s17], $0x400  }
0x1b: {  	[sflag:s17] =	ssyncset.done $0x0  }
0x1c: {  	[sflag:s17] =	ssyncadd.s32 $0xFFFFFC00  }
0x1d: {  	[tilespmem:s18], [sflag:$0x7] =	stream.linear.gather [spmem:s10], $0x40, $0x38;
	[tilespmem:$0xA540] =	vst v63  }
0x1e: {  	s25 =	sadd.s32 $0x1, s25;
	_ =	swait.ge [sflag:s17], $0x40  }
0x1f: {  	p0 =	sne.s32 s25, s15;
	[sflag:s17] =	ssyncset.done $0x0  }
.Ltmp1:
0x20: {  	[sflag:s17] =	ssyncadd.s32 $0xFFFFFFC0;
	(pc) =	sbr.rel @!p0 .LBB2_6-.Ltmp1, $4  }
0x21: {  	[hbm4b:s14+s4] =	stream.linear.scatter [tilespmem:s18], [sflag:$0x7], $0x40, $0x38;
	[tilespmem:$0xA540] =	vst v63  }
0x22: {  	_ =	swait.ge [sflag:s17], $0x40  }
0x23: {  	[sflag:s17] =	ssyncset.done $0x0  }
0x24: {  	[sflag:s17] =	ssyncadd.s32 $0xFFFFFFC0  }
.LBB2_1:
0x25: {  	[spmem:s16], [sflag:s9] =	dma.local [hbm:s6], $0x400  }
0x26: {  	_ =	swait.ge [sflag:s17], $0x400  }
0x27: {  	[sflag:s17] =	ssyncset.done $0x0  }
0x28: {  	[sflag:s17] =	ssyncadd.s32 $0xFFFFFC00  }
0x29: {  	[tilespmem:s18], [sflag:$0x7] =	stream.linear.gather [hbm4b:s7+s4], $0x80, $0x38;
	[tilespmem:$0xA540] =	vst v63  }
0x2a: {  	_ =	swait.ge [sflag:s17], $0x80  }
0x2b: {  	[sflag:s17] =	ssyncset.done $0x0  }
0x2c: {  	[sflag:s17] =	ssyncadd.s32 $0xFFFFFF80  }
0x2d: {  	[spmem:s10] =	stream.linear.scatter [tilespmem:s18], [sflag:$0x7], $0x40, $0x38;
	[tilespmem:$0xA540] =	vst v63  }
0x2e: {  	_ =	swait.ge [sflag:s17], $0x40  }
0x2f: {  	[sflag:s17] =	ssyncset.done $0x0  }
0x30: {  	[sflag:s17] =	ssyncadd.s32 $0xFFFFFFC0  }
0x31: {  	[tilespmem:s19], [sflag:$0x7] =	stream.linear.gather [hbm4b:s8+s4], $0x80, $0x38;
	[tilespmem:$0xA540] =	vst v63  }
0x32: {  	_ =	swait.ge [sflag:s17], $0x80  }
0x33: {  	[sflag:s17] =	ssyncset.done $0x0  }
0x34: {  	[sflag:s17] =	ssyncadd.s32 $0xFFFFFF80  }
0x35: {  	[bflag:$0x0] =	sbarrier.arrive $0xFFFF  }
0x36: {  	[tilespmem:s4], [sflag:$0x7] =	stream.linear.gather [hbm4b:s11+s4], $0x200, $0x38;
	[tilespmem:$0xA540] =	vst v63  }
0x37: {  	_ =	swait.ge [sflag:s17], $0x200  }
0x38: {  	[sflag:s17] =	ssyncset.done $0x0  }
0x39: {  	[sflag:s17] =	ssyncadd.s32 $0xFFFFFE00  }
0x3a: {  	[tilespmem:s20], [sflag:$0x7] =	stream.linear.gather [hbm4b:s12+s4], $0x200, $0x38;
	[tilespmem:$0xA540] =	vst v63  }
.Ltmp2:
0x3b: {  	_ = 	snop;
	(pc) =	sbr.rel .LBB2_2-.Ltmp2, $4  }
0x3c: {  	_ =	swait.ge [sflag:s17], $0x200  }
0x3d: {  	[sflag:s17] =	ssyncset.done $0x0  }
0x3e: {  	s28 =	simm.s32 $0x0;
	[sflag:s17] =	ssyncadd.s32 $0xFFFFFE00  }
0x3f: {  	[tilespmem:s22], [sflag:$0x1] =	stream.indirect.gather [hbm4b:s5+s21], $0x80, s4, s21, $0xb8;
	[tilespmem:$0xA540] =	vst v63  }
.LBB2_4:
0x40: {  	s0 =	sadd.s32 $0x1, s26;
	s30 =	sshll.u32 s26, $0xE;
	s28 =	sshll.u32 s28, $0x7  }
0x41: {  	p0 =	slt.u32 s29, $0x4;
	_ =	swait.ge [sflag:s0], $0x4000;
	s30 =	sor.u32 $0x400, s30  }
.Ltmp3:
0x42: {  	s28 =	sand.u32 $0x3FFFFF80, s28;
	[sflag:s0] =	ssyncset.done $0x0;
	(pc) =	sbr.rel @!p0 .LBB2_5-.Ltmp3, $4  }
0x43: {  	[sflag:s0] =	ssyncadd.s32 $0xFFFFC000;
	s0 =	sadd.s32 $0x200, s28;
	s28 =	sadd.s32 $0x3, s26  }
0x44: {  	[spmem:s1] =	stream.indirect.scatter.add.f32 [tilespmem:s30], [sflag:s28], $0x80, s0, s21, $0xb8;
	[tilespmem:$0xA540] =	vst v63  }
0x45: {  	s31 =	sadd.s32 $0x5, s26;
	s28 =	smov.u32 s29  }
0x46: {  	[spmem:s3] =	stream.indirect.scatter.add.f32 [tilespmem:s19], [sflag:s31], $0x1, s0, s21, $0xb8;
	[tilespmem:$0xA540] =	vst v63  }
.LBB2_2:
0x47: {  	s26 =	sand.u32 $0x1, s28  }
0x48: {  	p0 =	seq.s32 s28, $0x0;
	s30 =	sxor.u32 $0x1, s26  }
0x49: {  	p1 =	seq.s32 @!p0 s28, $0x3;
	s29 =	sadd.s32 @!p0 $0x3, s30  }
0x4a: {  	p1 =	por p0, !p1;
	_ =	swait.ge @!p0 [sflag:s29], $0x4000  }
.Ltmp4:
0x4b: {  	[sflag:s29] =	ssyncset.done @!p0 $0x0;
	(pc) =	sbr.rel @!p1 .LBB2_4-.Ltmp4, $4  }
0x4c: {  	[sflag:s29] =	ssyncadd.s32 @!p0 $0xFFFFC000;
	s29 =	sadd.s32 @!p0 $0x5, s30  }
0x4d: {  	_ =	swait.ge @!p0 [sflag:s29], $0x80  }
0x4e: {  	[sflag:s29] =	ssyncset.done @!p0 $0x0  }
0x4f: {  	[sflag:s29] =	ssyncadd.s32 @!p0 $0xFFFFFF80;
	s29 =	simm.s32 @!p0 $0x4  }
.Ltmp5:
0x50: {  	s29 =	sadd.s32 @!p0 $0x1, s28;
	(pc) =	sbr.rel .LBB2_4-.Ltmp5, $4  }
0x51: {  	s29 =	simm.s32 @p0 $0x1  }
0x52: {  	s31 =	sshll.u32 s30, $0xE;
	s0 =	sshll.u32 s29, $0x7  }
0x53: {  	s30 =	sadd.s32 $0x1, s30;
	s31 =	sor.u32 $0x400, s31;
	s0 =	sand.u32 $0x3FFFFF80, s0  }
0x54: {  	[tilespmem:s31], [sflag:s30] =	stream.indirect.gather [hbm4b:s5+s21], $0x80, s0, s21, $0xb8;
	[tilespmem:$0xA540] =	vst v63  }
.LBB2_6:
0x55: {  	_ =	sfence.sel $0x180000  }
0x56: {  	[bflag:$0x0] =	sbarrier.arrive $0xFFFF  }
0x57: {  	_ =	strace $0x90000050  }
0x58: {  	[bflag:$0x2] =	sbarrier.arrive $0xFFFF  }
0x59: {  	p0 =	sne.s32 s2, $0x0;
	s0 =	rddreg [dreg:$0x4]  }
0x5a: {  	s0 =	sadd.s32 @!p0 $0x100000, s0  }
0x5b: {  	[sflag:s0] =	ssyncadd.tile.s32 @!p0 $0x1;
	_ =	shalt  }
.Lfunc_end2:
_tile_overlayer_lowered:
.L_overlay_start_2:
0x5c: {  	(tag) =	ssettag $0x2  }
0x5d: {  	s0 =	rddreg [dreg:$0x0];
	s2 =	stileid.u32  }
0x5e: {  	s1 =	rddreg [dreg:$0x1];
	p0 =	sne.s32 s2, $0x0  }
0x5f: {  	s3 =	rddreg [dreg:$0x2];
	[bflag:$0x3] =	sbarrier.arrive $0xFFFF;
	s2 =	simm.s32 @!p0 $0x1C07  }
0x60: {  	[timem:s3], [sflag:s2] =	dma.local @!p0 [hbm:s0], s1  }
0x61: {  	s0 =	simm.s32 @!p0 $0x7  }
0x62: {  	_ =	swait.ge @!p0 [sflag:s0], s1  }
0x63: {  	s1 =	ssub.s32 @!p0 $0x0, s1;
	[sflag:s0] =	ssyncset.done @!p0 $0x0  }
0x64: {  	[sflag:s0] =	ssyncadd.s32 @!p0 s1  }
0x65: {  	[bflag:$0x3] =	sbarrier.arrive $0xFFFF  }
0x66: {  	_ =	shalt  }

// kernel: kernel.25.cloned.1.call-start
scs
__scs_entry_jumppad:
0x0: {  	(pc) =	sbr.rel $0x88, $3  }
0x1: {  	(tag) =	ssettag $0x0;
	lr =	simm.s32 $0x1  }
0x2: {  	[smem:$0x3F95] =	sst lr;
	_ =	strace $0xD0000000  }
0x3: {  	_ = 	snop  }
0x4: {  	_ = 	snop  }
0x5: {  	_ = 	snop  }
0x6: {  	_ = 	snop  }
0x7: {  	_ = 	snop  }
__scs_overlays_trampoline_lowered:
0x8: {  	[smem:$0x3FA4] =	sst s0  }
0x9: {  	[smem:$0x3FA5] =	sst s1  }
0xa: {  	[smem:$0x3FA6] =	sst s2  }
0xb: {  	[smem:$0x3FA7] =	sst s3  }
0xc: {  	[smem:$0x3FA8] =	sst s4  }
0xd: {  	[smem:$0x3FA9] =	sst s5  }
0xe: {  	[smem:$0x3FAA] =	sst s6  }
0xf: {  	[smem:$0x3FAB] =	sst s7  }
0x10: {  	[smem:$0x3FAC] =	sst s8  }
0x11: {  	[smem:$0x3FAD] =	sst s9;
	s0 =	simm.s32 @!p0 $0x0  }
0x12: {  	s1 =	sld [smem:$0x3F93];
	s0 =	simm.s32 @p0 $0x1  }
0x13: {  	[smem:$0x3FAE] =	sst s0;
	s0 =	simm.s32 @!p1 $0x0  }
0x14: {  	s2 =	sld [smem:$0x3F92];
	s0 =	simm.s32 @p1 $0x1  }
0x15: {  	[smem:$0x3FAF] =	sst s0;
	s0 =	simm.s32 @!p2 $0x0  }
0x16: {  	s3 =	sld [smem:$0x3FDB];
	s0 =	simm.s32 @p2 $0x1  }
0x17: {  	s4 =	simm.s32 $0x1BF5;
	[smem:$0x3FB1] =	sst s0  }
0x18: {  	s0 =	sld [smem:$0x3F94];
	_ =	swait.ge [sflag:s4], $0x0  }
0x19: {  	s7 =	sld [smem:$0x3F95]  }
0x1a: {  	s8 =	sadd.s32 $0xFFFFE003, lr  }
0x1b: {  	s9 =	sadd.s32 $0xFFFFFEF7, lr;
	s5 =	simm.s32 $0xFFFFFFFF;
	p2 =	slt.u32 s8, $0xFFFFF086  }
0x1c: {  	p1 =	slt.u32 s9, $0xF7A;
	s5 =	simm.s32 @!p2 $0x0  }
0x1d: {  	s5 =	simm.s32 @p1 $0x1;
	p0 =	seq.s32 s7, s2  }
0x1e: {  	s7 =	smul.u32 @!p0 $0xF7A, s2;
	p2 =	seq.s32 @!p0 s5, $0x0  }
0x1f: {  	s9 =	smul.u32 $0xF7A, s1;
	s8 =	simm.s32 @!p0 $0x1BF5;
	p2 =	por !p2, p0  }
0x20: {  	[sflag:s8] =	ssyncset.s32 @!p0 $0xFFFFF086;
	s6 =	sadd.s32 @!p0 s3, s7;
	s7 =	simm.s32 @!p0 $0x108  }
0x21: {  	s3 =	sadd.s32 s3, s9;
	s6 =	sadd.s32 @!p0 $0x88, s6;
	s7 =	simm.s32 @p2 $0x1082  }
0x22: {  	[simem:s7], [sflag:s8] =	dma.local @!p0 [hbm:s6], $0xF7A  }
0x23: {  	s9 =	sor.u32 $0xD0000000, s2;
	s6 =	simm.s32 $0x108;
	_ =	swait.ge @!p0 [sflag:s8], $0x0  }
0x24: {  	s3 =	sadd.s32 $0x88, s3;
	s6 =	simm.s32 @!p1 $0x1082;
	[sflag:s4] =	ssyncset.s32 $0xFFFFF086  }
0x25: {  	[simem:s6], [sflag:s4] =	dma.local [hbm:s3], $0xF7A  }
0x26: {  	[smem:$0x3F95] =	sst s1;
	(tag) =	ssettag s2;
	_ =	strace s9  }
0x27: {  	s1 =	sld [smem:$0x3FA5]  }
0x28: {  	s2 =	sld [smem:$0x3FA6]  }
0x29: {  	s4 =	sld [smem:$0x3FA8]  }
0x2a: {  	p0 =	seq.s32 s5, $0x0;
	s5 =	sld [smem:$0x3FA9]  }
0x2b: {  	s6 =	sld [smem:$0x3FAA]  }
0x2c: {  	s7 =	sld [smem:$0x3FAB]  }
0x2d: {  	s3 =	simm.s32 $0x108;
	s8 =	sld [smem:$0x3FAC]  }
0x2e: {  	s3 =	simm.s32 @!p0 $0x1082;
	s9 =	sld [smem:$0x3FAD]  }
0x2f: {  	lr =	sadd.s32 s0, s3;
	s0 =	sld [smem:$0x3FA4]  }
0x30: {  	s3 =	sld [smem:$0x3FA7]  }
0x31: {  	[smem:$0x3FB0] =	sst s10  }
0x32: {  	s10 =	sld [smem:$0x3FAE];
	_ =	sdelay $0x3  }
0x33: {  	p0 =	seq.s32 s10, $0x1;
	s10 =	sld [smem:$0x3FB0];
	_ =	sdelay $0x3  }
0x34: {  	[smem:$0x3FB0] =	sst s10  }
0x35: {  	s10 =	sld [smem:$0x3FAF];
	_ =	sdelay $0x3  }
0x36: {  	p1 =	seq.s32 s10, $0x1;
	s10 =	sld [smem:$0x3FB0];
	_ =	sdelay $0x3  }
0x37: {  	[smem:$0x3FB0] =	sst s10  }
0x38: {  	s10 =	sld [smem:$0x3FB1]  }
0x39: {  	_ = 	snop;
	(pc) =	sbr.ind lr, $3  }
0x3a: {  	_ = 	snop  }
0x3b: {  	_ = 	snop  }
0x3c: {  	p2 =	seq.s32 s10, $0x1;
	s10 =	sld [smem:$0x3FB0]  }
0x3d: {  	_ =	shalt  }
0x3e: {  	_ =	shalt  }
0x3f: {  	_ =	shalt  }
0x40: {  	_ =	shalt  }
0x41: {  	_ =	shalt  }
0x42: {  	_ =	shalt  }
0x43: {  	_ =	shalt  }
0x44: {  	_ =	shalt  }
0x45: {  	_ =	shalt  }
0x46: {  	_ =	shalt  }
0x47: {  	_ =	shalt  }
0x48: {  	_ =	shalt  }
0x49: {  	_ =	shalt  }
0x4a: {  	_ =	shalt  }
0x4b: {  	_ =	shalt  }
0x4c: {  	_ =	shalt  }
0x4d: {  	_ =	shalt  }
0x4e: {  	_ =	shalt  }
0x4f: {  	_ =	shalt  }
0x50: {  	_ =	shalt  }
0x51: {  	_ =	shalt  }
0x52: {  	_ =	shalt  }
0x53: {  	_ =	shalt  }
0x54: {  	_ =	shalt  }
0x55: {  	_ =	shalt  }
0x56: {  	_ =	shalt  }
0x57: {  	_ =	shalt  }
0x58: {  	_ =	shalt  }
0x59: {  	_ =	shalt  }
0x5a: {  	_ =	shalt  }
0x5b: {  	_ =	shalt  }
0x5c: {  	_ =	shalt  }
0x5d: {  	_ =	shalt  }
0x5e: {  	_ =	shalt  }
0x5f: {  	_ =	shalt  }
0x60: {  	_ =	shalt  }
0x61: {  	_ =	shalt  }
0x62: {  	_ =	shalt  }
0x63: {  	_ =	shalt  }
0x64: {  	_ =	shalt  }
0x65: {  	_ =	shalt  }
0x66: {  	_ =	shalt  }
0x67: {  	_ =	shalt  }
0x68: {  	_ =	shalt  }
0x69: {  	_ =	shalt  }
0x6a: {  	_ =	shalt  }
0x6b: {  	_ =	shalt  }
0x6c: {  	_ =	shalt  }
0x6d: {  	_ =	shalt  }
0x6e: {  	_ =	shalt  }
0x6f: {  	_ =	shalt  }
0x70: {  	_ =	shalt  }
0x71: {  	_ =	shalt  }
0x72: {  	_ =	shalt  }
0x73: {  	_ =	shalt  }
0x74: {  	_ =	shalt  }
0x75: {  	_ =	shalt  }
0x76: {  	_ =	shalt  }
0x77: {  	_ =	shalt  }
0x78: {  	_ =	shalt  }
0x79: {  	_ =	shalt  }
0x7a: {  	_ =	shalt  }
0x7b: {  	_ =	shalt  }
0x7c: {  	_ =	shalt  }
0x7d: {  	_ =	shalt  }
0x7e: {  	_ =	shalt  }
0x7f: {  	_ =	shalt  }
0x80: {  	_ =	shalt  }
0x81: {  	_ =	shalt  }
0x82: {  	_ =	shalt  }
0x83: {  	_ =	shalt  }
0x84: {  	_ =	shalt  }
0x85: {  	_ =	shalt  }
0x86: {  	_ =	shalt  }
0x87: {  	_ =	shalt  }
.Lfunc_end0:
.L_simem_size_0:
called_computation.4_lowered:
.L_overlay_start_0:
0x88: {  	s2 =	sld [smem:$0x3FD9]  }
0x89: {  	s3 =	sld [smem:$0x3FFE];
	_ =	sdelay $0x1  }
0x8a: {  	s1 =	srdreg.scid  }
0x8b: {  	s0 =	sand.u32 $0x1, s1  }
0x8c: {  	s17 =	sshll.u32 s0, $0xA;
	s2 =	sadd.s32 s3, s2  }
0x8d: {  	s2 =	sadd.s32 s2, s17  }
0x8e: {  	[smem:$0x3FBC] =	sst s2  }
0x8f: {  	_ = 	snop  }
0x90: {  	s2 =	sld [smem:$0x3FD0];
	(tm) =	ssettm $0x1  }
0x91: {  	s18 =	sld [smem:$0x3FFB];
	_ =	sdelay $0x3  }
0x92: {  	_ =	strace s18  }
0x93: {  	s3 =	sld [smem:$0x3FFC];
	_ =	sdelay $0x3  }
0x94: {  	_ =	strace s3  }
0x95: {  	s3 =	sld [smem:$0x3FFD];
	_ =	sdelay $0x3  }
0x96: {  	_ =	strace s3  }
0x97: {  	_ =	strace $0x8FFFFFFF  }
0x98: {  	s19 =	sld [smem:$0x3FDB];
	_ =	sdelay $0x1  }
0x99: {  	s4 =	simm.s32 $_scs_section_size  }
0x9a: {  	s5 =	simm.s32 $_size__tile_overlayer_lowered;
	s6 =	simm.s32 $_tile_overlayer_lowered  }
0x9b: {  	s22 =	simm.s32 $0x1BFF;
	s21 =	sshll.u32 s6, $0x1;
	s3 =	sadd.s32 s4, s19  }
0x9c: {  	s7 =	simm.s32 $0x0;
	s20 =	sshll.u32 s5, $0x1;
	s5 =	sadd.s32 s21, s3  }
0x9d: {  	[timem:s7], [sflag:s22] =	dma.local [hbm:s5], s20  }
0x9e: {  	_ =	swait.ge [sflag:s22], s20  }
0x9f: {  	s4 =	ssub.s32 $0x0, s20;
	[sflag:s22] =	ssyncset.done $0x0  }
0xa0: {  	[sflag:s22] =	ssyncadd.s32 s4;
	_ =	sdelay $0x1  }
0xa1: {  	s23 =	simm.s32 $0x1B8B  }
0xa2: {  	_ =	swait.ge [sflag:s23], $0x1  }
0xa3: {  	[sflag:s23] =	ssyncset.done $0x0  }
0xa4: {  	s25 =	simm.s32 $0x1B8E;
	s24 =	sld [smem:$0x3FFE];
	[sflag:s23] =	ssyncadd.s32 $0xFFFFFFFF  }
0xa5: {  	s26 =	simm.s32 $execute0_lowered;
	[smem:$0x3FD2] =	sst s25  }
0xa6: {  	s5 =	sshll.u32 s26, $0x1;
	_ =	strace $0x80000052;
	[dreg:$0x1] =	wrdreg $0xFFFFFFFF  }
0xa7: {  	s28 =	simm.s32 $_size_execute0_lowered;
	s3 =	sadd.s32 s3, s5;
	[dreg:$0x0] =	wrdreg $0x0  }
0xa8: {  	s5 =	sshll.u32 s28, $0x1;
	[dreg:$0x2] =	wrdreg s3  }
0xa9: {  	[dreg:$0x3] =	wrdreg s5  }
0xaa: {  	[dreg:$0x4] =	wrdreg $0xC0  }
0xab: {  	_ =	task [dreg:s7], $0x5FFFF  }
0xac: {  	[dreg:$0x1] =	wrdreg $0xFFFFFFFF  }
0xad: {  	[dreg:$0x0] =	wrdreg $0x60  }
0xae: {  	[dreg:$0x2] =	wrdreg s24  }
0xaf: {  	[dreg:$0x3] =	wrdreg s2  }
0xb0: {  	[dreg:$0x4] =	wrdreg $0x85000  }
0xb1: {  	[dreg:$0x5] =	wrdreg $0xA5000  }
0xb2: {  	[dreg:$0x6] =	wrdreg $0x9  }
0xb3: {  	_ =	task.clear_ibuf [dreg:s7], $0x7FFFF;
	_ =	strace $0x90000052  }
0xb4: {  	s29 =	simm.s32 $0x9;
	_ =	strace $0x80000054  }
0xb5: {  	_ =	swait.ge [sflag:s29], $0x1  }
0xb6: {  	[sflag:s29] =	ssyncadd.s32 $0xFFFFFFFF  }
0xb7: {  	_ =	strace $0x90000054  }
0xb8: {  	_ =	sfence  }
0xb9: {  	s30 =	sld [smem:$0x0];
	_ =	sdelay $0x2  }
0xba: {  	s31 =	sshll.u32 s1, $0xD;
	s1 =	sshrl.u32 s1, $0x2  }
0xbb: {  	s3 =	sand.u32 $0x4000, s31;
	s1 =	sadd.s32 s1, s30  }
0xbc: {  	s0 =	sor.u32 s3, s0;
	s1 =	sshll.u32 s1, $0x11  }
0xbd: {  	s0 =	sor.u32 s1, s0  }
0xbe: {  	s0 =	sadd.s32 $0x8F2B, s0  }
0xbf: {  	[sflag:s0] =	ssyncadd.remote.s32 $0x1  }
0xc0: {  	_ =	sfence.sel $0xFFFF  }
0xc1: {  	[dreg:$0x0] =	wrdreg $0xFFFFFFFF;
	(pc) =	sbr.abs _section_cstart, $3  }
0xc2: {  	[dreg:$0x1] =	wrdreg $0xFFFFFFFF  }
0xc3: {  	_ =	task.clear_ibuf [dreg:s7], $0x2FFFF;
	_ =	strace $0x9FFFFFFF  }
0xc4: {  	(tm) =	ssettm $0x7FFFFFFF  }
0xc5: {  	_ =	shalt  }
tec
execute0_lowered:
.L_overlay_start_1:
0x0: {  	(tag) =	ssettag $0x1  }
0x1: {  	s8 =	rddreg [dreg:$0x0]  }
0x2: {  	s10 =	rddreg [dreg:$0x1]  }
0x3: {  	s1 =	rddreg [dreg:$0x2]  }
0x4: {  	s9 =	rddreg [dreg:$0x3]  }
0x5: {  	s0 =	rddreg [dreg:$0x4];
	s4 =	srdreg.scid  }
0x6: {  	s3 =	simm.s32 $0x0;
	s2 =	stileid.u32;
	s19 =	simm.s32 $0x200  }
0x7: {  	s20 =	simm.s32 $0x80;
	s21 =	simm.s32 $0x400;
	s22 =	simm.s32 $0x4  }
0x8: {  	s23 =	simm.s32 $0x0;
	s11 =	sand.u32 $0x1, s4;
	[smem:$0x7FF] =	sst s3  }
0x9: {  	s12 =	sshll.u32 s2, $0x6;
	s5 =	sadd.s32 $0x2BE00, s8;
	s6 =	sadd.s32 $0x2C200, s8  }
0xa: {  	s7 =	sadd.s32 $0x42800, s8;
	s17 =	sshll.u32 s2, $0xD;
	s4 =	sshll.u32 s11, $0xA  }
0xb: {  	_ =	strace $0x80000053;
	s11 =	ssub.s32 $0x2, s11;
	s17 =	sadd.s32 s17, s1  }
0xc: {  	s9 =	sadd.s32 s12, s9;
	s13 =	sor.u32 s12, s4;
	s4 =	sadd.s32 $0x2C400, s8  }
0xd: {  	s31 =	sshrl.u32 s11, $0x1;
	s14 =	sadd.s32 s13, s8;
	s15 =	sshll.u32 s13, $0x4  }
.Ltmp0:
0xe: {  	s16 =	sshrl.u32 s13, $0x3;
	s18 =	ssub.s32 s11, s31;
	(pc) =	sbr.rel .LBB2_1-.Ltmp0, $4  }
0xf: {  	s10 =	sadd.s32 s10, s13;
	s15 =	sadd.s32 s15, s8;
	s16 =	sadd.s32 s16, s8  }
0x10: {  	s8 =	sor.u32 $0x1C05, s12;
	s11 =	sadd.s32 $0x34600, s14;
	s14 =	smax.u32 s18, $0x1  }
0x11: {  	s18 =	simm.s32 $0x8400;
	s12 =	sadd.s32 $0x34E00, s15;
	s13 =	sadd.s32 $0x30400, s16  }
0x12: {  	s15 =	sshrl.u32 s17, $0x3;
	s16 =	simm.s32 $0x5;
	s17 =	simm.s32 $0x8480  }
.LBB2_5:
0x13: {  	_ =	swait.ge [sflag:s22], $0x4000  }
0x14: {  	[sflag:s22] =	ssyncset.done $0x0  }
0x15: {  	[sflag:s22] =	ssyncadd.s32 $0xFFFFC000  }
0x16: {  	[bflag:$0x0] =	sbarrier.arrive $0xFFFF  }
0x17: {  	[hbm:s12], [sflag:s8] =	dma.local [spmem:s15], $0x400  }
0x18: {  	_ =	swait.ge [sflag:s16], $0x400  }
0x19: {  	[sflag:s16] =	ssyncset.done $0x0  }
0x1a: {  	[sflag:s16] =	ssyncadd.s32 $0xFFFFFC00  }
0x1b: {  	[tilespmem:s17], [sflag:$0x5] =	stream.linear.gather [spmem:s9], $0x40, $0x38;
	[tilespmem:$0xA540] =	vst v63  }
0x1c: {  	s23 =	sadd.s32 $0x1, s23;
	_ =	swait.ge [sflag:s16], $0x40  }
0x1d: {  	p0 =	sne.s32 s23, s14;
	[sflag:s16] =	ssyncset.done $0x0  }
.Ltmp1:
0x1e: {  	[sflag:s16] =	ssyncadd.s32 $0xFFFFFFC0;
	(pc) =	sbr.rel @!p0 .LBB2_6-.Ltmp1, $4  }
0x1f: {  	[hbm4b:s13+s3] =	stream.linear.scatter [tilespmem:s17], [sflag:$0x5], $0x40, $0x38;
	[tilespmem:$0xA540] =	vst v63  }
0x20: {  	_ =	swait.ge [sflag:s16], $0x40  }
0x21: {  	[sflag:s16] =	ssyncset.done $0x0  }
0x22: {  	[sflag:s16] =	ssyncadd.s32 $0xFFFFFFC0  }
.LBB2_1:
0x23: {  	[spmem:s15], [sflag:s8] =	dma.local [hbm:s5], $0x400  }
0x24: {  	_ =	swait.ge [sflag:s16], $0x400  }
0x25: {  	[sflag:s16] =	ssyncset.done $0x0  }
0x26: {  	[sflag:s16] =	ssyncadd.s32 $0xFFFFFC00  }
0x27: {  	[tilespmem:s17], [sflag:$0x5] =	stream.linear.gather [hbm4b:s6+s3], $0x80, $0x38;
	[tilespmem:$0xA540] =	vst v63  }
0x28: {  	_ =	swait.ge [sflag:s16], $0x80  }
0x29: {  	[sflag:s16] =	ssyncset.done $0x0  }
0x2a: {  	[sflag:s16] =	ssyncadd.s32 $0xFFFFFF80  }
0x2b: {  	[spmem:s9] =	stream.linear.scatter [tilespmem:s17], [sflag:$0x5], $0x40, $0x38;
	[tilespmem:$0xA540] =	vst v63  }
0x2c: {  	_ =	swait.ge [sflag:s16], $0x40  }
0x2d: {  	[sflag:s16] =	ssyncset.done $0x0  }
0x2e: {  	[sflag:s16] =	ssyncadd.s32 $0xFFFFFFC0  }
0x2f: {  	[tilespmem:s18], [sflag:$0x5] =	stream.linear.gather [hbm4b:s7+s3], $0x80, $0x38;
	[tilespmem:$0xA540] =	vst v63  }
0x30: {  	_ =	swait.ge [sflag:s16], $0x80  }
0x31: {  	[sflag:s16] =	ssyncset.done $0x0  }
0x32: {  	[sflag:s16] =	ssyncadd.s32 $0xFFFFFF80  }
0x33: {  	[bflag:$0x0] =	sbarrier.arrive $0xFFFF  }
0x34: {  	[tilespmem:s3], [sflag:$0x5] =	stream.linear.gather [hbm4b:s10+s3], $0x200, $0x38;
	[tilespmem:$0xA540] =	vst v63  }
0x35: {  	_ =	swait.ge [sflag:s16], $0x200  }
0x36: {  	[sflag:s16] =	ssyncset.done $0x0  }
0x37: {  	[sflag:s16] =	ssyncadd.s32 $0xFFFFFE00  }
0x38: {  	[tilespmem:s19], [sflag:$0x5] =	stream.linear.gather [hbm4b:s11+s3], $0x200, $0x38;
	[tilespmem:$0xA540] =	vst v63  }
.Ltmp2:
0x39: {  	_ = 	snop;
	(pc) =	sbr.rel .LBB2_2-.Ltmp2, $4  }
0x3a: {  	_ =	swait.ge [sflag:s16], $0x200  }
0x3b: {  	[sflag:s16] =	ssyncset.done $0x0  }
0x3c: {  	s25 =	simm.s32 $0x0;
	[sflag:s16] =	ssyncadd.s32 $0xFFFFFE00  }
0x3d: {  	[tilespmem:s21], [sflag:$0x1] =	stream.indirect.gather [hbm4b:s4+s20], $0x80, s3, s20, $0xb8;
	[tilespmem:$0xA540] =	vst v63  }
.LBB2_4:
0x3e: {  	s28 =	sadd.s32 $0x1, s24;
	s29 =	sshll.u32 s24, $0xE;
	p0 =	slt.u32 s26, $0x4  }
.Ltmp3:
0x3f: {  	s25 =	sshll.u32 s25, $0x7;
	_ =	swait.ge [sflag:s28], $0x4000;
	(pc) =	sbr.rel @!p0 .LBB2_5-.Ltmp3, $4  }
0x40: {  	s31 =	sadd.s32 $0x3, s24;
	s25 =	sand.u32 $0x3FFFFF80, s25;
	[sflag:s28] =	ssyncset.done $0x0  }
0x41: {  	s29 =	sor.u32 $0x400, s29;
	s25 =	sadd.s32 $0x200, s25;
	[sflag:s28] =	ssyncadd.s32 $0xFFFFC000  }
0x42: {  	[spmem:s1] =	stream.indirect.scatter.add.f32 [tilespmem:s29], [sflag:s31], $0x80, s25, s20, $0xb8;
	[tilespmem:$0xA540] =	vst v63  }
0x43: {  	s25 =	smov.u32 s26  }
.LBB2_2:
0x44: {  	p0 =	seq.s32 s25, $0x0  }
0x45: {  	p1 =	seq.s32 @!p0 s25, $0x3  }
0x46: {  	s24 =	sand.u32 $0x1, s25;
	p1 =	por p0, !p1  }
.Ltmp4:
0x47: {  	s28 =	sxor.u32 $0x1, s24;
	(pc) =	sbr.rel @!p1 .LBB2_4-.Ltmp4, $4  }
0x48: {  	s26 =	sadd.s32 @!p0 $0x3, s28  }
0x49: {  	_ =	swait.ge @!p0 [sflag:s26], $0x4000  }
0x4a: {  	[sflag:s26] =	ssyncset.done @!p0 $0x0  }
0x4b: {  	[sflag:s26] =	ssyncadd.s32 @!p0 $0xFFFFC000;
	s26 =	simm.s32 @!p0 $0x4  }
.Ltmp5:
0x4c: {  	s26 =	sadd.s32 @!p0 $0x1, s25;
	(pc) =	sbr.rel .LBB2_4-.Ltmp5, $4  }
0x4d: {  	s26 =	simm.s32 @p0 $0x1  }
0x4e: {  	s29 =	sshll.u32 s28, $0xE;
	s30 =	sshll.u32 s26, $0x7  }
0x4f: {  	s31 =	sadd.s32 $0x1, s28;
	s29 =	sor.u32 $0x400, s29;
	s30 =	sand.u32 $0x3FFFFF80, s30  }
0x50: {  	[tilespmem:s29], [sflag:s31] =	stream.indirect.gather [hbm4b:s4+s20], $0x80, s30, s20, $0xb8;
	[tilespmem:$0xA540] =	vst v63  }
.LBB2_6:
0x51: {  	_ =	sfence.sel $0x180000  }
0x52: {  	[bflag:$0x0] =	sbarrier.arrive $0xFFFF  }
0x53: {  	p0 =	sne.s32 s2, $0x0;
	_ =	strace $0x90000053  }
0x54: {  	s0 =	sadd.s32 @!p0 $0x100000, s0;
	[bflag:$0x2] =	sbarrier.arrive $0xFFFF  }
0x55: {  	[sflag:s0] =	ssyncadd.tile.s32 @!p0 $0x1;
	_ =	shalt  }
.Lfunc_end2:
_tile_overlayer_lowered:
.L_overlay_start_2:
0x56: {  	(tag) =	ssettag $0x2  }
0x57: {  	s0 =	rddreg [dreg:$0x0];
	s2 =	stileid.u32  }
0x58: {  	s1 =	rddreg [dreg:$0x1];
	p0 =	sne.s32 s2, $0x0  }
0x59: {  	s3 =	rddreg [dreg:$0x2];
	[bflag:$0x3] =	sbarrier.arrive $0xFFFF;
	s2 =	simm.s32 @!p0 $0x1C05  }
0x5a: {  	[timem:s3], [sflag:s2] =	dma.local @!p0 [hbm:s0], s1  }
0x5b: {  	s0 =	simm.s32 @!p0 $0x5  }
0x5c: {  	_ =	swait.ge @!p0 [sflag:s0], s1  }
0x5d: {  	s1 =	ssub.s32 @!p0 $0x0, s1;
	[sflag:s0] =	ssyncset.done @!p0 $0x0  }
0x5e: {  	[sflag:s0] =	ssyncadd.s32 @!p0 s1  }
0x5f: {  	[bflag:$0x3] =	sbarrier.arrive $0xFFFF  }
0x60: {  	_ =	shalt  }

</sc_bundles>
